<compile_context>
chip_gen: v7x
topology: tpu7x:2x2x1
jax: 0.10.2.dev20260603
libtpu: 0.0.44.dev20260713+nightly
codegen_flags: <defaults>
</compile_context>

<pallas_src>
import functools

import jax
import jax.numpy as jnp
from jax import lax
from jax.experimental import pallas as pl
from jax.experimental.pallas import tpu as pltpu
from jax.experimental.pallas import tpu_sc as plsc

N = 10000
NP = 10240
E = 320000
EP = 327680
D1 = 128
D2 = 32
RB = 1280
GRID = NP // RB

_f32 = jnp.float32
_i32 = jnp.int32



def _tc1_body(x_ref, w_ref, acat_ref, wh_ref, ss_ref):
    wh = jnp.dot(x_ref[...], w_ref[...], preferred_element_type=_f32)
    wh_ref[...] = wh
    ss = jnp.dot(wh, acat_ref[...], preferred_element_type=_f32)
    ss_ref[0] = ss[:, 0]
    ss_ref[1] = ss[:, 1]


def _tc1(xp, W1, a1cat):
    return pl.pallas_call(
        _tc1_body,
        grid=(GRID,),
        in_specs=[
            pl.BlockSpec((RB, D1), lambda i: (i, 0)),
            pl.BlockSpec((D1, D1), lambda i: (0, 0)),
            pl.BlockSpec((D1, 2), lambda i: (0, 0)),
        ],
        out_specs=[
            pl.BlockSpec((RB, D1), lambda i: (i, 0)),
            pl.BlockSpec((2, RB), lambda i: (0, i)),
        ],
        out_shape=[
            jax.ShapeDtypeStruct((NP, D1), _f32),
            jax.ShapeDtypeStruct((2, NP), _f32),
        ],
    )(xp, W1, a1cat)


def _elu(x):
    return jnp.where(x > 0, x, jnp.exp(jnp.minimum(x, 0.0)) - 1.0)


def _tc2_body(agg_ref, den_ref, w_ref, acat_ref, wh_ref, ss_ref):
    den = den_ref[0, 0, 0, :] + den_ref[1, 0, 0, :]
    h = agg_ref[0] + agg_ref[1]
    h = _elu(h / (den[:, None] + 1e-9))
    wh = jnp.dot(h, w_ref[...], preferred_element_type=_f32)
    wh_ref[...] = jnp.concatenate(
        [wh, jnp.zeros((RB, D1 - D2), _f32)], axis=1)
    ss = jnp.dot(wh, acat_ref[...], preferred_element_type=_f32)
    ss_ref[0] = ss[:, 0]
    ss_ref[1] = ss[:, 1]


def _tc2(agg1, den1, W2, a2cat):
    return pl.pallas_call(
        _tc2_body,
        grid=(GRID,),
        in_specs=[
            pl.BlockSpec((2, RB, D1), lambda i: (0, i, 0)),
            pl.BlockSpec((2, 1, 1, RB), lambda i: (0, i, 0, 0)),
            pl.BlockSpec((D1, D2), lambda i: (0, 0)),
            pl.BlockSpec((D2, 2), lambda i: (0, 0)),
        ],
        out_specs=[
            pl.BlockSpec((RB, D1), lambda i: (i, 0)),
            pl.BlockSpec((2, RB), lambda i: (0, i)),
        ],
        out_shape=[
            jax.ShapeDtypeStruct((NP, D1), _f32),
            jax.ShapeDtypeStruct((2, NP), _f32),
        ],
    )(agg1, den1, W2, a2cat)


def _tc3_body(agg_ref, den_ref, w1_ref, b1_ref, w2_ref, b2_ref, out_ref):
    den = den_ref[0, 0, 0, :] + den_ref[1, 0, 0, :]
    h = (agg_ref[0] + agg_ref[1])[:, :D2]
    h = _elu(h / (den[:, None] + 1e-9))
    s = jnp.dot(h, w1_ref[...], preferred_element_type=_f32) + b1_ref[...]
    s = 0.5 * s * (1.0 + lax.erf(s * 0.7071067811865476))
    out_ref[...] = jnp.dot(s, w2_ref[...], preferred_element_type=_f32) + b2_ref[...]


def _tc3(agg2, den2, head_w1, head_b1, head_w2, head_b2):
    return pl.pallas_call(
        _tc3_body,
        grid=(GRID,),
        in_specs=[
            pl.BlockSpec((2, RB, D1), lambda i: (0, i, 0)),
            pl.BlockSpec((2, 1, 1, RB), lambda i: (0, i, 0, 0)),
            pl.BlockSpec((D2, 32), lambda i: (0, 0)),
            pl.BlockSpec((1, 32), lambda i: (0, 0)),
            pl.BlockSpec((32, 1), lambda i: (0, 0)),
            pl.BlockSpec((1, 1), lambda i: (0, 0)),
        ],
        out_specs=pl.BlockSpec((RB, 1), lambda i: (i, 0)),
        out_shape=jax.ShapeDtypeStruct((NP, 1), _f32),
    )(agg2, den2, head_w1, head_b1, head_w2, head_b2)



_MESH = plsc.VectorSubcoreMesh(core_axis_name="c", subcore_axis_name="s")

_NCH = 80
_STRIDE = NP // 16


def _sc_body(MQ, wh, ssrc, sdst, src4, dst4, agg, den,
             src_v, dst_v, svs_v, svd_v, coeff_v, rows_v, zb_v, acc_sh, den_sh):
    c = lax.axis_index("c")
    s = lax.axis_index("s")
    pltpu.sync_copy(src4.at[c, s], src_v)
    pltpu.sync_copy(dst4.at[c, s], dst_v)

    def zr(r, carry):
        for q in range(8):
            rows_v[r, pl.ds(q * 16, 16)] = jnp.zeros((16,), _f32)
        return carry

    lax.fori_loop(0, 128, zr, 0)
    for k in range(_STRIDE // 128):
        pltpu.sync_copy(rows_v, acc_sh.at[pl.ds(s * _STRIDE + k * 128, 128)])
    for i in range(_STRIDE // 16):
        zb_v[pl.ds(i * 16, 16)] = jnp.zeros((16,), _f32)
    pltpu.sync_copy(zb_v, den_sh.at[pl.ds(s * _STRIDE, _STRIDE)])
    plsc.subcore_barrier()

    def chunk(ch, carry):
        pltpu.sync_copy(ssrc.at[src_v.at[ch]], svs_v)
        pltpu.sync_copy(sdst.at[dst_v.at[ch]], svd_v)
        for g in range(8):
            off = pl.ds(g * 16, 16)
            z = svs_v[off] + svd_v[off]
            z = jnp.where(z > 0, z, 0.2 * z)
            coeff_v[off] = jnp.exp(z)
        pltpu.sync_copy(coeff_v, den_sh.at[dst_v.at[ch]], add=True)

        pltpu.sync_copy(wh.at[src_v.at[ch]], rows_v)

        def mul16(g, carry2):
            cvec = coeff_v[pl.ds(g * 16, 16)]
            for e16 in range(16):
                cb = jnp.full((16,), cvec[e16], _f32)
                for q in range(MQ):
                    off = pl.ds(q * 16, 16)
                    rows_v[g * 16 + e16, off] = rows_v[g * 16 + e16, off] * cb
            return carry2

        lax.fori_loop(0, 8, mul16, 0)
        pltpu.sync_copy(rows_v, acc_sh.at[dst_v.at[ch]], add=True)
        return carry

    lax.fori_loop(0, _NCH, chunk, 0)
    plsc.subcore_barrier()
    pltpu.sync_copy(acc_sh.at[pl.ds(s * _STRIDE, _STRIDE)],
                    agg.at[c, pl.ds(s * _STRIDE, _STRIDE)])
    pltpu.sync_copy(den_sh.at[pl.ds(s * _STRIDE, _STRIDE)],
                    den.at[c, pl.ds(s * _STRIDE, _STRIDE)])


def _sc_layer(MQ):
    return functools.partial(
        pl.kernel,
        functools.partial(_sc_body, MQ),
        out_type=[
            jax.ShapeDtypeStruct((2, NP, D1), _f32),
            jax.ShapeDtypeStruct((2, NP), _f32),
        ],
        mesh=_MESH,
        scratch_types=[
            pltpu.VMEM((_NCH, 128), _i32),
            pltpu.VMEM((_NCH, 128), _i32),
            pltpu.VMEM((128,), _f32),
            pltpu.VMEM((128,), _f32),
            pltpu.VMEM((128,), _f32),
            pltpu.VMEM((128, D1), _f32),
            pltpu.VMEM((_STRIDE,), _f32),
            pltpu.VMEM_SHARED((NP, D1), _f32),
            pltpu.VMEM_SHARED((NP,), _f32),
        ],
    )()


_sc_l1 = _sc_layer(8)
_sc_l2 = _sc_layer(2)



def kernel(x, edge_index, W1, a1, W2, a2, head_w1, head_b1, head_w2, head_b2):
    ei = edge_index.astype(_i32)
    xp = jnp.pad(x.astype(_f32), ((0, NP - N), (0, 0)))
    pad = jnp.full((EP - E,), NP - 1, _i32)
    src4 = jnp.concatenate([ei[0], pad]).reshape(2, 16, _NCH, 128)
    dst4 = jnp.concatenate([ei[1], pad]).reshape(2, 16, _NCH, 128)
    a1cat = jnp.concatenate([a1[:D1], a1[D1:]], axis=1)
    a2cat = jnp.concatenate([a2[:D2], a2[D2:]], axis=1)

    wh1, ss1 = _tc1(xp, W1, a1cat)
    agg1, den1 = _sc_l1(wh1, ss1[0], ss1[1], src4, dst4)
    wh2, ss2 = _tc2(agg1, den1.reshape(2, GRID, 1, RB), W2, a2cat)
    agg2, den2 = _sc_l2(wh2, ss2[0], ss2[1], src4, dst4)
    out = _tc3(agg2, den2.reshape(2, GRID, 1, RB), head_w1,
               head_b1.reshape(1, 32), head_w2, head_b2.reshape(1, 1))
    return out[:N, 0]

# --- scband reference (transcript-rebuilt; emitter-appended) ---
"""Pipeline reference for scband-ocean-network-gat-90391881712254 (READ-ONLY COPY).

The authoritative reference and input builder live on the scoring server;
editing this copy changes nothing except your own understanding.
"""

import jax, jax.numpy as jnp
import numpy as np

N = 10000
E = 320000
IN_DIM = 128
HIDDEN = 32
HEADS = 4
OUT_DIM = 1
D1 = HIDDEN * HEADS


def setup_inputs(seed: int = 0) -> dict:
    key = jax.random.key(seed)
    ks = jax.random.split(key, 12)
    x = jax.random.normal(ks[0], (N, IN_DIM), dtype=jnp.float32)
    edge_index = jax.random.randint(ks[1], (2, E), 0, N)
    W1 = jax.random.normal(ks[2], (IN_DIM, D1), dtype=jnp.float32) * 0.05
    a1 = jax.random.normal(ks[3], (2 * D1, 1), dtype=jnp.float32) * 0.05
    W2 = jax.random.normal(ks[4], (D1, HIDDEN), dtype=jnp.float32) * 0.05
    a2 = jax.random.normal(ks[5], (2 * HIDDEN, 1), dtype=jnp.float32) * 0.05
    head_w1 = jax.random.normal(ks[6], (HIDDEN, 32), dtype=jnp.float32) * 0.05
    head_b1 = jnp.zeros((32,), dtype=jnp.float32)
    head_w2 = jax.random.normal(ks[7], (32, OUT_DIM), dtype=jnp.float32) * 0.05
    head_b2 = jnp.zeros((OUT_DIM,), dtype=jnp.float32)
    return {"x": x, "edge_index": edge_index, "W1": W1, "a1": a1, "W2": W2, "a2": a2,
            "head_w1": head_w1, "head_b1": head_b1, "head_w2": head_w2, "head_b2": head_b2}


def _gat_layer(h, src, dst, W, a):
    Wh = h @ W
    e = jnp.concatenate([Wh[src], Wh[dst]], axis=-1)
    alpha = jax.nn.leaky_relu(e @ a, negative_slope=0.2).squeeze(-1)
    alpha_exp = jnp.exp(alpha - jnp.max(alpha))
    alpha_sum = jnp.zeros((h.shape[0],), dtype=Wh.dtype).at[dst].add(alpha_exp)
    alpha_norm = alpha_exp / (alpha_sum[dst] + 1e-09)
    out = jnp.zeros_like(Wh).at[dst].add(alpha_norm[:, None] * Wh[src])
    return jax.nn.elu(out), alpha_norm


def reference(x, edge_index, W1, a1, W2, a2, head_w1, head_b1, head_w2, head_b2):
    src, dst = edge_index[0], edge_index[1]
    h, alpha1 = _gat_layer(x, src, dst, W1, a1)
    h, alpha2 = _gat_layer(h, src, dst, W2, a2)
    s = jax.nn.gelu(h @ head_w1 + head_b1, approximate=False)
    node_scores = (s @ head_w2 + head_b2).squeeze(-1)
    return node_scores

if __name__ == "__main__":
    import jax
    _d = setup_inputs()
    print(jax.jit(kernel)(*tuple(_d.values())))

</pallas_src>

<mosaic_0001>
#map = affine_map<(d0, d1) -> (0, 0)>
#map1 = affine_map<(d0, d1) -> (0)>
#map2 = affine_map<(d0, d1) -> (0, 0, 0, 0)>
#map3 = affine_map<(d0, d1) -> (0, 0, 0)>
module attributes {stable_mosaic.version = 14 : i64} {
  func.func @_sc_body(%arg0: i32, %arg1: i32, %arg2: memref<10240x128xf32, #tpu.memory_space<hbm>>, %arg3: memref<10240xf32, #tpu.memory_space<hbm>>, %arg4: memref<10240xf32, #tpu.memory_space<hbm>>, %arg5: memref<2x16x80x128xi32, #tpu.memory_space<hbm>>, %arg6: memref<2x16x80x128xi32, #tpu.memory_space<hbm>>, %arg7: memref<2x10240x128xf32, #tpu.memory_space<hbm>>, %arg8: memref<2x10240xf32, #tpu.memory_space<hbm>>, %arg9: memref<80x128xi32, #tpu.memory_space<vmem>>, %arg10: memref<80x128xi32, #tpu.memory_space<vmem>>, %arg11: memref<128xf32, #tpu.memory_space<vmem>>, %arg12: memref<128xf32, #tpu.memory_space<vmem>>, %arg13: memref<128xf32, #tpu.memory_space<vmem>>, %arg14: memref<128x128xf32, #tpu.memory_space<vmem>>, %arg15: memref<640xf32, #tpu.memory_space<vmem>>, %arg16: memref<10240x128xf32, #tpu.memory_space<vmem_shared>>, %arg17: memref<10240xf32, #tpu.memory_space<vmem_shared>>) attributes {dimension_semantics = [#tpu.dimension_semantics<core_parallel>, #tpu.dimension_semantics<subcore_parallel>], iteration_bounds = array<i64: 2, 16>, scalar_prefetch = 0 : i64, scratch_operands = 9 : i64, tpu.core_type = #tpu.core_type<sc_vector_subcore>, window_params = [{transform_indices = #map}, {transform_indices = #map1}, {transform_indices = #map1}, {transform_indices = #map2}, {transform_indices = #map2}, {transform_indices = #map3}, {transform_indices = #map}]} {
    "tpu.region"() ({
      %run_scoped3A = tpu.sem_alloc : memref<!tpu.dma_semaphore, #tpu.memory_space<semaphore_mem>>
      %dma_start3A = arith.constant 0 : i32
      %dma_start3A_278 = arith.constant 0 : i32
      %dma_start3A_279 = tpu.memref_slice %arg5[%arg0, %arg1, %dma_start3A, %dma_start3A_278] : memref<2x16x80x128xi32, #tpu.memory_space<hbm>> -> memref<1x1x80x128xi32, #tpu.memory_space<hbm>>
      %dma_start3A_280 = tpu.memref_squeeze %dma_start3A_279 : memref<1x1x80x128xi32, #tpu.memory_space<hbm>> -> memref<80x128xi32, #tpu.memory_space<hbm>>
      %dma_start3A_281 = arith.constant 0 : i32
      %dma_start3A_282 = arith.constant 0 : i32
      %dma_start3A_283 = tpu.memref_slice %arg5[%arg0, %arg1, %dma_start3A_281, %dma_start3A_282] : memref<2x16x80x128xi32, #tpu.memory_space<hbm>> -> memref<1x1x80x128xi32, #tpu.memory_space<hbm>>
      %dma_start3A_284 = tpu.memref_squeeze %dma_start3A_283 : memref<1x1x80x128xi32, #tpu.memory_space<hbm>> -> memref<80x128xi32, #tpu.memory_space<hbm>>
      tpu.enqueue_dma source(%dma_start3A_284 : memref<80x128xi32, #tpu.memory_space<hbm>>) target(%arg9 : memref<80x128xi32, #tpu.memory_space<vmem>>) target_semaphore(%run_scoped3A : memref<!tpu.dma_semaphore, #tpu.memory_space<semaphore_mem>>)
      %dma_wait3A = arith.constant 0 : i32
      %dma_wait3A_285 = arith.constant 0 : i32
      %dma_wait3A_286 = tpu.memref_slice %arg5[%arg0, %arg1, %dma_wait3A, %dma_wait3A_285] : memref<2x16x80x128xi32, #tpu.memory_space<hbm>> -> memref<1x1x80x128xi32, #tpu.memory_space<hbm>>
      %dma_wait3A_287 = tpu.memref_squeeze %dma_wait3A_286 : memref<1x1x80x128xi32, #tpu.memory_space<hbm>> -> memref<80x128xi32, #tpu.memory_space<hbm>>
      %dma_wait3A_288 = arith.constant 0 : i32
      %dma_wait3A_289 = arith.constant 0 : i32
      %dma_wait3A_290 = tpu.memref_slice %arg5[%arg0, %arg1, %dma_wait3A_288, %dma_wait3A_289] : memref<2x16x80x128xi32, #tpu.memory_space<hbm>> -> memref<1x1x80x128xi32, #tpu.memory_space<hbm>>
      %dma_wait3A_291 = tpu.memref_squeeze %dma_wait3A_290 : memref<1x1x80x128xi32, #tpu.memory_space<hbm>> -> memref<80x128xi32, #tpu.memory_space<hbm>>
      tpu.wait_dma2 semaphore(%run_scoped3A : memref<!tpu.dma_semaphore, #tpu.memory_space<semaphore_mem>>) src(%dma_wait3A_291 : memref<80x128xi32, #tpu.memory_space<hbm>>) dst(%arg9 : memref<80x128xi32, #tpu.memory_space<vmem>>)
      tpu.yield
    }) : () -> ()
    "tpu.region"() ({
      %run_scoped3A = tpu.sem_alloc : memref<!tpu.dma_semaphore, #tpu.memory_space<semaphore_mem>>
      %dma_start3A = arith.constant 0 : i32
      %dma_start3A_278 = arith.constant 0 : i32
      %dma_start3A_279 = tpu.memref_slice %arg6[%arg0, %arg1, %dma_start3A, %dma_start3A_278] : memref<2x16x80x128xi32, #tpu.memory_space<hbm>> -> memref<1x1x80x128xi32, #tpu.memory_space<hbm>>
      %dma_start3A_280 = tpu.memref_squeeze %dma_start3A_279 : memref<1x1x80x128xi32, #tpu.memory_space<hbm>> -> memref<80x128xi32, #tpu.memory_space<hbm>>
      %dma_start3A_281 = arith.constant 0 : i32
      %dma_start3A_282 = arith.constant 0 : i32
      %dma_start3A_283 = tpu.memref_slice %arg6[%arg0, %arg1, %dma_start3A_281, %dma_start3A_282] : memref<2x16x80x128xi32, #tpu.memory_space<hbm>> -> memref<1x1x80x128xi32, #tpu.memory_space<hbm>>
      %dma_start3A_284 = tpu.memref_squeeze %dma_start3A_283 : memref<1x1x80x128xi32, #tpu.memory_space<hbm>> -> memref<80x128xi32, #tpu.memory_space<hbm>>
      tpu.enqueue_dma source(%dma_start3A_284 : memref<80x128xi32, #tpu.memory_space<hbm>>) target(%arg10 : memref<80x128xi32, #tpu.memory_space<vmem>>) target_semaphore(%run_scoped3A : memref<!tpu.dma_semaphore, #tpu.memory_space<semaphore_mem>>)
      %dma_wait3A = arith.constant 0 : i32
      %dma_wait3A_285 = arith.constant 0 : i32
      %dma_wait3A_286 = tpu.memref_slice %arg6[%arg0, %arg1, %dma_wait3A, %dma_wait3A_285] : memref<2x16x80x128xi32, #tpu.memory_space<hbm>> -> memref<1x1x80x128xi32, #tpu.memory_space<hbm>>
      %dma_wait3A_287 = tpu.memref_squeeze %dma_wait3A_286 : memref<1x1x80x128xi32, #tpu.memory_space<hbm>> -> memref<80x128xi32, #tpu.memory_space<hbm>>
      %dma_wait3A_288 = arith.constant 0 : i32
      %dma_wait3A_289 = arith.constant 0 : i32
      %dma_wait3A_290 = tpu.memref_slice %arg6[%arg0, %arg1, %dma_wait3A_288, %dma_wait3A_289] : memref<2x16x80x128xi32, #tpu.memory_space<hbm>> -> memref<1x1x80x128xi32, #tpu.memory_space<hbm>>
      %dma_wait3A_291 = tpu.memref_squeeze %dma_wait3A_290 : memref<1x1x80x128xi32, #tpu.memory_space<hbm>> -> memref<80x128xi32, #tpu.memory_space<hbm>>
      tpu.wait_dma2 semaphore(%run_scoped3A : memref<!tpu.dma_semaphore, #tpu.memory_space<semaphore_mem>>) src(%dma_wait3A_291 : memref<80x128xi32, #tpu.memory_space<hbm>>) dst(%arg10 : memref<80x128xi32, #tpu.memory_space<vmem>>)
      tpu.yield
    }) : () -> ()
    %scan3A = arith.constant 0 : i32
    %scan3A_0 = arith.constant 0 : i32
    %scan3A_1 = arith.constant 128 : i32
    %scan3A_2 = arith.addi %scan3A_0, %scan3A_1 : i32
    %scan3A_3 = arith.constant 1 : i32
    scf.for %scan3A_278 = %scan3A_0 to %scan3A_2 step %scan3A_3  : i32 {
      %broadcast_in_dim3A_279 = arith.constant 0.000000e+00 : f32
      %broadcast_in_dim3A_280 = vector.broadcast %broadcast_in_dim3A_279 : f32 to vector<16xf32>
      %swap3A_281 = arith.index_cast %scan3A_278 : i32 to index
      %swap3A_282 = arith.constant 0 : index
      %swap3A_283 = tpu.vector_load %arg14[%swap3A_281, %swap3A_282] {strides = array<i32>} : memref<128x128xf32, #tpu.memory_space<vmem>>, vector<1x16xf32>,
      %swap3A_284 = vector.shape_cast %swap3A_283 : vector<1x16xf32> to vector<16xf32>
      %swap3A_285 = vector.shape_cast %broadcast_in_dim3A_280 : vector<16xf32> to vector<1x16xf32>
      tpu.vector_store %arg14[%swap3A_281, %swap3A_282], %swap3A_285 {strides = array<i32>} : memref<128x128xf32, #tpu.memory_space<vmem>>, vector<1x16xf32>,
      %broadcast_in_dim3A_286 = arith.constant 0.000000e+00 : f32
      %broadcast_in_dim3A_287 = vector.broadcast %broadcast_in_dim3A_286 : f32 to vector<16xf32>
      %swap3A_288 = arith.index_cast %scan3A_278 : i32 to index
      %swap3A_289 = arith.constant 16 : index
      %swap3A_290 = tpu.vector_load %arg14[%swap3A_288, %swap3A_289] {strides = array<i32>} : memref<128x128xf32, #tpu.memory_space<vmem>>, vector<1x16xf32>,
      %swap3A_291 = vector.shape_cast %swap3A_290 : vector<1x16xf32> to vector<16xf32>
      %swap3A_292 = vector.shape_cast %broadcast_in_dim3A_287 : vector<16xf32> to vector<1x16xf32>
      tpu.vector_store %arg14[%swap3A_288, %swap3A_289], %swap3A_292 {strides = array<i32>} : memref<128x128xf32, #tpu.memory_space<vmem>>, vector<1x16xf32>,
      %broadcast_in_dim3A_293 = arith.constant 0.000000e+00 : f32
      %broadcast_in_dim3A_294 = vector.broadcast %broadcast_in_dim3A_293 : f32 to vector<16xf32>
      %swap3A_295 = arith.index_cast %scan3A_278 : i32 to index
      %swap3A_296 = arith.constant 32 : index
      %swap3A_297 = tpu.vector_load %arg14[%swap3A_295, %swap3A_296] {strides = array<i32>} : memref<128x128xf32, #tpu.memory_space<vmem>>, vector<1x16xf32>,
      %swap3A_298 = vector.shape_cast %swap3A_297 : vector<1x16xf32> to vector<16xf32>
      %swap3A_299 = vector.shape_cast %broadcast_in_dim3A_294 : vector<16xf32> to vector<1x16xf32>
      tpu.vector_store %arg14[%swap3A_295, %swap3A_296], %swap3A_299 {strides = array<i32>} : memref<128x128xf32, #tpu.memory_space<vmem>>, vector<1x16xf32>,
      %broadcast_in_dim3A_300 = arith.constant 0.000000e+00 : f32
      %broadcast_in_dim3A_301 = vector.broadcast %broadcast_in_dim3A_300 : f32 to vector<16xf32>
      %swap3A_302 = arith.index_cast %scan3A_278 : i32 to index
      %swap3A_303 = arith.constant 48 : index
      %swap3A_304 = tpu.vector_load %arg14[%swap3A_302, %swap3A_303] {strides = array<i32>} : memref<128x128xf32, #tpu.memory_space<vmem>>, vector<1x16xf32>,
      %swap3A_305 = vector.shape_cast %swap3A_304 : vector<1x16xf32> to vector<16xf32>
      %swap3A_306 = vector.shape_cast %broadcast_in_dim3A_301 : vector<16xf32> to vector<1x16xf32>
      tpu.vector_store %arg14[%swap3A_302, %swap3A_303], %swap3A_306 {strides = array<i32>} : memref<128x128xf32, #tpu.memory_space<vmem>>, vector<1x16xf32>,
      %broadcast_in_dim3A_307 = arith.constant 0.000000e+00 : f32
      %broadcast_in_dim3A_308 = vector.broadcast %broadcast_in_dim3A_307 : f32 to vector<16xf32>
      %swap3A_309 = arith.index_cast %scan3A_278 : i32 to index
      %swap3A_310 = arith.constant 64 : index
      %swap3A_311 = tpu.vector_load %arg14[%swap3A_309, %swap3A_310] {strides = array<i32>} : memref<128x128xf32, #tpu.memory_space<vmem>>, vector<1x16xf32>,
      %swap3A_312 = vector.shape_cast %swap3A_311 : vector<1x16xf32> to vector<16xf32>
      %swap3A_313 = vector.shape_cast %broadcast_in_dim3A_308 : vector<16xf32> to vector<1x16xf32>
      tpu.vector_store %arg14[%swap3A_309, %swap3A_310], %swap3A_313 {strides = array<i32>} : memref<128x128xf32, #tpu.memory_space<vmem>>, vector<1x16xf32>,
      %broadcast_in_dim3A_314 = arith.constant 0.000000e+00 : f32
      %broadcast_in_dim3A_315 = vector.broadcast %broadcast_in_dim3A_314 : f32 to vector<16xf32>
      %swap3A_316 = arith.index_cast %scan3A_278 : i32 to index
      %swap3A_317 = arith.constant 80 : index
      %swap3A_318 = tpu.vector_load %arg14[%swap3A_316, %swap3A_317] {strides = array<i32>} : memref<128x128xf32, #tpu.memory_space<vmem>>, vector<1x16xf32>,
      %swap3A_319 = vector.shape_cast %swap3A_318 : vector<1x16xf32> to vector<16xf32>
      %swap3A_320 = vector.shape_cast %broadcast_in_dim3A_315 : vector<16xf32> to vector<1x16xf32>
      tpu.vector_store %arg14[%swap3A_316, %swap3A_317], %swap3A_320 {strides = array<i32>} : memref<128x128xf32, #tpu.memory_space<vmem>>, vector<1x16xf32>,
      %broadcast_in_dim3A_321 = arith.constant 0.000000e+00 : f32
      %broadcast_in_dim3A_322 = vector.broadcast %broadcast_in_dim3A_321 : f32 to vector<16xf32>
      %swap3A_323 = arith.index_cast %scan3A_278 : i32 to index
      %swap3A_324 = arith.constant 96 : index
      %swap3A_325 = tpu.vector_load %arg14[%swap3A_323, %swap3A_324] {strides = array<i32>} : memref<128x128xf32, #tpu.memory_space<vmem>>, vector<1x16xf32>,
      %swap3A_326 = vector.shape_cast %swap3A_325 : vector<1x16xf32> to vector<16xf32>
      %swap3A_327 = vector.shape_cast %broadcast_in_dim3A_322 : vector<16xf32> to vector<1x16xf32>
      tpu.vector_store %arg14[%swap3A_323, %swap3A_324], %swap3A_327 {strides = array<i32>} : memref<128x128xf32, #tpu.memory_space<vmem>>, vector<1x16xf32>,
      %broadcast_in_dim3A_328 = arith.constant 0.000000e+00 : f32
      %broadcast_in_dim3A_329 = vector.broadcast %broadcast_in_dim3A_328 : f32 to vector<16xf32>
      %swap3A_330 = arith.index_cast %scan3A_278 : i32 to index
      %swap3A_331 = arith.constant 112 : index
      %swap3A_332 = tpu.vector_load %arg14[%swap3A_330, %swap3A_331] {strides = array<i32>} : memref<128x128xf32, #tpu.memory_space<vmem>>, vector<1x16xf32>,
      %swap3A_333 = vector.shape_cast %swap3A_332 : vector<1x16xf32> to vector<16xf32>
      %swap3A_334 = vector.shape_cast %broadcast_in_dim3A_329 : vector<16xf32> to vector<1x16xf32>
      tpu.vector_store %arg14[%swap3A_330, %swap3A_331], %swap3A_334 {strides = array<i32>} : memref<128x128xf32, #tpu.memory_space<vmem>>, vector<1x16xf32>,
    }
    %scan3A_4 = arith.constant 128 : i32
    %mul3A = arith.constant 640 : i32
    %mul3A_5 = arith.muli %arg1, %mul3A : i32
    %add3A = arith.constant 0 : i32
    %add3A_6 = arith.addi %mul3A_5, %add3A : i32
    "tpu.region"() ({
      %run_scoped3A = tpu.sem_alloc : memref<!tpu.dma_semaphore, #tpu.memory_space<semaphore_mem>>
      %dma_start3A = arith.constant 0 : i32
      %dma_start3A_278 = tpu.memref_slice %arg16[%add3A_6, %dma_start3A] : memref<10240x128xf32, #tpu.memory_space<vmem_shared>> -> memref<128x128xf32, #tpu.memory_space<vmem_shared>>
      %dma_start3A_279 = arith.constant 0 : i32
      %dma_start3A_280 = tpu.memref_slice %arg16[%add3A_6, %dma_start3A_279] : memref<10240x128xf32, #tpu.memory_space<vmem_shared>> -> memref<128x128xf32, #tpu.memory_space<vmem_shared>>
      tpu.enqueue_dma source(%arg14 : memref<128x128xf32, #tpu.memory_space<vmem>>) target(%dma_start3A_280 : memref<128x128xf32, #tpu.memory_space<vmem_shared>>) target_semaphore(%run_scoped3A : memref<!tpu.dma_semaphore, #tpu.memory_space<semaphore_mem>>)
      %dma_wait3A = arith.constant 0 : i32
      %dma_wait3A_281 = tpu.memref_slice %arg16[%add3A_6, %dma_wait3A] : memref<10240x128xf32, #tpu.memory_space<vmem_shared>> -> memref<128x128xf32, #tpu.memory_space<vmem_shared>>
      %dma_wait3A_282 = arith.constant 0 : i32
      %dma_wait3A_283 = tpu.memref_slice %arg16[%add3A_6, %dma_wait3A_282] : memref<10240x128xf32, #tpu.memory_space<vmem_shared>> -> memref<128x128xf32, #tpu.memory_space<vmem_shared>>
      tpu.wait_dma2 semaphore(%run_scoped3A : memref<!tpu.dma_semaphore, #tpu.memory_space<semaphore_mem>>) src(%arg14 : memref<128x128xf32, #tpu.memory_space<vmem>>) dst(%dma_wait3A_283 : memref<128x128xf32, #tpu.memory_space<vmem_shared>>)
      tpu.yield
    }) : () -> ()
    %mul3A_7 = arith.constant 640 : i32
    %mul3A_8 = arith.muli %arg1, %mul3A_7 : i32
    %add3A_9 = arith.constant 128 : i32
    %add3A_10 = arith.addi %mul3A_8, %add3A_9 : i32
    "tpu.region"() ({
      %run_scoped3A = tpu.sem_alloc : memref<!tpu.dma_semaphore, #tpu.memory_space<semaphore_mem>>
      %dma_start3A = arith.constant 0 : i32
      %dma_start3A_278 = tpu.memref_slice %arg16[%add3A_10, %dma_start3A] : memref<10240x128xf32, #tpu.memory_space<vmem_shared>> -> memref<128x128xf32, #tpu.memory_space<vmem_shared>>
      %dma_start3A_279 = arith.constant 0 : i32
      %dma_start3A_280 = tpu.memref_slice %arg16[%add3A_10, %dma_start3A_279] : memref<10240x128xf32, #tpu.memory_space<vmem_shared>> -> memref<128x128xf32, #tpu.memory_space<vmem_shared>>
      tpu.enqueue_dma source(%arg14 : memref<128x128xf32, #tpu.memory_space<vmem>>) target(%dma_start3A_280 : memref<128x128xf32, #tpu.memory_space<vmem_shared>>) target_semaphore(%run_scoped3A : memref<!tpu.dma_semaphore, #tpu.memory_space<semaphore_mem>>)
      %dma_wait3A = arith.constant 0 : i32
      %dma_wait3A_281 = tpu.memref_slice %arg16[%add3A_10, %dma_wait3A] : memref<10240x128xf32, #tpu.memory_space<vmem_shared>> -> memref<128x128xf32, #tpu.memory_space<vmem_shared>>
      %dma_wait3A_282 = arith.constant 0 : i32
      %dma_wait3A_283 = tpu.memref_slice %arg16[%add3A_10, %dma_wait3A_282] : memref<10240x128xf32, #tpu.memory_space<vmem_shared>> -> memref<128x128xf32, #tpu.memory_space<vmem_shared>>
      tpu.wait_dma2 semaphore(%run_scoped3A : memref<!tpu.dma_semaphore, #tpu.memory_space<semaphore_mem>>) src(%arg14 : memref<128x128xf32, #tpu.memory_space<vmem>>) dst(%dma_wait3A_283 : memref<128x128xf32, #tpu.memory_space<vmem_shared>>)
      tpu.yield
    }) : () -> ()
    %mul3A_11 = arith.constant 640 : i32
    %mul3A_12 = arith.muli %arg1, %mul3A_11 : i32
    %add3A_13 = arith.constant 256 : i32
    %add3A_14 = arith.addi %mul3A_12, %add3A_13 : i32
    "tpu.region"() ({
      %run_scoped3A = tpu.sem_alloc : memref<!tpu.dma_semaphore, #tpu.memory_space<semaphore_mem>>
      %dma_start3A = arith.constant 0 : i32
      %dma_start3A_278 = tpu.memref_slice %arg16[%add3A_14, %dma_start3A] : memref<10240x128xf32, #tpu.memory_space<vmem_shared>> -> memref<128x128xf32, #tpu.memory_space<vmem_shared>>
      %dma_start3A_279 = arith.constant 0 : i32
      %dma_start3A_280 = tpu.memref_slice %arg16[%add3A_14, %dma_start3A_279] : memref<10240x128xf32, #tpu.memory_space<vmem_shared>> -> memref<128x128xf32, #tpu.memory_space<vmem_shared>>
      tpu.enqueue_dma source(%arg14 : memref<128x128xf32, #tpu.memory_space<vmem>>) target(%dma_start3A_280 : memref<128x128xf32, #tpu.memory_space<vmem_shared>>) target_semaphore(%run_scoped3A : memref<!tpu.dma_semaphore, #tpu.memory_space<semaphore_mem>>)
      %dma_wait3A = arith.constant 0 : i32
      %dma_wait3A_281 = tpu.memref_slice %arg16[%add3A_14, %dma_wait3A] : memref<10240x128xf32, #tpu.memory_space<vmem_shared>> -> memref<128x128xf32, #tpu.memory_space<vmem_shared>>
      %dma_wait3A_282 = arith.constant 0 : i32
      %dma_wait3A_283 = tpu.memref_slice %arg16[%add3A_14, %dma_wait3A_282] : memref<10240x128xf32, #tpu.memory_space<vmem_shared>> -> memref<128x128xf32, #tpu.memory_space<vmem_shared>>
      tpu.wait_dma2 semaphore(%run_scoped3A : memref<!tpu.dma_semaphore, #tpu.memory_space<semaphore_mem>>) src(%arg14 : memref<128x128xf32, #tpu.memory_space<vmem>>) dst(%dma_wait3A_283 : memref<128x128xf32, #tpu.memory_space<vmem_shared>>)
      tpu.yield
    }) : () -> ()
    %mul3A_15 = arith.constant 640 : i32
    %mul3A_16 = arith.muli %arg1, %mul3A_15 : i32
    %add3A_17 = arith.constant 384 : i32
    %add3A_18 = arith.addi %mul3A_16, %add3A_17 : i32
    "tpu.region"() ({
      %run_scoped3A = tpu.sem_alloc : memref<!tpu.dma_semaphore, #tpu.memory_space<semaphore_mem>>
      %dma_start3A = arith.constant 0 : i32
      %dma_start3A_278 = tpu.memref_slice %arg16[%add3A_18, %dma_start3A] : memref<10240x128xf32, #tpu.memory_space<vmem_shared>> -> memref<128x128xf32, #tpu.memory_space<vmem_shared>>
      %dma_start3A_279 = arith.constant 0 : i32
      %dma_start3A_280 = tpu.memref_slice %arg16[%add3A_18, %dma_start3A_279] : memref<10240x128xf32, #tpu.memory_space<vmem_shared>> -> memref<128x128xf32, #tpu.memory_space<vmem_shared>>
      tpu.enqueue_dma source(%arg14 : memref<128x128xf32, #tpu.memory_space<vmem>>) target(%dma_start3A_280 : memref<128x128xf32, #tpu.memory_space<vmem_shared>>) target_semaphore(%run_scoped3A : memref<!tpu.dma_semaphore, #tpu.memory_space<semaphore_mem>>)
      %dma_wait3A = arith.constant 0 : i32
      %dma_wait3A_281 = tpu.memref_slice %arg16[%add3A_18, %dma_wait3A] : memref<10240x128xf32, #tpu.memory_space<vmem_shared>> -> memref<128x128xf32, #tpu.memory_space<vmem_shared>>
      %dma_wait3A_282 = arith.constant 0 : i32
      %dma_wait3A_283 = tpu.memref_slice %arg16[%add3A_18, %dma_wait3A_282] : memref<10240x128xf32, #tpu.memory_space<vmem_shared>> -> memref<128x128xf32, #tpu.memory_space<vmem_shared>>
      tpu.wait_dma2 semaphore(%run_scoped3A : memref<!tpu.dma_semaphore, #tpu.memory_space<semaphore_mem>>) src(%arg14 : memref<128x128xf32, #tpu.memory_space<vmem>>) dst(%dma_wait3A_283 : memref<128x128xf32, #tpu.memory_space<vmem_shared>>)
      tpu.yield
    }) : () -> ()
    %mul3A_19 = arith.constant 640 : i32
    %mul3A_20 = arith.muli %arg1, %mul3A_19 : i32
    %add3A_21 = arith.constant 512 : i32
    %add3A_22 = arith.addi %mul3A_20, %add3A_21 : i32
    "tpu.region"() ({
      %run_scoped3A = tpu.sem_alloc : memref<!tpu.dma_semaphore, #tpu.memory_space<semaphore_mem>>
      %dma_start3A = arith.constant 0 : i32
      %dma_start3A_278 = tpu.memref_slice %arg16[%add3A_22, %dma_start3A] : memref<10240x128xf32, #tpu.memory_space<vmem_shared>> -> memref<128x128xf32, #tpu.memory_space<vmem_shared>>
      %dma_start3A_279 = arith.constant 0 : i32
      %dma_start3A_280 = tpu.memref_slice %arg16[%add3A_22, %dma_start3A_279] : memref<10240x128xf32, #tpu.memory_space<vmem_shared>> -> memref<128x128xf32, #tpu.memory_space<vmem_shared>>
      tpu.enqueue_dma source(%arg14 : memref<128x128xf32, #tpu.memory_space<vmem>>) target(%dma_start3A_280 : memref<128x128xf32, #tpu.memory_space<vmem_shared>>) target_semaphore(%run_scoped3A : memref<!tpu.dma_semaphore, #tpu.memory_space<semaphore_mem>>)
      %dma_wait3A = arith.constant 0 : i32
      %dma_wait3A_281 = tpu.memref_slice %arg16[%add3A_22, %dma_wait3A] : memref<10240x128xf32, #tpu.memory_space<vmem_shared>> -> memref<128x128xf32, #tpu.memory_space<vmem_shared>>
      %dma_wait3A_282 = arith.constant 0 : i32
      %dma_wait3A_283 = tpu.memref_slice %arg16[%add3A_22, %dma_wait3A_282] : memref<10240x128xf32, #tpu.memory_space<vmem_shared>> -> memref<128x128xf32, #tpu.memory_space<vmem_shared>>
      tpu.wait_dma2 semaphore(%run_scoped3A : memref<!tpu.dma_semaphore, #tpu.memory_space<semaphore_mem>>) src(%arg14 : memref<128x128xf32, #tpu.memory_space<vmem>>) dst(%dma_wait3A_283 : memref<128x128xf32, #tpu.memory_space<vmem_shared>>)
      tpu.yield
    }) : () -> ()
    %broadcast_in_dim3A = arith.constant 0.000000e+00 : f32
    %broadcast_in_dim3A_23 = vector.broadcast %broadcast_in_dim3A : f32 to vector<16xf32>
    %swap3A = arith.constant 0 : index
    %swap3A_24 = tpu.vector_load %arg15[%swap3A] {strides = array<i32>} : memref<640xf32, #tpu.memory_space<vmem>>, vector<16xf32>,
    %swap3A_25 = vector.shape_cast %swap3A_24 : vector<16xf32> to vector<16xf32>
    %swap3A_26 = vector.shape_cast %broadcast_in_dim3A_23 : vector<16xf32> to vector<16xf32>
    tpu.vector_store %arg15[%swap3A], %swap3A_26 {strides = array<i32>} : memref<640xf32, #tpu.memory_space<vmem>>, vector<16xf32>,
    %broadcast_in_dim3A_27 = arith.constant 0.000000e+00 : f32
    %broadcast_in_dim3A_28 = vector.broadcast %broadcast_in_dim3A_27 : f32 to vector<16xf32>
    %swap3A_29 = arith.constant 16 : index
    %swap3A_30 = tpu.vector_load %arg15[%swap3A_29] {strides = array<i32>} : memref<640xf32, #tpu.memory_space<vmem>>, vector<16xf32>,
    %swap3A_31 = vector.shape_cast %swap3A_30 : vector<16xf32> to vector<16xf32>
    %swap3A_32 = vector.shape_cast %broadcast_in_dim3A_28 : vector<16xf32> to vector<16xf32>
    tpu.vector_store %arg15[%swap3A_29], %swap3A_32 {strides = array<i32>} : memref<640xf32, #tpu.memory_space<vmem>>, vector<16xf32>,
    %broadcast_in_dim3A_33 = arith.constant 0.000000e+00 : f32
    %broadcast_in_dim3A_34 = vector.broadcast %broadcast_in_dim3A_33 : f32 to vector<16xf32>
    %swap3A_35 = arith.constant 32 : index
    %swap3A_36 = tpu.vector_load %arg15[%swap3A_35] {strides = array<i32>} : memref<640xf32, #tpu.memory_space<vmem>>, vector<16xf32>,
    %swap3A_37 = vector.shape_cast %swap3A_36 : vector<16xf32> to vector<16xf32>
    %swap3A_38 = vector.shape_cast %broadcast_in_dim3A_34 : vector<16xf32> to vector<16xf32>
    tpu.vector_store %arg15[%swap3A_35], %swap3A_38 {strides = array<i32>} : memref<640xf32, #tpu.memory_space<vmem>>, vector<16xf32>,
    %broadcast_in_dim3A_39 = arith.constant 0.000000e+00 : f32
    %broadcast_in_dim3A_40 = vector.broadcast %broadcast_in_dim3A_39 : f32 to vector<16xf32>
    %swap3A_41 = arith.constant 48 : index
    %swap3A_42 = tpu.vector_load %arg15[%swap3A_41] {strides = array<i32>} : memref<640xf32, #tpu.memory_space<vmem>>, vector<16xf32>,
    %swap3A_43 = vector.shape_cast %swap3A_42 : vector<16xf32> to vector<16xf32>
    %swap3A_44 = vector.shape_cast %broadcast_in_dim3A_40 : vector<16xf32> to vector<16xf32>
    tpu.vector_store %arg15[%swap3A_41], %swap3A_44 {strides = array<i32>} : memref<640xf32, #tpu.memory_space<vmem>>, vector<16xf32>,
    %broadcast_in_dim3A_45 = arith.constant 0.000000e+00 : f32
    %broadcast_in_dim3A_46 = vector.broadcast %broadcast_in_dim3A_45 : f32 to vector<16xf32>
    %swap3A_47 = arith.constant 64 : index
    %swap3A_48 = tpu.vector_load %arg15[%swap3A_47] {strides = array<i32>} : memref<640xf32, #tpu.memory_space<vmem>>, vector<16xf32>,
    %swap3A_49 = vector.shape_cast %swap3A_48 : vector<16xf32> to vector<16xf32>
    %swap3A_50 = vector.shape_cast %broadcast_in_dim3A_46 : vector<16xf32> to vector<16xf32>
    tpu.vector_store %arg15[%swap3A_47], %swap3A_50 {strides = array<i32>} : memref<640xf32, #tpu.memory_space<vmem>>, vector<16xf32>,
    %broadcast_in_dim3A_51 = arith.constant 0.000000e+00 : f32
    %broadcast_in_dim3A_52 = vector.broadcast %broadcast_in_dim3A_51 : f32 to vector<16xf32>
    %swap3A_53 = arith.constant 80 : index
    %swap3A_54 = tpu.vector_load %arg15[%swap3A_53] {strides = array<i32>} : memref<640xf32, #tpu.memory_space<vmem>>, vector<16xf32>,
    %swap3A_55 = vector.shape_cast %swap3A_54 : vector<16xf32> to vector<16xf32>
    %swap3A_56 = vector.shape_cast %broadcast_in_dim3A_52 : vector<16xf32> to vector<16xf32>
    tpu.vector_store %arg15[%swap3A_53], %swap3A_56 {strides = array<i32>} : memref<640xf32, #tpu.memory_space<vmem>>, vector<16xf32>,
    %broadcast_in_dim3A_57 = arith.constant 0.000000e+00 : f32
    %broadcast_in_dim3A_58 = vector.broadcast %broadcast_in_dim3A_57 : f32 to vector<16xf32>
    %swap3A_59 = arith.constant 96 : index
    %swap3A_60 = tpu.vector_load %arg15[%swap3A_59] {strides = array<i32>} : memref<640xf32, #tpu.memory_space<vmem>>, vector<16xf32>,
    %swap3A_61 = vector.shape_cast %swap3A_60 : vector<16xf32> to vector<16xf32>
    %swap3A_62 = vector.shape_cast %broadcast_in_dim3A_58 : vector<16xf32> to vector<16xf32>
    tpu.vector_store %arg15[%swap3A_59], %swap3A_62 {strides = array<i32>} : memref<640xf32, #tpu.memory_space<vmem>>, vector<16xf32>,
    %broadcast_in_dim3A_63 = arith.constant 0.000000e+00 : f32
    %broadcast_in_dim3A_64 = vector.broadcast %broadcast_in_dim3A_63 : f32 to vector<16xf32>
    %swap3A_65 = arith.constant 112 : index
    %swap3A_66 = tpu.vector_load %arg15[%swap3A_65] {strides = array<i32>} : memref<640xf32, #tpu.memory_space<vmem>>, vector<16xf32>,
    %swap3A_67 = vector.shape_cast %swap3A_66 : vector<16xf32> to vector<16xf32>
    %swap3A_68 = vector.shape_cast %broadcast_in_dim3A_64 : vector<16xf32> to vector<16xf32>
    tpu.vector_store %arg15[%swap3A_65], %swap3A_68 {strides = array<i32>} : memref<640xf32, #tpu.memory_space<vmem>>, vector<16xf32>,
    %broadcast_in_dim3A_69 = arith.constant 0.000000e+00 : f32
    %broadcast_in_dim3A_70 = vector.broadcast %broadcast_in_dim3A_69 : f32 to vector<16xf32>
    %swap3A_71 = arith.constant 128 : index
    %swap3A_72 = tpu.vector_load %arg15[%swap3A_71] {strides = array<i32>} : memref<640xf32, #tpu.memory_space<vmem>>, vector<16xf32>,
    %swap3A_73 = vector.shape_cast %swap3A_72 : vector<16xf32> to vector<16xf32>
    %swap3A_74 = vector.shape_cast %broadcast_in_dim3A_70 : vector<16xf32> to vector<16xf32>
    tpu.vector_store %arg15[%swap3A_71], %swap3A_74 {strides = array<i32>} : memref<640xf32, #tpu.memory_space<vmem>>, vector<16xf32>,
    %broadcast_in_dim3A_75 = arith.constant 0.000000e+00 : f32
    %broadcast_in_dim3A_76 = vector.broadcast %broadcast_in_dim3A_75 : f32 to vector<16xf32>
    %swap3A_77 = arith.constant 144 : index
    %swap3A_78 = tpu.vector_load %arg15[%swap3A_77] {strides = array<i32>} : memref<640xf32, #tpu.memory_space<vmem>>, vector<16xf32>,
    %swap3A_79 = vector.shape_cast %swap3A_78 : vector<16xf32> to vector<16xf32>
    %swap3A_80 = vector.shape_cast %broadcast_in_dim3A_76 : vector<16xf32> to vector<16xf32>
    tpu.vector_store %arg15[%swap3A_77], %swap3A_80 {strides = array<i32>} : memref<640xf32, #tpu.memory_space<vmem>>, vector<16xf32>,
    %broadcast_in_dim3A_81 = arith.constant 0.000000e+00 : f32
    %broadcast_in_dim3A_82 = vector.broadcast %broadcast_in_dim3A_81 : f32 to vector<16xf32>
    %swap3A_83 = arith.constant 160 : index
    %swap3A_84 = tpu.vector_load %arg15[%swap3A_83] {strides = array<i32>} : memref<640xf32, #tpu.memory_space<vmem>>, vector<16xf32>,
    %swap3A_85 = vector.shape_cast %swap3A_84 : vector<16xf32> to vector<16xf32>
    %swap3A_86 = vector.shape_cast %broadcast_in_dim3A_82 : vector<16xf32> to vector<16xf32>
    tpu.vector_store %arg15[%swap3A_83], %swap3A_86 {strides = array<i32>} : memref<640xf32, #tpu.memory_space<vmem>>, vector<16xf32>,
    %broadcast_in_dim3A_87 = arith.constant 0.000000e+00 : f32
    %broadcast_in_dim3A_88 = vector.broadcast %broadcast_in_dim3A_87 : f32 to vector<16xf32>
    %swap3A_89 = arith.constant 176 : index
    %swap3A_90 = tpu.vector_load %arg15[%swap3A_89] {strides = array<i32>} : memref<640xf32, #tpu.memory_space<vmem>>, vector<16xf32>,
    %swap3A_91 = vector.shape_cast %swap3A_90 : vector<16xf32> to vector<16xf32>
    %swap3A_92 = vector.shape_cast %broadcast_in_dim3A_88 : vector<16xf32> to vector<16xf32>
    tpu.vector_store %arg15[%swap3A_89], %swap3A_92 {strides = array<i32>} : memref<640xf32, #tpu.memory_space<vmem>>, vector<16xf32>,
    %broadcast_in_dim3A_93 = arith.constant 0.000000e+00 : f32
    %broadcast_in_dim3A_94 = vector.broadcast %broadcast_in_dim3A_93 : f32 to vector<16xf32>
    %swap3A_95 = arith.constant 192 : index
    %swap3A_96 = tpu.vector_load %arg15[%swap3A_95] {strides = array<i32>} : memref<640xf32, #tpu.memory_space<vmem>>, vector<16xf32>,
    %swap3A_97 = vector.shape_cast %swap3A_96 : vector<16xf32> to vector<16xf32>
    %swap3A_98 = vector.shape_cast %broadcast_in_dim3A_94 : vector<16xf32> to vector<16xf32>
    tpu.vector_store %arg15[%swap3A_95], %swap3A_98 {strides = array<i32>} : memref<640xf32, #tpu.memory_space<vmem>>, vector<16xf32>,
    %broadcast_in_dim3A_99 = arith.constant 0.000000e+00 : f32
    %broadcast_in_dim3A_100 = vector.broadcast %broadcast_in_dim3A_99 : f32 to vector<16xf32>
    %swap3A_101 = arith.constant 208 : index
    %swap3A_102 = tpu.vector_load %arg15[%swap3A_101] {strides = array<i32>} : memref<640xf32, #tpu.memory_space<vmem>>, vector<16xf32>,
    %swap3A_103 = vector.shape_cast %swap3A_102 : vector<16xf32> to vector<16xf32>
    %swap3A_104 = vector.shape_cast %broadcast_in_dim3A_100 : vector<16xf32> to vector<16xf32>
    tpu.vector_store %arg15[%swap3A_101], %swap3A_104 {strides = array<i32>} : memref<640xf32, #tpu.memory_space<vmem>>, vector<16xf32>,
    %broadcast_in_dim3A_105 = arith.constant 0.000000e+00 : f32
    %broadcast_in_dim3A_106 = vector.broadcast %broadcast_in_dim3A_105 : f32 to vector<16xf32>
    %swap3A_107 = arith.constant 224 : index
    %swap3A_108 = tpu.vector_load %arg15[%swap3A_107] {strides = array<i32>} : memref<640xf32, #tpu.memory_space<vmem>>, vector<16xf32>,
    %swap3A_109 = vector.shape_cast %swap3A_108 : vector<16xf32> to vector<16xf32>
    %swap3A_110 = vector.shape_cast %broadcast_in_dim3A_106 : vector<16xf32> to vector<16xf32>
    tpu.vector_store %arg15[%swap3A_107], %swap3A_110 {strides = array<i32>} : memref<640xf32, #tpu.memory_space<vmem>>, vector<16xf32>,
    %broadcast_in_dim3A_111 = arith.constant 0.000000e+00 : f32
    %broadcast_in_dim3A_112 = vector.broadcast %broadcast_in_dim3A_111 : f32 to vector<16xf32>
    %swap3A_113 = arith.constant 240 : index
    %swap3A_114 = tpu.vector_load %arg15[%swap3A_113] {strides = array<i32>} : memref<640xf32, #tpu.memory_space<vmem>>, vector<16xf32>,
    %swap3A_115 = vector.shape_cast %swap3A_114 : vector<16xf32> to vector<16xf32>
    %swap3A_116 = vector.shape_cast %broadcast_in_dim3A_112 : vector<16xf32> to vector<16xf32>
    tpu.vector_store %arg15[%swap3A_113], %swap3A_116 {strides = array<i32>} : memref<640xf32, #tpu.memory_space<vmem>>, vector<16xf32>,
    %broadcast_in_dim3A_117 = arith.constant 0.000000e+00 : f32
    %broadcast_in_dim3A_118 = vector.broadcast %broadcast_in_dim3A_117 : f32 to vector<16xf32>
    %swap3A_119 = arith.constant 256 : index
    %swap3A_120 = tpu.vector_load %arg15[%swap3A_119] {strides = array<i32>} : memref<640xf32, #tpu.memory_space<vmem>>, vector<16xf32>,
    %swap3A_121 = vector.shape_cast %swap3A_120 : vector<16xf32> to vector<16xf32>
    %swap3A_122 = vector.shape_cast %broadcast_in_dim3A_118 : vector<16xf32> to vector<16xf32>
    tpu.vector_store %arg15[%swap3A_119], %swap3A_122 {strides = array<i32>} : memref<640xf32, #tpu.memory_space<vmem>>, vector<16xf32>,
    %broadcast_in_dim3A_123 = arith.constant 0.000000e+00 : f32
    %broadcast_in_dim3A_124 = vector.broadcast %broadcast_in_dim3A_123 : f32 to vector<16xf32>
    %swap3A_125 = arith.constant 272 : index
    %swap3A_126 = tpu.vector_load %arg15[%swap3A_125] {strides = array<i32>} : memref<640xf32, #tpu.memory_space<vmem>>, vector<16xf32>,
    %swap3A_127 = vector.shape_cast %swap3A_126 : vector<16xf32> to vector<16xf32>
    %swap3A_128 = vector.shape_cast %broadcast_in_dim3A_124 : vector<16xf32> to vector<16xf32>
    tpu.vector_store %arg15[%swap3A_125], %swap3A_128 {strides = array<i32>} : memref<640xf32, #tpu.memory_space<vmem>>, vector<16xf32>,
    %broadcast_in_dim3A_129 = arith.constant 0.000000e+00 : f32
    %broadcast_in_dim3A_130 = vector.broadcast %broadcast_in_dim3A_129 : f32 to vector<16xf32>
    %swap3A_131 = arith.constant 288 : index
    %swap3A_132 = tpu.vector_load %arg15[%swap3A_131] {strides = array<i32>} : memref<640xf32, #tpu.memory_space<vmem>>, vector<16xf32>,
    %swap3A_133 = vector.shape_cast %swap3A_132 : vector<16xf32> to vector<16xf32>
    %swap3A_134 = vector.shape_cast %broadcast_in_dim3A_130 : vector<16xf32> to vector<16xf32>
    tpu.vector_store %arg15[%swap3A_131], %swap3A_134 {strides = array<i32>} : memref<640xf32, #tpu.memory_space<vmem>>, vector<16xf32>,
    %broadcast_in_dim3A_135 = arith.constant 0.000000e+00 : f32
    %broadcast_in_dim3A_136 = vector.broadcast %broadcast_in_dim3A_135 : f32 to vector<16xf32>
    %swap3A_137 = arith.constant 304 : index
    %swap3A_138 = tpu.vector_load %arg15[%swap3A_137] {strides = array<i32>} : memref<640xf32, #tpu.memory_space<vmem>>, vector<16xf32>,
    %swap3A_139 = vector.shape_cast %swap3A_138 : vector<16xf32> to vector<16xf32>
    %swap3A_140 = vector.shape_cast %broadcast_in_dim3A_136 : vector<16xf32> to vector<16xf32>
    tpu.vector_store %arg15[%swap3A_137], %swap3A_140 {strides = array<i32>} : memref<640xf32, #tpu.memory_space<vmem>>, vector<16xf32>,
    %broadcast_in_dim3A_141 = arith.constant 0.000000e+00 : f32
    %broadcast_in_dim3A_142 = vector.broadcast %broadcast_in_dim3A_141 : f32 to vector<16xf32>
    %swap3A_143 = arith.constant 320 : index
    %swap3A_144 = tpu.vector_load %arg15[%swap3A_143] {strides = array<i32>} : memref<640xf32, #tpu.memory_space<vmem>>, vector<16xf32>,
    %swap3A_145 = vector.shape_cast %swap3A_144 : vector<16xf32> to vector<16xf32>
    %swap3A_146 = vector.shape_cast %broadcast_in_dim3A_142 : vector<16xf32> to vector<16xf32>
    tpu.vector_store %arg15[%swap3A_143], %swap3A_146 {strides = array<i32>} : memref<640xf32, #tpu.memory_space<vmem>>, vector<16xf32>,
    %broadcast_in_dim3A_147 = arith.constant 0.000000e+00 : f32
    %broadcast_in_dim3A_148 = vector.broadcast %broadcast_in_dim3A_147 : f32 to vector<16xf32>
    %swap3A_149 = arith.constant 336 : index
    %swap3A_150 = tpu.vector_load %arg15[%swap3A_149] {strides = array<i32>} : memref<640xf32, #tpu.memory_space<vmem>>, vector<16xf32>,
    %swap3A_151 = vector.shape_cast %swap3A_150 : vector<16xf32> to vector<16xf32>
    %swap3A_152 = vector.shape_cast %broadcast_in_dim3A_148 : vector<16xf32> to vector<16xf32>
    tpu.vector_store %arg15[%swap3A_149], %swap3A_152 {strides = array<i32>} : memref<640xf32, #tpu.memory_space<vmem>>, vector<16xf32>,
    %broadcast_in_dim3A_153 = arith.constant 0.000000e+00 : f32
    %broadcast_in_dim3A_154 = vector.broadcast %broadcast_in_dim3A_153 : f32 to vector<16xf32>
    %swap3A_155 = arith.constant 352 : index
    %swap3A_156 = tpu.vector_load %arg15[%swap3A_155] {strides = array<i32>} : memref<640xf32, #tpu.memory_space<vmem>>, vector<16xf32>,
    %swap3A_157 = vector.shape_cast %swap3A_156 : vector<16xf32> to vector<16xf32>
    %swap3A_158 = vector.shape_cast %broadcast_in_dim3A_154 : vector<16xf32> to vector<16xf32>
    tpu.vector_store %arg15[%swap3A_155], %swap3A_158 {strides = array<i32>} : memref<640xf32, #tpu.memory_space<vmem>>, vector<16xf32>,
    %broadcast_in_dim3A_159 = arith.constant 0.000000e+00 : f32
    %broadcast_in_dim3A_160 = vector.broadcast %broadcast_in_dim3A_159 : f32 to vector<16xf32>
    %swap3A_161 = arith.constant 368 : index
    %swap3A_162 = tpu.vector_load %arg15[%swap3A_161] {strides = array<i32>} : memref<640xf32, #tpu.memory_space<vmem>>, vector<16xf32>,
    %swap3A_163 = vector.shape_cast %swap3A_162 : vector<16xf32> to vector<16xf32>
    %swap3A_164 = vector.shape_cast %broadcast_in_dim3A_160 : vector<16xf32> to vector<16xf32>
    tpu.vector_store %arg15[%swap3A_161], %swap3A_164 {strides = array<i32>} : memref<640xf32, #tpu.memory_space<vmem>>, vector<16xf32>,
    %broadcast_in_dim3A_165 = arith.constant 0.000000e+00 : f32
    %broadcast_in_dim3A_166 = vector.broadcast %broadcast_in_dim3A_165 : f32 to vector<16xf32>
    %swap3A_167 = arith.constant 384 : index
    %swap3A_168 = tpu.vector_load %arg15[%swap3A_167] {strides = array<i32>} : memref<640xf32, #tpu.memory_space<vmem>>, vector<16xf32>,
    %swap3A_169 = vector.shape_cast %swap3A_168 : vector<16xf32> to vector<16xf32>
    %swap3A_170 = vector.shape_cast %broadcast_in_dim3A_166 : vector<16xf32> to vector<16xf32>
    tpu.vector_store %arg15[%swap3A_167], %swap3A_170 {strides = array<i32>} : memref<640xf32, #tpu.memory_space<vmem>>, vector<16xf32>,
    %broadcast_in_dim3A_171 = arith.constant 0.000000e+00 : f32
    %broadcast_in_dim3A_172 = vector.broadcast %broadcast_in_dim3A_171 : f32 to vector<16xf32>
    %swap3A_173 = arith.constant 400 : index
    %swap3A_174 = tpu.vector_load %arg15[%swap3A_173] {strides = array<i32>} : memref<640xf32, #tpu.memory_space<vmem>>, vector<16xf32>,
    %swap3A_175 = vector.shape_cast %swap3A_174 : vector<16xf32> to vector<16xf32>
    %swap3A_176 = vector.shape_cast %broadcast_in_dim3A_172 : vector<16xf32> to vector<16xf32>
    tpu.vector_store %arg15[%swap3A_173], %swap3A_176 {strides = array<i32>} : memref<640xf32, #tpu.memory_space<vmem>>, vector<16xf32>,
    %broadcast_in_dim3A_177 = arith.constant 0.000000e+00 : f32
    %broadcast_in_dim3A_178 = vector.broadcast %broadcast_in_dim3A_177 : f32 to vector<16xf32>
    %swap3A_179 = arith.constant 416 : index
    %swap3A_180 = tpu.vector_load %arg15[%swap3A_179] {strides = array<i32>} : memref<640xf32, #tpu.memory_space<vmem>>, vector<16xf32>,
    %swap3A_181 = vector.shape_cast %swap3A_180 : vector<16xf32> to vector<16xf32>
    %swap3A_182 = vector.shape_cast %broadcast_in_dim3A_178 : vector<16xf32> to vector<16xf32>
    tpu.vector_store %arg15[%swap3A_179], %swap3A_182 {strides = array<i32>} : memref<640xf32, #tpu.memory_space<vmem>>, vector<16xf32>,
    %broadcast_in_dim3A_183 = arith.constant 0.000000e+00 : f32
    %broadcast_in_dim3A_184 = vector.broadcast %broadcast_in_dim3A_183 : f32 to vector<16xf32>
    %swap3A_185 = arith.constant 432 : index
    %swap3A_186 = tpu.vector_load %arg15[%swap3A_185] {strides = array<i32>} : memref<640xf32, #tpu.memory_space<vmem>>, vector<16xf32>,
    %swap3A_187 = vector.shape_cast %swap3A_186 : vector<16xf32> to vector<16xf32>
    %swap3A_188 = vector.shape_cast %broadcast_in_dim3A_184 : vector<16xf32> to vector<16xf32>
    tpu.vector_store %arg15[%swap3A_185], %swap3A_188 {strides = array<i32>} : memref<640xf32, #tpu.memory_space<vmem>>, vector<16xf32>,
    %broadcast_in_dim3A_189 = arith.constant 0.000000e+00 : f32
    %broadcast_in_dim3A_190 = vector.broadcast %broadcast_in_dim3A_189 : f32 to vector<16xf32>
    %swap3A_191 = arith.constant 448 : index
    %swap3A_192 = tpu.vector_load %arg15[%swap3A_191] {strides = array<i32>} : memref<640xf32, #tpu.memory_space<vmem>>, vector<16xf32>,
    %swap3A_193 = vector.shape_cast %swap3A_192 : vector<16xf32> to vector<16xf32>
    %swap3A_194 = vector.shape_cast %broadcast_in_dim3A_190 : vector<16xf32> to vector<16xf32>
    tpu.vector_store %arg15[%swap3A_191], %swap3A_194 {strides = array<i32>} : memref<640xf32, #tpu.memory_space<vmem>>, vector<16xf32>,
    %broadcast_in_dim3A_195 = arith.constant 0.000000e+00 : f32
    %broadcast_in_dim3A_196 = vector.broadcast %broadcast_in_dim3A_195 : f32 to vector<16xf32>
    %swap3A_197 = arith.constant 464 : index
    %swap3A_198 = tpu.vector_load %arg15[%swap3A_197] {strides = array<i32>} : memref<640xf32, #tpu.memory_space<vmem>>, vector<16xf32>,
    %swap3A_199 = vector.shape_cast %swap3A_198 : vector<16xf32> to vector<16xf32>
    %swap3A_200 = vector.shape_cast %broadcast_in_dim3A_196 : vector<16xf32> to vector<16xf32>
    tpu.vector_store %arg15[%swap3A_197], %swap3A_200 {strides = array<i32>} : memref<640xf32, #tpu.memory_space<vmem>>, vector<16xf32>,
    %broadcast_in_dim3A_201 = arith.constant 0.000000e+00 : f32
    %broadcast_in_dim3A_202 = vector.broadcast %broadcast_in_dim3A_201 : f32 to vector<16xf32>
    %swap3A_203 = arith.constant 480 : index
    %swap3A_204 = tpu.vector_load %arg15[%swap3A_203] {strides = array<i32>} : memref<640xf32, #tpu.memory_space<vmem>>, vector<16xf32>,
    %swap3A_205 = vector.shape_cast %swap3A_204 : vector<16xf32> to vector<16xf32>
    %swap3A_206 = vector.shape_cast %broadcast_in_dim3A_202 : vector<16xf32> to vector<16xf32>
    tpu.vector_store %arg15[%swap3A_203], %swap3A_206 {strides = array<i32>} : memref<640xf32, #tpu.memory_space<vmem>>, vector<16xf32>,
    %broadcast_in_dim3A_207 = arith.constant 0.000000e+00 : f32
    %broadcast_in_dim3A_208 = vector.broadcast %broadcast_in_dim3A_207 : f32 to vector<16xf32>
    %swap3A_209 = arith.constant 496 : index
    %swap3A_210 = tpu.vector_load %arg15[%swap3A_209] {strides = array<i32>} : memref<640xf32, #tpu.memory_space<vmem>>, vector<16xf32>,
    %swap3A_211 = vector.shape_cast %swap3A_210 : vector<16xf32> to vector<16xf32>
    %swap3A_212 = vector.shape_cast %broadcast_in_dim3A_208 : vector<16xf32> to vector<16xf32>
    tpu.vector_store %arg15[%swap3A_209], %swap3A_212 {strides = array<i32>} : memref<640xf32, #tpu.memory_space<vmem>>, vector<16xf32>,
    %broadcast_in_dim3A_213 = arith.constant 0.000000e+00 : f32
    %broadcast_in_dim3A_214 = vector.broadcast %broadcast_in_dim3A_213 : f32 to vector<16xf32>
    %swap3A_215 = arith.constant 512 : index
    %swap3A_216 = tpu.vector_load %arg15[%swap3A_215] {strides = array<i32>} : memref<640xf32, #tpu.memory_space<vmem>>, vector<16xf32>,
    %swap3A_217 = vector.shape_cast %swap3A_216 : vector<16xf32> to vector<16xf32>
    %swap3A_218 = vector.shape_cast %broadcast_in_dim3A_214 : vector<16xf32> to vector<16xf32>
    tpu.vector_store %arg15[%swap3A_215], %swap3A_218 {strides = array<i32>} : memref<640xf32, #tpu.memory_space<vmem>>, vector<16xf32>,
    %broadcast_in_dim3A_219 = arith.constant 0.000000e+00 : f32
    %broadcast_in_dim3A_220 = vector.broadcast %broadcast_in_dim3A_219 : f32 to vector<16xf32>
    %swap3A_221 = arith.constant 528 : index
    %swap3A_222 = tpu.vector_load %arg15[%swap3A_221] {strides = array<i32>} : memref<640xf32, #tpu.memory_space<vmem>>, vector<16xf32>,
    %swap3A_223 = vector.shape_cast %swap3A_222 : vector<16xf32> to vector<16xf32>
    %swap3A_224 = vector.shape_cast %broadcast_in_dim3A_220 : vector<16xf32> to vector<16xf32>
    tpu.vector_store %arg15[%swap3A_221], %swap3A_224 {strides = array<i32>} : memref<640xf32, #tpu.memory_space<vmem>>, vector<16xf32>,
    %broadcast_in_dim3A_225 = arith.constant 0.000000e+00 : f32
    %broadcast_in_dim3A_226 = vector.broadcast %broadcast_in_dim3A_225 : f32 to vector<16xf32>
    %swap3A_227 = arith.constant 544 : index
    %swap3A_228 = tpu.vector_load %arg15[%swap3A_227] {strides = array<i32>} : memref<640xf32, #tpu.memory_space<vmem>>, vector<16xf32>,
    %swap3A_229 = vector.shape_cast %swap3A_228 : vector<16xf32> to vector<16xf32>
    %swap3A_230 = vector.shape_cast %broadcast_in_dim3A_226 : vector<16xf32> to vector<16xf32>
    tpu.vector_store %arg15[%swap3A_227], %swap3A_230 {strides = array<i32>} : memref<640xf32, #tpu.memory_space<vmem>>, vector<16xf32>,
    %broadcast_in_dim3A_231 = arith.constant 0.000000e+00 : f32
    %broadcast_in_dim3A_232 = vector.broadcast %broadcast_in_dim3A_231 : f32 to vector<16xf32>
    %swap3A_233 = arith.constant 560 : index
    %swap3A_234 = tpu.vector_load %arg15[%swap3A_233] {strides = array<i32>} : memref<640xf32, #tpu.memory_space<vmem>>, vector<16xf32>,
    %swap3A_235 = vector.shape_cast %swap3A_234 : vector<16xf32> to vector<16xf32>
    %swap3A_236 = vector.shape_cast %broadcast_in_dim3A_232 : vector<16xf32> to vector<16xf32>
    tpu.vector_store %arg15[%swap3A_233], %swap3A_236 {strides = array<i32>} : memref<640xf32, #tpu.memory_space<vmem>>, vector<16xf32>,
    %broadcast_in_dim3A_237 = arith.constant 0.000000e+00 : f32
    %broadcast_in_dim3A_238 = vector.broadcast %broadcast_in_dim3A_237 : f32 to vector<16xf32>
    %swap3A_239 = arith.constant 576 : index
    %swap3A_240 = tpu.vector_load %arg15[%swap3A_239] {strides = array<i32>} : memref<640xf32, #tpu.memory_space<vmem>>, vector<16xf32>,
    %swap3A_241 = vector.shape_cast %swap3A_240 : vector<16xf32> to vector<16xf32>
    %swap3A_242 = vector.shape_cast %broadcast_in_dim3A_238 : vector<16xf32> to vector<16xf32>
    tpu.vector_store %arg15[%swap3A_239], %swap3A_242 {strides = array<i32>} : memref<640xf32, #tpu.memory_space<vmem>>, vector<16xf32>,
    %broadcast_in_dim3A_243 = arith.constant 0.000000e+00 : f32
    %broadcast_in_dim3A_244 = vector.broadcast %broadcast_in_dim3A_243 : f32 to vector<16xf32>
    %swap3A_245 = arith.constant 592 : index
    %swap3A_246 = tpu.vector_load %arg15[%swap3A_245] {strides = array<i32>} : memref<640xf32, #tpu.memory_space<vmem>>, vector<16xf32>,
    %swap3A_247 = vector.shape_cast %swap3A_246 : vector<16xf32> to vector<16xf32>
    %swap3A_248 = vector.shape_cast %broadcast_in_dim3A_244 : vector<16xf32> to vector<16xf32>
    tpu.vector_store %arg15[%swap3A_245], %swap3A_248 {strides = array<i32>} : memref<640xf32, #tpu.memory_space<vmem>>, vector<16xf32>,
    %broadcast_in_dim3A_249 = arith.constant 0.000000e+00 : f32
    %broadcast_in_dim3A_250 = vector.broadcast %broadcast_in_dim3A_249 : f32 to vector<16xf32>
    %swap3A_251 = arith.constant 608 : index
    %swap3A_252 = tpu.vector_load %arg15[%swap3A_251] {strides = array<i32>} : memref<640xf32, #tpu.memory_space<vmem>>, vector<16xf32>,
    %swap3A_253 = vector.shape_cast %swap3A_252 : vector<16xf32> to vector<16xf32>
    %swap3A_254 = vector.shape_cast %broadcast_in_dim3A_250 : vector<16xf32> to vector<16xf32>
    tpu.vector_store %arg15[%swap3A_251], %swap3A_254 {strides = array<i32>} : memref<640xf32, #tpu.memory_space<vmem>>, vector<16xf32>,
    %broadcast_in_dim3A_255 = arith.constant 0.000000e+00 : f32
    %broadcast_in_dim3A_256 = vector.broadcast %broadcast_in_dim3A_255 : f32 to vector<16xf32>
    %swap3A_257 = arith.constant 624 : index
    %swap3A_258 = tpu.vector_load %arg15[%swap3A_257] {strides = array<i32>} : memref<640xf32, #tpu.memory_space<vmem>>, vector<16xf32>,
    %swap3A_259 = vector.shape_cast %swap3A_258 : vector<16xf32> to vector<16xf32>
    %swap3A_260 = vector.shape_cast %broadcast_in_dim3A_256 : vector<16xf32> to vector<16xf32>
    tpu.vector_store %arg15[%swap3A_257], %swap3A_260 {strides = array<i32>} : memref<640xf32, #tpu.memory_space<vmem>>, vector<16xf32>,
    %mul3A_261 = arith.constant 640 : i32
    %mul3A_262 = arith.muli %arg1, %mul3A_261 : i32
    "tpu.region"() ({
      %run_scoped3A = tpu.sem_alloc : memref<!tpu.dma_semaphore, #tpu.memory_space<semaphore_mem>>
      %dma_start3A = tpu.memref_slice %arg17[%mul3A_262] : memref<10240xf32, #tpu.memory_space<vmem_shared>> -> memref<640xf32, #tpu.memory_space<vmem_shared>>
      %dma_start3A_278 = tpu.memref_slice %arg17[%mul3A_262] : memref<10240xf32, #tpu.memory_space<vmem_shared>> -> memref<640xf32, #tpu.memory_space<vmem_shared>>
      tpu.enqueue_dma source(%arg15 : memref<640xf32, #tpu.memory_space<vmem>>) target(%dma_start3A_278 : memref<640xf32, #tpu.memory_space<vmem_shared>>) target_semaphore(%run_scoped3A : memref<!tpu.dma_semaphore, #tpu.memory_space<semaphore_mem>>)
      %dma_wait3A = tpu.memref_slice %arg17[%mul3A_262] : memref<10240xf32, #tpu.memory_space<vmem_shared>> -> memref<640xf32, #tpu.memory_space<vmem_shared>>
      %dma_wait3A_279 = tpu.memref_slice %arg17[%mul3A_262] : memref<10240xf32, #tpu.memory_space<vmem_shared>> -> memref<640xf32, #tpu.memory_space<vmem_shared>>
      tpu.wait_dma2 semaphore(%run_scoped3A : memref<!tpu.dma_semaphore, #tpu.memory_space<semaphore_mem>>) src(%arg15 : memref<640xf32, #tpu.memory_space<vmem>>) dst(%dma_wait3A_279 : memref<640xf32, #tpu.memory_space<vmem_shared>>)
      tpu.yield
    }) : () -> ()
    %barrier3A = arith.constant 0 : index
    tpu.barrier barrier_id(%barrier3A)
    %scan3A_263 = arith.constant 0 : i32
    %scan3A_264 = arith.constant 0 : i32
    %scan3A_265 = arith.constant 80 : i32
    %scan3A_266 = arith.addi %scan3A_264, %scan3A_265 : i32
    %scan3A_267 = arith.constant 1 : i32
    scf.for %scan3A_278 = %scan3A_264 to %scan3A_266 step %scan3A_267  : i32 {
      "tpu.region"() ({
        %run_scoped3A = tpu.sem_alloc : memref<!tpu.dma_semaphore, #tpu.memory_space<semaphore_mem>>
        %dma_start3A = arith.constant 0 : i32
        %dma_start3A_433 = tpu.memref_slice %arg9[%scan3A_278, %dma_start3A] : memref<80x128xi32, #tpu.memory_space<vmem>> -> memref<1x128xi32, #tpu.memory_space<vmem>>
        %dma_start3A_434 = tpu.memref_squeeze %dma_start3A_433 : memref<1x128xi32, #tpu.memory_space<vmem>> -> memref<128xi32, #tpu.memory_space<vmem>>
        %dma_start3A_435 = arith.constant 0 : i32
        %dma_start3A_436 = tpu.memref_slice %arg3[%dma_start3A_435] : memref<10240xf32, #tpu.memory_space<hbm>> -> memref<10240xf32, #tpu.memory_space<hbm>>
        tpu.enqueue_indirect_dma source(%dma_start3A_436 : memref<10240xf32, #tpu.memory_space<hbm>>) target(%arg11 : memref<128xf32, #tpu.memory_space<vmem>>) offsets(%dma_start3A_434 : memref<128xi32, #tpu.memory_space<vmem>>) semaphore(%run_scoped3A : memref<!tpu.dma_semaphore, #tpu.memory_space<semaphore_mem>>)
        %dma_wait3A = arith.constant 0 : i32
        %dma_wait3A_437 = tpu.memref_slice %arg9[%scan3A_278, %dma_wait3A] : memref<80x128xi32, #tpu.memory_space<vmem>> -> memref<1x128xi32, #tpu.memory_space<vmem>>
        %dma_wait3A_438 = tpu.memref_squeeze %dma_wait3A_437 : memref<1x128xi32, #tpu.memory_space<vmem>> -> memref<128xi32, #tpu.memory_space<vmem>>
        %dma_wait3A_439 = arith.constant 0 : i32
        %dma_wait3A_440 = tpu.memref_slice %arg3[%dma_wait3A_439] : memref<10240xf32, #tpu.memory_space<hbm>> -> memref<10240xf32, #tpu.memory_space<hbm>>
        tpu.wait_indirect_dma semaphore(%run_scoped3A : memref<!tpu.dma_semaphore, #tpu.memory_space<semaphore_mem>>) src(%dma_wait3A_440 : memref<10240xf32, #tpu.memory_space<hbm>>) dst(%arg11 : memref<128xf32, #tpu.memory_space<vmem>>)
        tpu.yield
      }) : () -> ()
      "tpu.region"() ({
        %run_scoped3A = tpu.sem_alloc : memref<!tpu.dma_semaphore, #tpu.memory_space<semaphore_mem>>
        %dma_start3A = arith.constant 0 : i32
        %dma_start3A_433 = tpu.memref_slice %arg10[%scan3A_278, %dma_start3A] : memref<80x128xi32, #tpu.memory_space<vmem>> -> memref<1x128xi32, #tpu.memory_space<vmem>>
        %dma_start3A_434 = tpu.memref_squeeze %dma_start3A_433 : memref<1x128xi32, #tpu.memory_space<vmem>> -> memref<128xi32, #tpu.memory_space<vmem>>
        %dma_start3A_435 = arith.constant 0 : i32
        %dma_start3A_436 = tpu.memref_slice %arg4[%dma_start3A_435] : memref<10240xf32, #tpu.memory_space<hbm>> -> memref<10240xf32, #tpu.memory_space<hbm>>
        tpu.enqueue_indirect_dma source(%dma_start3A_436 : memref<10240xf32, #tpu.memory_space<hbm>>) target(%arg12 : memref<128xf32, #tpu.memory_space<vmem>>) offsets(%dma_start3A_434 : memref<128xi32, #tpu.memory_space<vmem>>) semaphore(%run_scoped3A : memref<!tpu.dma_semaphore, #tpu.memory_space<semaphore_mem>>)
        %dma_wait3A = arith.constant 0 : i32
        %dma_wait3A_437 = tpu.memref_slice %arg10[%scan3A_278, %dma_wait3A] : memref<80x128xi32, #tpu.memory_space<vmem>> -> memref<1x128xi32, #tpu.memory_space<vmem>>
        %dma_wait3A_438 = tpu.memref_squeeze %dma_wait3A_437 : memref<1x128xi32, #tpu.memory_space<vmem>> -> memref<128xi32, #tpu.memory_space<vmem>>
        %dma_wait3A_439 = arith.constant 0 : i32
        %dma_wait3A_440 = tpu.memref_slice %arg4[%dma_wait3A_439] : memref<10240xf32, #tpu.memory_space<hbm>> -> memref<10240xf32, #tpu.memory_space<hbm>>
        tpu.wait_indirect_dma semaphore(%run_scoped3A : memref<!tpu.dma_semaphore, #tpu.memory_space<semaphore_mem>>) src(%dma_wait3A_440 : memref<10240xf32, #tpu.memory_space<hbm>>) dst(%arg12 : memref<128xf32, #tpu.memory_space<vmem>>)
        tpu.yield
      }) : () -> ()
      %get3A = arith.constant 0 : index
      %get3A_279 = tpu.vector_load %arg11[%get3A] {strides = array<i32>} : memref<128xf32, #tpu.memory_space<vmem>>, vector<16xf32>,
      %get3A_280 = vector.shape_cast %get3A_279 : vector<16xf32> to vector<16xf32>
      %get3A_281 = arith.constant 0 : index
      %get3A_282 = tpu.vector_load %arg12[%get3A_281] {strides = array<i32>} : memref<128xf32, #tpu.memory_space<vmem>>, vector<16xf32>,
      %get3A_283 = vector.shape_cast %get3A_282 : vector<16xf32> to vector<16xf32>
      %add3A_284 = arith.addf %get3A_280, %get3A_283 : vector<16xf32>
      %gt3A = arith.constant 0.000000e+00 : f32
      %gt3A_285 = vector.broadcast %gt3A : f32 to vector<16xf32>
      %gt3A_286 = arith.cmpf ogt, %add3A_284, %gt3A_285 : vector<16xf32>
      %mul3A_287 = arith.constant 2.000000e-01 : f32
      %mul3A_288 = vector.broadcast %mul3A_287 : f32 to vector<16xf32>
      %mul3A_289 = arith.mulf %mul3A_288, %add3A_284 : vector<16xf32>
      %select_n3A = arith.select %gt3A_286, %add3A_284, %mul3A_289 : vector<16xi1>, vector<16xf32>
      %exp3A = math.exp %select_n3A : vector<16xf32>
      %swap3A_290 = arith.constant 0 : index
      %swap3A_291 = tpu.vector_load %arg13[%swap3A_290] {strides = array<i32>} : memref<128xf32, #tpu.memory_space<vmem>>, vector<16xf32>,
      %swap3A_292 = vector.shape_cast %swap3A_291 : vector<16xf32> to vector<16xf32>
      %swap3A_293 = vector.shape_cast %exp3A : vector<16xf32> to vector<16xf32>
      tpu.vector_store %arg13[%swap3A_290], %swap3A_293 {strides = array<i32>} : memref<128xf32, #tpu.memory_space<vmem>>, vector<16xf32>,
      %get3A_294 = arith.constant 16 : index
      %get3A_295 = tpu.vector_load %arg11[%get3A_294] {strides = array<i32>} : memref<128xf32, #tpu.memory_space<vmem>>, vector<16xf32>,
      %get3A_296 = vector.shape_cast %get3A_295 : vector<16xf32> to vector<16xf32>
      %get3A_297 = arith.constant 16 : index
      %get3A_298 = tpu.vector_load %arg12[%get3A_297] {strides = array<i32>} : memref<128xf32, #tpu.memory_space<vmem>>, vector<16xf32>,
      %get3A_299 = vector.shape_cast %get3A_298 : vector<16xf32> to vector<16xf32>
      %add3A_300 = arith.addf %get3A_296, %get3A_299 : vector<16xf32>
      %gt3A_301 = arith.constant 0.000000e+00 : f32
      %gt3A_302 = vector.broadcast %gt3A_301 : f32 to vector<16xf32>
      %gt3A_303 = arith.cmpf ogt, %add3A_300, %gt3A_302 : vector<16xf32>
      %mul3A_304 = arith.constant 2.000000e-01 : f32
      %mul3A_305 = vector.broadcast %mul3A_304 : f32 to vector<16xf32>
      %mul3A_306 = arith.mulf %mul3A_305, %add3A_300 : vector<16xf32>
      %select_n3A_307 = arith.select %gt3A_303, %add3A_300, %mul3A_306 : vector<16xi1>, vector<16xf32>
      %exp3A_308 = math.exp %select_n3A_307 : vector<16xf32>
      %swap3A_309 = arith.constant 16 : index
      %swap3A_310 = tpu.vector_load %arg13[%swap3A_309] {strides = array<i32>} : memref<128xf32, #tpu.memory_space<vmem>>, vector<16xf32>,
      %swap3A_311 = vector.shape_cast %swap3A_310 : vector<16xf32> to vector<16xf32>
      %swap3A_312 = vector.shape_cast %exp3A_308 : vector<16xf32> to vector<16xf32>
      tpu.vector_store %arg13[%swap3A_309], %swap3A_312 {strides = array<i32>} : memref<128xf32, #tpu.memory_space<vmem>>, vector<16xf32>,
      %get3A_313 = arith.constant 32 : index
      %get3A_314 = tpu.vector_load %arg11[%get3A_313] {strides = array<i32>} : memref<128xf32, #tpu.memory_space<vmem>>, vector<16xf32>,
      %get3A_315 = vector.shape_cast %get3A_314 : vector<16xf32> to vector<16xf32>
      %get3A_316 = arith.constant 32 : index
      %get3A_317 = tpu.vector_load %arg12[%get3A_316] {strides = array<i32>} : memref<128xf32, #tpu.memory_space<vmem>>, vector<16xf32>,
      %get3A_318 = vector.shape_cast %get3A_317 : vector<16xf32> to vector<16xf32>
      %add3A_319 = arith.addf %get3A_315, %get3A_318 : vector<16xf32>
      %gt3A_320 = arith.constant 0.000000e+00 : f32
      %gt3A_321 = vector.broadcast %gt3A_320 : f32 to vector<16xf32>
      %gt3A_322 = arith.cmpf ogt, %add3A_319, %gt3A_321 : vector<16xf32>
      %mul3A_323 = arith.constant 2.000000e-01 : f32
      %mul3A_324 = vector.broadcast %mul3A_323 : f32 to vector<16xf32>
      %mul3A_325 = arith.mulf %mul3A_324, %add3A_319 : vector<16xf32>
      %select_n3A_326 = arith.select %gt3A_322, %add3A_319, %mul3A_325 : vector<16xi1>, vector<16xf32>
      %exp3A_327 = math.exp %select_n3A_326 : vector<16xf32>
      %swap3A_328 = arith.constant 32 : index
      %swap3A_329 = tpu.vector_load %arg13[%swap3A_328] {strides = array<i32>} : memref<128xf32, #tpu.memory_space<vmem>>, vector<16xf32>,
      %swap3A_330 = vector.shape_cast %swap3A_329 : vector<16xf32> to vector<16xf32>
      %swap3A_331 = vector.shape_cast %exp3A_327 : vector<16xf32> to vector<16xf32>
      tpu.vector_store %arg13[%swap3A_328], %swap3A_331 {strides = array<i32>} : memref<128xf32, #tpu.memory_space<vmem>>, vector<16xf32>,
      %get3A_332 = arith.constant 48 : index
      %get3A_333 = tpu.vector_load %arg11[%get3A_332] {strides = array<i32>} : memref<128xf32, #tpu.memory_space<vmem>>, vector<16xf32>,
      %get3A_334 = vector.shape_cast %get3A_333 : vector<16xf32> to vector<16xf32>
      %get3A_335 = arith.constant 48 : index
      %get3A_336 = tpu.vector_load %arg12[%get3A_335] {strides = array<i32>} : memref<128xf32, #tpu.memory_space<vmem>>, vector<16xf32>,
      %get3A_337 = vector.shape_cast %get3A_336 : vector<16xf32> to vector<16xf32>
      %add3A_338 = arith.addf %get3A_334, %get3A_337 : vector<16xf32>
      %gt3A_339 = arith.constant 0.000000e+00 : f32
      %gt3A_340 = vector.broadcast %gt3A_339 : f32 to vector<16xf32>
      %gt3A_341 = arith.cmpf ogt, %add3A_338, %gt3A_340 : vector<16xf32>
      %mul3A_342 = arith.constant 2.000000e-01 : f32
      %mul3A_343 = vector.broadcast %mul3A_342 : f32 to vector<16xf32>
      %mul3A_344 = arith.mulf %mul3A_343, %add3A_338 : vector<16xf32>
      %select_n3A_345 = arith.select %gt3A_341, %add3A_338, %mul3A_344 : vector<16xi1>, vector<16xf32>
      %exp3A_346 = math.exp %select_n3A_345 : vector<16xf32>
      %swap3A_347 = arith.constant 48 : index
      %swap3A_348 = tpu.vector_load %arg13[%swap3A_347] {strides = array<i32>} : memref<128xf32, #tpu.memory_space<vmem>>, vector<16xf32>,
      %swap3A_349 = vector.shape_cast %swap3A_348 : vector<16xf32> to vector<16xf32>
      %swap3A_350 = vector.shape_cast %exp3A_346 : vector<16xf32> to vector<16xf32>
      tpu.vector_store %arg13[%swap3A_347], %swap3A_350 {strides = array<i32>} : memref<128xf32, #tpu.memory_space<vmem>>, vector<16xf32>,
      %get3A_351 = arith.constant 64 : index
      %get3A_352 = tpu.vector_load %arg11[%get3A_351] {strides = array<i32>} : memref<128xf32, #tpu.memory_space<vmem>>, vector<16xf32>,
      %get3A_353 = vector.shape_cast %get3A_352 : vector<16xf32> to vector<16xf32>
      %get3A_354 = arith.constant 64 : index
      %get3A_355 = tpu.vector_load %arg12[%get3A_354] {strides = array<i32>} : memref<128xf32, #tpu.memory_space<vmem>>, vector<16xf32>,
      %get3A_356 = vector.shape_cast %get3A_355 : vector<16xf32> to vector<16xf32>
      %add3A_357 = arith.addf %get3A_353, %get3A_356 : vector<16xf32>
      %gt3A_358 = arith.constant 0.000000e+00 : f32
      %gt3A_359 = vector.broadcast %gt3A_358 : f32 to vector<16xf32>
      %gt3A_360 = arith.cmpf ogt, %add3A_357, %gt3A_359 : vector<16xf32>
      %mul3A_361 = arith.constant 2.000000e-01 : f32
      %mul3A_362 = vector.broadcast %mul3A_361 : f32 to vector<16xf32>
      %mul3A_363 = arith.mulf %mul3A_362, %add3A_357 : vector<16xf32>
      %select_n3A_364 = arith.select %gt3A_360, %add3A_357, %mul3A_363 : vector<16xi1>, vector<16xf32>
      %exp3A_365 = math.exp %select_n3A_364 : vector<16xf32>
      %swap3A_366 = arith.constant 64 : index
      %swap3A_367 = tpu.vector_load %arg13[%swap3A_366] {strides = array<i32>} : memref<128xf32, #tpu.memory_space<vmem>>, vector<16xf32>,
      %swap3A_368 = vector.shape_cast %swap3A_367 : vector<16xf32> to vector<16xf32>
      %swap3A_369 = vector.shape_cast %exp3A_365 : vector<16xf32> to vector<16xf32>
      tpu.vector_store %arg13[%swap3A_366], %swap3A_369 {strides = array<i32>} : memref<128xf32, #tpu.memory_space<vmem>>, vector<16xf32>,
      %get3A_370 = arith.constant 80 : index
      %get3A_371 = tpu.vector_load %arg11[%get3A_370] {strides = array<i32>} : memref<128xf32, #tpu.memory_space<vmem>>, vector<16xf32>,
      %get3A_372 = vector.shape_cast %get3A_371 : vector<16xf32> to vector<16xf32>
      %get3A_373 = arith.constant 80 : index
      %get3A_374 = tpu.vector_load %arg12[%get3A_373] {strides = array<i32>} : memref<128xf32, #tpu.memory_space<vmem>>, vector<16xf32>,
      %get3A_375 = vector.shape_cast %get3A_374 : vector<16xf32> to vector<16xf32>
      %add3A_376 = arith.addf %get3A_372, %get3A_375 : vector<16xf32>
      %gt3A_377 = arith.constant 0.000000e+00 : f32
      %gt3A_378 = vector.broadcast %gt3A_377 : f32 to vector<16xf32>
      %gt3A_379 = arith.cmpf ogt, %add3A_376, %gt3A_378 : vector<16xf32>
      %mul3A_380 = arith.constant 2.000000e-01 : f32
      %mul3A_381 = vector.broadcast %mul3A_380 : f32 to vector<16xf32>
      %mul3A_382 = arith.mulf %mul3A_381, %add3A_376 : vector<16xf32>
      %select_n3A_383 = arith.select %gt3A_379, %add3A_376, %mul3A_382 : vector<16xi1>, vector<16xf32>
      %exp3A_384 = math.exp %select_n3A_383 : vector<16xf32>
      %swap3A_385 = arith.constant 80 : index
      %swap3A_386 = tpu.vector_load %arg13[%swap3A_385] {strides = array<i32>} : memref<128xf32, #tpu.memory_space<vmem>>, vector<16xf32>,
      %swap3A_387 = vector.shape_cast %swap3A_386 : vector<16xf32> to vector<16xf32>
      %swap3A_388 = vector.shape_cast %exp3A_384 : vector<16xf32> to vector<16xf32>
      tpu.vector_store %arg13[%swap3A_385], %swap3A_388 {strides = array<i32>} : memref<128xf32, #tpu.memory_space<vmem>>, vector<16xf32>,
      %get3A_389 = arith.constant 96 : index
      %get3A_390 = tpu.vector_load %arg11[%get3A_389] {strides = array<i32>} : memref<128xf32, #tpu.memory_space<vmem>>, vector<16xf32>,
      %get3A_391 = vector.shape_cast %get3A_390 : vector<16xf32> to vector<16xf32>
      %get3A_392 = arith.constant 96 : index
      %get3A_393 = tpu.vector_load %arg12[%get3A_392] {strides = array<i32>} : memref<128xf32, #tpu.memory_space<vmem>>, vector<16xf32>,
      %get3A_394 = vector.shape_cast %get3A_393 : vector<16xf32> to vector<16xf32>
      %add3A_395 = arith.addf %get3A_391, %get3A_394 : vector<16xf32>
      %gt3A_396 = arith.constant 0.000000e+00 : f32
      %gt3A_397 = vector.broadcast %gt3A_396 : f32 to vector<16xf32>
      %gt3A_398 = arith.cmpf ogt, %add3A_395, %gt3A_397 : vector<16xf32>
      %mul3A_399 = arith.constant 2.000000e-01 : f32
      %mul3A_400 = vector.broadcast %mul3A_399 : f32 to vector<16xf32>
      %mul3A_401 = arith.mulf %mul3A_400, %add3A_395 : vector<16xf32>
      %select_n3A_402 = arith.select %gt3A_398, %add3A_395, %mul3A_401 : vector<16xi1>, vector<16xf32>
      %exp3A_403 = math.exp %select_n3A_402 : vector<16xf32>
      %swap3A_404 = arith.constant 96 : index
      %swap3A_405 = tpu.vector_load %arg13[%swap3A_404] {strides = array<i32>} : memref<128xf32, #tpu.memory_space<vmem>>, vector<16xf32>,
      %swap3A_406 = vector.shape_cast %swap3A_405 : vector<16xf32> to vector<16xf32>
      %swap3A_407 = vector.shape_cast %exp3A_403 : vector<16xf32> to vector<16xf32>
      tpu.vector_store %arg13[%swap3A_404], %swap3A_407 {strides = array<i32>} : memref<128xf32, #tpu.memory_space<vmem>>, vector<16xf32>,
      %get3A_408 = arith.constant 112 : index
      %get3A_409 = tpu.vector_load %arg11[%get3A_408] {strides = array<i32>} : memref<128xf32, #tpu.memory_space<vmem>>, vector<16xf32>,
      %get3A_410 = vector.shape_cast %get3A_409 : vector<16xf32> to vector<16xf32>
      %get3A_411 = arith.constant 112 : index
      %get3A_412 = tpu.vector_load %arg12[%get3A_411] {strides = array<i32>} : memref<128xf32, #tpu.memory_space<vmem>>, vector<16xf32>,
      %get3A_413 = vector.shape_cast %get3A_412 : vector<16xf32> to vector<16xf32>
      %add3A_414 = arith.addf %get3A_410, %get3A_413 : vector<16xf32>
      %gt3A_415 = arith.constant 0.000000e+00 : f32
      %gt3A_416 = vector.broadcast %gt3A_415 : f32 to vector<16xf32>
      %gt3A_417 = arith.cmpf ogt, %add3A_414, %gt3A_416 : vector<16xf32>
      %mul3A_418 = arith.constant 2.000000e-01 : f32
      %mul3A_419 = vector.broadcast %mul3A_418 : f32 to vector<16xf32>
      %mul3A_420 = arith.mulf %mul3A_419, %add3A_414 : vector<16xf32>
      %select_n3A_421 = arith.select %gt3A_417, %add3A_414, %mul3A_420 : vector<16xi1>, vector<16xf32>
      %exp3A_422 = math.exp %select_n3A_421 : vector<16xf32>
      %swap3A_423 = arith.constant 112 : index
      %swap3A_424 = tpu.vector_load %arg13[%swap3A_423] {strides = array<i32>} : memref<128xf32, #tpu.memory_space<vmem>>, vector<16xf32>,
      %swap3A_425 = vector.shape_cast %swap3A_424 : vector<16xf32> to vector<16xf32>
      %swap3A_426 = vector.shape_cast %exp3A_422 : vector<16xf32> to vector<16xf32>
      tpu.vector_store %arg13[%swap3A_423], %swap3A_426 {strides = array<i32>} : memref<128xf32, #tpu.memory_space<vmem>>, vector<16xf32>,
      "tpu.region"() ({
        %run_scoped3A = tpu.sem_alloc : memref<!tpu.dma_semaphore, #tpu.memory_space<semaphore_mem>>
        %dma_start3A = arith.constant 0 : i32
        %dma_start3A_433 = tpu.memref_slice %arg10[%scan3A_278, %dma_start3A] : memref<80x128xi32, #tpu.memory_space<vmem>> -> memref<1x128xi32, #tpu.memory_space<vmem>>
        %dma_start3A_434 = tpu.memref_squeeze %dma_start3A_433 : memref<1x128xi32, #tpu.memory_space<vmem>> -> memref<128xi32, #tpu.memory_space<vmem>>
        %dma_start3A_435 = arith.constant 0 : i32
        %dma_start3A_436 = tpu.memref_slice %arg17[%dma_start3A_435] : memref<10240xf32, #tpu.memory_space<vmem_shared>> -> memref<10240xf32, #tpu.memory_space<vmem_shared>>
        tpu.enqueue_indirect_dma source(%arg13 : memref<128xf32, #tpu.memory_space<vmem>>) target(%dma_start3A_436 : memref<10240xf32, #tpu.memory_space<vmem_shared>>) offsets(%dma_start3A_434 : memref<128xi32, #tpu.memory_space<vmem>>) semaphore(%run_scoped3A : memref<!tpu.dma_semaphore, #tpu.memory_space<semaphore_mem>>) {add = true}
        %dma_wait3A = arith.constant 0 : i32
        %dma_wait3A_437 = tpu.memref_slice %arg10[%scan3A_278, %dma_wait3A] : memref<80x128xi32, #tpu.memory_space<vmem>> -> memref<1x128xi32, #tpu.memory_space<vmem>>
        %dma_wait3A_438 = tpu.memref_squeeze %dma_wait3A_437 : memref<1x128xi32, #tpu.memory_space<vmem>> -> memref<128xi32, #tpu.memory_space<vmem>>
        %dma_wait3A_439 = arith.constant 0 : i32
        %dma_wait3A_440 = tpu.memref_slice %arg17[%dma_wait3A_439] : memref<10240xf32, #tpu.memory_space<vmem_shared>> -> memref<10240xf32, #tpu.memory_space<vmem_shared>>
        tpu.wait_indirect_dma semaphore(%run_scoped3A : memref<!tpu.dma_semaphore, #tpu.memory_space<semaphore_mem>>) src(%arg13 : memref<128xf32, #tpu.memory_space<vmem>>) dst(%dma_wait3A_440 : memref<10240xf32, #tpu.memory_space<vmem_shared>>)
        tpu.yield
      }) : () -> ()
      "tpu.region"() ({
        %run_scoped3A = tpu.sem_alloc : memref<!tpu.dma_semaphore, #tpu.memory_space<semaphore_mem>>
        %dma_start3A = arith.constant 0 : i32
        %dma_start3A_433 = tpu.memref_slice %arg9[%scan3A_278, %dma_start3A] : memref<80x128xi32, #tpu.memory_space<vmem>> -> memref<1x128xi32, #tpu.memory_space<vmem>>
        %dma_start3A_434 = tpu.memref_squeeze %dma_start3A_433 : memref<1x128xi32, #tpu.memory_space<vmem>> -> memref<128xi32, #tpu.memory_space<vmem>>
        %dma_start3A_435 = arith.constant 0 : i32
        %dma_start3A_436 = arith.constant 0 : i32
        %dma_start3A_437 = tpu.memref_slice %arg2[%dma_start3A_435, %dma_start3A_436] : memref<10240x128xf32, #tpu.memory_space<hbm>> -> memref<10240x128xf32, #tpu.memory_space<hbm>>
        tpu.enqueue_indirect_dma source(%dma_start3A_437 : memref<10240x128xf32, #tpu.memory_space<hbm>>) target(%arg14 : memref<128x128xf32, #tpu.memory_space<vmem>>) offsets(%dma_start3A_434 : memref<128xi32, #tpu.memory_space<vmem>>) semaphore(%run_scoped3A : memref<!tpu.dma_semaphore, #tpu.memory_space<semaphore_mem>>)
        %dma_wait3A = arith.constant 0 : i32
        %dma_wait3A_438 = tpu.memref_slice %arg9[%scan3A_278, %dma_wait3A] : memref<80x128xi32, #tpu.memory_space<vmem>> -> memref<1x128xi32, #tpu.memory_space<vmem>>
        %dma_wait3A_439 = tpu.memref_squeeze %dma_wait3A_438 : memref<1x128xi32, #tpu.memory_space<vmem>> -> memref<128xi32, #tpu.memory_space<vmem>>
        %dma_wait3A_440 = arith.constant 0 : i32
        %dma_wait3A_441 = arith.constant 0 : i32
        %dma_wait3A_442 = tpu.memref_slice %arg2[%dma_wait3A_440, %dma_wait3A_441] : memref<10240x128xf32, #tpu.memory_space<hbm>> -> memref<10240x128xf32, #tpu.memory_space<hbm>>
        tpu.wait_indirect_dma semaphore(%run_scoped3A : memref<!tpu.dma_semaphore, #tpu.memory_space<semaphore_mem>>) src(%dma_wait3A_442 : memref<10240x128xf32, #tpu.memory_space<hbm>>) dst(%arg14 : memref<128x128xf32, #tpu.memory_space<vmem>>)
        tpu.yield
      }) : () -> ()
      %scan3A_427 = arith.constant 0 : i32
      %scan3A_428 = arith.constant 0 : i32
      %scan3A_429 = arith.constant 8 : i32
      %scan3A_430 = arith.addi %scan3A_428, %scan3A_429 : i32
      %scan3A_431 = arith.constant 1 : i32
      scf.for %scan3A_433 = %scan3A_428 to %scan3A_430 step %scan3A_431  : i32 {
        %mul3A_434 = arith.constant 16 : i32
        %mul3A_435 = arith.muli %scan3A_433, %mul3A_434 : i32
        %get3A_436 = arith.index_cast %mul3A_435 : i32 to index
        %get3A_437 = tpu.vector_load %arg13[%get3A_436] {strides = array<i32>} : memref<128xf32, #tpu.memory_space<vmem>>, vector<16xf32>,
        %get3A_438 = vector.shape_cast %get3A_437 : vector<16xf32> to vector<16xf32>
        %slice3A = vector.extract_strided_slice %get3A_438 {offsets = [0], sizes = [1], strides = [1]} : vector<16xf32> to vector<1xf32>
        %squeeze3A = vector.extract %slice3A[0] : f32 from vector<1xf32>
        %broadcast_in_dim3A_439 = vector.broadcast %squeeze3A : f32 to vector<16xf32>
        %mul3A_440 = arith.constant 16 : i32
        %mul3A_441 = arith.muli %scan3A_433, %mul3A_440 : i32
        %add3A_442 = arith.constant 0 : i32
        %add3A_443 = arith.addi %mul3A_441, %add3A_442 : i32
        %get3A_444 = arith.index_cast %add3A_443 : i32 to index
        %get3A_445 = arith.constant 0 : index
        %get3A_446 = tpu.vector_load %arg14[%get3A_444, %get3A_445] {strides = array<i32>} : memref<128x128xf32, #tpu.memory_space<vmem>>, vector<1x16xf32>,
        %get3A_447 = vector.shape_cast %get3A_446 : vector<1x16xf32> to vector<16xf32>
        %mul3A_448 = arith.mulf %get3A_447, %broadcast_in_dim3A_439 : vector<16xf32>
        %mul3A_449 = arith.constant 16 : i32
        %mul3A_450 = arith.muli %scan3A_433, %mul3A_449 : i32
        %add3A_451 = arith.constant 0 : i32
        %add3A_452 = arith.addi %mul3A_450, %add3A_451 : i32
        %swap3A_453 = arith.index_cast %add3A_452 : i32 to index
        %swap3A_454 = arith.constant 0 : index
        %swap3A_455 = tpu.vector_load %arg14[%swap3A_453, %swap3A_454] {strides = array<i32>} : memref<128x128xf32, #tpu.memory_space<vmem>>, vector<1x16xf32>,
        %swap3A_456 = vector.shape_cast %swap3A_455 : vector<1x16xf32> to vector<16xf32>
        %swap3A_457 = vector.shape_cast %mul3A_448 : vector<16xf32> to vector<1x16xf32>
        tpu.vector_store %arg14[%swap3A_453, %swap3A_454], %swap3A_457 {strides = array<i32>} : memref<128x128xf32, #tpu.memory_space<vmem>>, vector<1x16xf32>,
        %mul3A_458 = arith.constant 16 : i32
        %mul3A_459 = arith.muli %scan3A_433, %mul3A_458 : i32
        %add3A_460 = arith.constant 0 : i32
        %add3A_461 = arith.addi %mul3A_459, %add3A_460 : i32
        %get3A_462 = arith.index_cast %add3A_461 : i32 to index
        %get3A_463 = arith.constant 16 : index
        %get3A_464 = tpu.vector_load %arg14[%get3A_462, %get3A_463] {strides = array<i32>} : memref<128x128xf32, #tpu.memory_space<vmem>>, vector<1x16xf32>,
        %get3A_465 = vector.shape_cast %get3A_464 : vector<1x16xf32> to vector<16xf32>
        %mul3A_466 = arith.mulf %get3A_465, %broadcast_in_dim3A_439 : vector<16xf32>
        %mul3A_467 = arith.constant 16 : i32
        %mul3A_468 = arith.muli %scan3A_433, %mul3A_467 : i32
        %add3A_469 = arith.constant 0 : i32
        %add3A_470 = arith.addi %mul3A_468, %add3A_469 : i32
        %swap3A_471 = arith.index_cast %add3A_470 : i32 to index
        %swap3A_472 = arith.constant 16 : index
        %swap3A_473 = tpu.vector_load %arg14[%swap3A_471, %swap3A_472] {strides = array<i32>} : memref<128x128xf32, #tpu.memory_space<vmem>>, vector<1x16xf32>,
        %swap3A_474 = vector.shape_cast %swap3A_473 : vector<1x16xf32> to vector<16xf32>
        %swap3A_475 = vector.shape_cast %mul3A_466 : vector<16xf32> to vector<1x16xf32>
        tpu.vector_store %arg14[%swap3A_471, %swap3A_472], %swap3A_475 {strides = array<i32>} : memref<128x128xf32, #tpu.memory_space<vmem>>, vector<1x16xf32>,
        %slice3A_476 = vector.extract_strided_slice %get3A_438 {offsets = [1], sizes = [1], strides = [1]} : vector<16xf32> to vector<1xf32>
        %squeeze3A_477 = vector.extract %slice3A_476[0] : f32 from vector<1xf32>
        %broadcast_in_dim3A_478 = vector.broadcast %squeeze3A_477 : f32 to vector<16xf32>
        %mul3A_479 = arith.constant 16 : i32
        %mul3A_480 = arith.muli %scan3A_433, %mul3A_479 : i32
        %add3A_481 = arith.constant 1 : i32
        %add3A_482 = arith.addi %mul3A_480, %add3A_481 : i32
        %get3A_483 = arith.index_cast %add3A_482 : i32 to index
        %get3A_484 = arith.constant 0 : index
        %get3A_485 = tpu.vector_load %arg14[%get3A_483, %get3A_484] {strides = array<i32>} : memref<128x128xf32, #tpu.memory_space<vmem>>, vector<1x16xf32>,
        %get3A_486 = vector.shape_cast %get3A_485 : vector<1x16xf32> to vector<16xf32>
        %mul3A_487 = arith.mulf %get3A_486, %broadcast_in_dim3A_478 : vector<16xf32>
        %mul3A_488 = arith.constant 16 : i32
        %mul3A_489 = arith.muli %scan3A_433, %mul3A_488 : i32
        %add3A_490 = arith.constant 1 : i32
        %add3A_491 = arith.addi %mul3A_489, %add3A_490 : i32
        %swap3A_492 = arith.index_cast %add3A_491 : i32 to index
        %swap3A_493 = arith.constant 0 : index
        %swap3A_494 = tpu.vector_load %arg14[%swap3A_492, %swap3A_493] {strides = array<i32>} : memref<128x128xf32, #tpu.memory_space<vmem>>, vector<1x16xf32>,
        %swap3A_495 = vector.shape_cast %swap3A_494 : vector<1x16xf32> to vector<16xf32>
        %swap3A_496 = vector.shape_cast %mul3A_487 : vector<16xf32> to vector<1x16xf32>
        tpu.vector_store %arg14[%swap3A_492, %swap3A_493], %swap3A_496 {strides = array<i32>} : memref<128x128xf32, #tpu.memory_space<vmem>>, vector<1x16xf32>,
        %mul3A_497 = arith.constant 16 : i32
        %mul3A_498 = arith.muli %scan3A_433, %mul3A_497 : i32
        %add3A_499 = arith.constant 1 : i32
        %add3A_500 = arith.addi %mul3A_498, %add3A_499 : i32
        %get3A_501 = arith.index_cast %add3A_500 : i32 to index
        %get3A_502 = arith.constant 16 : index
        %get3A_503 = tpu.vector_load %arg14[%get3A_501, %get3A_502] {strides = array<i32>} : memref<128x128xf32, #tpu.memory_space<vmem>>, vector<1x16xf32>,
        %get3A_504 = vector.shape_cast %get3A_503 : vector<1x16xf32> to vector<16xf32>
        %mul3A_505 = arith.mulf %get3A_504, %broadcast_in_dim3A_478 : vector<16xf32>
        %mul3A_506 = arith.constant 16 : i32
        %mul3A_507 = arith.muli %scan3A_433, %mul3A_506 : i32
        %add3A_508 = arith.constant 1 : i32
        %add3A_509 = arith.addi %mul3A_507, %add3A_508 : i32
        %swap3A_510 = arith.index_cast %add3A_509 : i32 to index
        %swap3A_511 = arith.constant 16 : index
        %swap3A_512 = tpu.vector_load %arg14[%swap3A_510, %swap3A_511] {strides = array<i32>} : memref<128x128xf32, #tpu.memory_space<vmem>>, vector<1x16xf32>,
        %swap3A_513 = vector.shape_cast %swap3A_512 : vector<1x16xf32> to vector<16xf32>
        %swap3A_514 = vector.shape_cast %mul3A_505 : vector<16xf32> to vector<1x16xf32>
        tpu.vector_store %arg14[%swap3A_510, %swap3A_511], %swap3A_514 {strides = array<i32>} : memref<128x128xf32, #tpu.memory_space<vmem>>, vector<1x16xf32>,
        %slice3A_515 = vector.extract_strided_slice %get3A_438 {offsets = [2], sizes = [1], strides = [1]} : vector<16xf32> to vector<1xf32>
        %squeeze3A_516 = vector.extract %slice3A_515[0] : f32 from vector<1xf32>
        %broadcast_in_dim3A_517 = vector.broadcast %squeeze3A_516 : f32 to vector<16xf32>
        %mul3A_518 = arith.constant 16 : i32
        %mul3A_519 = arith.muli %scan3A_433, %mul3A_518 : i32
        %add3A_520 = arith.constant 2 : i32
        %add3A_521 = arith.addi %mul3A_519, %add3A_520 : i32
        %get3A_522 = arith.index_cast %add3A_521 : i32 to index
        %get3A_523 = arith.constant 0 : index
        %get3A_524 = tpu.vector_load %arg14[%get3A_522, %get3A_523] {strides = array<i32>} : memref<128x128xf32, #tpu.memory_space<vmem>>, vector<1x16xf32>,
        %get3A_525 = vector.shape_cast %get3A_524 : vector<1x16xf32> to vector<16xf32>
        %mul3A_526 = arith.mulf %get3A_525, %broadcast_in_dim3A_517 : vector<16xf32>
        %mul3A_527 = arith.constant 16 : i32
        %mul3A_528 = arith.muli %scan3A_433, %mul3A_527 : i32
        %add3A_529 = arith.constant 2 : i32
        %add3A_530 = arith.addi %mul3A_528, %add3A_529 : i32
        %swap3A_531 = arith.index_cast %add3A_530 : i32 to index
        %swap3A_532 = arith.constant 0 : index
        %swap3A_533 = tpu.vector_load %arg14[%swap3A_531, %swap3A_532] {strides = array<i32>} : memref<128x128xf32, #tpu.memory_space<vmem>>, vector<1x16xf32>,
        %swap3A_534 = vector.shape_cast %swap3A_533 : vector<1x16xf32> to vector<16xf32>
        %swap3A_535 = vector.shape_cast %mul3A_526 : vector<16xf32> to vector<1x16xf32>
        tpu.vector_store %arg14[%swap3A_531, %swap3A_532], %swap3A_535 {strides = array<i32>} : memref<128x128xf32, #tpu.memory_space<vmem>>, vector<1x16xf32>,
        %mul3A_536 = arith.constant 16 : i32
        %mul3A_537 = arith.muli %scan3A_433, %mul3A_536 : i32
        %add3A_538 = arith.constant 2 : i32
        %add3A_539 = arith.addi %mul3A_537, %add3A_538 : i32
        %get3A_540 = arith.index_cast %add3A_539 : i32 to index
        %get3A_541 = arith.constant 16 : index
        %get3A_542 = tpu.vector_load %arg14[%get3A_540, %get3A_541] {strides = array<i32>} : memref<128x128xf32, #tpu.memory_space<vmem>>, vector<1x16xf32>,
        %get3A_543 = vector.shape_cast %get3A_542 : vector<1x16xf32> to vector<16xf32>
        %mul3A_544 = arith.mulf %get3A_543, %broadcast_in_dim3A_517 : vector<16xf32>
        %mul3A_545 = arith.constant 16 : i32
        %mul3A_546 = arith.muli %scan3A_433, %mul3A_545 : i32
        %add3A_547 = arith.constant 2 : i32
        %add3A_548 = arith.addi %mul3A_546, %add3A_547 : i32
        %swap3A_549 = arith.index_cast %add3A_548 : i32 to index
        %swap3A_550 = arith.constant 16 : index
        %swap3A_551 = tpu.vector_load %arg14[%swap3A_549, %swap3A_550] {strides = array<i32>} : memref<128x128xf32, #tpu.memory_space<vmem>>, vector<1x16xf32>,
        %swap3A_552 = vector.shape_cast %swap3A_551 : vector<1x16xf32> to vector<16xf32>
        %swap3A_553 = vector.shape_cast %mul3A_544 : vector<16xf32> to vector<1x16xf32>
        tpu.vector_store %arg14[%swap3A_549, %swap3A_550], %swap3A_553 {strides = array<i32>} : memref<128x128xf32, #tpu.memory_space<vmem>>, vector<1x16xf32>,
        %slice3A_554 = vector.extract_strided_slice %get3A_438 {offsets = [3], sizes = [1], strides = [1]} : vector<16xf32> to vector<1xf32>
        %squeeze3A_555 = vector.extract %slice3A_554[0] : f32 from vector<1xf32>
        %broadcast_in_dim3A_556 = vector.broadcast %squeeze3A_555 : f32 to vector<16xf32>
        %mul3A_557 = arith.constant 16 : i32
        %mul3A_558 = arith.muli %scan3A_433, %mul3A_557 : i32
        %add3A_559 = arith.constant 3 : i32
        %add3A_560 = arith.addi %mul3A_558, %add3A_559 : i32
        %get3A_561 = arith.index_cast %add3A_560 : i32 to index
        %get3A_562 = arith.constant 0 : index
        %get3A_563 = tpu.vector_load %arg14[%get3A_561, %get3A_562] {strides = array<i32>} : memref<128x128xf32, #tpu.memory_space<vmem>>, vector<1x16xf32>,
        %get3A_564 = vector.shape_cast %get3A_563 : vector<1x16xf32> to vector<16xf32>
        %mul3A_565 = arith.mulf %get3A_564, %broadcast_in_dim3A_556 : vector<16xf32>
        %mul3A_566 = arith.constant 16 : i32
        %mul3A_567 = arith.muli %scan3A_433, %mul3A_566 : i32
        %add3A_568 = arith.constant 3 : i32
        %add3A_569 = arith.addi %mul3A_567, %add3A_568 : i32
        %swap3A_570 = arith.index_cast %add3A_569 : i32 to index
        %swap3A_571 = arith.constant 0 : index
        %swap3A_572 = tpu.vector_load %arg14[%swap3A_570, %swap3A_571] {strides = array<i32>} : memref<128x128xf32, #tpu.memory_space<vmem>>, vector<1x16xf32>,
        %swap3A_573 = vector.shape_cast %swap3A_572 : vector<1x16xf32> to vector<16xf32>
        %swap3A_574 = vector.shape_cast %mul3A_565 : vector<16xf32> to vector<1x16xf32>
        tpu.vector_store %arg14[%swap3A_570, %swap3A_571], %swap3A_574 {strides = array<i32>} : memref<128x128xf32, #tpu.memory_space<vmem>>, vector<1x16xf32>,
        %mul3A_575 = arith.constant 16 : i32
        %mul3A_576 = arith.muli %scan3A_433, %mul3A_575 : i32
        %add3A_577 = arith.constant 3 : i32
        %add3A_578 = arith.addi %mul3A_576, %add3A_577 : i32
        %get3A_579 = arith.index_cast %add3A_578 : i32 to index
        %get3A_580 = arith.constant 16 : index
        %get3A_581 = tpu.vector_load %arg14[%get3A_579, %get3A_580] {strides = array<i32>} : memref<128x128xf32, #tpu.memory_space<vmem>>, vector<1x16xf32>,
        %get3A_582 = vector.shape_cast %get3A_581 : vector<1x16xf32> to vector<16xf32>
        %mul3A_583 = arith.mulf %get3A_582, %broadcast_in_dim3A_556 : vector<16xf32>
        %mul3A_584 = arith.constant 16 : i32
        %mul3A_585 = arith.muli %scan3A_433, %mul3A_584 : i32
        %add3A_586 = arith.constant 3 : i32
        %add3A_587 = arith.addi %mul3A_585, %add3A_586 : i32
        %swap3A_588 = arith.index_cast %add3A_587 : i32 to index
        %swap3A_589 = arith.constant 16 : index
        %swap3A_590 = tpu.vector_load %arg14[%swap3A_588, %swap3A_589] {strides = array<i32>} : memref<128x128xf32, #tpu.memory_space<vmem>>, vector<1x16xf32>,
        %swap3A_591 = vector.shape_cast %swap3A_590 : vector<1x16xf32> to vector<16xf32>
        %swap3A_592 = vector.shape_cast %mul3A_583 : vector<16xf32> to vector<1x16xf32>
        tpu.vector_store %arg14[%swap3A_588, %swap3A_589], %swap3A_592 {strides = array<i32>} : memref<128x128xf32, #tpu.memory_space<vmem>>, vector<1x16xf32>,
        %slice3A_593 = vector.extract_strided_slice %get3A_438 {offsets = [4], sizes = [1], strides = [1]} : vector<16xf32> to vector<1xf32>
        %squeeze3A_594 = vector.extract %slice3A_593[0] : f32 from vector<1xf32>
        %broadcast_in_dim3A_595 = vector.broadcast %squeeze3A_594 : f32 to vector<16xf32>
        %mul3A_596 = arith.constant 16 : i32
        %mul3A_597 = arith.muli %scan3A_433, %mul3A_596 : i32
        %add3A_598 = arith.constant 4 : i32
        %add3A_599 = arith.addi %mul3A_597, %add3A_598 : i32
        %get3A_600 = arith.index_cast %add3A_599 : i32 to index
        %get3A_601 = arith.constant 0 : index
        %get3A_602 = tpu.vector_load %arg14[%get3A_600, %get3A_601] {strides = array<i32>} : memref<128x128xf32, #tpu.memory_space<vmem>>, vector<1x16xf32>,
        %get3A_603 = vector.shape_cast %get3A_602 : vector<1x16xf32> to vector<16xf32>
        %mul3A_604 = arith.mulf %get3A_603, %broadcast_in_dim3A_595 : vector<16xf32>
        %mul3A_605 = arith.constant 16 : i32
        %mul3A_606 = arith.muli %scan3A_433, %mul3A_605 : i32
        %add3A_607 = arith.constant 4 : i32
        %add3A_608 = arith.addi %mul3A_606, %add3A_607 : i32
        %swap3A_609 = arith.index_cast %add3A_608 : i32 to index
        %swap3A_610 = arith.constant 0 : index
        %swap3A_611 = tpu.vector_load %arg14[%swap3A_609, %swap3A_610] {strides = array<i32>} : memref<128x128xf32, #tpu.memory_space<vmem>>, vector<1x16xf32>,
        %swap3A_612 = vector.shape_cast %swap3A_611 : vector<1x16xf32> to vector<16xf32>
        %swap3A_613 = vector.shape_cast %mul3A_604 : vector<16xf32> to vector<1x16xf32>
        tpu.vector_store %arg14[%swap3A_609, %swap3A_610], %swap3A_613 {strides = array<i32>} : memref<128x128xf32, #tpu.memory_space<vmem>>, vector<1x16xf32>,
        %mul3A_614 = arith.constant 16 : i32
        %mul3A_615 = arith.muli %scan3A_433, %mul3A_614 : i32
        %add3A_616 = arith.constant 4 : i32
        %add3A_617 = arith.addi %mul3A_615, %add3A_616 : i32
        %get3A_618 = arith.index_cast %add3A_617 : i32 to index
        %get3A_619 = arith.constant 16 : index
        %get3A_620 = tpu.vector_load %arg14[%get3A_618, %get3A_619] {strides = array<i32>} : memref<128x128xf32, #tpu.memory_space<vmem>>, vector<1x16xf32>,
        %get3A_621 = vector.shape_cast %get3A_620 : vector<1x16xf32> to vector<16xf32>
        %mul3A_622 = arith.mulf %get3A_621, %broadcast_in_dim3A_595 : vector<16xf32>
        %mul3A_623 = arith.constant 16 : i32
        %mul3A_624 = arith.muli %scan3A_433, %mul3A_623 : i32
        %add3A_625 = arith.constant 4 : i32
        %add3A_626 = arith.addi %mul3A_624, %add3A_625 : i32
        %swap3A_627 = arith.index_cast %add3A_626 : i32 to index
        %swap3A_628 = arith.constant 16 : index
        %swap3A_629 = tpu.vector_load %arg14[%swap3A_627, %swap3A_628] {strides = array<i32>} : memref<128x128xf32, #tpu.memory_space<vmem>>, vector<1x16xf32>,
        %swap3A_630 = vector.shape_cast %swap3A_629 : vector<1x16xf32> to vector<16xf32>
        %swap3A_631 = vector.shape_cast %mul3A_622 : vector<16xf32> to vector<1x16xf32>
        tpu.vector_store %arg14[%swap3A_627, %swap3A_628], %swap3A_631 {strides = array<i32>} : memref<128x128xf32, #tpu.memory_space<vmem>>, vector<1x16xf32>,
        %slice3A_632 = vector.extract_strided_slice %get3A_438 {offsets = [5], sizes = [1], strides = [1]} : vector<16xf32> to vector<1xf32>
        %squeeze3A_633 = vector.extract %slice3A_632[0] : f32 from vector<1xf32>
        %broadcast_in_dim3A_634 = vector.broadcast %squeeze3A_633 : f32 to vector<16xf32>
        %mul3A_635 = arith.constant 16 : i32
        %mul3A_636 = arith.muli %scan3A_433, %mul3A_635 : i32
        %add3A_637 = arith.constant 5 : i32
        %add3A_638 = arith.addi %mul3A_636, %add3A_637 : i32
        %get3A_639 = arith.index_cast %add3A_638 : i32 to index
        %get3A_640 = arith.constant 0 : index
        %get3A_641 = tpu.vector_load %arg14[%get3A_639, %get3A_640] {strides = array<i32>} : memref<128x128xf32, #tpu.memory_space<vmem>>, vector<1x16xf32>,
        %get3A_642 = vector.shape_cast %get3A_641 : vector<1x16xf32> to vector<16xf32>
        %mul3A_643 = arith.mulf %get3A_642, %broadcast_in_dim3A_634 : vector<16xf32>
        %mul3A_644 = arith.constant 16 : i32
        %mul3A_645 = arith.muli %scan3A_433, %mul3A_644 : i32
        %add3A_646 = arith.constant 5 : i32
        %add3A_647 = arith.addi %mul3A_645, %add3A_646 : i32
        %swap3A_648 = arith.index_cast %add3A_647 : i32 to index
        %swap3A_649 = arith.constant 0 : index
        %swap3A_650 = tpu.vector_load %arg14[%swap3A_648, %swap3A_649] {strides = array<i32>} : memref<128x128xf32, #tpu.memory_space<vmem>>, vector<1x16xf32>,
        %swap3A_651 = vector.shape_cast %swap3A_650 : vector<1x16xf32> to vector<16xf32>
        %swap3A_652 = vector.shape_cast %mul3A_643 : vector<16xf32> to vector<1x16xf32>
        tpu.vector_store %arg14[%swap3A_648, %swap3A_649], %swap3A_652 {strides = array<i32>} : memref<128x128xf32, #tpu.memory_space<vmem>>, vector<1x16xf32>,
        %mul3A_653 = arith.constant 16 : i32
        %mul3A_654 = arith.muli %scan3A_433, %mul3A_653 : i32
        %add3A_655 = arith.constant 5 : i32
        %add3A_656 = arith.addi %mul3A_654, %add3A_655 : i32
        %get3A_657 = arith.index_cast %add3A_656 : i32 to index
        %get3A_658 = arith.constant 16 : index
        %get3A_659 = tpu.vector_load %arg14[%get3A_657, %get3A_658] {strides = array<i32>} : memref<128x128xf32, #tpu.memory_space<vmem>>, vector<1x16xf32>,
        %get3A_660 = vector.shape_cast %get3A_659 : vector<1x16xf32> to vector<16xf32>
        %mul3A_661 = arith.mulf %get3A_660, %broadcast_in_dim3A_634 : vector<16xf32>
        %mul3A_662 = arith.constant 16 : i32
        %mul3A_663 = arith.muli %scan3A_433, %mul3A_662 : i32
        %add3A_664 = arith.constant 5 : i32
        %add3A_665 = arith.addi %mul3A_663, %add3A_664 : i32
        %swap3A_666 = arith.index_cast %add3A_665 : i32 to index
        %swap3A_667 = arith.constant 16 : index
        %swap3A_668 = tpu.vector_load %arg14[%swap3A_666, %swap3A_667] {strides = array<i32>} : memref<128x128xf32, #tpu.memory_space<vmem>>, vector<1x16xf32>,
        %swap3A_669 = vector.shape_cast %swap3A_668 : vector<1x16xf32> to vector<16xf32>
        %swap3A_670 = vector.shape_cast %mul3A_661 : vector<16xf32> to vector<1x16xf32>
        tpu.vector_store %arg14[%swap3A_666, %swap3A_667], %swap3A_670 {strides = array<i32>} : memref<128x128xf32, #tpu.memory_space<vmem>>, vector<1x16xf32>,
        %slice3A_671 = vector.extract_strided_slice %get3A_438 {offsets = [6], sizes = [1], strides = [1]} : vector<16xf32> to vector<1xf32>
        %squeeze3A_672 = vector.extract %slice3A_671[0] : f32 from vector<1xf32>
        %broadcast_in_dim3A_673 = vector.broadcast %squeeze3A_672 : f32 to vector<16xf32>
        %mul3A_674 = arith.constant 16 : i32
        %mul3A_675 = arith.muli %scan3A_433, %mul3A_674 : i32
        %add3A_676 = arith.constant 6 : i32
        %add3A_677 = arith.addi %mul3A_675, %add3A_676 : i32
        %get3A_678 = arith.index_cast %add3A_677 : i32 to index
        %get3A_679 = arith.constant 0 : index
        %get3A_680 = tpu.vector_load %arg14[%get3A_678, %get3A_679] {strides = array<i32>} : memref<128x128xf32, #tpu.memory_space<vmem>>, vector<1x16xf32>,
        %get3A_681 = vector.shape_cast %get3A_680 : vector<1x16xf32> to vector<16xf32>
        %mul3A_682 = arith.mulf %get3A_681, %broadcast_in_dim3A_673 : vector<16xf32>
        %mul3A_683 = arith.constant 16 : i32
        %mul3A_684 = arith.muli %scan3A_433, %mul3A_683 : i32
        %add3A_685 = arith.constant 6 : i32
        %add3A_686 = arith.addi %mul3A_684, %add3A_685 : i32
        %swap3A_687 = arith.index_cast %add3A_686 : i32 to index
        %swap3A_688 = arith.constant 0 : index
        %swap3A_689 = tpu.vector_load %arg14[%swap3A_687, %swap3A_688] {strides = array<i32>} : memref<128x128xf32, #tpu.memory_space<vmem>>, vector<1x16xf32>,
        %swap3A_690 = vector.shape_cast %swap3A_689 : vector<1x16xf32> to vector<16xf32>
        %swap3A_691 = vector.shape_cast %mul3A_682 : vector<16xf32> to vector<1x16xf32>
        tpu.vector_store %arg14[%swap3A_687, %swap3A_688], %swap3A_691 {strides = array<i32>} : memref<128x128xf32, #tpu.memory_space<vmem>>, vector<1x16xf32>,
        %mul3A_692 = arith.constant 16 : i32
        %mul3A_693 = arith.muli %scan3A_433, %mul3A_692 : i32
        %add3A_694 = arith.constant 6 : i32
        %add3A_695 = arith.addi %mul3A_693, %add3A_694 : i32
        %get3A_696 = arith.index_cast %add3A_695 : i32 to index
        %get3A_697 = arith.constant 16 : index
        %get3A_698 = tpu.vector_load %arg14[%get3A_696, %get3A_697] {strides = array<i32>} : memref<128x128xf32, #tpu.memory_space<vmem>>, vector<1x16xf32>,
        %get3A_699 = vector.shape_cast %get3A_698 : vector<1x16xf32> to vector<16xf32>
        %mul3A_700 = arith.mulf %get3A_699, %broadcast_in_dim3A_673 : vector<16xf32>
        %mul3A_701 = arith.constant 16 : i32
        %mul3A_702 = arith.muli %scan3A_433, %mul3A_701 : i32
        %add3A_703 = arith.constant 6 : i32
        %add3A_704 = arith.addi %mul3A_702, %add3A_703 : i32
        %swap3A_705 = arith.index_cast %add3A_704 : i32 to index
        %swap3A_706 = arith.constant 16 : index
        %swap3A_707 = tpu.vector_load %arg14[%swap3A_705, %swap3A_706] {strides = array<i32>} : memref<128x128xf32, #tpu.memory_space<vmem>>, vector<1x16xf32>,
        %swap3A_708 = vector.shape_cast %swap3A_707 : vector<1x16xf32> to vector<16xf32>
        %swap3A_709 = vector.shape_cast %mul3A_700 : vector<16xf32> to vector<1x16xf32>
        tpu.vector_store %arg14[%swap3A_705, %swap3A_706], %swap3A_709 {strides = array<i32>} : memref<128x128xf32, #tpu.memory_space<vmem>>, vector<1x16xf32>,
        %slice3A_710 = vector.extract_strided_slice %get3A_438 {offsets = [7], sizes = [1], strides = [1]} : vector<16xf32> to vector<1xf32>
        %squeeze3A_711 = vector.extract %slice3A_710[0] : f32 from vector<1xf32>
        %broadcast_in_dim3A_712 = vector.broadcast %squeeze3A_711 : f32 to vector<16xf32>
        %mul3A_713 = arith.constant 16 : i32
        %mul3A_714 = arith.muli %scan3A_433, %mul3A_713 : i32
        %add3A_715 = arith.constant 7 : i32
        %add3A_716 = arith.addi %mul3A_714, %add3A_715 : i32
        %get3A_717 = arith.index_cast %add3A_716 : i32 to index
        %get3A_718 = arith.constant 0 : index
        %get3A_719 = tpu.vector_load %arg14[%get3A_717, %get3A_718] {strides = array<i32>} : memref<128x128xf32, #tpu.memory_space<vmem>>, vector<1x16xf32>,
        %get3A_720 = vector.shape_cast %get3A_719 : vector<1x16xf32> to vector<16xf32>
        %mul3A_721 = arith.mulf %get3A_720, %broadcast_in_dim3A_712 : vector<16xf32>
        %mul3A_722 = arith.constant 16 : i32
        %mul3A_723 = arith.muli %scan3A_433, %mul3A_722 : i32
        %add3A_724 = arith.constant 7 : i32
        %add3A_725 = arith.addi %mul3A_723, %add3A_724 : i32
        %swap3A_726 = arith.index_cast %add3A_725 : i32 to index
        %swap3A_727 = arith.constant 0 : index
        %swap3A_728 = tpu.vector_load %arg14[%swap3A_726, %swap3A_727] {strides = array<i32>} : memref<128x128xf32, #tpu.memory_space<vmem>>, vector<1x16xf32>,
        %swap3A_729 = vector.shape_cast %swap3A_728 : vector<1x16xf32> to vector<16xf32>
        %swap3A_730 = vector.shape_cast %mul3A_721 : vector<16xf32> to vector<1x16xf32>
        tpu.vector_store %arg14[%swap3A_726, %swap3A_727], %swap3A_730 {strides = array<i32>} : memref<128x128xf32, #tpu.memory_space<vmem>>, vector<1x16xf32>,
        %mul3A_731 = arith.constant 16 : i32
        %mul3A_732 = arith.muli %scan3A_433, %mul3A_731 : i32
        %add3A_733 = arith.constant 7 : i32
        %add3A_734 = arith.addi %mul3A_732, %add3A_733 : i32
        %get3A_735 = arith.index_cast %add3A_734 : i32 to index
        %get3A_736 = arith.constant 16 : index
        %get3A_737 = tpu.vector_load %arg14[%get3A_735, %get3A_736] {strides = array<i32>} : memref<128x128xf32, #tpu.memory_space<vmem>>, vector<1x16xf32>,
        %get3A_738 = vector.shape_cast %get3A_737 : vector<1x16xf32> to vector<16xf32>
        %mul3A_739 = arith.mulf %get3A_738, %broadcast_in_dim3A_712 : vector<16xf32>
        %mul3A_740 = arith.constant 16 : i32
        %mul3A_741 = arith.muli %scan3A_433, %mul3A_740 : i32
        %add3A_742 = arith.constant 7 : i32
        %add3A_743 = arith.addi %mul3A_741, %add3A_742 : i32
        %swap3A_744 = arith.index_cast %add3A_743 : i32 to index
        %swap3A_745 = arith.constant 16 : index
        %swap3A_746 = tpu.vector_load %arg14[%swap3A_744, %swap3A_745] {strides = array<i32>} : memref<128x128xf32, #tpu.memory_space<vmem>>, vector<1x16xf32>,
        %swap3A_747 = vector.shape_cast %swap3A_746 : vector<1x16xf32> to vector<16xf32>
        %swap3A_748 = vector.shape_cast %mul3A_739 : vector<16xf32> to vector<1x16xf32>
        tpu.vector_store %arg14[%swap3A_744, %swap3A_745], %swap3A_748 {strides = array<i32>} : memref<128x128xf32, #tpu.memory_space<vmem>>, vector<1x16xf32>,
        %slice3A_749 = vector.extract_strided_slice %get3A_438 {offsets = [8], sizes = [1], strides = [1]} : vector<16xf32> to vector<1xf32>
        %squeeze3A_750 = vector.extract %slice3A_749[0] : f32 from vector<1xf32>
        %broadcast_in_dim3A_751 = vector.broadcast %squeeze3A_750 : f32 to vector<16xf32>
        %mul3A_752 = arith.constant 16 : i32
        %mul3A_753 = arith.muli %scan3A_433, %mul3A_752 : i32
        %add3A_754 = arith.constant 8 : i32
        %add3A_755 = arith.addi %mul3A_753, %add3A_754 : i32
        %get3A_756 = arith.index_cast %add3A_755 : i32 to index
        %get3A_757 = arith.constant 0 : index
        %get3A_758 = tpu.vector_load %arg14[%get3A_756, %get3A_757] {strides = array<i32>} : memref<128x128xf32, #tpu.memory_space<vmem>>, vector<1x16xf32>,
        %get3A_759 = vector.shape_cast %get3A_758 : vector<1x16xf32> to vector<16xf32>
        %mul3A_760 = arith.mulf %get3A_759, %broadcast_in_dim3A_751 : vector<16xf32>
        %mul3A_761 = arith.constant 16 : i32
        %mul3A_762 = arith.muli %scan3A_433, %mul3A_761 : i32
        %add3A_763 = arith.constant 8 : i32
        %add3A_764 = arith.addi %mul3A_762, %add3A_763 : i32
        %swap3A_765 = arith.index_cast %add3A_764 : i32 to index
        %swap3A_766 = arith.constant 0 : index
        %swap3A_767 = tpu.vector_load %arg14[%swap3A_765, %swap3A_766] {strides = array<i32>} : memref<128x128xf32, #tpu.memory_space<vmem>>, vector<1x16xf32>,
        %swap3A_768 = vector.shape_cast %swap3A_767 : vector<1x16xf32> to vector<16xf32>
        %swap3A_769 = vector.shape_cast %mul3A_760 : vector<16xf32> to vector<1x16xf32>
        tpu.vector_store %arg14[%swap3A_765, %swap3A_766], %swap3A_769 {strides = array<i32>} : memref<128x128xf32, #tpu.memory_space<vmem>>, vector<1x16xf32>,
        %mul3A_770 = arith.constant 16 : i32
        %mul3A_771 = arith.muli %scan3A_433, %mul3A_770 : i32
        %add3A_772 = arith.constant 8 : i32
        %add3A_773 = arith.addi %mul3A_771, %add3A_772 : i32
        %get3A_774 = arith.index_cast %add3A_773 : i32 to index
        %get3A_775 = arith.constant 16 : index
        %get3A_776 = tpu.vector_load %arg14[%get3A_774, %get3A_775] {strides = array<i32>} : memref<128x128xf32, #tpu.memory_space<vmem>>, vector<1x16xf32>,
        %get3A_777 = vector.shape_cast %get3A_776 : vector<1x16xf32> to vector<16xf32>
        %mul3A_778 = arith.mulf %get3A_777, %broadcast_in_dim3A_751 : vector<16xf32>
        %mul3A_779 = arith.constant 16 : i32
        %mul3A_780 = arith.muli %scan3A_433, %mul3A_779 : i32
        %add3A_781 = arith.constant 8 : i32
        %add3A_782 = arith.addi %mul3A_780, %add3A_781 : i32
        %swap3A_783 = arith.index_cast %add3A_782 : i32 to index
        %swap3A_784 = arith.constant 16 : index
        %swap3A_785 = tpu.vector_load %arg14[%swap3A_783, %swap3A_784] {strides = array<i32>} : memref<128x128xf32, #tpu.memory_space<vmem>>, vector<1x16xf32>,
        %swap3A_786 = vector.shape_cast %swap3A_785 : vector<1x16xf32> to vector<16xf32>
        %swap3A_787 = vector.shape_cast %mul3A_778 : vector<16xf32> to vector<1x16xf32>
        tpu.vector_store %arg14[%swap3A_783, %swap3A_784], %swap3A_787 {strides = array<i32>} : memref<128x128xf32, #tpu.memory_space<vmem>>, vector<1x16xf32>,
        %slice3A_788 = vector.extract_strided_slice %get3A_438 {offsets = [9], sizes = [1], strides = [1]} : vector<16xf32> to vector<1xf32>
        %squeeze3A_789 = vector.extract %slice3A_788[0] : f32 from vector<1xf32>
        %broadcast_in_dim3A_790 = vector.broadcast %squeeze3A_789 : f32 to vector<16xf32>
        %mul3A_791 = arith.constant 16 : i32
        %mul3A_792 = arith.muli %scan3A_433, %mul3A_791 : i32
        %add3A_793 = arith.constant 9 : i32
        %add3A_794 = arith.addi %mul3A_792, %add3A_793 : i32
        %get3A_795 = arith.index_cast %add3A_794 : i32 to index
        %get3A_796 = arith.constant 0 : index
        %get3A_797 = tpu.vector_load %arg14[%get3A_795, %get3A_796] {strides = array<i32>} : memref<128x128xf32, #tpu.memory_space<vmem>>, vector<1x16xf32>,
        %get3A_798 = vector.shape_cast %get3A_797 : vector<1x16xf32> to vector<16xf32>
        %mul3A_799 = arith.mulf %get3A_798, %broadcast_in_dim3A_790 : vector<16xf32>
        %mul3A_800 = arith.constant 16 : i32
        %mul3A_801 = arith.muli %scan3A_433, %mul3A_800 : i32
        %add3A_802 = arith.constant 9 : i32
        %add3A_803 = arith.addi %mul3A_801, %add3A_802 : i32
        %swap3A_804 = arith.index_cast %add3A_803 : i32 to index
        %swap3A_805 = arith.constant 0 : index
        %swap3A_806 = tpu.vector_load %arg14[%swap3A_804, %swap3A_805] {strides = array<i32>} : memref<128x128xf32, #tpu.memory_space<vmem>>, vector<1x16xf32>,
        %swap3A_807 = vector.shape_cast %swap3A_806 : vector<1x16xf32> to vector<16xf32>
        %swap3A_808 = vector.shape_cast %mul3A_799 : vector<16xf32> to vector<1x16xf32>
        tpu.vector_store %arg14[%swap3A_804, %swap3A_805], %swap3A_808 {strides = array<i32>} : memref<128x128xf32, #tpu.memory_space<vmem>>, vector<1x16xf32>,
        %mul3A_809 = arith.constant 16 : i32
        %mul3A_810 = arith.muli %scan3A_433, %mul3A_809 : i32
        %add3A_811 = arith.constant 9 : i32
        %add3A_812 = arith.addi %mul3A_810, %add3A_811 : i32
        %get3A_813 = arith.index_cast %add3A_812 : i32 to index
        %get3A_814 = arith.constant 16 : index
        %get3A_815 = tpu.vector_load %arg14[%get3A_813, %get3A_814] {strides = array<i32>} : memref<128x128xf32, #tpu.memory_space<vmem>>, vector<1x16xf32>,
        %get3A_816 = vector.shape_cast %get3A_815 : vector<1x16xf32> to vector<16xf32>
        %mul3A_817 = arith.mulf %get3A_816, %broadcast_in_dim3A_790 : vector<16xf32>
        %mul3A_818 = arith.constant 16 : i32
        %mul3A_819 = arith.muli %scan3A_433, %mul3A_818 : i32
        %add3A_820 = arith.constant 9 : i32
        %add3A_821 = arith.addi %mul3A_819, %add3A_820 : i32
        %swap3A_822 = arith.index_cast %add3A_821 : i32 to index
        %swap3A_823 = arith.constant 16 : index
        %swap3A_824 = tpu.vector_load %arg14[%swap3A_822, %swap3A_823] {strides = array<i32>} : memref<128x128xf32, #tpu.memory_space<vmem>>, vector<1x16xf32>,
        %swap3A_825 = vector.shape_cast %swap3A_824 : vector<1x16xf32> to vector<16xf32>
        %swap3A_826 = vector.shape_cast %mul3A_817 : vector<16xf32> to vector<1x16xf32>
        tpu.vector_store %arg14[%swap3A_822, %swap3A_823], %swap3A_826 {strides = array<i32>} : memref<128x128xf32, #tpu.memory_space<vmem>>, vector<1x16xf32>,
        %slice3A_827 = vector.extract_strided_slice %get3A_438 {offsets = [10], sizes = [1], strides = [1]} : vector<16xf32> to vector<1xf32>
        %squeeze3A_828 = vector.extract %slice3A_827[0] : f32 from vector<1xf32>
        %broadcast_in_dim3A_829 = vector.broadcast %squeeze3A_828 : f32 to vector<16xf32>
        %mul3A_830 = arith.constant 16 : i32
        %mul3A_831 = arith.muli %scan3A_433, %mul3A_830 : i32
        %add3A_832 = arith.constant 10 : i32
        %add3A_833 = arith.addi %mul3A_831, %add3A_832 : i32
        %get3A_834 = arith.index_cast %add3A_833 : i32 to index
        %get3A_835 = arith.constant 0 : index
        %get3A_836 = tpu.vector_load %arg14[%get3A_834, %get3A_835] {strides = array<i32>} : memref<128x128xf32, #tpu.memory_space<vmem>>, vector<1x16xf32>,
        %get3A_837 = vector.shape_cast %get3A_836 : vector<1x16xf32> to vector<16xf32>
        %mul3A_838 = arith.mulf %get3A_837, %broadcast_in_dim3A_829 : vector<16xf32>
        %mul3A_839 = arith.constant 16 : i32
        %mul3A_840 = arith.muli %scan3A_433, %mul3A_839 : i32
        %add3A_841 = arith.constant 10 : i32
        %add3A_842 = arith.addi %mul3A_840, %add3A_841 : i32
        %swap3A_843 = arith.index_cast %add3A_842 : i32 to index
        %swap3A_844 = arith.constant 0 : index
        %swap3A_845 = tpu.vector_load %arg14[%swap3A_843, %swap3A_844] {strides = array<i32>} : memref<128x128xf32, #tpu.memory_space<vmem>>, vector<1x16xf32>,
        %swap3A_846 = vector.shape_cast %swap3A_845 : vector<1x16xf32> to vector<16xf32>
        %swap3A_847 = vector.shape_cast %mul3A_838 : vector<16xf32> to vector<1x16xf32>
        tpu.vector_store %arg14[%swap3A_843, %swap3A_844], %swap3A_847 {strides = array<i32>} : memref<128x128xf32, #tpu.memory_space<vmem>>, vector<1x16xf32>,
        %mul3A_848 = arith.constant 16 : i32
        %mul3A_849 = arith.muli %scan3A_433, %mul3A_848 : i32
        %add3A_850 = arith.constant 10 : i32
        %add3A_851 = arith.addi %mul3A_849, %add3A_850 : i32
        %get3A_852 = arith.index_cast %add3A_851 : i32 to index
        %get3A_853 = arith.constant 16 : index
        %get3A_854 = tpu.vector_load %arg14[%get3A_852, %get3A_853] {strides = array<i32>} : memref<128x128xf32, #tpu.memory_space<vmem>>, vector<1x16xf32>,
        %get3A_855 = vector.shape_cast %get3A_854 : vector<1x16xf32> to vector<16xf32>
        %mul3A_856 = arith.mulf %get3A_855, %broadcast_in_dim3A_829 : vector<16xf32>
        %mul3A_857 = arith.constant 16 : i32
        %mul3A_858 = arith.muli %scan3A_433, %mul3A_857 : i32
        %add3A_859 = arith.constant 10 : i32
        %add3A_860 = arith.addi %mul3A_858, %add3A_859 : i32
        %swap3A_861 = arith.index_cast %add3A_860 : i32 to index
        %swap3A_862 = arith.constant 16 : index
        %swap3A_863 = tpu.vector_load %arg14[%swap3A_861, %swap3A_862] {strides = array<i32>} : memref<128x128xf32, #tpu.memory_space<vmem>>, vector<1x16xf32>,
        %swap3A_864 = vector.shape_cast %swap3A_863 : vector<1x16xf32> to vector<16xf32>
        %swap3A_865 = vector.shape_cast %mul3A_856 : vector<16xf32> to vector<1x16xf32>
        tpu.vector_store %arg14[%swap3A_861, %swap3A_862], %swap3A_865 {strides = array<i32>} : memref<128x128xf32, #tpu.memory_space<vmem>>, vector<1x16xf32>,
        %slice3A_866 = vector.extract_strided_slice %get3A_438 {offsets = [11], sizes = [1], strides = [1]} : vector<16xf32> to vector<1xf32>
        %squeeze3A_867 = vector.extract %slice3A_866[0] : f32 from vector<1xf32>
        %broadcast_in_dim3A_868 = vector.broadcast %squeeze3A_867 : f32 to vector<16xf32>
        %mul3A_869 = arith.constant 16 : i32
        %mul3A_870 = arith.muli %scan3A_433, %mul3A_869 : i32
        %add3A_871 = arith.constant 11 : i32
        %add3A_872 = arith.addi %mul3A_870, %add3A_871 : i32
        %get3A_873 = arith.index_cast %add3A_872 : i32 to index
        %get3A_874 = arith.constant 0 : index
        %get3A_875 = tpu.vector_load %arg14[%get3A_873, %get3A_874] {strides = array<i32>} : memref<128x128xf32, #tpu.memory_space<vmem>>, vector<1x16xf32>,
        %get3A_876 = vector.shape_cast %get3A_875 : vector<1x16xf32> to vector<16xf32>
        %mul3A_877 = arith.mulf %get3A_876, %broadcast_in_dim3A_868 : vector<16xf32>
        %mul3A_878 = arith.constant 16 : i32
        %mul3A_879 = arith.muli %scan3A_433, %mul3A_878 : i32
        %add3A_880 = arith.constant 11 : i32
        %add3A_881 = arith.addi %mul3A_879, %add3A_880 : i32
        %swap3A_882 = arith.index_cast %add3A_881 : i32 to index
        %swap3A_883 = arith.constant 0 : index
        %swap3A_884 = tpu.vector_load %arg14[%swap3A_882, %swap3A_883] {strides = array<i32>} : memref<128x128xf32, #tpu.memory_space<vmem>>, vector<1x16xf32>,
        %swap3A_885 = vector.shape_cast %swap3A_884 : vector<1x16xf32> to vector<16xf32>
        %swap3A_886 = vector.shape_cast %mul3A_877 : vector<16xf32> to vector<1x16xf32>
        tpu.vector_store %arg14[%swap3A_882, %swap3A_883], %swap3A_886 {strides = array<i32>} : memref<128x128xf32, #tpu.memory_space<vmem>>, vector<1x16xf32>,
        %mul3A_887 = arith.constant 16 : i32
        %mul3A_888 = arith.muli %scan3A_433, %mul3A_887 : i32
        %add3A_889 = arith.constant 11 : i32
        %add3A_890 = arith.addi %mul3A_888, %add3A_889 : i32
        %get3A_891 = arith.index_cast %add3A_890 : i32 to index
        %get3A_892 = arith.constant 16 : index
        %get3A_893 = tpu.vector_load %arg14[%get3A_891, %get3A_892] {strides = array<i32>} : memref<128x128xf32, #tpu.memory_space<vmem>>, vector<1x16xf32>,
        %get3A_894 = vector.shape_cast %get3A_893 : vector<1x16xf32> to vector<16xf32>
        %mul3A_895 = arith.mulf %get3A_894, %broadcast_in_dim3A_868 : vector<16xf32>
        %mul3A_896 = arith.constant 16 : i32
        %mul3A_897 = arith.muli %scan3A_433, %mul3A_896 : i32
        %add3A_898 = arith.constant 11 : i32
        %add3A_899 = arith.addi %mul3A_897, %add3A_898 : i32
        %swap3A_900 = arith.index_cast %add3A_899 : i32 to index
        %swap3A_901 = arith.constant 16 : index
        %swap3A_902 = tpu.vector_load %arg14[%swap3A_900, %swap3A_901] {strides = array<i32>} : memref<128x128xf32, #tpu.memory_space<vmem>>, vector<1x16xf32>,
        %swap3A_903 = vector.shape_cast %swap3A_902 : vector<1x16xf32> to vector<16xf32>
        %swap3A_904 = vector.shape_cast %mul3A_895 : vector<16xf32> to vector<1x16xf32>
        tpu.vector_store %arg14[%swap3A_900, %swap3A_901], %swap3A_904 {strides = array<i32>} : memref<128x128xf32, #tpu.memory_space<vmem>>, vector<1x16xf32>,
        %slice3A_905 = vector.extract_strided_slice %get3A_438 {offsets = [12], sizes = [1], strides = [1]} : vector<16xf32> to vector<1xf32>
        %squeeze3A_906 = vector.extract %slice3A_905[0] : f32 from vector<1xf32>
        %broadcast_in_dim3A_907 = vector.broadcast %squeeze3A_906 : f32 to vector<16xf32>
        %mul3A_908 = arith.constant 16 : i32
        %mul3A_909 = arith.muli %scan3A_433, %mul3A_908 : i32
        %add3A_910 = arith.constant 12 : i32
        %add3A_911 = arith.addi %mul3A_909, %add3A_910 : i32
        %get3A_912 = arith.index_cast %add3A_911 : i32 to index
        %get3A_913 = arith.constant 0 : index
        %get3A_914 = tpu.vector_load %arg14[%get3A_912, %get3A_913] {strides = array<i32>} : memref<128x128xf32, #tpu.memory_space<vmem>>, vector<1x16xf32>,
        %get3A_915 = vector.shape_cast %get3A_914 : vector<1x16xf32> to vector<16xf32>
        %mul3A_916 = arith.mulf %get3A_915, %broadcast_in_dim3A_907 : vector<16xf32>
        %mul3A_917 = arith.constant 16 : i32
        %mul3A_918 = arith.muli %scan3A_433, %mul3A_917 : i32
        %add3A_919 = arith.constant 12 : i32
        %add3A_920 = arith.addi %mul3A_918, %add3A_919 : i32
        %swap3A_921 = arith.index_cast %add3A_920 : i32 to index
        %swap3A_922 = arith.constant 0 : index
        %swap3A_923 = tpu.vector_load %arg14[%swap3A_921, %swap3A_922] {strides = array<i32>} : memref<128x128xf32, #tpu.memory_space<vmem>>, vector<1x16xf32>,
        %swap3A_924 = vector.shape_cast %swap3A_923 : vector<1x16xf32> to vector<16xf32>
        %swap3A_925 = vector.shape_cast %mul3A_916 : vector<16xf32> to vector<1x16xf32>
        tpu.vector_store %arg14[%swap3A_921, %swap3A_922], %swap3A_925 {strides = array<i32>} : memref<128x128xf32, #tpu.memory_space<vmem>>, vector<1x16xf32>,
        %mul3A_926 = arith.constant 16 : i32
        %mul3A_927 = arith.muli %scan3A_433, %mul3A_926 : i32
        %add3A_928 = arith.constant 12 : i32
        %add3A_929 = arith.addi %mul3A_927, %add3A_928 : i32
        %get3A_930 = arith.index_cast %add3A_929 : i32 to index
        %get3A_931 = arith.constant 16 : index
        %get3A_932 = tpu.vector_load %arg14[%get3A_930, %get3A_931] {strides = array<i32>} : memref<128x128xf32, #tpu.memory_space<vmem>>, vector<1x16xf32>,
        %get3A_933 = vector.shape_cast %get3A_932 : vector<1x16xf32> to vector<16xf32>
        %mul3A_934 = arith.mulf %get3A_933, %broadcast_in_dim3A_907 : vector<16xf32>
        %mul3A_935 = arith.constant 16 : i32
        %mul3A_936 = arith.muli %scan3A_433, %mul3A_935 : i32
        %add3A_937 = arith.constant 12 : i32
        %add3A_938 = arith.addi %mul3A_936, %add3A_937 : i32
        %swap3A_939 = arith.index_cast %add3A_938 : i32 to index
        %swap3A_940 = arith.constant 16 : index
        %swap3A_941 = tpu.vector_load %arg14[%swap3A_939, %swap3A_940] {strides = array<i32>} : memref<128x128xf32, #tpu.memory_space<vmem>>, vector<1x16xf32>,
        %swap3A_942 = vector.shape_cast %swap3A_941 : vector<1x16xf32> to vector<16xf32>
        %swap3A_943 = vector.shape_cast %mul3A_934 : vector<16xf32> to vector<1x16xf32>
        tpu.vector_store %arg14[%swap3A_939, %swap3A_940], %swap3A_943 {strides = array<i32>} : memref<128x128xf32, #tpu.memory_space<vmem>>, vector<1x16xf32>,
        %slice3A_944 = vector.extract_strided_slice %get3A_438 {offsets = [13], sizes = [1], strides = [1]} : vector<16xf32> to vector<1xf32>
        %squeeze3A_945 = vector.extract %slice3A_944[0] : f32 from vector<1xf32>
        %broadcast_in_dim3A_946 = vector.broadcast %squeeze3A_945 : f32 to vector<16xf32>
        %mul3A_947 = arith.constant 16 : i32
        %mul3A_948 = arith.muli %scan3A_433, %mul3A_947 : i32
        %add3A_949 = arith.constant 13 : i32
        %add3A_950 = arith.addi %mul3A_948, %add3A_949 : i32
        %get3A_951 = arith.index_cast %add3A_950 : i32 to index
        %get3A_952 = arith.constant 0 : index
        %get3A_953 = tpu.vector_load %arg14[%get3A_951, %get3A_952] {strides = array<i32>} : memref<128x128xf32, #tpu.memory_space<vmem>>, vector<1x16xf32>,
        %get3A_954 = vector.shape_cast %get3A_953 : vector<1x16xf32> to vector<16xf32>
        %mul3A_955 = arith.mulf %get3A_954, %broadcast_in_dim3A_946 : vector<16xf32>
        %mul3A_956 = arith.constant 16 : i32
        %mul3A_957 = arith.muli %scan3A_433, %mul3A_956 : i32
        %add3A_958 = arith.constant 13 : i32
        %add3A_959 = arith.addi %mul3A_957, %add3A_958 : i32
        %swap3A_960 = arith.index_cast %add3A_959 : i32 to index
        %swap3A_961 = arith.constant 0 : index
        %swap3A_962 = tpu.vector_load %arg14[%swap3A_960, %swap3A_961] {strides = array<i32>} : memref<128x128xf32, #tpu.memory_space<vmem>>, vector<1x16xf32>,
        %swap3A_963 = vector.shape_cast %swap3A_962 : vector<1x16xf32> to vector<16xf32>
        %swap3A_964 = vector.shape_cast %mul3A_955 : vector<16xf32> to vector<1x16xf32>
        tpu.vector_store %arg14[%swap3A_960, %swap3A_961], %swap3A_964 {strides = array<i32>} : memref<128x128xf32, #tpu.memory_space<vmem>>, vector<1x16xf32>,
        %mul3A_965 = arith.constant 16 : i32
        %mul3A_966 = arith.muli %scan3A_433, %mul3A_965 : i32
        %add3A_967 = arith.constant 13 : i32
        %add3A_968 = arith.addi %mul3A_966, %add3A_967 : i32
        %get3A_969 = arith.index_cast %add3A_968 : i32 to index
        %get3A_970 = arith.constant 16 : index
        %get3A_971 = tpu.vector_load %arg14[%get3A_969, %get3A_970] {strides = array<i32>} : memref<128x128xf32, #tpu.memory_space<vmem>>, vector<1x16xf32>,
        %get3A_972 = vector.shape_cast %get3A_971 : vector<1x16xf32> to vector<16xf32>
        %mul3A_973 = arith.mulf %get3A_972, %broadcast_in_dim3A_946 : vector<16xf32>
        %mul3A_974 = arith.constant 16 : i32
        %mul3A_975 = arith.muli %scan3A_433, %mul3A_974 : i32
        %add3A_976 = arith.constant 13 : i32
        %add3A_977 = arith.addi %mul3A_975, %add3A_976 : i32
        %swap3A_978 = arith.index_cast %add3A_977 : i32 to index
        %swap3A_979 = arith.constant 16 : index
        %swap3A_980 = tpu.vector_load %arg14[%swap3A_978, %swap3A_979] {strides = array<i32>} : memref<128x128xf32, #tpu.memory_space<vmem>>, vector<1x16xf32>,
        %swap3A_981 = vector.shape_cast %swap3A_980 : vector<1x16xf32> to vector<16xf32>
        %swap3A_982 = vector.shape_cast %mul3A_973 : vector<16xf32> to vector<1x16xf32>
        tpu.vector_store %arg14[%swap3A_978, %swap3A_979], %swap3A_982 {strides = array<i32>} : memref<128x128xf32, #tpu.memory_space<vmem>>, vector<1x16xf32>,
        %slice3A_983 = vector.extract_strided_slice %get3A_438 {offsets = [14], sizes = [1], strides = [1]} : vector<16xf32> to vector<1xf32>
        %squeeze3A_984 = vector.extract %slice3A_983[0] : f32 from vector<1xf32>
        %broadcast_in_dim3A_985 = vector.broadcast %squeeze3A_984 : f32 to vector<16xf32>
        %mul3A_986 = arith.constant 16 : i32
        %mul3A_987 = arith.muli %scan3A_433, %mul3A_986 : i32
        %add3A_988 = arith.constant 14 : i32
        %add3A_989 = arith.addi %mul3A_987, %add3A_988 : i32
        %get3A_990 = arith.index_cast %add3A_989 : i32 to index
        %get3A_991 = arith.constant 0 : index
        %get3A_992 = tpu.vector_load %arg14[%get3A_990, %get3A_991] {strides = array<i32>} : memref<128x128xf32, #tpu.memory_space<vmem>>, vector<1x16xf32>,
        %get3A_993 = vector.shape_cast %get3A_992 : vector<1x16xf32> to vector<16xf32>
        %mul3A_994 = arith.mulf %get3A_993, %broadcast_in_dim3A_985 : vector<16xf32>
        %mul3A_995 = arith.constant 16 : i32
        %mul3A_996 = arith.muli %scan3A_433, %mul3A_995 : i32
        %add3A_997 = arith.constant 14 : i32
        %add3A_998 = arith.addi %mul3A_996, %add3A_997 : i32
        %swap3A_999 = arith.index_cast %add3A_998 : i32 to index
        %swap3A_1000 = arith.constant 0 : index
        %swap3A_1001 = tpu.vector_load %arg14[%swap3A_999, %swap3A_1000] {strides = array<i32>} : memref<128x128xf32, #tpu.memory_space<vmem>>, vector<1x16xf32>,
        %swap3A_1002 = vector.shape_cast %swap3A_1001 : vector<1x16xf32> to vector<16xf32>
        %swap3A_1003 = vector.shape_cast %mul3A_994 : vector<16xf32> to vector<1x16xf32>
        tpu.vector_store %arg14[%swap3A_999, %swap3A_1000], %swap3A_1003 {strides = array<i32>} : memref<128x128xf32, #tpu.memory_space<vmem>>, vector<1x16xf32>,
        %mul3A_1004 = arith.constant 16 : i32
        %mul3A_1005 = arith.muli %scan3A_433, %mul3A_1004 : i32
        %add3A_1006 = arith.constant 14 : i32
        %add3A_1007 = arith.addi %mul3A_1005, %add3A_1006 : i32
        %get3A_1008 = arith.index_cast %add3A_1007 : i32 to index
        %get3A_1009 = arith.constant 16 : index
        %get3A_1010 = tpu.vector_load %arg14[%get3A_1008, %get3A_1009] {strides = array<i32>} : memref<128x128xf32, #tpu.memory_space<vmem>>, vector<1x16xf32>,
        %get3A_1011 = vector.shape_cast %get3A_1010 : vector<1x16xf32> to vector<16xf32>
        %mul3A_1012 = arith.mulf %get3A_1011, %broadcast_in_dim3A_985 : vector<16xf32>
        %mul3A_1013 = arith.constant 16 : i32
        %mul3A_1014 = arith.muli %scan3A_433, %mul3A_1013 : i32
        %add3A_1015 = arith.constant 14 : i32
        %add3A_1016 = arith.addi %mul3A_1014, %add3A_1015 : i32
        %swap3A_1017 = arith.index_cast %add3A_1016 : i32 to index
        %swap3A_1018 = arith.constant 16 : index
        %swap3A_1019 = tpu.vector_load %arg14[%swap3A_1017, %swap3A_1018] {strides = array<i32>} : memref<128x128xf32, #tpu.memory_space<vmem>>, vector<1x16xf32>,
        %swap3A_1020 = vector.shape_cast %swap3A_1019 : vector<1x16xf32> to vector<16xf32>
        %swap3A_1021 = vector.shape_cast %mul3A_1012 : vector<16xf32> to vector<1x16xf32>
        tpu.vector_store %arg14[%swap3A_1017, %swap3A_1018], %swap3A_1021 {strides = array<i32>} : memref<128x128xf32, #tpu.memory_space<vmem>>, vector<1x16xf32>,
        %slice3A_1022 = vector.extract_strided_slice %get3A_438 {offsets = [15], sizes = [1], strides = [1]} : vector<16xf32> to vector<1xf32>
        %squeeze3A_1023 = vector.extract %slice3A_1022[0] : f32 from vector<1xf32>
        %broadcast_in_dim3A_1024 = vector.broadcast %squeeze3A_1023 : f32 to vector<16xf32>
        %mul3A_1025 = arith.constant 16 : i32
        %mul3A_1026 = arith.muli %scan3A_433, %mul3A_1025 : i32
        %add3A_1027 = arith.constant 15 : i32
        %add3A_1028 = arith.addi %mul3A_1026, %add3A_1027 : i32
        %get3A_1029 = arith.index_cast %add3A_1028 : i32 to index
        %get3A_1030 = arith.constant 0 : index
        %get3A_1031 = tpu.vector_load %arg14[%get3A_1029, %get3A_1030] {strides = array<i32>} : memref<128x128xf32, #tpu.memory_space<vmem>>, vector<1x16xf32>,
        %get3A_1032 = vector.shape_cast %get3A_1031 : vector<1x16xf32> to vector<16xf32>
        %mul3A_1033 = arith.mulf %get3A_1032, %broadcast_in_dim3A_1024 : vector<16xf32>
        %mul3A_1034 = arith.constant 16 : i32
        %mul3A_1035 = arith.muli %scan3A_433, %mul3A_1034 : i32
        %add3A_1036 = arith.constant 15 : i32
        %add3A_1037 = arith.addi %mul3A_1035, %add3A_1036 : i32
        %swap3A_1038 = arith.index_cast %add3A_1037 : i32 to index
        %swap3A_1039 = arith.constant 0 : index
        %swap3A_1040 = tpu.vector_load %arg14[%swap3A_1038, %swap3A_1039] {strides = array<i32>} : memref<128x128xf32, #tpu.memory_space<vmem>>, vector<1x16xf32>,
        %swap3A_1041 = vector.shape_cast %swap3A_1040 : vector<1x16xf32> to vector<16xf32>
        %swap3A_1042 = vector.shape_cast %mul3A_1033 : vector<16xf32> to vector<1x16xf32>
        tpu.vector_store %arg14[%swap3A_1038, %swap3A_1039], %swap3A_1042 {strides = array<i32>} : memref<128x128xf32, #tpu.memory_space<vmem>>, vector<1x16xf32>,
        %mul3A_1043 = arith.constant 16 : i32
        %mul3A_1044 = arith.muli %scan3A_433, %mul3A_1043 : i32
        %add3A_1045 = arith.constant 15 : i32
        %add3A_1046 = arith.addi %mul3A_1044, %add3A_1045 : i32
        %get3A_1047 = arith.index_cast %add3A_1046 : i32 to index
        %get3A_1048 = arith.constant 16 : index
        %get3A_1049 = tpu.vector_load %arg14[%get3A_1047, %get3A_1048] {strides = array<i32>} : memref<128x128xf32, #tpu.memory_space<vmem>>, vector<1x16xf32>,
        %get3A_1050 = vector.shape_cast %get3A_1049 : vector<1x16xf32> to vector<16xf32>
        %mul3A_1051 = arith.mulf %get3A_1050, %broadcast_in_dim3A_1024 : vector<16xf32>
        %mul3A_1052 = arith.constant 16 : i32
        %mul3A_1053 = arith.muli %scan3A_433, %mul3A_1052 : i32
        %add3A_1054 = arith.constant 15 : i32
        %add3A_1055 = arith.addi %mul3A_1053, %add3A_1054 : i32
        %swap3A_1056 = arith.index_cast %add3A_1055 : i32 to index
        %swap3A_1057 = arith.constant 16 : index
        %swap3A_1058 = tpu.vector_load %arg14[%swap3A_1056, %swap3A_1057] {strides = array<i32>} : memref<128x128xf32, #tpu.memory_space<vmem>>, vector<1x16xf32>,
        %swap3A_1059 = vector.shape_cast %swap3A_1058 : vector<1x16xf32> to vector<16xf32>
        %swap3A_1060 = vector.shape_cast %mul3A_1051 : vector<16xf32> to vector<1x16xf32>
        tpu.vector_store %arg14[%swap3A_1056, %swap3A_1057], %swap3A_1060 {strides = array<i32>} : memref<128x128xf32, #tpu.memory_space<vmem>>, vector<1x16xf32>,
      }
      %scan3A_432 = arith.constant 8 : i32
      "tpu.region"() ({
        %run_scoped3A = tpu.sem_alloc : memref<!tpu.dma_semaphore, #tpu.memory_space<semaphore_mem>>
        %dma_start3A = arith.constant 0 : i32
        %dma_start3A_433 = tpu.memref_slice %arg10[%scan3A_278, %dma_start3A] : memref<80x128xi32, #tpu.memory_space<vmem>> -> memref<1x128xi32, #tpu.memory_space<vmem>>
        %dma_start3A_434 = tpu.memref_squeeze %dma_start3A_433 : memref<1x128xi32, #tpu.memory_space<vmem>> -> memref<128xi32, #tpu.memory_space<vmem>>
        %dma_start3A_435 = arith.constant 0 : i32
        %dma_start3A_436 = arith.constant 0 : i32
        %dma_start3A_437 = tpu.memref_slice %arg16[%dma_start3A_435, %dma_start3A_436] : memref<10240x128xf32, #tpu.memory_space<vmem_shared>> -> memref<10240x128xf32, #tpu.memory_space<vmem_shared>>
        tpu.enqueue_indirect_dma source(%arg14 : memref<128x128xf32, #tpu.memory_space<vmem>>) target(%dma_start3A_437 : memref<10240x128xf32, #tpu.memory_space<vmem_shared>>) offsets(%dma_start3A_434 : memref<128xi32, #tpu.memory_space<vmem>>) semaphore(%run_scoped3A : memref<!tpu.dma_semaphore, #tpu.memory_space<semaphore_mem>>) {add = true}
        %dma_wait3A = arith.constant 0 : i32
        %dma_wait3A_438 = tpu.memref_slice %arg10[%scan3A_278, %dma_wait3A] : memref<80x128xi32, #tpu.memory_space<vmem>> -> memref<1x128xi32, #tpu.memory_space<vmem>>
        %dma_wait3A_439 = tpu.memref_squeeze %dma_wait3A_438 : memref<1x128xi32, #tpu.memory_space<vmem>> -> memref<128xi32, #tpu.memory_space<vmem>>
        %dma_wait3A_440 = arith.constant 0 : i32
        %dma_wait3A_441 = arith.constant 0 : i32
        %dma_wait3A_442 = tpu.memref_slice %arg16[%dma_wait3A_440, %dma_wait3A_441] : memref<10240x128xf32, #tpu.memory_space<vmem_shared>> -> memref<10240x128xf32, #tpu.memory_space<vmem_shared>>
        tpu.wait_indirect_dma semaphore(%run_scoped3A : memref<!tpu.dma_semaphore, #tpu.memory_space<semaphore_mem>>) src(%arg14 : memref<128x128xf32, #tpu.memory_space<vmem>>) dst(%dma_wait3A_442 : memref<10240x128xf32, #tpu.memory_space<vmem_shared>>)
        tpu.yield
      }) : () -> ()
    }
    %scan3A_268 = arith.constant 80 : i32
    %barrier3A_269 = arith.constant 0 : index
    tpu.barrier barrier_id(%barrier3A_269)
    %mul3A_270 = arith.constant 640 : i32
    %mul3A_271 = arith.muli %arg1, %mul3A_270 : i32
    %mul3A_272 = arith.constant 640 : i32
    %mul3A_273 = arith.muli %arg1, %mul3A_272 : i32
    "tpu.region"() ({
      %run_scoped3A = tpu.sem_alloc : memref<!tpu.dma_semaphore, #tpu.memory_space<semaphore_mem>>
      %dma_start3A = arith.constant 0 : i32
      %dma_start3A_278 = tpu.memref_slice %arg7[%arg0, %mul3A_273, %dma_start3A] : memref<2x10240x128xf32, #tpu.memory_space<hbm>> -> memref<1x640x128xf32, #tpu.memory_space<hbm>>
      %dma_start3A_279 = tpu.memref_squeeze %dma_start3A_278 : memref<1x640x128xf32, #tpu.memory_space<hbm>> -> memref<640x128xf32, #tpu.memory_space<hbm>>
      %dma_start3A_280 = arith.constant 0 : i32
      %dma_start3A_281 = tpu.memref_slice %arg16[%mul3A_271, %dma_start3A_280] : memref<10240x128xf32, #tpu.memory_space<vmem_shared>> -> memref<640x128xf32, #tpu.memory_space<vmem_shared>>
      tpu.enqueue_dma source(%dma_start3A_281 : memref<640x128xf32, #tpu.memory_space<vmem_shared>>) target(%dma_start3A_279 : memref<640x128xf32, #tpu.memory_space<hbm>>) target_semaphore(%run_scoped3A : memref<!tpu.dma_semaphore, #tpu.memory_space<semaphore_mem>>)
      %dma_wait3A = arith.constant 0 : i32
      %dma_wait3A_282 = tpu.memref_slice %arg7[%arg0, %mul3A_273, %dma_wait3A] : memref<2x10240x128xf32, #tpu.memory_space<hbm>> -> memref<1x640x128xf32, #tpu.memory_space<hbm>>
      %dma_wait3A_283 = tpu.memref_squeeze %dma_wait3A_282 : memref<1x640x128xf32, #tpu.memory_space<hbm>> -> memref<640x128xf32, #tpu.memory_space<hbm>>
      %dma_wait3A_284 = arith.constant 0 : i32
      %dma_wait3A_285 = tpu.memref_slice %arg16[%mul3A_271, %dma_wait3A_284] : memref<10240x128xf32, #tpu.memory_space<vmem_shared>> -> memref<640x128xf32, #tpu.memory_space<vmem_shared>>
      tpu.wait_dma2 semaphore(%run_scoped3A : memref<!tpu.dma_semaphore, #tpu.memory_space<semaphore_mem>>) src(%dma_wait3A_285 : memref<640x128xf32, #tpu.memory_space<vmem_shared>>) dst(%dma_wait3A_283 : memref<640x128xf32, #tpu.memory_space<hbm>>)
      tpu.yield
    }) : () -> ()
    %mul3A_274 = arith.constant 640 : i32
    %mul3A_275 = arith.muli %arg1, %mul3A_274 : i32
    %mul3A_276 = arith.constant 640 : i32
    %mul3A_277 = arith.muli %arg1, %mul3A_276 : i32
    "tpu.region"() ({
      %run_scoped3A = tpu.sem_alloc : memref<!tpu.dma_semaphore, #tpu.memory_space<semaphore_mem>>
      %dma_start3A = tpu.memref_slice %arg8[%arg0, %mul3A_277] : memref<2x10240xf32, #tpu.memory_space<hbm>> -> memref<1x640xf32, #tpu.memory_space<hbm>>
      %dma_start3A_278 = tpu.memref_squeeze %dma_start3A : memref<1x640xf32, #tpu.memory_space<hbm>> -> memref<640xf32, #tpu.memory_space<hbm>>
      %dma_start3A_279 = tpu.memref_slice %arg17[%mul3A_275] : memref<10240xf32, #tpu.memory_space<vmem_shared>> -> memref<640xf32, #tpu.memory_space<vmem_shared>>
      tpu.enqueue_dma source(%dma_start3A_279 : memref<640xf32, #tpu.memory_space<vmem_shared>>) target(%dma_start3A_278 : memref<640xf32, #tpu.memory_space<hbm>>) target_semaphore(%run_scoped3A : memref<!tpu.dma_semaphore, #tpu.memory_space<semaphore_mem>>)
      %dma_wait3A = tpu.memref_slice %arg8[%arg0, %mul3A_277] : memref<2x10240xf32, #tpu.memory_space<hbm>> -> memref<1x640xf32, #tpu.memory_space<hbm>>
      %dma_wait3A_280 = tpu.memref_squeeze %dma_wait3A : memref<1x640xf32, #tpu.memory_space<hbm>> -> memref<640xf32, #tpu.memory_space<hbm>>
      %dma_wait3A_281 = tpu.memref_slice %arg17[%mul3A_275] : memref<10240xf32, #tpu.memory_space<vmem_shared>> -> memref<640xf32, #tpu.memory_space<vmem_shared>>
      tpu.wait_dma2 semaphore(%run_scoped3A : memref<!tpu.dma_semaphore, #tpu.memory_space<semaphore_mem>>) src(%dma_wait3A_281 : memref<640xf32, #tpu.memory_space<vmem_shared>>) dst(%dma_wait3A_280 : memref<640xf32, #tpu.memory_space<hbm>>)
      tpu.yield
    }) : () -> ()
    return
  }
}

#map = affine_map<(d0, d1) -> (0, 0)>
#map1 = affine_map<(d0, d1) -> (0)>
#map2 = affine_map<(d0, d1) -> (0, 0, 0, 0)>
#map3 = affine_map<(d0, d1) -> (0, 0, 0)>
module attributes {stable_mosaic.version = 14 : i64} {
  func.func @_sc_body(%arg0: i32, %arg1: i32, %arg2: memref<10240x128xf32, #tpu.memory_space<hbm>>, %arg3: memref<10240xf32, #tpu.memory_space<hbm>>, %arg4: memref<10240xf32, #tpu.memory_space<hbm>>, %arg5: memref<2x16x80x128xi32, #tpu.memory_space<hbm>>, %arg6: memref<2x16x80x128xi32, #tpu.memory_space<hbm>>, %arg7: memref<2x10240x128xf32, #tpu.memory_space<hbm>>, %arg8: memref<2x10240xf32, #tpu.memory_space<hbm>>, %arg9: memref<80x128xi32, #tpu.memory_space<vmem>>, %arg10: memref<80x128xi32, #tpu.memory_space<vmem>>, %arg11: memref<128xf32, #tpu.memory_space<vmem>>, %arg12: memref<128xf32, #tpu.memory_space<vmem>>, %arg13: memref<128xf32, #tpu.memory_space<vmem>>, %arg14: memref<128x128xf32, #tpu.memory_space<vmem>>, %arg15: memref<640xf32, #tpu.memory_space<vmem>>, %arg16: memref<10240x128xf32, #tpu.memory_space<vmem_shared>>, %arg17: memref<10240xf32, #tpu.memory_space<vmem_shared>>) attributes {dimension_semantics = [#tpu.dimension_semantics<core_parallel>, #tpu.dimension_semantics<subcore_parallel>], iteration_bounds = array<i64: 2, 16>, scalar_prefetch = 0 : i64, scratch_operands = 9 : i64, tpu.core_type = #tpu.core_type<sc_vector_subcore>, window_params = [{transform_indices = #map}, {transform_indices = #map1}, {transform_indices = #map1}, {transform_indices = #map2}, {transform_indices = #map2}, {transform_indices = #map3}, {transform_indices = #map}]} {
    "tpu.region"() ({
      %run_scoped3A = tpu.sem_alloc : memref<!tpu.dma_semaphore, #tpu.memory_space<semaphore_mem>>
      %dma_start3A = arith.constant 0 : i32
      %dma_start3A_278 = arith.constant 0 : i32
      %dma_start3A_279 = tpu.memref_slice %arg5[%arg0, %arg1, %dma_start3A, %dma_start3A_278] : memref<2x16x80x128xi32, #tpu.memory_space<hbm>> -> memref<1x1x80x128xi32, #tpu.memory_space<hbm>>
      %dma_start3A_280 = tpu.memref_squeeze %dma_start3A_279 : memref<1x1x80x128xi32, #tpu.memory_space<hbm>> -> memref<80x128xi32, #tpu.memory_space<hbm>>
      %dma_start3A_281 = arith.constant 0 : i32
      %dma_start3A_282 = arith.constant 0 : i32
      %dma_start3A_283 = tpu.memref_slice %arg5[%arg0, %arg1, %dma_start3A_281, %dma_start3A_282] : memref<2x16x80x128xi32, #tpu.memory_space<hbm>> -> memref<1x1x80x128xi32, #tpu.memory_space<hbm>>
      %dma_start3A_284 = tpu.memref_squeeze %dma_start3A_283 : memref<1x1x80x128xi32, #tpu.memory_space<hbm>> -> memref<80x128xi32, #tpu.memory_space<hbm>>
      tpu.enqueue_dma source(%dma_start3A_284 : memref<80x128xi32, #tpu.memory_space<hbm>>) target(%arg9 : memref<80x128xi32, #tpu.memory_space<vmem>>) target_semaphore(%run_scoped3A : memref<!tpu.dma_semaphore, #tpu.memory_space<semaphore_mem>>)
      %dma_wait3A = arith.constant 0 : i32
      %dma_wait3A_285 = arith.constant 0 : i32
      %dma_wait3A_286 = tpu.memref_slice %arg5[%arg0, %arg1, %dma_wait3A, %dma_wait3A_285] : memref<2x16x80x128xi32, #tpu.memory_space<hbm>> -> memref<1x1x80x128xi32, #tpu.memory_space<hbm>>
      %dma_wait3A_287 = tpu.memref_squeeze %dma_wait3A_286 : memref<1x1x80x128xi32, #tpu.memory_space<hbm>> -> memref<80x128xi32, #tpu.memory_space<hbm>>
      %dma_wait3A_288 = arith.constant 0 : i32
      %dma_wait3A_289 = arith.constant 0 : i32
      %dma_wait3A_290 = tpu.memref_slice %arg5[%arg0, %arg1, %dma_wait3A_288, %dma_wait3A_289] : memref<2x16x80x128xi32, #tpu.memory_space<hbm>> -> memref<1x1x80x128xi32, #tpu.memory_space<hbm>>
      %dma_wait3A_291 = tpu.memref_squeeze %dma_wait3A_290 : memref<1x1x80x128xi32, #tpu.memory_space<hbm>> -> memref<80x128xi32, #tpu.memory_space<hbm>>
      tpu.wait_dma2 semaphore(%run_scoped3A : memref<!tpu.dma_semaphore, #tpu.memory_space<semaphore_mem>>) src(%dma_wait3A_291 : memref<80x128xi32, #tpu.memory_space<hbm>>) dst(%arg9 : memref<80x128xi32, #tpu.memory_space<vmem>>)
      tpu.yield
    }) : () -> ()
    "tpu.region"() ({
      %run_scoped3A = tpu.sem_alloc : memref<!tpu.dma_semaphore, #tpu.memory_space<semaphore_mem>>
      %dma_start3A = arith.constant 0 : i32
      %dma_start3A_278 = arith.constant 0 : i32
      %dma_start3A_279 = tpu.memref_slice %arg6[%arg0, %arg1, %dma_start3A, %dma_start3A_278] : memref<2x16x80x128xi32, #tpu.memory_space<hbm>> -> memref<1x1x80x128xi32, #tpu.memory_space<hbm>>
      %dma_start3A_280 = tpu.memref_squeeze %dma_start3A_279 : memref<1x1x80x128xi32, #tpu.memory_space<hbm>> -> memref<80x128xi32, #tpu.memory_space<hbm>>
      %dma_start3A_281 = arith.constant 0 : i32
      %dma_start3A_282 = arith.constant 0 : i32
      %dma_start3A_283 = tpu.memref_slice %arg6[%arg0, %arg1, %dma_start3A_281, %dma_start3A_282] : memref<2x16x80x128xi32, #tpu.memory_space<hbm>> -> memref<1x1x80x128xi32, #tpu.memory_space<hbm>>
      %dma_start3A_284 = tpu.memref_squeeze %dma_start3A_283 : memref<1x1x80x128xi32, #tpu.memory_space<hbm>> -> memref<80x128xi32, #tpu.memory_space<hbm>>
      tpu.enqueue_dma source(%dma_start3A_284 : memref<80x128xi32, #tpu.memory_space<hbm>>) target(%arg10 : memref<80x128xi32, #tpu.memory_space<vmem>>) target_semaphore(%run_scoped3A : memref<!tpu.dma_semaphore, #tpu.memory_space<semaphore_mem>>)
      %dma_wait3A = arith.constant 0 : i32
      %dma_wait3A_285 = arith.constant 0 : i32
      %dma_wait3A_286 = tpu.memref_slice %arg6[%arg0, %arg1, %dma_wait3A, %dma_wait3A_285] : memref<2x16x80x128xi32, #tpu.memory_space<hbm>> -> memref<1x1x80x128xi32, #tpu.memory_space<hbm>>
      %dma_wait3A_287 = tpu.memref_squeeze %dma_wait3A_286 : memref<1x1x80x128xi32, #tpu.memory_space<hbm>> -> memref<80x128xi32, #tpu.memory_space<hbm>>
      %dma_wait3A_288 = arith.constant 0 : i32
      %dma_wait3A_289 = arith.constant 0 : i32
      %dma_wait3A_290 = tpu.memref_slice %arg6[%arg0, %arg1, %dma_wait3A_288, %dma_wait3A_289] : memref<2x16x80x128xi32, #tpu.memory_space<hbm>> -> memref<1x1x80x128xi32, #tpu.memory_space<hbm>>
      %dma_wait3A_291 = tpu.memref_squeeze %dma_wait3A_290 : memref<1x1x80x128xi32, #tpu.memory_space<hbm>> -> memref<80x128xi32, #tpu.memory_space<hbm>>
      tpu.wait_dma2 semaphore(%run_scoped3A : memref<!tpu.dma_semaphore, #tpu.memory_space<semaphore_mem>>) src(%dma_wait3A_291 : memref<80x128xi32, #tpu.memory_space<hbm>>) dst(%arg10 : memref<80x128xi32, #tpu.memory_space<vmem>>)
      tpu.yield
    }) : () -> ()
    %scan3A = arith.constant 0 : i32
    %scan3A_0 = arith.constant 0 : i32
    %scan3A_1 = arith.constant 128 : i32
    %scan3A_2 = arith.addi %scan3A_0, %scan3A_1 : i32
    %scan3A_3 = arith.constant 1 : i32
    scf.for %scan3A_278 = %scan3A_0 to %scan3A_2 step %scan3A_3  : i32 {
      %broadcast_in_dim3A_279 = arith.constant 0.000000e+00 : f32
      %broadcast_in_dim3A_280 = vector.broadcast %broadcast_in_dim3A_279 : f32 to vector<16xf32>
      %swap3A_281 = arith.index_cast %scan3A_278 : i32 to index
      %swap3A_282 = arith.constant 0 : index
      %swap3A_283 = tpu.vector_load %arg14[%swap3A_281, %swap3A_282] {strides = array<i32>} : memref<128x128xf32, #tpu.memory_space<vmem>>, vector<1x16xf32>,
      %swap3A_284 = vector.shape_cast %swap3A_283 : vector<1x16xf32> to vector<16xf32>
      %swap3A_285 = vector.shape_cast %broadcast_in_dim3A_280 : vector<16xf32> to vector<1x16xf32>
      tpu.vector_store %arg14[%swap3A_281, %swap3A_282], %swap3A_285 {strides = array<i32>} : memref<128x128xf32, #tpu.memory_space<vmem>>, vector<1x16xf32>,
      %broadcast_in_dim3A_286 = arith.constant 0.000000e+00 : f32
      %broadcast_in_dim3A_287 = vector.broadcast %broadcast_in_dim3A_286 : f32 to vector<16xf32>
      %swap3A_288 = arith.index_cast %scan3A_278 : i32 to index
      %swap3A_289 = arith.constant 16 : index
      %swap3A_290 = tpu.vector_load %arg14[%swap3A_288, %swap3A_289] {strides = array<i32>} : memref<128x128xf32, #tpu.memory_space<vmem>>, vector<1x16xf32>,
      %swap3A_291 = vector.shape_cast %swap3A_290 : vector<1x16xf32> to vector<16xf32>
      %swap3A_292 = vector.shape_cast %broadcast_in_dim3A_287 : vector<16xf32> to vector<1x16xf32>
      tpu.vector_store %arg14[%swap3A_288, %swap3A_289], %swap3A_292 {strides = array<i32>} : memref<128x128xf32, #tpu.memory_space<vmem>>, vector<1x16xf32>,
      %broadcast_in_dim3A_293 = arith.constant 0.000000e+00 : f32
      %broadcast_in_dim3A_294 = vector.broadcast %broadcast_in_dim3A_293 : f32 to vector<16xf32>
      %swap3A_295 = arith.index_cast %scan3A_278 : i32 to index
      %swap3A_296 = arith.constant 32 : index
      %swap3A_297 = tpu.vector_load %arg14[%swap3A_295, %swap3A_296] {strides = array<i32>} : memref<128x128xf32, #tpu.memory_space<vmem>>, vector<1x16xf32>,
      %swap3A_298 = vector.shape_cast %swap3A_297 : vector<1x16xf32> to vector<16xf32>
      %swap3A_299 = vector.shape_cast %broadcast_in_dim3A_294 : vector<16xf32> to vector<1x16xf32>
      tpu.vector_store %arg14[%swap3A_295, %swap3A_296], %swap3A_299 {strides = array<i32>} : memref<128x128xf32, #tpu.memory_space<vmem>>, vector<1x16xf32>,
      %broadcast_in_dim3A_300 = arith.constant 0.000000e+00 : f32
      %broadcast_in_dim3A_301 = vector.broadcast %broadcast_in_dim3A_300 : f32 to vector<16xf32>
      %swap3A_302 = arith.index_cast %scan3A_278 : i32 to index
      %swap3A_303 = arith.constant 48 : index
      %swap3A_304 = tpu.vector_load %arg14[%swap3A_302, %swap3A_303] {strides = array<i32>} : memref<128x128xf32, #tpu.memory_space<vmem>>, vector<1x16xf32>,
      %swap3A_305 = vector.shape_cast %swap3A_304 : vector<1x16xf32> to vector<16xf32>
      %swap3A_306 = vector.shape_cast %broadcast_in_dim3A_301 : vector<16xf32> to vector<1x16xf32>
      tpu.vector_store %arg14[%swap3A_302, %swap3A_303], %swap3A_306 {strides = array<i32>} : memref<128x128xf32, #tpu.memory_space<vmem>>, vector<1x16xf32>,
      %broadcast_in_dim3A_307 = arith.constant 0.000000e+00 : f32
      %broadcast_in_dim3A_308 = vector.broadcast %broadcast_in_dim3A_307 : f32 to vector<16xf32>
      %swap3A_309 = arith.index_cast %scan3A_278 : i32 to index
      %swap3A_310 = arith.constant 64 : index
      %swap3A_311 = tpu.vector_load %arg14[%swap3A_309, %swap3A_310] {strides = array<i32>} : memref<128x128xf32, #tpu.memory_space<vmem>>, vector<1x16xf32>,
      %swap3A_312 = vector.shape_cast %swap3A_311 : vector<1x16xf32> to vector<16xf32>
      %swap3A_313 = vector.shape_cast %broadcast_in_dim3A_308 : vector<16xf32> to vector<1x16xf32>
      tpu.vector_store %arg14[%swap3A_309, %swap3A_310], %swap3A_313 {strides = array<i32>} : memref<128x128xf32, #tpu.memory_space<vmem>>, vector<1x16xf32>,
      %broadcast_in_dim3A_314 = arith.constant 0.000000e+00 : f32
      %broadcast_in_dim3A_315 = vector.broadcast %broadcast_in_dim3A_314 : f32 to vector<16xf32>
      %swap3A_316 = arith.index_cast %scan3A_278 : i32 to index
      %swap3A_317 = arith.constant 80 : index
      %swap3A_318 = tpu.vector_load %arg14[%swap3A_316, %swap3A_317] {strides = array<i32>} : memref<128x128xf32, #tpu.memory_space<vmem>>, vector<1x16xf32>,
      %swap3A_319 = vector.shape_cast %swap3A_318 : vector<1x16xf32> to vector<16xf32>
      %swap3A_320 = vector.shape_cast %broadcast_in_dim3A_315 : vector<16xf32> to vector<1x16xf32>
      tpu.vector_store %arg14[%swap3A_316, %swap3A_317], %swap3A_320 {strides = array<i32>} : memref<128x128xf32, #tpu.memory_space<vmem>>, vector<1x16xf32>,
      %broadcast_in_dim3A_321 = arith.constant 0.000000e+00 : f32
      %broadcast_in_dim3A_322 = vector.broadcast %broadcast_in_dim3A_321 : f32 to vector<16xf32>
      %swap3A_323 = arith.index_cast %scan3A_278 : i32 to index
      %swap3A_324 = arith.constant 96 : index
      %swap3A_325 = tpu.vector_load %arg14[%swap3A_323, %swap3A_324] {strides = array<i32>} : memref<128x128xf32, #tpu.memory_space<vmem>>, vector<1x16xf32>,
      %swap3A_326 = vector.shape_cast %swap3A_325 : vector<1x16xf32> to vector<16xf32>
      %swap3A_327 = vector.shape_cast %broadcast_in_dim3A_322 : vector<16xf32> to vector<1x16xf32>
      tpu.vector_store %arg14[%swap3A_323, %swap3A_324], %swap3A_327 {strides = array<i32>} : memref<128x128xf32, #tpu.memory_space<vmem>>, vector<1x16xf32>,
      %broadcast_in_dim3A_328 = arith.constant 0.000000e+00 : f32
      %broadcast_in_dim3A_329 = vector.broadcast %broadcast_in_dim3A_328 : f32 to vector<16xf32>
      %swap3A_330 = arith.index_cast %scan3A_278 : i32 to index
      %swap3A_331 = arith.constant 112 : index
      %swap3A_332 = tpu.vector_load %arg14[%swap3A_330, %swap3A_331] {strides = array<i32>} : memref<128x128xf32, #tpu.memory_space<vmem>>, vector<1x16xf32>,
      %swap3A_333 = vector.shape_cast %swap3A_332 : vector<1x16xf32> to vector<16xf32>
      %swap3A_334 = vector.shape_cast %broadcast_in_dim3A_329 : vector<16xf32> to vector<1x16xf32>
      tpu.vector_store %arg14[%swap3A_330, %swap3A_331], %swap3A_334 {strides = array<i32>} : memref<128x128xf32, #tpu.memory_space<vmem>>, vector<1x16xf32>,
    }
    %scan3A_4 = arith.constant 128 : i32
    %mul3A = arith.constant 640 : i32
    %mul3A_5 = arith.muli %arg1, %mul3A : i32
    %add3A = arith.constant 0 : i32
    %add3A_6 = arith.addi %mul3A_5, %add3A : i32
    "tpu.region"() ({
      %run_scoped3A = tpu.sem_alloc : memref<!tpu.dma_semaphore, #tpu.memory_space<semaphore_mem>>
      %dma_start3A = arith.constant 0 : i32
      %dma_start3A_278 = tpu.memref_slice %arg16[%add3A_6, %dma_start3A] : memref<10240x128xf32, #tpu.memory_space<vmem_shared>> -> memref<128x128xf32, #tpu.memory_space<vmem_shared>>
      %dma_start3A_279 = arith.constant 0 : i32
      %dma_start3A_280 = tpu.memref_slice %arg16[%add3A_6, %dma_start3A_279] : memref<10240x128xf32, #tpu.memory_space<vmem_shared>> -> memref<128x128xf32, #tpu.memory_space<vmem_shared>>
      tpu.enqueue_dma source(%arg14 : memref<128x128xf32, #tpu.memory_space<vmem>>) target(%dma_start3A_280 : memref<128x128xf32, #tpu.memory_space<vmem_shared>>) target_semaphore(%run_scoped3A : memref<!tpu.dma_semaphore, #tpu.memory_space<semaphore_mem>>)
      %dma_wait3A = arith.constant 0 : i32
      %dma_wait3A_281 = tpu.memref_slice %arg16[%add3A_6, %dma_wait3A] : memref<10240x128xf32, #tpu.memory_space<vmem_shared>> -> memref<128x128xf32, #tpu.memory_space<vmem_shared>>
      %dma_wait3A_282 = arith.constant 0 : i32
      %dma_wait3A_283 = tpu.memref_slice %arg16[%add3A_6, %dma_wait3A_282] : memref<10240x128xf32, #tpu.memory_space<vmem_shared>> -> memref<128x128xf32, #tpu.memory_space<vmem_shared>>
      tpu.wait_dma2 semaphore(%run_scoped3A : memref<!tpu.dma_semaphore, #tpu.memory_space<semaphore_mem>>) src(%arg14 : memref<128x128xf32, #tpu.memory_space<vmem>>) dst(%dma_wait3A_283 : memref<128x128xf32, #tpu.memory_space<vmem_shared>>)
      tpu.yield
    }) : () -> ()
    %mul3A_7 = arith.constant 640 : i32
    %mul3A_8 = arith.muli %arg1, %mul3A_7 : i32
    %add3A_9 = arith.constant 128 : i32
    %add3A_10 = arith.addi %mul3A_8, %add3A_9 : i32
    "tpu.region"() ({
      %run_scoped3A = tpu.sem_alloc : memref<!tpu.dma_semaphore, #tpu.memory_space<semaphore_mem>>
      %dma_start3A = arith.constant 0 : i32
      %dma_start3A_278 = tpu.memref_slice %arg16[%add3A_10, %dma_start3A] : memref<10240x128xf32, #tpu.memory_space<vmem_shared>> -> memref<128x128xf32, #tpu.memory_space<vmem_shared>>
      %dma_start3A_279 = arith.constant 0 : i32
      %dma_start3A_280 = tpu.memref_slice %arg16[%add3A_10, %dma_start3A_279] : memref<10240x128xf32, #tpu.memory_space<vmem_shared>> -> memref<128x128xf32, #tpu.memory_space<vmem_shared>>
      tpu.enqueue_dma source(%arg14 : memref<128x128xf32, #tpu.memory_space<vmem>>) target(%dma_start3A_280 : memref<128x128xf32, #tpu.memory_space<vmem_shared>>) target_semaphore(%run_scoped3A : memref<!tpu.dma_semaphore, #tpu.memory_space<semaphore_mem>>)
      %dma_wait3A = arith.constant 0 : i32
      %dma_wait3A_281 = tpu.memref_slice %arg16[%add3A_10, %dma_wait3A] : memref<10240x128xf32, #tpu.memory_space<vmem_shared>> -> memref<128x128xf32, #tpu.memory_space<vmem_shared>>
      %dma_wait3A_282 = arith.constant 0 : i32
      %dma_wait3A_283 = tpu.memref_slice %arg16[%add3A_10, %dma_wait3A_282] : memref<10240x128xf32, #tpu.memory_space<vmem_shared>> -> memref<128x128xf32, #tpu.memory_space<vmem_shared>>
      tpu.wait_dma2 semaphore(%run_scoped3A : memref<!tpu.dma_semaphore, #tpu.memory_space<semaphore_mem>>) src(%arg14 : memref<128x128xf32, #tpu.memory_space<vmem>>) dst(%dma_wait3A_283 : memref<128x128xf32, #tpu.memory_space<vmem_shared>>)
      tpu.yield
    }) : () -> ()
    %mul3A_11 = arith.constant 640 : i32
    %mul3A_12 = arith.muli %arg1, %mul3A_11 : i32
    %add3A_13 = arith.constant 256 : i32
    %add3A_14 = arith.addi %mul3A_12, %add3A_13 : i32
    "tpu.region"() ({
      %run_scoped3A = tpu.sem_alloc : memref<!tpu.dma_semaphore, #tpu.memory_space<semaphore_mem>>
      %dma_start3A = arith.constant 0 : i32
      %dma_start3A_278 = tpu.memref_slice %arg16[%add3A_14, %dma_start3A] : memref<10240x128xf32, #tpu.memory_space<vmem_shared>> -> memref<128x128xf32, #tpu.memory_space<vmem_shared>>
      %dma_start3A_279 = arith.constant 0 : i32
      %dma_start3A_280 = tpu.memref_slice %arg16[%add3A_14, %dma_start3A_279] : memref<10240x128xf32, #tpu.memory_space<vmem_shared>> -> memref<128x128xf32, #tpu.memory_space<vmem_shared>>
      tpu.enqueue_dma source(%arg14 : memref<128x128xf32, #tpu.memory_space<vmem>>) target(%dma_start3A_280 : memref<128x128xf32, #tpu.memory_space<vmem_shared>>) target_semaphore(%run_scoped3A : memref<!tpu.dma_semaphore, #tpu.memory_space<semaphore_mem>>)
      %dma_wait3A = arith.constant 0 : i32
      %dma_wait3A_281 = tpu.memref_slice %arg16[%add3A_14, %dma_wait3A] : memref<10240x128xf32, #tpu.memory_space<vmem_shared>> -> memref<128x128xf32, #tpu.memory_space<vmem_shared>>
      %dma_wait3A_282 = arith.constant 0 : i32
      %dma_wait3A_283 = tpu.memref_slice %arg16[%add3A_14, %dma_wait3A_282] : memref<10240x128xf32, #tpu.memory_space<vmem_shared>> -> memref<128x128xf32, #tpu.memory_space<vmem_shared>>
      tpu.wait_dma2 semaphore(%run_scoped3A : memref<!tpu.dma_semaphore, #tpu.memory_space<semaphore_mem>>) src(%arg14 : memref<128x128xf32, #tpu.memory_space<vmem>>) dst(%dma_wait3A_283 : memref<128x128xf32, #tpu.memory_space<vmem_shared>>)
      tpu.yield
    }) : () -> ()
    %mul3A_15 = arith.constant 640 : i32
    %mul3A_16 = arith.muli %arg1, %mul3A_15 : i32
    %add3A_17 = arith.constant 384 : i32
    %add3A_18 = arith.addi %mul3A_16, %add3A_17 : i32
    "tpu.region"() ({
      %run_scoped3A = tpu.sem_alloc : memref<!tpu.dma_semaphore, #tpu.memory_space<semaphore_mem>>
      %dma_start3A = arith.constant 0 : i32
      %dma_start3A_278 = tpu.memref_slice %arg16[%add3A_18, %dma_start3A] : memref<10240x128xf32, #tpu.memory_space<vmem_shared>> -> memref<128x128xf32, #tpu.memory_space<vmem_shared>>
      %dma_start3A_279 = arith.constant 0 : i32
      %dma_start3A_280 = tpu.memref_slice %arg16[%add3A_18, %dma_start3A_279] : memref<10240x128xf32, #tpu.memory_space<vmem_shared>> -> memref<128x128xf32, #tpu.memory_space<vmem_shared>>
      tpu.enqueue_dma source(%arg14 : memref<128x128xf32, #tpu.memory_space<vmem>>) target(%dma_start3A_280 : memref<128x128xf32, #tpu.memory_space<vmem_shared>>) target_semaphore(%run_scoped3A : memref<!tpu.dma_semaphore, #tpu.memory_space<semaphore_mem>>)
      %dma_wait3A = arith.constant 0 : i32
      %dma_wait3A_281 = tpu.memref_slice %arg16[%add3A_18, %dma_wait3A] : memref<10240x128xf32, #tpu.memory_space<vmem_shared>> -> memref<128x128xf32, #tpu.memory_space<vmem_shared>>
      %dma_wait3A_282 = arith.constant 0 : i32
      %dma_wait3A_283 = tpu.memref_slice %arg16[%add3A_18, %dma_wait3A_282] : memref<10240x128xf32, #tpu.memory_space<vmem_shared>> -> memref<128x128xf32, #tpu.memory_space<vmem_shared>>
      tpu.wait_dma2 semaphore(%run_scoped3A : memref<!tpu.dma_semaphore, #tpu.memory_space<semaphore_mem>>) src(%arg14 : memref<128x128xf32, #tpu.memory_space<vmem>>) dst(%dma_wait3A_283 : memref<128x128xf32, #tpu.memory_space<vmem_shared>>)
      tpu.yield
    }) : () -> ()
    %mul3A_19 = arith.constant 640 : i32
    %mul3A_20 = arith.muli %arg1, %mul3A_19 : i32
    %add3A_21 = arith.constant 512 : i32
    %add3A_22 = arith.addi %mul3A_20, %add3A_21 : i32
    "tpu.region"() ({
      %run_scoped3A = tpu.sem_alloc : memref<!tpu.dma_semaphore, #tpu.memory_space<semaphore_mem>>
      %dma_start3A = arith.constant 0 : i32
      %dma_start3A_278 = tpu.memref_slice %arg16[%add3A_22, %dma_start3A] : memref<10240x128xf32, #tpu.memory_space<vmem_shared>> -> memref<128x128xf32, #tpu.memory_space<vmem_shared>>
      %dma_start3A_279 = arith.constant 0 : i32
      %dma_start3A_280 = tpu.memref_slice %arg16[%add3A_22, %dma_start3A_279] : memref<10240x128xf32, #tpu.memory_space<vmem_shared>> -> memref<128x128xf32, #tpu.memory_space<vmem_shared>>
      tpu.enqueue_dma source(%arg14 : memref<128x128xf32, #tpu.memory_space<vmem>>) target(%dma_start3A_280 : memref<128x128xf32, #tpu.memory_space<vmem_shared>>) target_semaphore(%run_scoped3A : memref<!tpu.dma_semaphore, #tpu.memory_space<semaphore_mem>>)
      %dma_wait3A = arith.constant 0 : i32
      %dma_wait3A_281 = tpu.memref_slice %arg16[%add3A_22, %dma_wait3A] : memref<10240x128xf32, #tpu.memory_space<vmem_shared>> -> memref<128x128xf32, #tpu.memory_space<vmem_shared>>
      %dma_wait3A_282 = arith.constant 0 : i32
      %dma_wait3A_283 = tpu.memref_slice %arg16[%add3A_22, %dma_wait3A_282] : memref<10240x128xf32, #tpu.memory_space<vmem_shared>> -> memref<128x128xf32, #tpu.memory_space<vmem_shared>>
      tpu.wait_dma2 semaphore(%run_scoped3A : memref<!tpu.dma_semaphore, #tpu.memory_space<semaphore_mem>>) src(%arg14 : memref<128x128xf32, #tpu.memory_space<vmem>>) dst(%dma_wait3A_283 : memref<128x128xf32, #tpu.memory_space<vmem_shared>>)
      tpu.yield
    }) : () -> ()
    %broadcast_in_dim3A = arith.constant 0.000000e+00 : f32
    %broadcast_in_dim3A_23 = vector.broadcast %broadcast_in_dim3A : f32 to vector<16xf32>
    %swap3A = arith.constant 0 : index
    %swap3A_24 = tpu.vector_load %arg15[%swap3A] {strides = array<i32>} : memref<640xf32, #tpu.memory_space<vmem>>, vector<16xf32>,
    %swap3A_25 = vector.shape_cast %swap3A_24 : vector<16xf32> to vector<16xf32>
    %swap3A_26 = vector.shape_cast %broadcast_in_dim3A_23 : vector<16xf32> to vector<16xf32>
    tpu.vector_store %arg15[%swap3A], %swap3A_26 {strides = array<i32>} : memref<640xf32, #tpu.memory_space<vmem>>, vector<16xf32>,
    %broadcast_in_dim3A_27 = arith.constant 0.000000e+00 : f32
    %broadcast_in_dim3A_28 = vector.broadcast %broadcast_in_dim3A_27 : f32 to vector<16xf32>
    %swap3A_29 = arith.constant 16 : index
    %swap3A_30 = tpu.vector_load %arg15[%swap3A_29] {strides = array<i32>} : memref<640xf32, #tpu.memory_space<vmem>>, vector<16xf32>,
    %swap3A_31 = vector.shape_cast %swap3A_30 : vector<16xf32> to vector<16xf32>
    %swap3A_32 = vector.shape_cast %broadcast_in_dim3A_28 : vector<16xf32> to vector<16xf32>
    tpu.vector_store %arg15[%swap3A_29], %swap3A_32 {strides = array<i32>} : memref<640xf32, #tpu.memory_space<vmem>>, vector<16xf32>,
    %broadcast_in_dim3A_33 = arith.constant 0.000000e+00 : f32
    %broadcast_in_dim3A_34 = vector.broadcast %broadcast_in_dim3A_33 : f32 to vector<16xf32>
    %swap3A_35 = arith.constant 32 : index
    %swap3A_36 = tpu.vector_load %arg15[%swap3A_35] {strides = array<i32>} : memref<640xf32, #tpu.memory_space<vmem>>, vector<16xf32>,
    %swap3A_37 = vector.shape_cast %swap3A_36 : vector<16xf32> to vector<16xf32>
    %swap3A_38 = vector.shape_cast %broadcast_in_dim3A_34 : vector<16xf32> to vector<16xf32>
    tpu.vector_store %arg15[%swap3A_35], %swap3A_38 {strides = array<i32>} : memref<640xf32, #tpu.memory_space<vmem>>, vector<16xf32>,
    %broadcast_in_dim3A_39 = arith.constant 0.000000e+00 : f32
    %broadcast_in_dim3A_40 = vector.broadcast %broadcast_in_dim3A_39 : f32 to vector<16xf32>
    %swap3A_41 = arith.constant 48 : index
    %swap3A_42 = tpu.vector_load %arg15[%swap3A_41] {strides = array<i32>} : memref<640xf32, #tpu.memory_space<vmem>>, vector<16xf32>,
    %swap3A_43 = vector.shape_cast %swap3A_42 : vector<16xf32> to vector<16xf32>
    %swap3A_44 = vector.shape_cast %broadcast_in_dim3A_40 : vector<16xf32> to vector<16xf32>
    tpu.vector_store %arg15[%swap3A_41], %swap3A_44 {strides = array<i32>} : memref<640xf32, #tpu.memory_space<vmem>>, vector<16xf32>,
    %broadcast_in_dim3A_45 = arith.constant 0.000000e+00 : f32
    %broadcast_in_dim3A_46 = vector.broadcast %broadcast_in_dim3A_45 : f32 to vector<16xf32>
    %swap3A_47 = arith.constant 64 : index
    %swap3A_48 = tpu.vector_load %arg15[%swap3A_47] {strides = array<i32>} : memref<640xf32, #tpu.memory_space<vmem>>, vector<16xf32>,
    %swap3A_49 = vector.shape_cast %swap3A_48 : vector<16xf32> to vector<16xf32>
    %swap3A_50 = vector.shape_cast %broadcast_in_dim3A_46 : vector<16xf32> to vector<16xf32>
    tpu.vector_store %arg15[%swap3A_47], %swap3A_50 {strides = array<i32>} : memref<640xf32, #tpu.memory_space<vmem>>, vector<16xf32>,
    %broadcast_in_dim3A_51 = arith.constant 0.000000e+00 : f32
    %broadcast_in_dim3A_52 = vector.broadcast %broadcast_in_dim3A_51 : f32 to vector<16xf32>
    %swap3A_53 = arith.constant 80 : index
    %swap3A_54 = tpu.vector_load %arg15[%swap3A_53] {strides = array<i32>} : memref<640xf32, #tpu.memory_space<vmem>>, vector<16xf32>,
    %swap3A_55 = vector.shape_cast %swap3A_54 : vector<16xf32> to vector<16xf32>
    %swap3A_56 = vector.shape_cast %broadcast_in_dim3A_52 : vector<16xf32> to vector<16xf32>
    tpu.vector_store %arg15[%swap3A_53], %swap3A_56 {strides = array<i32>} : memref<640xf32, #tpu.memory_space<vmem>>, vector<16xf32>,
    %broadcast_in_dim3A_57 = arith.constant 0.000000e+00 : f32
    %broadcast_in_dim3A_58 = vector.broadcast %broadcast_in_dim3A_57 : f32 to vector<16xf32>
    %swap3A_59 = arith.constant 96 : index
    %swap3A_60 = tpu.vector_load %arg15[%swap3A_59] {strides = array<i32>} : memref<640xf32, #tpu.memory_space<vmem>>, vector<16xf32>,
    %swap3A_61 = vector.shape_cast %swap3A_60 : vector<16xf32> to vector<16xf32>
    %swap3A_62 = vector.shape_cast %broadcast_in_dim3A_58 : vector<16xf32> to vector<16xf32>
    tpu.vector_store %arg15[%swap3A_59], %swap3A_62 {strides = array<i32>} : memref<640xf32, #tpu.memory_space<vmem>>, vector<16xf32>,
    %broadcast_in_dim3A_63 = arith.constant 0.000000e+00 : f32
    %broadcast_in_dim3A_64 = vector.broadcast %broadcast_in_dim3A_63 : f32 to vector<16xf32>
    %swap3A_65 = arith.constant 112 : index
    %swap3A_66 = tpu.vector_load %arg15[%swap3A_65] {strides = array<i32>} : memref<640xf32, #tpu.memory_space<vmem>>, vector<16xf32>,
    %swap3A_67 = vector.shape_cast %swap3A_66 : vector<16xf32> to vector<16xf32>
    %swap3A_68 = vector.shape_cast %broadcast_in_dim3A_64 : vector<16xf32> to vector<16xf32>
    tpu.vector_store %arg15[%swap3A_65], %swap3A_68 {strides = array<i32>} : memref<640xf32, #tpu.memory_space<vmem>>, vector<16xf32>,
    %broadcast_in_dim3A_69 = arith.constant 0.000000e+00 : f32
    %broadcast_in_dim3A_70 = vector.broadcast %broadcast_in_dim3A_69 : f32 to vector<16xf32>
    %swap3A_71 = arith.constant 128 : index
    %swap3A_72 = tpu.vector_load %arg15[%swap3A_71] {strides = array<i32>} : memref<640xf32, #tpu.memory_space<vmem>>, vector<16xf32>,
    %swap3A_73 = vector.shape_cast %swap3A_72 : vector<16xf32> to vector<16xf32>
    %swap3A_74 = vector.shape_cast %broadcast_in_dim3A_70 : vector<16xf32> to vector<16xf32>
    tpu.vector_store %arg15[%swap3A_71], %swap3A_74 {strides = array<i32>} : memref<640xf32, #tpu.memory_space<vmem>>, vector<16xf32>,
    %broadcast_in_dim3A_75 = arith.constant 0.000000e+00 : f32
    %broadcast_in_dim3A_76 = vector.broadcast %broadcast_in_dim3A_75 : f32 to vector<16xf32>
    %swap3A_77 = arith.constant 144 : index
    %swap3A_78 = tpu.vector_load %arg15[%swap3A_77] {strides = array<i32>} : memref<640xf32, #tpu.memory_space<vmem>>, vector<16xf32>,
    %swap3A_79 = vector.shape_cast %swap3A_78 : vector<16xf32> to vector<16xf32>
    %swap3A_80 = vector.shape_cast %broadcast_in_dim3A_76 : vector<16xf32> to vector<16xf32>
    tpu.vector_store %arg15[%swap3A_77], %swap3A_80 {strides = array<i32>} : memref<640xf32, #tpu.memory_space<vmem>>, vector<16xf32>,
    %broadcast_in_dim3A_81 = arith.constant 0.000000e+00 : f32
    %broadcast_in_dim3A_82 = vector.broadcast %broadcast_in_dim3A_81 : f32 to vector<16xf32>
    %swap3A_83 = arith.constant 160 : index
    %swap3A_84 = tpu.vector_load %arg15[%swap3A_83] {strides = array<i32>} : memref<640xf32, #tpu.memory_space<vmem>>, vector<16xf32>,
    %swap3A_85 = vector.shape_cast %swap3A_84 : vector<16xf32> to vector<16xf32>
    %swap3A_86 = vector.shape_cast %broadcast_in_dim3A_82 : vector<16xf32> to vector<16xf32>
    tpu.vector_store %arg15[%swap3A_83], %swap3A_86 {strides = array<i32>} : memref<640xf32, #tpu.memory_space<vmem>>, vector<16xf32>,
    %broadcast_in_dim3A_87 = arith.constant 0.000000e+00 : f32
    %broadcast_in_dim3A_88 = vector.broadcast %broadcast_in_dim3A_87 : f32 to vector<16xf32>
    %swap3A_89 = arith.constant 176 : index
    %swap3A_90 = tpu.vector_load %arg15[%swap3A_89] {strides = array<i32>} : memref<640xf32, #tpu.memory_space<vmem>>, vector<16xf32>,
    %swap3A_91 = vector.shape_cast %swap3A_90 : vector<16xf32> to vector<16xf32>
    %swap3A_92 = vector.shape_cast %broadcast_in_dim3A_88 : vector<16xf32> to vector<16xf32>
    tpu.vector_store %arg15[%swap3A_89], %swap3A_92 {strides = array<i32>} : memref<640xf32, #tpu.memory_space<vmem>>, vector<16xf32>,
    %broadcast_in_dim3A_93 = arith.constant 0.000000e+00 : f32
    %broadcast_in_dim3A_94 = vector.broadcast %broadcast_in_dim3A_93 : f32 to vector<16xf32>
    %swap3A_95 = arith.constant 192 : index
    %swap3A_96 = tpu.vector_load %arg15[%swap3A_95] {strides = array<i32>} : memref<640xf32, #tpu.memory_space<vmem>>, vector<16xf32>,
    %swap3A_97 = vector.shape_cast %swap3A_96 : vector<16xf32> to vector<16xf32>
    %swap3A_98 = vector.shape_cast %broadcast_in_dim3A_94 : vector<16xf32> to vector<16xf32>
    tpu.vector_store %arg15[%swap3A_95], %swap3A_98 {strides = array<i32>} : memref<640xf32, #tpu.memory_space<vmem>>, vector<16xf32>,
    %broadcast_in_dim3A_99 = arith.constant 0.000000e+00 : f32
    %broadcast_in_dim3A_100 = vector.broadcast %broadcast_in_dim3A_99 : f32 to vector<16xf32>
    %swap3A_101 = arith.constant 208 : index
    %swap3A_102 = tpu.vector_load %arg15[%swap3A_101] {strides = array<i32>} : memref<640xf32, #tpu.memory_space<vmem>>, vector<16xf32>,
    %swap3A_103 = vector.shape_cast %swap3A_102 : vector<16xf32> to vector<16xf32>
    %swap3A_104 = vector.shape_cast %broadcast_in_dim3A_100 : vector<16xf32> to vector<16xf32>
    tpu.vector_store %arg15[%swap3A_101], %swap3A_104 {strides = array<i32>} : memref<640xf32, #tpu.memory_space<vmem>>, vector<16xf32>,
    %broadcast_in_dim3A_105 = arith.constant 0.000000e+00 : f32
    %broadcast_in_dim3A_106 = vector.broadcast %broadcast_in_dim3A_105 : f32 to vector<16xf32>
    %swap3A_107 = arith.constant 224 : index
    %swap3A_108 = tpu.vector_load %arg15[%swap3A_107] {strides = array<i32>} : memref<640xf32, #tpu.memory_space<vmem>>, vector<16xf32>,
    %swap3A_109 = vector.shape_cast %swap3A_108 : vector<16xf32> to vector<16xf32>
    %swap3A_110 = vector.shape_cast %broadcast_in_dim3A_106 : vector<16xf32> to vector<16xf32>
    tpu.vector_store %arg15[%swap3A_107], %swap3A_110 {strides = array<i32>} : memref<640xf32, #tpu.memory_space<vmem>>, vector<16xf32>,
    %broadcast_in_dim3A_111 = arith.constant 0.000000e+00 : f32
    %broadcast_in_dim3A_112 = vector.broadcast %broadcast_in_dim3A_111 : f32 to vector<16xf32>
    %swap3A_113 = arith.constant 240 : index
    %swap3A_114 = tpu.vector_load %arg15[%swap3A_113] {strides = array<i32>} : memref<640xf32, #tpu.memory_space<vmem>>, vector<16xf32>,
    %swap3A_115 = vector.shape_cast %swap3A_114 : vector<16xf32> to vector<16xf32>
    %swap3A_116 = vector.shape_cast %broadcast_in_dim3A_112 : vector<16xf32> to vector<16xf32>
    tpu.vector_store %arg15[%swap3A_113], %swap3A_116 {strides = array<i32>} : memref<640xf32, #tpu.memory_space<vmem>>, vector<16xf32>,
    %broadcast_in_dim3A_117 = arith.constant 0.000000e+00 : f32
    %broadcast_in_dim3A_118 = vector.broadcast %broadcast_in_dim3A_117 : f32 to vector<16xf32>
    %swap3A_119 = arith.constant 256 : index
    %swap3A_120 = tpu.vector_load %arg15[%swap3A_119] {strides = array<i32>} : memref<640xf32, #tpu.memory_space<vmem>>, vector<16xf32>,
    %swap3A_121 = vector.shape_cast %swap3A_120 : vector<16xf32> to vector<16xf32>
    %swap3A_122 = vector.shape_cast %broadcast_in_dim3A_118 : vector<16xf32> to vector<16xf32>
    tpu.vector_store %arg15[%swap3A_119], %swap3A_122 {strides = array<i32>} : memref<640xf32, #tpu.memory_space<vmem>>, vector<16xf32>,
    %broadcast_in_dim3A_123 = arith.constant 0.000000e+00 : f32
    %broadcast_in_dim3A_124 = vector.broadcast %broadcast_in_dim3A_123 : f32 to vector<16xf32>
    %swap3A_125 = arith.constant 272 : index
    %swap3A_126 = tpu.vector_load %arg15[%swap3A_125] {strides = array<i32>} : memref<640xf32, #tpu.memory_space<vmem>>, vector<16xf32>,
    %swap3A_127 = vector.shape_cast %swap3A_126 : vector<16xf32> to vector<16xf32>
    %swap3A_128 = vector.shape_cast %broadcast_in_dim3A_124 : vector<16xf32> to vector<16xf32>
    tpu.vector_store %arg15[%swap3A_125], %swap3A_128 {strides = array<i32>} : memref<640xf32, #tpu.memory_space<vmem>>, vector<16xf32>,
    %broadcast_in_dim3A_129 = arith.constant 0.000000e+00 : f32
    %broadcast_in_dim3A_130 = vector.broadcast %broadcast_in_dim3A_129 : f32 to vector<16xf32>
    %swap3A_131 = arith.constant 288 : index
    %swap3A_132 = tpu.vector_load %arg15[%swap3A_131] {strides = array<i32>} : memref<640xf32, #tpu.memory_space<vmem>>, vector<16xf32>,
    %swap3A_133 = vector.shape_cast %swap3A_132 : vector<16xf32> to vector<16xf32>
    %swap3A_134 = vector.shape_cast %broadcast_in_dim3A_130 : vector<16xf32> to vector<16xf32>
    tpu.vector_store %arg15[%swap3A_131], %swap3A_134 {strides = array<i32>} : memref<640xf32, #tpu.memory_space<vmem>>, vector<16xf32>,
    %broadcast_in_dim3A_135 = arith.constant 0.000000e+00 : f32
    %broadcast_in_dim3A_136 = vector.broadcast %broadcast_in_dim3A_135 : f32 to vector<16xf32>
    %swap3A_137 = arith.constant 304 : index
    %swap3A_138 = tpu.vector_load %arg15[%swap3A_137] {strides = array<i32>} : memref<640xf32, #tpu.memory_space<vmem>>, vector<16xf32>,
    %swap3A_139 = vector.shape_cast %swap3A_138 : vector<16xf32> to vector<16xf32>
    %swap3A_140 = vector.shape_cast %broadcast_in_dim3A_136 : vector<16xf32> to vector<16xf32>
    tpu.vector_store %arg15[%swap3A_137], %swap3A_140 {strides = array<i32>} : memref<640xf32, #tpu.memory_space<vmem>>, vector<16xf32>,
    %broadcast_in_dim3A_141 = arith.constant 0.000000e+00 : f32
    %broadcast_in_dim3A_142 = vector.broadcast %broadcast_in_dim3A_141 : f32 to vector<16xf32>
    %swap3A_143 = arith.constant 320 : index
    %swap3A_144 = tpu.vector_load %arg15[%swap3A_143] {strides = array<i32>} : memref<640xf32, #tpu.memory_space<vmem>>, vector<16xf32>,
    %swap3A_145 = vector.shape_cast %swap3A_144 : vector<16xf32> to vector<16xf32>
    %swap3A_146 = vector.shape_cast %broadcast_in_dim3A_142 : vector<16xf32> to vector<16xf32>
    tpu.vector_store %arg15[%swap3A_143], %swap3A_146 {strides = array<i32>} : memref<640xf32, #tpu.memory_space<vmem>>, vector<16xf32>,
    %broadcast_in_dim3A_147 = arith.constant 0.000000e+00 : f32
    %broadcast_in_dim3A_148 = vector.broadcast %broadcast_in_dim3A_147 : f32 to vector<16xf32>
    %swap3A_149 = arith.constant 336 : index
    %swap3A_150 = tpu.vector_load %arg15[%swap3A_149] {strides = array<i32>} : memref<640xf32, #tpu.memory_space<vmem>>, vector<16xf32>,
    %swap3A_151 = vector.shape_cast %swap3A_150 : vector<16xf32> to vector<16xf32>
    %swap3A_152 = vector.shape_cast %broadcast_in_dim3A_148 : vector<16xf32> to vector<16xf32>
    tpu.vector_store %arg15[%swap3A_149], %swap3A_152 {strides = array<i32>} : memref<640xf32, #tpu.memory_space<vmem>>, vector<16xf32>,
    %broadcast_in_dim3A_153 = arith.constant 0.000000e+00 : f32
    %broadcast_in_dim3A_154 = vector.broadcast %broadcast_in_dim3A_153 : f32 to vector<16xf32>
    %swap3A_155 = arith.constant 352 : index
    %swap3A_156 = tpu.vector_load %arg15[%swap3A_155] {strides = array<i32>} : memref<640xf32, #tpu.memory_space<vmem>>, vector<16xf32>,
    %swap3A_157 = vector.shape_cast %swap3A_156 : vector<16xf32> to vector<16xf32>
    %swap3A_158 = vector.shape_cast %broadcast_in_dim3A_154 : vector<16xf32> to vector<16xf32>
    tpu.vector_store %arg15[%swap3A_155], %swap3A_158 {strides = array<i32>} : memref<640xf32, #tpu.memory_space<vmem>>, vector<16xf32>,
    %broadcast_in_dim3A_159 = arith.constant 0.000000e+00 : f32
    %broadcast_in_dim3A_160 = vector.broadcast %broadcast_in_dim3A_159 : f32 to vector<16xf32>
    %swap3A_161 = arith.constant 368 : index
    %swap3A_162 = tpu.vector_load %arg15[%swap3A_161] {strides = array<i32>} : memref<640xf32, #tpu.memory_space<vmem>>, vector<16xf32>,
    %swap3A_163 = vector.shape_cast %swap3A_162 : vector<16xf32> to vector<16xf32>
    %swap3A_164 = vector.shape_cast %broadcast_in_dim3A_160 : vector<16xf32> to vector<16xf32>
    tpu.vector_store %arg15[%swap3A_161], %swap3A_164 {strides = array<i32>} : memref<640xf32, #tpu.memory_space<vmem>>, vector<16xf32>,
    %broadcast_in_dim3A_165 = arith.constant 0.000000e+00 : f32
    %broadcast_in_dim3A_166 = vector.broadcast %broadcast_in_dim3A_165 : f32 to vector<16xf32>
    %swap3A_167 = arith.constant 384 : index
    %swap3A_168 = tpu.vector_load %arg15[%swap3A_167] {strides = array<i32>} : memref<640xf32, #tpu.memory_space<vmem>>, vector<16xf32>,
    %swap3A_169 = vector.shape_cast %swap3A_168 : vector<16xf32> to vector<16xf32>
    %swap3A_170 = vector.shape_cast %broadcast_in_dim3A_166 : vector<16xf32> to vector<16xf32>
    tpu.vector_store %arg15[%swap3A_167], %swap3A_170 {strides = array<i32>} : memref<640xf32, #tpu.memory_space<vmem>>, vector<16xf32>,
    %broadcast_in_dim3A_171 = arith.constant 0.000000e+00 : f32
    %broadcast_in_dim3A_172 = vector.broadcast %broadcast_in_dim3A_171 : f32 to vector<16xf32>
    %swap3A_173 = arith.constant 400 : index
    %swap3A_174 = tpu.vector_load %arg15[%swap3A_173] {strides = array<i32>} : memref<640xf32, #tpu.memory_space<vmem>>, vector<16xf32>,
    %swap3A_175 = vector.shape_cast %swap3A_174 : vector<16xf32> to vector<16xf32>
    %swap3A_176 = vector.shape_cast %broadcast_in_dim3A_172 : vector<16xf32> to vector<16xf32>
    tpu.vector_store %arg15[%swap3A_173], %swap3A_176 {strides = array<i32>} : memref<640xf32, #tpu.memory_space<vmem>>, vector<16xf32>,
    %broadcast_in_dim3A_177 = arith.constant 0.000000e+00 : f32
    %broadcast_in_dim3A_178 = vector.broadcast %broadcast_in_dim3A_177 : f32 to vector<16xf32>
    %swap3A_179 = arith.constant 416 : index
    %swap3A_180 = tpu.vector_load %arg15[%swap3A_179] {strides = array<i32>} : memref<640xf32, #tpu.memory_space<vmem>>, vector<16xf32>,
    %swap3A_181 = vector.shape_cast %swap3A_180 : vector<16xf32> to vector<16xf32>
    %swap3A_182 = vector.shape_cast %broadcast_in_dim3A_178 : vector<16xf32> to vector<16xf32>
    tpu.vector_store %arg15[%swap3A_179], %swap3A_182 {strides = array<i32>} : memref<640xf32, #tpu.memory_space<vmem>>, vector<16xf32>,
    %broadcast_in_dim3A_183 = arith.constant 0.000000e+00 : f32
    %broadcast_in_dim3A_184 = vector.broadcast %broadcast_in_dim3A_183 : f32 to vector<16xf32>
    %swap3A_185 = arith.constant 432 : index
    %swap3A_186 = tpu.vector_load %arg15[%swap3A_185] {strides = array<i32>} : memref<640xf32, #tpu.memory_space<vmem>>, vector<16xf32>,
    %swap3A_187 = vector.shape_cast %swap3A_186 : vector<16xf32> to vector<16xf32>
    %swap3A_188 = vector.shape_cast %broadcast_in_dim3A_184 : vector<16xf32> to vector<16xf32>
    tpu.vector_store %arg15[%swap3A_185], %swap3A_188 {strides = array<i32>} : memref<640xf32, #tpu.memory_space<vmem>>, vector<16xf32>,
    %broadcast_in_dim3A_189 = arith.constant 0.000000e+00 : f32
    %broadcast_in_dim3A_190 = vector.broadcast %broadcast_in_dim3A_189 : f32 to vector<16xf32>
    %swap3A_191 = arith.constant 448 : index
    %swap3A_192 = tpu.vector_load %arg15[%swap3A_191] {strides = array<i32>} : memref<640xf32, #tpu.memory_space<vmem>>, vector<16xf32>,
    %swap3A_193 = vector.shape_cast %swap3A_192 : vector<16xf32> to vector<16xf32>
    %swap3A_194 = vector.shape_cast %broadcast_in_dim3A_190 : vector<16xf32> to vector<16xf32>
    tpu.vector_store %arg15[%swap3A_191], %swap3A_194 {strides = array<i32>} : memref<640xf32, #tpu.memory_space<vmem>>, vector<16xf32>,
    %broadcast_in_dim3A_195 = arith.constant 0.000000e+00 : f32
    %broadcast_in_dim3A_196 = vector.broadcast %broadcast_in_dim3A_195 : f32 to vector<16xf32>
    %swap3A_197 = arith.constant 464 : index
    %swap3A_198 = tpu.vector_load %arg15[%swap3A_197] {strides = array<i32>} : memref<640xf32, #tpu.memory_space<vmem>>, vector<16xf32>,
    %swap3A_199 = vector.shape_cast %swap3A_198 : vector<16xf32> to vector<16xf32>
    %swap3A_200 = vector.shape_cast %broadcast_in_dim3A_196 : vector<16xf32> to vector<16xf32>
    tpu.vector_store %arg15[%swap3A_197], %swap3A_200 {strides = array<i32>} : memref<640xf32, #tpu.memory_space<vmem>>, vector<16xf32>,
    %broadcast_in_dim3A_201 = arith.constant 0.000000e+00 : f32
    %broadcast_in_dim3A_202 = vector.broadcast %broadcast_in_dim3A_201 : f32 to vector<16xf32>
    %swap3A_203 = arith.constant 480 : index
    %swap3A_204 = tpu.vector_load %arg15[%swap3A_203] {strides = array<i32>} : memref<640xf32, #tpu.memory_space<vmem>>, vector<16xf32>,
    %swap3A_205 = vector.shape_cast %swap3A_204 : vector<16xf32> to vector<16xf32>
    %swap3A_206 = vector.shape_cast %broadcast_in_dim3A_202 : vector<16xf32> to vector<16xf32>
    tpu.vector_store %arg15[%swap3A_203], %swap3A_206 {strides = array<i32>} : memref<640xf32, #tpu.memory_space<vmem>>, vector<16xf32>,
    %broadcast_in_dim3A_207 = arith.constant 0.000000e+00 : f32
    %broadcast_in_dim3A_208 = vector.broadcast %broadcast_in_dim3A_207 : f32 to vector<16xf32>
    %swap3A_209 = arith.constant 496 : index
    %swap3A_210 = tpu.vector_load %arg15[%swap3A_209] {strides = array<i32>} : memref<640xf32, #tpu.memory_space<vmem>>, vector<16xf32>,
    %swap3A_211 = vector.shape_cast %swap3A_210 : vector<16xf32> to vector<16xf32>
    %swap3A_212 = vector.shape_cast %broadcast_in_dim3A_208 : vector<16xf32> to vector<16xf32>
    tpu.vector_store %arg15[%swap3A_209], %swap3A_212 {strides = array<i32>} : memref<640xf32, #tpu.memory_space<vmem>>, vector<16xf32>,
    %broadcast_in_dim3A_213 = arith.constant 0.000000e+00 : f32
    %broadcast_in_dim3A_214 = vector.broadcast %broadcast_in_dim3A_213 : f32 to vector<16xf32>
    %swap3A_215 = arith.constant 512 : index
    %swap3A_216 = tpu.vector_load %arg15[%swap3A_215] {strides = array<i32>} : memref<640xf32, #tpu.memory_space<vmem>>, vector<16xf32>,
    %swap3A_217 = vector.shape_cast %swap3A_216 : vector<16xf32> to vector<16xf32>
    %swap3A_218 = vector.shape_cast %broadcast_in_dim3A_214 : vector<16xf32> to vector<16xf32>
    tpu.vector_store %arg15[%swap3A_215], %swap3A_218 {strides = array<i32>} : memref<640xf32, #tpu.memory_space<vmem>>, vector<16xf32>,
    %broadcast_in_dim3A_219 = arith.constant 0.000000e+00 : f32
    %broadcast_in_dim3A_220 = vector.broadcast %broadcast_in_dim3A_219 : f32 to vector<16xf32>
    %swap3A_221 = arith.constant 528 : index
    %swap3A_222 = tpu.vector_load %arg15[%swap3A_221] {strides = array<i32>} : memref<640xf32, #tpu.memory_space<vmem>>, vector<16xf32>,
    %swap3A_223 = vector.shape_cast %swap3A_222 : vector<16xf32> to vector<16xf32>
    %swap3A_224 = vector.shape_cast %broadcast_in_dim3A_220 : vector<16xf32> to vector<16xf32>
    tpu.vector_store %arg15[%swap3A_221], %swap3A_224 {strides = array<i32>} : memref<640xf32, #tpu.memory_space<vmem>>, vector<16xf32>,
    %broadcast_in_dim3A_225 = arith.constant 0.000000e+00 : f32
    %broadcast_in_dim3A_226 = vector.broadcast %broadcast_in_dim3A_225 : f32 to vector<16xf32>
    %swap3A_227 = arith.constant 544 : index
    %swap3A_228 = tpu.vector_load %arg15[%swap3A_227] {strides = array<i32>} : memref<640xf32, #tpu.memory_space<vmem>>, vector<16xf32>,
    %swap3A_229 = vector.shape_cast %swap3A_228 : vector<16xf32> to vector<16xf32>
    %swap3A_230 = vector.shape_cast %broadcast_in_dim3A_226 : vector<16xf32> to vector<16xf32>
    tpu.vector_store %arg15[%swap3A_227], %swap3A_230 {strides = array<i32>} : memref<640xf32, #tpu.memory_space<vmem>>, vector<16xf32>,
    %broadcast_in_dim3A_231 = arith.constant 0.000000e+00 : f32
    %broadcast_in_dim3A_232 = vector.broadcast %broadcast_in_dim3A_231 : f32 to vector<16xf32>
    %swap3A_233 = arith.constant 560 : index
    %swap3A_234 = tpu.vector_load %arg15[%swap3A_233] {strides = array<i32>} : memref<640xf32, #tpu.memory_space<vmem>>, vector<16xf32>,
    %swap3A_235 = vector.shape_cast %swap3A_234 : vector<16xf32> to vector<16xf32>
    %swap3A_236 = vector.shape_cast %broadcast_in_dim3A_232 : vector<16xf32> to vector<16xf32>
    tpu.vector_store %arg15[%swap3A_233], %swap3A_236 {strides = array<i32>} : memref<640xf32, #tpu.memory_space<vmem>>, vector<16xf32>,
    %broadcast_in_dim3A_237 = arith.constant 0.000000e+00 : f32
    %broadcast_in_dim3A_238 = vector.broadcast %broadcast_in_dim3A_237 : f32 to vector<16xf32>
    %swap3A_239 = arith.constant 576 : index
    %swap3A_240 = tpu.vector_load %arg15[%swap3A_239] {strides = array<i32>} : memref<640xf32, #tpu.memory_space<vmem>>, vector<16xf32>,
    %swap3A_241 = vector.shape_cast %swap3A_240 : vector<16xf32> to vector<16xf32>
    %swap3A_242 = vector.shape_cast %broadcast_in_dim3A_238 : vector<16xf32> to vector<16xf32>
    tpu.vector_store %arg15[%swap3A_239], %swap3A_242 {strides = array<i32>} : memref<640xf32, #tpu.memory_space<vmem>>, vector<16xf32>,
    %broadcast_in_dim3A_243 = arith.constant 0.000000e+00 : f32
    %broadcast_in_dim3A_244 = vector.broadcast %broadcast_in_dim3A_243 : f32 to vector<16xf32>
    %swap3A_245 = arith.constant 592 : index
    %swap3A_246 = tpu.vector_load %arg15[%swap3A_245] {strides = array<i32>} : memref<640xf32, #tpu.memory_space<vmem>>, vector<16xf32>,
    %swap3A_247 = vector.shape_cast %swap3A_246 : vector<16xf32> to vector<16xf32>
    %swap3A_248 = vector.shape_cast %broadcast_in_dim3A_244 : vector<16xf32> to vector<16xf32>
    tpu.vector_store %arg15[%swap3A_245], %swap3A_248 {strides = array<i32>} : memref<640xf32, #tpu.memory_space<vmem>>, vector<16xf32>,
    %broadcast_in_dim3A_249 = arith.constant 0.000000e+00 : f32
    %broadcast_in_dim3A_250 = vector.broadcast %broadcast_in_dim3A_249 : f32 to vector<16xf32>
    %swap3A_251 = arith.constant 608 : index
    %swap3A_252 = tpu.vector_load %arg15[%swap3A_251] {strides = array<i32>} : memref<640xf32, #tpu.memory_space<vmem>>, vector<16xf32>,
    %swap3A_253 = vector.shape_cast %swap3A_252 : vector<16xf32> to vector<16xf32>
    %swap3A_254 = vector.shape_cast %broadcast_in_dim3A_250 : vector<16xf32> to vector<16xf32>
    tpu.vector_store %arg15[%swap3A_251], %swap3A_254 {strides = array<i32>} : memref<640xf32, #tpu.memory_space<vmem>>, vector<16xf32>,
    %broadcast_in_dim3A_255 = arith.constant 0.000000e+00 : f32
    %broadcast_in_dim3A_256 = vector.broadcast %broadcast_in_dim3A_255 : f32 to vector<16xf32>
    %swap3A_257 = arith.constant 624 : index
    %swap3A_258 = tpu.vector_load %arg15[%swap3A_257] {strides = array<i32>} : memref<640xf32, #tpu.memory_space<vmem>>, vector<16xf32>,
    %swap3A_259 = vector.shape_cast %swap3A_258 : vector<16xf32> to vector<16xf32>
    %swap3A_260 = vector.shape_cast %broadcast_in_dim3A_256 : vector<16xf32> to vector<16xf32>
    tpu.vector_store %arg15[%swap3A_257], %swap3A_260 {strides = array<i32>} : memref<640xf32, #tpu.memory_space<vmem>>, vector<16xf32>,
    %mul3A_261 = arith.constant 640 : i32
    %mul3A_262 = arith.muli %arg1, %mul3A_261 : i32
    "tpu.region"() ({
      %run_scoped3A = tpu.sem_alloc : memref<!tpu.dma_semaphore, #tpu.memory_space<semaphore_mem>>
      %dma_start3A = tpu.memref_slice %arg17[%mul3A_262] : memref<10240xf32, #tpu.memory_space<vmem_shared>> -> memref<640xf32, #tpu.memory_space<vmem_shared>>
      %dma_start3A_278 = tpu.memref_slice %arg17[%mul3A_262] : memref<10240xf32, #tpu.memory_space<vmem_shared>> -> memref<640xf32, #tpu.memory_space<vmem_shared>>
      tpu.enqueue_dma source(%arg15 : memref<640xf32, #tpu.memory_space<vmem>>) target(%dma_start3A_278 : memref<640xf32, #tpu.memory_space<vmem_shared>>) target_semaphore(%run_scoped3A : memref<!tpu.dma_semaphore, #tpu.memory_space<semaphore_mem>>)
      %dma_wait3A = tpu.memref_slice %arg17[%mul3A_262] : memref<10240xf32, #tpu.memory_space<vmem_shared>> -> memref<640xf32, #tpu.memory_space<vmem_shared>>
      %dma_wait3A_279 = tpu.memref_slice %arg17[%mul3A_262] : memref<10240xf32, #tpu.memory_space<vmem_shared>> -> memref<640xf32, #tpu.memory_space<vmem_shared>>
      tpu.wait_dma2 semaphore(%run_scoped3A : memref<!tpu.dma_semaphore, #tpu.memory_space<semaphore_mem>>) src(%arg15 : memref<640xf32, #tpu.memory_space<vmem>>) dst(%dma_wait3A_279 : memref<640xf32, #tpu.memory_space<vmem_shared>>)
      tpu.yield
    }) : () -> ()
    %barrier3A = arith.constant 0 : index
    tpu.barrier barrier_id(%barrier3A)
    %scan3A_263 = arith.constant 0 : i32
    %scan3A_264 = arith.constant 0 : i32
    %scan3A_265 = arith.constant 80 : i32
    %scan3A_266 = arith.addi %scan3A_264, %scan3A_265 : i32
    %scan3A_267 = arith.constant 1 : i32
    scf.for %scan3A_278 = %scan3A_264 to %scan3A_266 step %scan3A_267  : i32 {
      "tpu.region"() ({
        %run_scoped3A = tpu.sem_alloc : memref<!tpu.dma_semaphore, #tpu.memory_space<semaphore_mem>>
        %dma_start3A = arith.constant 0 : i32
        %dma_start3A_433 = tpu.memref_slice %arg9[%scan3A_278, %dma_start3A] : memref<80x128xi32, #tpu.memory_space<vmem>> -> memref<1x128xi32, #tpu.memory_space<vmem>>
        %dma_start3A_434 = tpu.memref_squeeze %dma_start3A_433 : memref<1x128xi32, #tpu.memory_space<vmem>> -> memref<128xi32, #tpu.memory_space<vmem>>
        %dma_start3A_435 = arith.constant 0 : i32
        %dma_start3A_436 = tpu.memref_slice %arg3[%dma_start3A_435] : memref<10240xf32, #tpu.memory_space<hbm>> -> memref<10240xf32, #tpu.memory_space<hbm>>
        tpu.enqueue_indirect_dma source(%dma_start3A_436 : memref<10240xf32, #tpu.memory_space<hbm>>) target(%arg11 : memref<128xf32, #tpu.memory_space<vmem>>) offsets(%dma_start3A_434 : memref<128xi32, #tpu.memory_space<vmem>>) semaphore(%run_scoped3A : memref<!tpu.dma_semaphore, #tpu.memory_space<semaphore_mem>>)
        %dma_wait3A = arith.constant 0 : i32
        %dma_wait3A_437 = tpu.memref_slice %arg9[%scan3A_278, %dma_wait3A] : memref<80x128xi32, #tpu.memory_space<vmem>> -> memref<1x128xi32, #tpu.memory_space<vmem>>
        %dma_wait3A_438 = tpu.memref_squeeze %dma_wait3A_437 : memref<1x128xi32, #tpu.memory_space<vmem>> -> memref<128xi32, #tpu.memory_space<vmem>>
        %dma_wait3A_439 = arith.constant 0 : i32
        %dma_wait3A_440 = tpu.memref_slice %arg3[%dma_wait3A_439] : memref<10240xf32, #tpu.memory_space<hbm>> -> memref<10240xf32, #tpu.memory_space<hbm>>
        tpu.wait_indirect_dma semaphore(%run_scoped3A : memref<!tpu.dma_semaphore, #tpu.memory_space<semaphore_mem>>) src(%dma_wait3A_440 : memref<10240xf32, #tpu.memory_space<hbm>>) dst(%arg11 : memref<128xf32, #tpu.memory_space<vmem>>)
        tpu.yield
      }) : () -> ()
      "tpu.region"() ({
        %run_scoped3A = tpu.sem_alloc : memref<!tpu.dma_semaphore, #tpu.memory_space<semaphore_mem>>
        %dma_start3A = arith.constant 0 : i32
        %dma_start3A_433 = tpu.memref_slice %arg10[%scan3A_278, %dma_start3A] : memref<80x128xi32, #tpu.memory_space<vmem>> -> memref<1x128xi32, #tpu.memory_space<vmem>>
        %dma_start3A_434 = tpu.memref_squeeze %dma_start3A_433 : memref<1x128xi32, #tpu.memory_space<vmem>> -> memref<128xi32, #tpu.memory_space<vmem>>
        %dma_start3A_435 = arith.constant 0 : i32
        %dma_start3A_436 = tpu.memref_slice %arg4[%dma_start3A_435] : memref<10240xf32, #tpu.memory_space<hbm>> -> memref<10240xf32, #tpu.memory_space<hbm>>
        tpu.enqueue_indirect_dma source(%dma_start3A_436 : memref<10240xf32, #tpu.memory_space<hbm>>) target(%arg12 : memref<128xf32, #tpu.memory_space<vmem>>) offsets(%dma_start3A_434 : memref<128xi32, #tpu.memory_space<vmem>>) semaphore(%run_scoped3A : memref<!tpu.dma_semaphore, #tpu.memory_space<semaphore_mem>>)
        %dma_wait3A = arith.constant 0 : i32
        %dma_wait3A_437 = tpu.memref_slice %arg10[%scan3A_278, %dma_wait3A] : memref<80x128xi32, #tpu.memory_space<vmem>> -> memref<1x128xi32, #tpu.memory_space<vmem>>
        %dma_wait3A_438 = tpu.memref_squeeze %dma_wait3A_437 : memref<1x128xi32, #tpu.memory_space<vmem>> -> memref<128xi32, #tpu.memory_space<vmem>>
        %dma_wait3A_439 = arith.constant 0 : i32
        %dma_wait3A_440 = tpu.memref_slice %arg4[%dma_wait3A_439] : memref<10240xf32, #tpu.memory_space<hbm>> -> memref<10240xf32, #tpu.memory_space<hbm>>
        tpu.wait_indirect_dma semaphore(%run_scoped3A : memref<!tpu.dma_semaphore, #tpu.memory_space<semaphore_mem>>) src(%dma_wait3A_440 : memref<10240xf32, #tpu.memory_space<hbm>>) dst(%arg12 : memref<128xf32, #tpu.memory_space<vmem>>)
        tpu.yield
      }) : () -> ()
      %get3A = arith.constant 0 : index
      %get3A_279 = tpu.vector_load %arg11[%get3A] {strides = array<i32>} : memref<128xf32, #tpu.memory_space<vmem>>, vector<16xf32>,
      %get3A_280 = vector.shape_cast %get3A_279 : vector<16xf32> to vector<16xf32>
      %get3A_281 = arith.constant 0 : index
      %get3A_282 = tpu.vector_load %arg12[%get3A_281] {strides = array<i32>} : memref<128xf32, #tpu.memory_space<vmem>>, vector<16xf32>,
      %get3A_283 = vector.shape_cast %get3A_282 : vector<16xf32> to vector<16xf32>
      %add3A_284 = arith.addf %get3A_280, %get3A_283 : vector<16xf32>
      %gt3A = arith.constant 0.000000e+00 : f32
      %gt3A_285 = vector.broadcast %gt3A : f32 to vector<16xf32>
      %gt3A_286 = arith.cmpf ogt, %add3A_284, %gt3A_285 : vector<16xf32>
      %mul3A_287 = arith.constant 2.000000e-01 : f32
      %mul3A_288 = vector.broadcast %mul3A_287 : f32 to vector<16xf32>
      %mul3A_289 = arith.mulf %mul3A_288, %add3A_284 : vector<16xf32>
      %select_n3A = arith.select %gt3A_286, %add3A_284, %mul3A_289 : vector<16xi1>, vector<16xf32>
      %exp3A = math.exp %select_n3A : vector<16xf32>
      %swap3A_290 = arith.constant 0 : index
      %swap3A_291 = tpu.vector_load %arg13[%swap3A_290] {strides = array<i32>} : memref<128xf32, #tpu.memory_space<vmem>>, vector<16xf32>,
      %swap3A_292 = vector.shape_cast %swap3A_291 : vector<16xf32> to vector<16xf32>
      %swap3A_293 = vector.shape_cast %exp3A : vector<16xf32> to vector<16xf32>
      tpu.vector_store %arg13[%swap3A_290], %swap3A_293 {strides = array<i32>} : memref<128xf32, #tpu.memory_space<vmem>>, vector<16xf32>,
      %get3A_294 = arith.constant 16 : index
      %get3A_295 = tpu.vector_load %arg11[%get3A_294] {strides = array<i32>} : memref<128xf32, #tpu.memory_space<vmem>>, vector<16xf32>,
      %get3A_296 = vector.shape_cast %get3A_295 : vector<16xf32> to vector<16xf32>
      %get3A_297 = arith.constant 16 : index
      %get3A_298 = tpu.vector_load %arg12[%get3A_297] {strides = array<i32>} : memref<128xf32, #tpu.memory_space<vmem>>, vector<16xf32>,
      %get3A_299 = vector.shape_cast %get3A_298 : vector<16xf32> to vector<16xf32>
      %add3A_300 = arith.addf %get3A_296, %get3A_299 : vector<16xf32>
      %gt3A_301 = arith.constant 0.000000e+00 : f32
      %gt3A_302 = vector.broadcast %gt3A_301 : f32 to vector<16xf32>
      %gt3A_303 = arith.cmpf ogt, %add3A_300, %gt3A_302 : vector<16xf32>
      %mul3A_304 = arith.constant 2.000000e-01 : f32
      %mul3A_305 = vector.broadcast %mul3A_304 : f32 to vector<16xf32>
      %mul3A_306 = arith.mulf %mul3A_305, %add3A_300 : vector<16xf32>
      %select_n3A_307 = arith.select %gt3A_303, %add3A_300, %mul3A_306 : vector<16xi1>, vector<16xf32>
      %exp3A_308 = math.exp %select_n3A_307 : vector<16xf32>
      %swap3A_309 = arith.constant 16 : index
      %swap3A_310 = tpu.vector_load %arg13[%swap3A_309] {strides = array<i32>} : memref<128xf32, #tpu.memory_space<vmem>>, vector<16xf32>,
      %swap3A_311 = vector.shape_cast %swap3A_310 : vector<16xf32> to vector<16xf32>
      %swap3A_312 = vector.shape_cast %exp3A_308 : vector<16xf32> to vector<16xf32>
      tpu.vector_store %arg13[%swap3A_309], %swap3A_312 {strides = array<i32>} : memref<128xf32, #tpu.memory_space<vmem>>, vector<16xf32>,
      %get3A_313 = arith.constant 32 : index
      %get3A_314 = tpu.vector_load %arg11[%get3A_313] {strides = array<i32>} : memref<128xf32, #tpu.memory_space<vmem>>, vector<16xf32>,
      %get3A_315 = vector.shape_cast %get3A_314 : vector<16xf32> to vector<16xf32>
      %get3A_316 = arith.constant 32 : index
      %get3A_317 = tpu.vector_load %arg12[%get3A_316] {strides = array<i32>} : memref<128xf32, #tpu.memory_space<vmem>>, vector<16xf32>,
      %get3A_318 = vector.shape_cast %get3A_317 : vector<16xf32> to vector<16xf32>
      %add3A_319 = arith.addf %get3A_315, %get3A_318 : vector<16xf32>
      %gt3A_320 = arith.constant 0.000000e+00 : f32
      %gt3A_321 = vector.broadcast %gt3A_320 : f32 to vector<16xf32>
      %gt3A_322 = arith.cmpf ogt, %add3A_319, %gt3A_321 : vector<16xf32>
      %mul3A_323 = arith.constant 2.000000e-01 : f32
      %mul3A_324 = vector.broadcast %mul3A_323 : f32 to vector<16xf32>
      %mul3A_325 = arith.mulf %mul3A_324, %add3A_319 : vector<16xf32>
      %select_n3A_326 = arith.select %gt3A_322, %add3A_319, %mul3A_325 : vector<16xi1>, vector<16xf32>
      %exp3A_327 = math.exp %select_n3A_326 : vector<16xf32>
      %swap3A_328 = arith.constant 32 : index
      %swap3A_329 = tpu.vector_load %arg13[%swap3A_328] {strides = array<i32>} : memref<128xf32, #tpu.memory_space<vmem>>, vector<16xf32>,
      %swap3A_330 = vector.shape_cast %swap3A_329 : vector<16xf32> to vector<16xf32>
      %swap3A_331 = vector.shape_cast %exp3A_327 : vector<16xf32> to vector<16xf32>
      tpu.vector_store %arg13[%swap3A_328], %swap3A_331 {strides = array<i32>} : memref<128xf32, #tpu.memory_space<vmem>>, vector<16xf32>,
      %get3A_332 = arith.constant 48 : index
      %get3A_333 = tpu.vector_load %arg11[%get3A_332] {strides = array<i32>} : memref<128xf32, #tpu.memory_space<vmem>>, vector<16xf32>,
      %get3A_334 = vector.shape_cast %get3A_333 : vector<16xf32> to vector<16xf32>
      %get3A_335 = arith.constant 48 : index
      %get3A_336 = tpu.vector_load %arg12[%get3A_335] {strides = array<i32>} : memref<128xf32, #tpu.memory_space<vmem>>, vector<16xf32>,
      %get3A_337 = vector.shape_cast %get3A_336 : vector<16xf32> to vector<16xf32>
      %add3A_338 = arith.addf %get3A_334, %get3A_337 : vector<16xf32>
      %gt3A_339 = arith.constant 0.000000e+00 : f32
      %gt3A_340 = vector.broadcast %gt3A_339 : f32 to vector<16xf32>
      %gt3A_341 = arith.cmpf ogt, %add3A_338, %gt3A_340 : vector<16xf32>
      %mul3A_342 = arith.constant 2.000000e-01 : f32
      %mul3A_343 = vector.broadcast %mul3A_342 : f32 to vector<16xf32>
      %mul3A_344 = arith.mulf %mul3A_343, %add3A_338 : vector<16xf32>
      %select_n3A_345 = arith.select %gt3A_341, %add3A_338, %mul3A_344 : vector<16xi1>, vector<16xf32>
      %exp3A_346 = math.exp %select_n3A_345 : vector<16xf32>
      %swap3A_347 = arith.constant 48 : index
      %swap3A_348 = tpu.vector_load %arg13[%swap3A_347] {strides = array<i32>} : memref<128xf32, #tpu.memory_space<vmem>>, vector<16xf32>,
      %swap3A_349 = vector.shape_cast %swap3A_348 : vector<16xf32> to vector<16xf32>
      %swap3A_350 = vector.shape_cast %exp3A_346 : vector<16xf32> to vector<16xf32>
      tpu.vector_store %arg13[%swap3A_347], %swap3A_350 {strides = array<i32>} : memref<128xf32, #tpu.memory_space<vmem>>, vector<16xf32>,
      %get3A_351 = arith.constant 64 : index
      %get3A_352 = tpu.vector_load %arg11[%get3A_351] {strides = array<i32>} : memref<128xf32, #tpu.memory_space<vmem>>, vector<16xf32>,
      %get3A_353 = vector.shape_cast %get3A_352 : vector<16xf32> to vector<16xf32>
      %get3A_354 = arith.constant 64 : index
      %get3A_355 = tpu.vector_load %arg12[%get3A_354] {strides = array<i32>} : memref<128xf32, #tpu.memory_space<vmem>>, vector<16xf32>,
      %get3A_356 = vector.shape_cast %get3A_355 : vector<16xf32> to vector<16xf32>
      %add3A_357 = arith.addf %get3A_353, %get3A_356 : vector<16xf32>
      %gt3A_358 = arith.constant 0.000000e+00 : f32
      %gt3A_359 = vector.broadcast %gt3A_358 : f32 to vector<16xf32>
      %gt3A_360 = arith.cmpf ogt, %add3A_357, %gt3A_359 : vector<16xf32>
      %mul3A_361 = arith.constant 2.000000e-01 : f32
      %mul3A_362 = vector.broadcast %mul3A_361 : f32 to vector<16xf32>
      %mul3A_363 = arith.mulf %mul3A_362, %add3A_357 : vector<16xf32>
      %select_n3A_364 = arith.select %gt3A_360, %add3A_357, %mul3A_363 : vector<16xi1>, vector<16xf32>
      %exp3A_365 = math.exp %select_n3A_364 : vector<16xf32>
      %swap3A_366 = arith.constant 64 : index
      %swap3A_367 = tpu.vector_load %arg13[%swap3A_366] {strides = array<i32>} : memref<128xf32, #tpu.memory_space<vmem>>, vector<16xf32>,
      %swap3A_368 = vector.shape_cast %swap3A_367 : vector<16xf32> to vector<16xf32>
      %swap3A_369 = vector.shape_cast %exp3A_365 : vector<16xf32> to vector<16xf32>
      tpu.vector_store %arg13[%swap3A_366], %swap3A_369 {strides = array<i32>} : memref<128xf32, #tpu.memory_space<vmem>>, vector<16xf32>,
      %get3A_370 = arith.constant 80 : index
      %get3A_371 = tpu.vector_load %arg11[%get3A_370] {strides = array<i32>} : memref<128xf32, #tpu.memory_space<vmem>>, vector<16xf32>,
      %get3A_372 = vector.shape_cast %get3A_371 : vector<16xf32> to vector<16xf32>
      %get3A_373 = arith.constant 80 : index
      %get3A_374 = tpu.vector_load %arg12[%get3A_373] {strides = array<i32>} : memref<128xf32, #tpu.memory_space<vmem>>, vector<16xf32>,
      %get3A_375 = vector.shape_cast %get3A_374 : vector<16xf32> to vector<16xf32>
      %add3A_376 = arith.addf %get3A_372, %get3A_375 : vector<16xf32>
      %gt3A_377 = arith.constant 0.000000e+00 : f32
      %gt3A_378 = vector.broadcast %gt3A_377 : f32 to vector<16xf32>
      %gt3A_379 = arith.cmpf ogt, %add3A_376, %gt3A_378 : vector<16xf32>
      %mul3A_380 = arith.constant 2.000000e-01 : f32
      %mul3A_381 = vector.broadcast %mul3A_380 : f32 to vector<16xf32>
      %mul3A_382 = arith.mulf %mul3A_381, %add3A_376 : vector<16xf32>
      %select_n3A_383 = arith.select %gt3A_379, %add3A_376, %mul3A_382 : vector<16xi1>, vector<16xf32>
      %exp3A_384 = math.exp %select_n3A_383 : vector<16xf32>
      %swap3A_385 = arith.constant 80 : index
      %swap3A_386 = tpu.vector_load %arg13[%swap3A_385] {strides = array<i32>} : memref<128xf32, #tpu.memory_space<vmem>>, vector<16xf32>,
      %swap3A_387 = vector.shape_cast %swap3A_386 : vector<16xf32> to vector<16xf32>
      %swap3A_388 = vector.shape_cast %exp3A_384 : vector<16xf32> to vector<16xf32>
      tpu.vector_store %arg13[%swap3A_385], %swap3A_388 {strides = array<i32>} : memref<128xf32, #tpu.memory_space<vmem>>, vector<16xf32>,
      %get3A_389 = arith.constant 96 : index
      %get3A_390 = tpu.vector_load %arg11[%get3A_389] {strides = array<i32>} : memref<128xf32, #tpu.memory_space<vmem>>, vector<16xf32>,
      %get3A_391 = vector.shape_cast %get3A_390 : vector<16xf32> to vector<16xf32>
      %get3A_392 = arith.constant 96 : index
      %get3A_393 = tpu.vector_load %arg12[%get3A_392] {strides = array<i32>} : memref<128xf32, #tpu.memory_space<vmem>>, vector<16xf32>,
      %get3A_394 = vector.shape_cast %get3A_393 : vector<16xf32> to vector<16xf32>
      %add3A_395 = arith.addf %get3A_391, %get3A_394 : vector<16xf32>
      %gt3A_396 = arith.constant 0.000000e+00 : f32
      %gt3A_397 = vector.broadcast %gt3A_396 : f32 to vector<16xf32>
      %gt3A_398 = arith.cmpf ogt, %add3A_395, %gt3A_397 : vector<16xf32>
      %mul3A_399 = arith.constant 2.000000e-01 : f32
      %mul3A_400 = vector.broadcast %mul3A_399 : f32 to vector<16xf32>
      %mul3A_401 = arith.mulf %mul3A_400, %add3A_395 : vector<16xf32>
      %select_n3A_402 = arith.select %gt3A_398, %add3A_395, %mul3A_401 : vector<16xi1>, vector<16xf32>
      %exp3A_403 = math.exp %select_n3A_402 : vector<16xf32>
      %swap3A_404 = arith.constant 96 : index
      %swap3A_405 = tpu.vector_load %arg13[%swap3A_404] {strides = array<i32>} : memref<128xf32, #tpu.memory_space<vmem>>, vector<16xf32>,
      %swap3A_406 = vector.shape_cast %swap3A_405 : vector<16xf32> to vector<16xf32>
      %swap3A_407 = vector.shape_cast %exp3A_403 : vector<16xf32> to vector<16xf32>
      tpu.vector_store %arg13[%swap3A_404], %swap3A_407 {strides = array<i32>} : memref<128xf32, #tpu.memory_space<vmem>>, vector<16xf32>,
      %get3A_408 = arith.constant 112 : index
      %get3A_409 = tpu.vector_load %arg11[%get3A_408] {strides = array<i32>} : memref<128xf32, #tpu.memory_space<vmem>>, vector<16xf32>,
      %get3A_410 = vector.shape_cast %get3A_409 : vector<16xf32> to vector<16xf32>
      %get3A_411 = arith.constant 112 : index
      %get3A_412 = tpu.vector_load %arg12[%get3A_411] {strides = array<i32>} : memref<128xf32, #tpu.memory_space<vmem>>, vector<16xf32>,
      %get3A_413 = vector.shape_cast %get3A_412 : vector<16xf32> to vector<16xf32>
      %add3A_414 = arith.addf %get3A_410, %get3A_413 : vector<16xf32>
      %gt3A_415 = arith.constant 0.000000e+00 : f32
      %gt3A_416 = vector.broadcast %gt3A_415 : f32 to vector<16xf32>
      %gt3A_417 = arith.cmpf ogt, %add3A_414, %gt3A_416 : vector<16xf32>
      %mul3A_418 = arith.constant 2.000000e-01 : f32
      %mul3A_419 = vector.broadcast %mul3A_418 : f32 to vector<16xf32>
      %mul3A_420 = arith.mulf %mul3A_419, %add3A_414 : vector<16xf32>
      %select_n3A_421 = arith.select %gt3A_417, %add3A_414, %mul3A_420 : vector<16xi1>, vector<16xf32>
      %exp3A_422 = math.exp %select_n3A_421 : vector<16xf32>
      %swap3A_423 = arith.constant 112 : index
      %swap3A_424 = tpu.vector_load %arg13[%swap3A_423] {strides = array<i32>} : memref<128xf32, #tpu.memory_space<vmem>>, vector<16xf32>,
      %swap3A_425 = vector.shape_cast %swap3A_424 : vector<16xf32> to vector<16xf32>
      %swap3A_426 = vector.shape_cast %exp3A_422 : vector<16xf32> to vector<16xf32>
      tpu.vector_store %arg13[%swap3A_423], %swap3A_426 {strides = array<i32>} : memref<128xf32, #tpu.memory_space<vmem>>, vector<16xf32>,
      "tpu.region"() ({
        %run_scoped3A = tpu.sem_alloc : memref<!tpu.dma_semaphore, #tpu.memory_space<semaphore_mem>>
        %dma_start3A = arith.constant 0 : i32
        %dma_start3A_433 = tpu.memref_slice %arg10[%scan3A_278, %dma_start3A] : memref<80x128xi32, #tpu.memory_space<vmem>> -> memref<1x128xi32, #tpu.memory_space<vmem>>
        %dma_start3A_434 = tpu.memref_squeeze %dma_start3A_433 : memref<1x128xi32, #tpu.memory_space<vmem>> -> memref<128xi32, #tpu.memory_space<vmem>>
        %dma_start3A_435 = arith.constant 0 : i32
        %dma_start3A_436 = tpu.memref_slice %arg17[%dma_start3A_435] : memref<10240xf32, #tpu.memory_space<vmem_shared>> -> memref<10240xf32, #tpu.memory_space<vmem_shared>>
        tpu.enqueue_indirect_dma source(%arg13 : memref<128xf32, #tpu.memory_space<vmem>>) target(%dma_start3A_436 : memref<10240xf32, #tpu.memory_space<vmem_shared>>) offsets(%dma_start3A_434 : memref<128xi32, #tpu.memory_space<vmem>>) semaphore(%run_scoped3A : memref<!tpu.dma_semaphore, #tpu.memory_space<semaphore_mem>>) {add = true}
        %dma_wait3A = arith.constant 0 : i32
        %dma_wait3A_437 = tpu.memref_slice %arg10[%scan3A_278, %dma_wait3A] : memref<80x128xi32, #tpu.memory_space<vmem>> -> memref<1x128xi32, #tpu.memory_space<vmem>>
        %dma_wait3A_438 = tpu.memref_squeeze %dma_wait3A_437 : memref<1x128xi32, #tpu.memory_space<vmem>> -> memref<128xi32, #tpu.memory_space<vmem>>
        %dma_wait3A_439 = arith.constant 0 : i32
        %dma_wait3A_440 = tpu.memref_slice %arg17[%dma_wait3A_439] : memref<10240xf32, #tpu.memory_space<vmem_shared>> -> memref<10240xf32, #tpu.memory_space<vmem_shared>>
        tpu.wait_indirect_dma semaphore(%run_scoped3A : memref<!tpu.dma_semaphore, #tpu.memory_space<semaphore_mem>>) src(%arg13 : memref<128xf32, #tpu.memory_space<vmem>>) dst(%dma_wait3A_440 : memref<10240xf32, #tpu.memory_space<vmem_shared>>)
        tpu.yield
      }) : () -> ()
      "tpu.region"() ({
        %run_scoped3A = tpu.sem_alloc : memref<!tpu.dma_semaphore, #tpu.memory_space<semaphore_mem>>
        %dma_start3A = arith.constant 0 : i32
        %dma_start3A_433 = tpu.memref_slice %arg9[%scan3A_278, %dma_start3A] : memref<80x128xi32, #tpu.memory_space<vmem>> -> memref<1x128xi32, #tpu.memory_space<vmem>>
        %dma_start3A_434 = tpu.memref_squeeze %dma_start3A_433 : memref<1x128xi32, #tpu.memory_space<vmem>> -> memref<128xi32, #tpu.memory_space<vmem>>
        %dma_start3A_435 = arith.constant 0 : i32
        %dma_start3A_436 = arith.constant 0 : i32
        %dma_start3A_437 = tpu.memref_slice %arg2[%dma_start3A_435, %dma_start3A_436] : memref<10240x128xf32, #tpu.memory_space<hbm>> -> memref<10240x128xf32, #tpu.memory_space<hbm>>
        tpu.enqueue_indirect_dma source(%dma_start3A_437 : memref<10240x128xf32, #tpu.memory_space<hbm>>) target(%arg14 : memref<128x128xf32, #tpu.memory_space<vmem>>) offsets(%dma_start3A_434 : memref<128xi32, #tpu.memory_space<vmem>>) semaphore(%run_scoped3A : memref<!tpu.dma_semaphore, #tpu.memory_space<semaphore_mem>>)
        %dma_wait3A = arith.constant 0 : i32
        %dma_wait3A_438 = tpu.memref_slice %arg9[%scan3A_278, %dma_wait3A] : memref<80x128xi32, #tpu.memory_space<vmem>> -> memref<1x128xi32, #tpu.memory_space<vmem>>
        %dma_wait3A_439 = tpu.memref_squeeze %dma_wait3A_438 : memref<1x128xi32, #tpu.memory_space<vmem>> -> memref<128xi32, #tpu.memory_space<vmem>>
        %dma_wait3A_440 = arith.constant 0 : i32
        %dma_wait3A_441 = arith.constant 0 : i32
        %dma_wait3A_442 = tpu.memref_slice %arg2[%dma_wait3A_440, %dma_wait3A_441] : memref<10240x128xf32, #tpu.memory_space<hbm>> -> memref<10240x128xf32, #tpu.memory_space<hbm>>
        tpu.wait_indirect_dma semaphore(%run_scoped3A : memref<!tpu.dma_semaphore, #tpu.memory_space<semaphore_mem>>) src(%dma_wait3A_442 : memref<10240x128xf32, #tpu.memory_space<hbm>>) dst(%arg14 : memref<128x128xf32, #tpu.memory_space<vmem>>)
        tpu.yield
      }) : () -> ()
      %scan3A_427 = arith.constant 0 : i32
      %scan3A_428 = arith.constant 0 : i32
      %scan3A_429 = arith.constant 8 : i32
      %scan3A_430 = arith.addi %scan3A_428, %scan3A_429 : i32
      %scan3A_431 = arith.constant 1 : i32
      scf.for %scan3A_433 = %scan3A_428 to %scan3A_430 step %scan3A_431  : i32 {
        %mul3A_434 = arith.constant 16 : i32
        %mul3A_435 = arith.muli %scan3A_433, %mul3A_434 : i32
        %get3A_436 = arith.index_cast %mul3A_435 : i32 to index
        %get3A_437 = tpu.vector_load %arg13[%get3A_436] {strides = array<i32>} : memref<128xf32, #tpu.memory_space<vmem>>, vector<16xf32>,
        %get3A_438 = vector.shape_cast %get3A_437 : vector<16xf32> to vector<16xf32>
        %slice3A = vector.extract_strided_slice %get3A_438 {offsets = [0], sizes = [1], strides = [1]} : vector<16xf32> to vector<1xf32>
        %squeeze3A = vector.extract %slice3A[0] : f32 from vector<1xf32>
        %broadcast_in_dim3A_439 = vector.broadcast %squeeze3A : f32 to vector<16xf32>
        %mul3A_440 = arith.constant 16 : i32
        %mul3A_441 = arith.muli %scan3A_433, %mul3A_440 : i32
        %add3A_442 = arith.constant 0 : i32
        %add3A_443 = arith.addi %mul3A_441, %add3A_442 : i32
        %get3A_444 = arith.index_cast %add3A_443 : i32 to index
        %get3A_445 = arith.constant 0 : index
        %get3A_446 = tpu.vector_load %arg14[%get3A_444, %get3A_445] {strides = array<i32>} : memref<128x128xf32, #tpu.memory_space<vmem>>, vector<1x16xf32>,
        %get3A_447 = vector.shape_cast %get3A_446 : vector<1x16xf32> to vector<16xf32>
        %mul3A_448 = arith.mulf %get3A_447, %broadcast_in_dim3A_439 : vector<16xf32>
        %mul3A_449 = arith.constant 16 : i32
        %mul3A_450 = arith.muli %scan3A_433, %mul3A_449 : i32
        %add3A_451 = arith.constant 0 : i32
        %add3A_452 = arith.addi %mul3A_450, %add3A_451 : i32
        %swap3A_453 = arith.index_cast %add3A_452 : i32 to index
        %swap3A_454 = arith.constant 0 : index
        %swap3A_455 = tpu.vector_load %arg14[%swap3A_453, %swap3A_454] {strides = array<i32>} : memref<128x128xf32, #tpu.memory_space<vmem>>, vector<1x16xf32>,
        %swap3A_456 = vector.shape_cast %swap3A_455 : vector<1x16xf32> to vector<16xf32>
        %swap3A_457 = vector.shape_cast %mul3A_448 : vector<16xf32> to vector<1x16xf32>
        tpu.vector_store %arg14[%swap3A_453, %swap3A_454], %swap3A_457 {strides = array<i32>} : memref<128x128xf32, #tpu.memory_space<vmem>>, vector<1x16xf32>,
        %mul3A_458 = arith.constant 16 : i32
        %mul3A_459 = arith.muli %scan3A_433, %mul3A_458 : i32
        %add3A_460 = arith.constant 0 : i32
        %add3A_461 = arith.addi %mul3A_459, %add3A_460 : i32
        %get3A_462 = arith.index_cast %add3A_461 : i32 to index
        %get3A_463 = arith.constant 16 : index
        %get3A_464 = tpu.vector_load %arg14[%get3A_462, %get3A_463] {strides = array<i32>} : memref<128x128xf32, #tpu.memory_space<vmem>>, vector<1x16xf32>,
        %get3A_465 = vector.shape_cast %get3A_464 : vector<1x16xf32> to vector<16xf32>
        %mul3A_466 = arith.mulf %get3A_465, %broadcast_in_dim3A_439 : vector<16xf32>
        %mul3A_467 = arith.constant 16 : i32
        %mul3A_468 = arith.muli %scan3A_433, %mul3A_467 : i32
        %add3A_469 = arith.constant 0 : i32
        %add3A_470 = arith.addi %mul3A_468, %add3A_469 : i32
        %swap3A_471 = arith.index_cast %add3A_470 : i32 to index
        %swap3A_472 = arith.constant 16 : index
        %swap3A_473 = tpu.vector_load %arg14[%swap3A_471, %swap3A_472] {strides = array<i32>} : memref<128x128xf32, #tpu.memory_space<vmem>>, vector<1x16xf32>,
        %swap3A_474 = vector.shape_cast %swap3A_473 : vector<1x16xf32> to vector<16xf32>
        %swap3A_475 = vector.shape_cast %mul3A_466 : vector<16xf32> to vector<1x16xf32>
        tpu.vector_store %arg14[%swap3A_471, %swap3A_472], %swap3A_475 {strides = array<i32>} : memref<128x128xf32, #tpu.memory_space<vmem>>, vector<1x16xf32>,
        %mul3A_476 = arith.constant 16 : i32
        %mul3A_477 = arith.muli %scan3A_433, %mul3A_476 : i32
        %add3A_478 = arith.constant 0 : i32
        %add3A_479 = arith.addi %mul3A_477, %add3A_478 : i32
        %get3A_480 = arith.index_cast %add3A_479 : i32 to index
        %get3A_481 = arith.constant 32 : index
        %get3A_482 = tpu.vector_load %arg14[%get3A_480, %get3A_481] {strides = array<i32>} : memref<128x128xf32, #tpu.memory_space<vmem>>, vector<1x16xf32>,
        %get3A_483 = vector.shape_cast %get3A_482 : vector<1x16xf32> to vector<16xf32>
        %mul3A_484 = arith.mulf %get3A_483, %broadcast_in_dim3A_439 : vector<16xf32>
        %mul3A_485 = arith.constant 16 : i32
        %mul3A_486 = arith.muli %scan3A_433, %mul3A_485 : i32
        %add3A_487 = arith.constant 0 : i32
        %add3A_488 = arith.addi %mul3A_486, %add3A_487 : i32
        %swap3A_489 = arith.index_cast %add3A_488 : i32 to index
        %swap3A_490 = arith.constant 32 : index
        %swap3A_491 = tpu.vector_load %arg14[%swap3A_489, %swap3A_490] {strides = array<i32>} : memref<128x128xf32, #tpu.memory_space<vmem>>, vector<1x16xf32>,
        %swap3A_492 = vector.shape_cast %swap3A_491 : vector<1x16xf32> to vector<16xf32>
        %swap3A_493 = vector.shape_cast %mul3A_484 : vector<16xf32> to vector<1x16xf32>
        tpu.vector_store %arg14[%swap3A_489, %swap3A_490], %swap3A_493 {strides = array<i32>} : memref<128x128xf32, #tpu.memory_space<vmem>>, vector<1x16xf32>,
        %mul3A_494 = arith.constant 16 : i32
        %mul3A_495 = arith.muli %scan3A_433, %mul3A_494 : i32
        %add3A_496 = arith.constant 0 : i32
        %add3A_497 = arith.addi %mul3A_495, %add3A_496 : i32
        %get3A_498 = arith.index_cast %add3A_497 : i32 to index
        %get3A_499 = arith.constant 48 : index
        %get3A_500 = tpu.vector_load %arg14[%get3A_498, %get3A_499] {strides = array<i32>} : memref<128x128xf32, #tpu.memory_space<vmem>>, vector<1x16xf32>,
        %get3A_501 = vector.shape_cast %get3A_500 : vector<1x16xf32> to vector<16xf32>
        %mul3A_502 = arith.mulf %get3A_501, %broadcast_in_dim3A_439 : vector<16xf32>
        %mul3A_503 = arith.constant 16 : i32
        %mul3A_504 = arith.muli %scan3A_433, %mul3A_503 : i32
        %add3A_505 = arith.constant 0 : i32
        %add3A_506 = arith.addi %mul3A_504, %add3A_505 : i32
        %swap3A_507 = arith.index_cast %add3A_506 : i32 to index
        %swap3A_508 = arith.constant 48 : index
        %swap3A_509 = tpu.vector_load %arg14[%swap3A_507, %swap3A_508] {strides = array<i32>} : memref<128x128xf32, #tpu.memory_space<vmem>>, vector<1x16xf32>,
        %swap3A_510 = vector.shape_cast %swap3A_509 : vector<1x16xf32> to vector<16xf32>
        %swap3A_511 = vector.shape_cast %mul3A_502 : vector<16xf32> to vector<1x16xf32>
        tpu.vector_store %arg14[%swap3A_507, %swap3A_508], %swap3A_511 {strides = array<i32>} : memref<128x128xf32, #tpu.memory_space<vmem>>, vector<1x16xf32>,
        %mul3A_512 = arith.constant 16 : i32
        %mul3A_513 = arith.muli %scan3A_433, %mul3A_512 : i32
        %add3A_514 = arith.constant 0 : i32
        %add3A_515 = arith.addi %mul3A_513, %add3A_514 : i32
        %get3A_516 = arith.index_cast %add3A_515 : i32 to index
        %get3A_517 = arith.constant 64 : index
        %get3A_518 = tpu.vector_load %arg14[%get3A_516, %get3A_517] {strides = array<i32>} : memref<128x128xf32, #tpu.memory_space<vmem>>, vector<1x16xf32>,
        %get3A_519 = vector.shape_cast %get3A_518 : vector<1x16xf32> to vector<16xf32>
        %mul3A_520 = arith.mulf %get3A_519, %broadcast_in_dim3A_439 : vector<16xf32>
        %mul3A_521 = arith.constant 16 : i32
        %mul3A_522 = arith.muli %scan3A_433, %mul3A_521 : i32
        %add3A_523 = arith.constant 0 : i32
        %add3A_524 = arith.addi %mul3A_522, %add3A_523 : i32
        %swap3A_525 = arith.index_cast %add3A_524 : i32 to index
        %swap3A_526 = arith.constant 64 : index
        %swap3A_527 = tpu.vector_load %arg14[%swap3A_525, %swap3A_526] {strides = array<i32>} : memref<128x128xf32, #tpu.memory_space<vmem>>, vector<1x16xf32>,
        %swap3A_528 = vector.shape_cast %swap3A_527 : vector<1x16xf32> to vector<16xf32>
        %swap3A_529 = vector.shape_cast %mul3A_520 : vector<16xf32> to vector<1x16xf32>
        tpu.vector_store %arg14[%swap3A_525, %swap3A_526], %swap3A_529 {strides = array<i32>} : memref<128x128xf32, #tpu.memory_space<vmem>>, vector<1x16xf32>,
        %mul3A_530 = arith.constant 16 : i32
        %mul3A_531 = arith.muli %scan3A_433, %mul3A_530 : i32
        %add3A_532 = arith.constant 0 : i32
        %add3A_533 = arith.addi %mul3A_531, %add3A_532 : i32
        %get3A_534 = arith.index_cast %add3A_533 : i32 to index
        %get3A_535 = arith.constant 80 : index
        %get3A_536 = tpu.vector_load %arg14[%get3A_534, %get3A_535] {strides = array<i32>} : memref<128x128xf32, #tpu.memory_space<vmem>>, vector<1x16xf32>,
        %get3A_537 = vector.shape_cast %get3A_536 : vector<1x16xf32> to vector<16xf32>
        %mul3A_538 = arith.mulf %get3A_537, %broadcast_in_dim3A_439 : vector<16xf32>
        %mul3A_539 = arith.constant 16 : i32
        %mul3A_540 = arith.muli %scan3A_433, %mul3A_539 : i32
        %add3A_541 = arith.constant 0 : i32
        %add3A_542 = arith.addi %mul3A_540, %add3A_541 : i32
        %swap3A_543 = arith.index_cast %add3A_542 : i32 to index
        %swap3A_544 = arith.constant 80 : index
        %swap3A_545 = tpu.vector_load %arg14[%swap3A_543, %swap3A_544] {strides = array<i32>} : memref<128x128xf32, #tpu.memory_space<vmem>>, vector<1x16xf32>,
        %swap3A_546 = vector.shape_cast %swap3A_545 : vector<1x16xf32> to vector<16xf32>
        %swap3A_547 = vector.shape_cast %mul3A_538 : vector<16xf32> to vector<1x16xf32>
        tpu.vector_store %arg14[%swap3A_543, %swap3A_544], %swap3A_547 {strides = array<i32>} : memref<128x128xf32, #tpu.memory_space<vmem>>, vector<1x16xf32>,
        %mul3A_548 = arith.constant 16 : i32
        %mul3A_549 = arith.muli %scan3A_433, %mul3A_548 : i32
        %add3A_550 = arith.constant 0 : i32
        %add3A_551 = arith.addi %mul3A_549, %add3A_550 : i32
        %get3A_552 = arith.index_cast %add3A_551 : i32 to index
        %get3A_553 = arith.constant 96 : index
        %get3A_554 = tpu.vector_load %arg14[%get3A_552, %get3A_553] {strides = array<i32>} : memref<128x128xf32, #tpu.memory_space<vmem>>, vector<1x16xf32>,
        %get3A_555 = vector.shape_cast %get3A_554 : vector<1x16xf32> to vector<16xf32>
        %mul3A_556 = arith.mulf %get3A_555, %broadcast_in_dim3A_439 : vector<16xf32>
        %mul3A_557 = arith.constant 16 : i32
        %mul3A_558 = arith.muli %scan3A_433, %mul3A_557 : i32
        %add3A_559 = arith.constant 0 : i32
        %add3A_560 = arith.addi %mul3A_558, %add3A_559 : i32
        %swap3A_561 = arith.index_cast %add3A_560 : i32 to index
        %swap3A_562 = arith.constant 96 : index
        %swap3A_563 = tpu.vector_load %arg14[%swap3A_561, %swap3A_562] {strides = array<i32>} : memref<128x128xf32, #tpu.memory_space<vmem>>, vector<1x16xf32>,
        %swap3A_564 = vector.shape_cast %swap3A_563 : vector<1x16xf32> to vector<16xf32>
        %swap3A_565 = vector.shape_cast %mul3A_556 : vector<16xf32> to vector<1x16xf32>
        tpu.vector_store %arg14[%swap3A_561, %swap3A_562], %swap3A_565 {strides = array<i32>} : memref<128x128xf32, #tpu.memory_space<vmem>>, vector<1x16xf32>,
        %mul3A_566 = arith.constant 16 : i32
        %mul3A_567 = arith.muli %scan3A_433, %mul3A_566 : i32
        %add3A_568 = arith.constant 0 : i32
        %add3A_569 = arith.addi %mul3A_567, %add3A_568 : i32
        %get3A_570 = arith.index_cast %add3A_569 : i32 to index
        %get3A_571 = arith.constant 112 : index
        %get3A_572 = tpu.vector_load %arg14[%get3A_570, %get3A_571] {strides = array<i32>} : memref<128x128xf32, #tpu.memory_space<vmem>>, vector<1x16xf32>,
        %get3A_573 = vector.shape_cast %get3A_572 : vector<1x16xf32> to vector<16xf32>
        %mul3A_574 = arith.mulf %get3A_573, %broadcast_in_dim3A_439 : vector<16xf32>
        %mul3A_575 = arith.constant 16 : i32
        %mul3A_576 = arith.muli %scan3A_433, %mul3A_575 : i32
        %add3A_577 = arith.constant 0 : i32
        %add3A_578 = arith.addi %mul3A_576, %add3A_577 : i32
        %swap3A_579 = arith.index_cast %add3A_578 : i32 to index
        %swap3A_580 = arith.constant 112 : index
        %swap3A_581 = tpu.vector_load %arg14[%swap3A_579, %swap3A_580] {strides = array<i32>} : memref<128x128xf32, #tpu.memory_space<vmem>>, vector<1x16xf32>,
        %swap3A_582 = vector.shape_cast %swap3A_581 : vector<1x16xf32> to vector<16xf32>
        %swap3A_583 = vector.shape_cast %mul3A_574 : vector<16xf32> to vector<1x16xf32>
        tpu.vector_store %arg14[%swap3A_579, %swap3A_580], %swap3A_583 {strides = array<i32>} : memref<128x128xf32, #tpu.memory_space<vmem>>, vector<1x16xf32>,
        %slice3A_584 = vector.extract_strided_slice %get3A_438 {offsets = [1], sizes = [1], strides = [1]} : vector<16xf32> to vector<1xf32>
        %squeeze3A_585 = vector.extract %slice3A_584[0] : f32 from vector<1xf32>
        %broadcast_in_dim3A_586 = vector.broadcast %squeeze3A_585 : f32 to vector<16xf32>
        %mul3A_587 = arith.constant 16 : i32
        %mul3A_588 = arith.muli %scan3A_433, %mul3A_587 : i32
        %add3A_589 = arith.constant 1 : i32
        %add3A_590 = arith.addi %mul3A_588, %add3A_589 : i32
        %get3A_591 = arith.index_cast %add3A_590 : i32 to index
        %get3A_592 = arith.constant 0 : index
        %get3A_593 = tpu.vector_load %arg14[%get3A_591, %get3A_592] {strides = array<i32>} : memref<128x128xf32, #tpu.memory_space<vmem>>, vector<1x16xf32>,
        %get3A_594 = vector.shape_cast %get3A_593 : vector<1x16xf32> to vector<16xf32>
        %mul3A_595 = arith.mulf %get3A_594, %broadcast_in_dim3A_586 : vector<16xf32>
        %mul3A_596 = arith.constant 16 : i32
        %mul3A_597 = arith.muli %scan3A_433, %mul3A_596 : i32
        %add3A_598 = arith.constant 1 : i32
        %add3A_599 = arith.addi %mul3A_597, %add3A_598 : i32
        %swap3A_600 = arith.index_cast %add3A_599 : i32 to index
        %swap3A_601 = arith.constant 0 : index
        %swap3A_602 = tpu.vector_load %arg14[%swap3A_600, %swap3A_601] {strides = array<i32>} : memref<128x128xf32, #tpu.memory_space<vmem>>, vector<1x16xf32>,
        %swap3A_603 = vector.shape_cast %swap3A_602 : vector<1x16xf32> to vector<16xf32>
        %swap3A_604 = vector.shape_cast %mul3A_595 : vector<16xf32> to vector<1x16xf32>
        tpu.vector_store %arg14[%swap3A_600, %swap3A_601], %swap3A_604 {strides = array<i32>} : memref<128x128xf32, #tpu.memory_space<vmem>>, vector<1x16xf32>,
        %mul3A_605 = arith.constant 16 : i32
        %mul3A_606 = arith.muli %scan3A_433, %mul3A_605 : i32
        %add3A_607 = arith.constant 1 : i32
        %add3A_608 = arith.addi %mul3A_606, %add3A_607 : i32
        %get3A_609 = arith.index_cast %add3A_608 : i32 to index
        %get3A_610 = arith.constant 16 : index
        %get3A_611 = tpu.vector_load %arg14[%get3A_609, %get3A_610] {strides = array<i32>} : memref<128x128xf32, #tpu.memory_space<vmem>>, vector<1x16xf32>,
        %get3A_612 = vector.shape_cast %get3A_611 : vector<1x16xf32> to vector<16xf32>
        %mul3A_613 = arith.mulf %get3A_612, %broadcast_in_dim3A_586 : vector<16xf32>
        %mul3A_614 = arith.constant 16 : i32
        %mul3A_615 = arith.muli %scan3A_433, %mul3A_614 : i32
        %add3A_616 = arith.constant 1 : i32
        %add3A_617 = arith.addi %mul3A_615, %add3A_616 : i32
        %swap3A_618 = arith.index_cast %add3A_617 : i32 to index
        %swap3A_619 = arith.constant 16 : index
        %swap3A_620 = tpu.vector_load %arg14[%swap3A_618, %swap3A_619] {strides = array<i32>} : memref<128x128xf32, #tpu.memory_space<vmem>>, vector<1x16xf32>,
        %swap3A_621 = vector.shape_cast %swap3A_620 : vector<1x16xf32> to vector<16xf32>
        %swap3A_622 = vector.shape_cast %mul3A_613 : vector<16xf32> to vector<1x16xf32>
        tpu.vector_store %arg14[%swap3A_618, %swap3A_619], %swap3A_622 {strides = array<i32>} : memref<128x128xf32, #tpu.memory_space<vmem>>, vector<1x16xf32>,
        %mul3A_623 = arith.constant 16 : i32
        %mul3A_624 = arith.muli %scan3A_433, %mul3A_623 : i32
        %add3A_625 = arith.constant 1 : i32
        %add3A_626 = arith.addi %mul3A_624, %add3A_625 : i32
        %get3A_627 = arith.index_cast %add3A_626 : i32 to index
        %get3A_628 = arith.constant 32 : index
        %get3A_629 = tpu.vector_load %arg14[%get3A_627, %get3A_628] {strides = array<i32>} : memref<128x128xf32, #tpu.memory_space<vmem>>, vector<1x16xf32>,
        %get3A_630 = vector.shape_cast %get3A_629 : vector<1x16xf32> to vector<16xf32>
        %mul3A_631 = arith.mulf %get3A_630, %broadcast_in_dim3A_586 : vector<16xf32>
        %mul3A_632 = arith.constant 16 : i32
        %mul3A_633 = arith.muli %scan3A_433, %mul3A_632 : i32
        %add3A_634 = arith.constant 1 : i32
        %add3A_635 = arith.addi %mul3A_633, %add3A_634 : i32
        %swap3A_636 = arith.index_cast %add3A_635 : i32 to index
        %swap3A_637 = arith.constant 32 : index
        %swap3A_638 = tpu.vector_load %arg14[%swap3A_636, %swap3A_637] {strides = array<i32>} : memref<128x128xf32, #tpu.memory_space<vmem>>, vector<1x16xf32>,
        %swap3A_639 = vector.shape_cast %swap3A_638 : vector<1x16xf32> to vector<16xf32>
        %swap3A_640 = vector.shape_cast %mul3A_631 : vector<16xf32> to vector<1x16xf32>
        tpu.vector_store %arg14[%swap3A_636, %swap3A_637], %swap3A_640 {strides = array<i32>} : memref<128x128xf32, #tpu.memory_space<vmem>>, vector<1x16xf32>,
        %mul3A_641 = arith.constant 16 : i32
        %mul3A_642 = arith.muli %scan3A_433, %mul3A_641 : i32
        %add3A_643 = arith.constant 1 : i32
        %add3A_644 = arith.addi %mul3A_642, %add3A_643 : i32
        %get3A_645 = arith.index_cast %add3A_644 : i32 to index
        %get3A_646 = arith.constant 48 : index
        %get3A_647 = tpu.vector_load %arg14[%get3A_645, %get3A_646] {strides = array<i32>} : memref<128x128xf32, #tpu.memory_space<vmem>>, vector<1x16xf32>,
        %get3A_648 = vector.shape_cast %get3A_647 : vector<1x16xf32> to vector<16xf32>
        %mul3A_649 = arith.mulf %get3A_648, %broadcast_in_dim3A_586 : vector<16xf32>
        %mul3A_650 = arith.constant 16 : i32
        %mul3A_651 = arith.muli %scan3A_433, %mul3A_650 : i32
        %add3A_652 = arith.constant 1 : i32
        %add3A_653 = arith.addi %mul3A_651, %add3A_652 : i32
        %swap3A_654 = arith.index_cast %add3A_653 : i32 to index
        %swap3A_655 = arith.constant 48 : index
        %swap3A_656 = tpu.vector_load %arg14[%swap3A_654, %swap3A_655] {strides = array<i32>} : memref<128x128xf32, #tpu.memory_space<vmem>>, vector<1x16xf32>,
        %swap3A_657 = vector.shape_cast %swap3A_656 : vector<1x16xf32> to vector<16xf32>
        %swap3A_658 = vector.shape_cast %mul3A_649 : vector<16xf32> to vector<1x16xf32>
        tpu.vector_store %arg14[%swap3A_654, %swap3A_655], %swap3A_658 {strides = array<i32>} : memref<128x128xf32, #tpu.memory_space<vmem>>, vector<1x16xf32>,
        %mul3A_659 = arith.constant 16 : i32
        %mul3A_660 = arith.muli %scan3A_433, %mul3A_659 : i32
        %add3A_661 = arith.constant 1 : i32
        %add3A_662 = arith.addi %mul3A_660, %add3A_661 : i32
        %get3A_663 = arith.index_cast %add3A_662 : i32 to index
        %get3A_664 = arith.constant 64 : index
        %get3A_665 = tpu.vector_load %arg14[%get3A_663, %get3A_664] {strides = array<i32>} : memref<128x128xf32, #tpu.memory_space<vmem>>, vector<1x16xf32>,
        %get3A_666 = vector.shape_cast %get3A_665 : vector<1x16xf32> to vector<16xf32>
        %mul3A_667 = arith.mulf %get3A_666, %broadcast_in_dim3A_586 : vector<16xf32>
        %mul3A_668 = arith.constant 16 : i32
        %mul3A_669 = arith.muli %scan3A_433, %mul3A_668 : i32
        %add3A_670 = arith.constant 1 : i32
        %add3A_671 = arith.addi %mul3A_669, %add3A_670 : i32
        %swap3A_672 = arith.index_cast %add3A_671 : i32 to index
        %swap3A_673 = arith.constant 64 : index
        %swap3A_674 = tpu.vector_load %arg14[%swap3A_672, %swap3A_673] {strides = array<i32>} : memref<128x128xf32, #tpu.memory_space<vmem>>, vector<1x16xf32>,
        %swap3A_675 = vector.shape_cast %swap3A_674 : vector<1x16xf32> to vector<16xf32>
        %swap3A_676 = vector.shape_cast %mul3A_667 : vector<16xf32> to vector<1x16xf32>
        tpu.vector_store %arg14[%swap3A_672, %swap3A_673], %swap3A_676 {strides = array<i32>} : memref<128x128xf32, #tpu.memory_space<vmem>>, vector<1x16xf32>,
        %mul3A_677 = arith.constant 16 : i32
        %mul3A_678 = arith.muli %scan3A_433, %mul3A_677 : i32
        %add3A_679 = arith.constant 1 : i32
        %add3A_680 = arith.addi %mul3A_678, %add3A_679 : i32
        %get3A_681 = arith.index_cast %add3A_680 : i32 to index
        %get3A_682 = arith.constant 80 : index
        %get3A_683 = tpu.vector_load %arg14[%get3A_681, %get3A_682] {strides = array<i32>} : memref<128x128xf32, #tpu.memory_space<vmem>>, vector<1x16xf32>,
        %get3A_684 = vector.shape_cast %get3A_683 : vector<1x16xf32> to vector<16xf32>
        %mul3A_685 = arith.mulf %get3A_684, %broadcast_in_dim3A_586 : vector<16xf32>
        %mul3A_686 = arith.constant 16 : i32
        %mul3A_687 = arith.muli %scan3A_433, %mul3A_686 : i32
        %add3A_688 = arith.constant 1 : i32
        %add3A_689 = arith.addi %mul3A_687, %add3A_688 : i32
        %swap3A_690 = arith.index_cast %add3A_689 : i32 to index
        %swap3A_691 = arith.constant 80 : index
        %swap3A_692 = tpu.vector_load %arg14[%swap3A_690, %swap3A_691] {strides = array<i32>} : memref<128x128xf32, #tpu.memory_space<vmem>>, vector<1x16xf32>,
        %swap3A_693 = vector.shape_cast %swap3A_692 : vector<1x16xf32> to vector<16xf32>
        %swap3A_694 = vector.shape_cast %mul3A_685 : vector<16xf32> to vector<1x16xf32>
        tpu.vector_store %arg14[%swap3A_690, %swap3A_691], %swap3A_694 {strides = array<i32>} : memref<128x128xf32, #tpu.memory_space<vmem>>, vector<1x16xf32>,
        %mul3A_695 = arith.constant 16 : i32
        %mul3A_696 = arith.muli %scan3A_433, %mul3A_695 : i32
        %add3A_697 = arith.constant 1 : i32
        %add3A_698 = arith.addi %mul3A_696, %add3A_697 : i32
        %get3A_699 = arith.index_cast %add3A_698 : i32 to index
        %get3A_700 = arith.constant 96 : index
        %get3A_701 = tpu.vector_load %arg14[%get3A_699, %get3A_700] {strides = array<i32>} : memref<128x128xf32, #tpu.memory_space<vmem>>, vector<1x16xf32>,
        %get3A_702 = vector.shape_cast %get3A_701 : vector<1x16xf32> to vector<16xf32>
        %mul3A_703 = arith.mulf %get3A_702, %broadcast_in_dim3A_586 : vector<16xf32>
        %mul3A_704 = arith.constant 16 : i32
        %mul3A_705 = arith.muli %scan3A_433, %mul3A_704 : i32
        %add3A_706 = arith.constant 1 : i32
        %add3A_707 = arith.addi %mul3A_705, %add3A_706 : i32
        %swap3A_708 = arith.index_cast %add3A_707 : i32 to index
        %swap3A_709 = arith.constant 96 : index
        %swap3A_710 = tpu.vector_load %arg14[%swap3A_708, %swap3A_709] {strides = array<i32>} : memref<128x128xf32, #tpu.memory_space<vmem>>, vector<1x16xf32>,
        %swap3A_711 = vector.shape_cast %swap3A_710 : vector<1x16xf32> to vector<16xf32>
        %swap3A_712 = vector.shape_cast %mul3A_703 : vector<16xf32> to vector<1x16xf32>
        tpu.vector_store %arg14[%swap3A_708, %swap3A_709], %swap3A_712 {strides = array<i32>} : memref<128x128xf32, #tpu.memory_space<vmem>>, vector<1x16xf32>,
        %mul3A_713 = arith.constant 16 : i32
        %mul3A_714 = arith.muli %scan3A_433, %mul3A_713 : i32
        %add3A_715 = arith.constant 1 : i32
        %add3A_716 = arith.addi %mul3A_714, %add3A_715 : i32
        %get3A_717 = arith.index_cast %add3A_716 : i32 to index
        %get3A_718 = arith.constant 112 : index
        %get3A_719 = tpu.vector_load %arg14[%get3A_717, %get3A_718] {strides = array<i32>} : memref<128x128xf32, #tpu.memory_space<vmem>>, vector<1x16xf32>,
        %get3A_720 = vector.shape_cast %get3A_719 : vector<1x16xf32> to vector<16xf32>
        %mul3A_721 = arith.mulf %get3A_720, %broadcast_in_dim3A_586 : vector<16xf32>
        %mul3A_722 = arith.constant 16 : i32
        %mul3A_723 = arith.muli %scan3A_433, %mul3A_722 : i32
        %add3A_724 = arith.constant 1 : i32
        %add3A_725 = arith.addi %mul3A_723, %add3A_724 : i32
        %swap3A_726 = arith.index_cast %add3A_725 : i32 to index
        %swap3A_727 = arith.constant 112 : index
        %swap3A_728 = tpu.vector_load %arg14[%swap3A_726, %swap3A_727] {strides = array<i32>} : memref<128x128xf32, #tpu.memory_space<vmem>>, vector<1x16xf32>,
        %swap3A_729 = vector.shape_cast %swap3A_728 : vector<1x16xf32> to vector<16xf32>
        %swap3A_730 = vector.shape_cast %mul3A_721 : vector<16xf32> to vector<1x16xf32>
        tpu.vector_store %arg14[%swap3A_726, %swap3A_727], %swap3A_730 {strides = array<i32>} : memref<128x128xf32, #tpu.memory_space<vmem>>, vector<1x16xf32>,
        %slice3A_731 = vector.extract_strided_slice %get3A_438 {offsets = [2], sizes = [1], strides = [1]} : vector<16xf32> to vector<1xf32>
        %squeeze3A_732 = vector.extract %slice3A_731[0] : f32 from vector<1xf32>
        %broadcast_in_dim3A_733 = vector.broadcast %squeeze3A_732 : f32 to vector<16xf32>
        %mul3A_734 = arith.constant 16 : i32
        %mul3A_735 = arith.muli %scan3A_433, %mul3A_734 : i32
        %add3A_736 = arith.constant 2 : i32
        %add3A_737 = arith.addi %mul3A_735, %add3A_736 : i32
        %get3A_738 = arith.index_cast %add3A_737 : i32 to index
        %get3A_739 = arith.constant 0 : index
        %get3A_740 = tpu.vector_load %arg14[%get3A_738, %get3A_739] {strides = array<i32>} : memref<128x128xf32, #tpu.memory_space<vmem>>, vector<1x16xf32>,
        %get3A_741 = vector.shape_cast %get3A_740 : vector<1x16xf32> to vector<16xf32>
        %mul3A_742 = arith.mulf %get3A_741, %broadcast_in_dim3A_733 : vector<16xf32>
        %mul3A_743 = arith.constant 16 : i32
        %mul3A_744 = arith.muli %scan3A_433, %mul3A_743 : i32
        %add3A_745 = arith.constant 2 : i32
        %add3A_746 = arith.addi %mul3A_744, %add3A_745 : i32
        %swap3A_747 = arith.index_cast %add3A_746 : i32 to index
        %swap3A_748 = arith.constant 0 : index
        %swap3A_749 = tpu.vector_load %arg14[%swap3A_747, %swap3A_748] {strides = array<i32>} : memref<128x128xf32, #tpu.memory_space<vmem>>, vector<1x16xf32>,
        %swap3A_750 = vector.shape_cast %swap3A_749 : vector<1x16xf32> to vector<16xf32>
        %swap3A_751 = vector.shape_cast %mul3A_742 : vector<16xf32> to vector<1x16xf32>
        tpu.vector_store %arg14[%swap3A_747, %swap3A_748], %swap3A_751 {strides = array<i32>} : memref<128x128xf32, #tpu.memory_space<vmem>>, vector<1x16xf32>,
        %mul3A_752 = arith.constant 16 : i32
        %mul3A_753 = arith.muli %scan3A_433, %mul3A_752 : i32
        %add3A_754 = arith.constant 2 : i32
        %add3A_755 = arith.addi %mul3A_753, %add3A_754 : i32
        %get3A_756 = arith.index_cast %add3A_755 : i32 to index
        %get3A_757 = arith.constant 16 : index
        %get3A_758 = tpu.vector_load %arg14[%get3A_756, %get3A_757] {strides = array<i32>} : memref<128x128xf32, #tpu.memory_space<vmem>>, vector<1x16xf32>,
        %get3A_759 = vector.shape_cast %get3A_758 : vector<1x16xf32> to vector<16xf32>
        %mul3A_760 = arith.mulf %get3A_759, %broadcast_in_dim3A_733 : vector<16xf32>
        %mul3A_761 = arith.constant 16 : i32
        %mul3A_762 = arith.muli %scan3A_433, %mul3A_761 : i32
        %add3A_763 = arith.constant 2 : i32
        %add3A_764 = arith.addi %mul3A_762, %add3A_763 : i32
        %swap3A_765 = arith.index_cast %add3A_764 : i32 to index
        %swap3A_766 = arith.constant 16 : index
        %swap3A_767 = tpu.vector_load %arg14[%swap3A_765, %swap3A_766] {strides = array<i32>} : memref<128x128xf32, #tpu.memory_space<vmem>>, vector<1x16xf32>,
        %swap3A_768 = vector.shape_cast %swap3A_767 : vector<1x16xf32> to vector<16xf32>
        %swap3A_769 = vector.shape_cast %mul3A_760 : vector<16xf32> to vector<1x16xf32>
        tpu.vector_store %arg14[%swap3A_765, %swap3A_766], %swap3A_769 {strides = array<i32>} : memref<128x128xf32, #tpu.memory_space<vmem>>, vector<1x16xf32>,
        %mul3A_770 = arith.constant 16 : i32
        %mul3A_771 = arith.muli %scan3A_433, %mul3A_770 : i32
        %add3A_772 = arith.constant 2 : i32
        %add3A_773 = arith.addi %mul3A_771, %add3A_772 : i32
        %get3A_774 = arith.index_cast %add3A_773 : i32 to index
        %get3A_775 = arith.constant 32 : index
        %get3A_776 = tpu.vector_load %arg14[%get3A_774, %get3A_775] {strides = array<i32>} : memref<128x128xf32, #tpu.memory_space<vmem>>, vector<1x16xf32>,
        %get3A_777 = vector.shape_cast %get3A_776 : vector<1x16xf32> to vector<16xf32>
        %mul3A_778 = arith.mulf %get3A_777, %broadcast_in_dim3A_733 : vector<16xf32>
        %mul3A_779 = arith.constant 16 : i32
        %mul3A_780 = arith.muli %scan3A_433, %mul3A_779 : i32
        %add3A_781 = arith.constant 2 : i32
        %add3A_782 = arith.addi %mul3A_780, %add3A_781 : i32
        %swap3A_783 = arith.index_cast %add3A_782 : i32 to index
        %swap3A_784 = arith.constant 32 : index
        %swap3A_785 = tpu.vector_load %arg14[%swap3A_783, %swap3A_784] {strides = array<i32>} : memref<128x128xf32, #tpu.memory_space<vmem>>, vector<1x16xf32>,
        %swap3A_786 = vector.shape_cast %swap3A_785 : vector<1x16xf32> to vector<16xf32>
        %swap3A_787 = vector.shape_cast %mul3A_778 : vector<16xf32> to vector<1x16xf32>
        tpu.vector_store %arg14[%swap3A_783, %swap3A_784], %swap3A_787 {strides = array<i32>} : memref<128x128xf32, #tpu.memory_space<vmem>>, vector<1x16xf32>,
        %mul3A_788 = arith.constant 16 : i32
        %mul3A_789 = arith.muli %scan3A_433, %mul3A_788 : i32
        %add3A_790 = arith.constant 2 : i32
        %add3A_791 = arith.addi %mul3A_789, %add3A_790 : i32
        %get3A_792 = arith.index_cast %add3A_791 : i32 to index
        %get3A_793 = arith.constant 48 : index
        %get3A_794 = tpu.vector_load %arg14[%get3A_792, %get3A_793] {strides = array<i32>} : memref<128x128xf32, #tpu.memory_space<vmem>>, vector<1x16xf32>,
        %get3A_795 = vector.shape_cast %get3A_794 : vector<1x16xf32> to vector<16xf32>
        %mul3A_796 = arith.mulf %get3A_795, %broadcast_in_dim3A_733 : vector<16xf32>
        %mul3A_797 = arith.constant 16 : i32
        %mul3A_798 = arith.muli %scan3A_433, %mul3A_797 : i32
        %add3A_799 = arith.constant 2 : i32
        %add3A_800 = arith.addi %mul3A_798, %add3A_799 : i32
        %swap3A_801 = arith.index_cast %add3A_800 : i32 to index
        %swap3A_802 = arith.constant 48 : index
        %swap3A_803 = tpu.vector_load %arg14[%swap3A_801, %swap3A_802] {strides = array<i32>} : memref<128x128xf32, #tpu.memory_space<vmem>>, vector<1x16xf32>,
        %swap3A_804 = vector.shape_cast %swap3A_803 : vector<1x16xf32> to vector<16xf32>
        %swap3A_805 = vector.shape_cast %mul3A_796 : vector<16xf32> to vector<1x16xf32>
        tpu.vector_store %arg14[%swap3A_801, %swap3A_802], %swap3A_805 {strides = array<i32>} : memref<128x128xf32, #tpu.memory_space<vmem>>, vector<1x16xf32>,
        %mul3A_806 = arith.constant 16 : i32
        %mul3A_807 = arith.muli %scan3A_433, %mul3A_806 : i32
        %add3A_808 = arith.constant 2 : i32
        %add3A_809 = arith.addi %mul3A_807, %add3A_808 : i32
        %get3A_810 = arith.index_cast %add3A_809 : i32 to index
        %get3A_811 = arith.constant 64 : index
        %get3A_812 = tpu.vector_load %arg14[%get3A_810, %get3A_811] {strides = array<i32>} : memref<128x128xf32, #tpu.memory_space<vmem>>, vector<1x16xf32>,
        %get3A_813 = vector.shape_cast %get3A_812 : vector<1x16xf32> to vector<16xf32>
        %mul3A_814 = arith.mulf %get3A_813, %broadcast_in_dim3A_733 : vector<16xf32>
        %mul3A_815 = arith.constant 16 : i32
        %mul3A_816 = arith.muli %scan3A_433, %mul3A_815 : i32
        %add3A_817 = arith.constant 2 : i32
        %add3A_818 = arith.addi %mul3A_816, %add3A_817 : i32
        %swap3A_819 = arith.index_cast %add3A_818 : i32 to index
        %swap3A_820 = arith.constant 64 : index
        %swap3A_821 = tpu.vector_load %arg14[%swap3A_819, %swap3A_820] {strides = array<i32>} : memref<128x128xf32, #tpu.memory_space<vmem>>, vector<1x16xf32>,
        %swap3A_822 = vector.shape_cast %swap3A_821 : vector<1x16xf32> to vector<16xf32>
        %swap3A_823 = vector.shape_cast %mul3A_814 : vector<16xf32> to vector<1x16xf32>
        tpu.vector_store %arg14[%swap3A_819, %swap3A_820], %swap3A_823 {strides = array<i32>} : memref<128x128xf32, #tpu.memory_space<vmem>>, vector<1x16xf32>,
        %mul3A_824 = arith.constant 16 : i32
        %mul3A_825 = arith.muli %scan3A_433, %mul3A_824 : i32
        %add3A_826 = arith.constant 2 : i32
        %add3A_827 = arith.addi %mul3A_825, %add3A_826 : i32
        %get3A_828 = arith.index_cast %add3A_827 : i32 to index
        %get3A_829 = arith.constant 80 : index
        %get3A_830 = tpu.vector_load %arg14[%get3A_828, %get3A_829] {strides = array<i32>} : memref<128x128xf32, #tpu.memory_space<vmem>>, vector<1x16xf32>,
        %get3A_831 = vector.shape_cast %get3A_830 : vector<1x16xf32> to vector<16xf32>
        %mul3A_832 = arith.mulf %get3A_831, %broadcast_in_dim3A_733 : vector<16xf32>
        %mul3A_833 = arith.constant 16 : i32
        %mul3A_834 = arith.muli %scan3A_433, %mul3A_833 : i32
        %add3A_835 = arith.constant 2 : i32
        %add3A_836 = arith.addi %mul3A_834, %add3A_835 : i32
        %swap3A_837 = arith.index_cast %add3A_836 : i32 to index
        %swap3A_838 = arith.constant 80 : index
        %swap3A_839 = tpu.vector_load %arg14[%swap3A_837, %swap3A_838] {strides = array<i32>} : memref<128x128xf32, #tpu.memory_space<vmem>>, vector<1x16xf32>,
        %swap3A_840 = vector.shape_cast %swap3A_839 : vector<1x16xf32> to vector<16xf32>
        %swap3A_841 = vector.shape_cast %mul3A_832 : vector<16xf32> to vector<1x16xf32>
        tpu.vector_store %arg14[%swap3A_837, %swap3A_838], %swap3A_841 {strides = array<i32>} : memref<128x128xf32, #tpu.memory_space<vmem>>, vector<1x16xf32>,
        %mul3A_842 = arith.constant 16 : i32
        %mul3A_843 = arith.muli %scan3A_433, %mul3A_842 : i32
        %add3A_844 = arith.constant 2 : i32
        %add3A_845 = arith.addi %mul3A_843, %add3A_844 : i32
        %get3A_846 = arith.index_cast %add3A_845 : i32 to index
        %get3A_847 = arith.constant 96 : index
        %get3A_848 = tpu.vector_load %arg14[%get3A_846, %get3A_847] {strides = array<i32>} : memref<128x128xf32, #tpu.memory_space<vmem>>, vector<1x16xf32>,
        %get3A_849 = vector.shape_cast %get3A_848 : vector<1x16xf32> to vector<16xf32>
        %mul3A_850 = arith.mulf %get3A_849, %broadcast_in_dim3A_733 : vector<16xf32>
        %mul3A_851 = arith.constant 16 : i32
        %mul3A_852 = arith.muli %scan3A_433, %mul3A_851 : i32
        %add3A_853 = arith.constant 2 : i32
        %add3A_854 = arith.addi %mul3A_852, %add3A_853 : i32
        %swap3A_855 = arith.index_cast %add3A_854 : i32 to index
        %swap3A_856 = arith.constant 96 : index
        %swap3A_857 = tpu.vector_load %arg14[%swap3A_855, %swap3A_856] {strides = array<i32>} : memref<128x128xf32, #tpu.memory_space<vmem>>, vector<1x16xf32>,
        %swap3A_858 = vector.shape_cast %swap3A_857 : vector<1x16xf32> to vector<16xf32>
        %swap3A_859 = vector.shape_cast %mul3A_850 : vector<16xf32> to vector<1x16xf32>
        tpu.vector_store %arg14[%swap3A_855, %swap3A_856], %swap3A_859 {strides = array<i32>} : memref<128x128xf32, #tpu.memory_space<vmem>>, vector<1x16xf32>,
        %mul3A_860 = arith.constant 16 : i32
        %mul3A_861 = arith.muli %scan3A_433, %mul3A_860 : i32
        %add3A_862 = arith.constant 2 : i32
        %add3A_863 = arith.addi %mul3A_861, %add3A_862 : i32
        %get3A_864 = arith.index_cast %add3A_863 : i32 to index
        %get3A_865 = arith.constant 112 : index
        %get3A_866 = tpu.vector_load %arg14[%get3A_864, %get3A_865] {strides = array<i32>} : memref<128x128xf32, #tpu.memory_space<vmem>>, vector<1x16xf32>,
        %get3A_867 = vector.shape_cast %get3A_866 : vector<1x16xf32> to vector<16xf32>
        %mul3A_868 = arith.mulf %get3A_867, %broadcast_in_dim3A_733 : vector<16xf32>
        %mul3A_869 = arith.constant 16 : i32
        %mul3A_870 = arith.muli %scan3A_433, %mul3A_869 : i32
        %add3A_871 = arith.constant 2 : i32
        %add3A_872 = arith.addi %mul3A_870, %add3A_871 : i32
        %swap3A_873 = arith.index_cast %add3A_872 : i32 to index
        %swap3A_874 = arith.constant 112 : index
        %swap3A_875 = tpu.vector_load %arg14[%swap3A_873, %swap3A_874] {strides = array<i32>} : memref<128x128xf32, #tpu.memory_space<vmem>>, vector<1x16xf32>,
        %swap3A_876 = vector.shape_cast %swap3A_875 : vector<1x16xf32> to vector<16xf32>
        %swap3A_877 = vector.shape_cast %mul3A_868 : vector<16xf32> to vector<1x16xf32>
        tpu.vector_store %arg14[%swap3A_873, %swap3A_874], %swap3A_877 {strides = array<i32>} : memref<128x128xf32, #tpu.memory_space<vmem>>, vector<1x16xf32>,
        %slice3A_878 = vector.extract_strided_slice %get3A_438 {offsets = [3], sizes = [1], strides = [1]} : vector<16xf32> to vector<1xf32>
        %squeeze3A_879 = vector.extract %slice3A_878[0] : f32 from vector<1xf32>
        %broadcast_in_dim3A_880 = vector.broadcast %squeeze3A_879 : f32 to vector<16xf32>
        %mul3A_881 = arith.constant 16 : i32
        %mul3A_882 = arith.muli %scan3A_433, %mul3A_881 : i32
        %add3A_883 = arith.constant 3 : i32
        %add3A_884 = arith.addi %mul3A_882, %add3A_883 : i32
        %get3A_885 = arith.index_cast %add3A_884 : i32 to index
        %get3A_886 = arith.constant 0 : index
        %get3A_887 = tpu.vector_load %arg14[%get3A_885, %get3A_886] {strides = array<i32>} : memref<128x128xf32, #tpu.memory_space<vmem>>, vector<1x16xf32>,
        %get3A_888 = vector.shape_cast %get3A_887 : vector<1x16xf32> to vector<16xf32>
        %mul3A_889 = arith.mulf %get3A_888, %broadcast_in_dim3A_880 : vector<16xf32>
        %mul3A_890 = arith.constant 16 : i32
        %mul3A_891 = arith.muli %scan3A_433, %mul3A_890 : i32
        %add3A_892 = arith.constant 3 : i32
        %add3A_893 = arith.addi %mul3A_891, %add3A_892 : i32
        %swap3A_894 = arith.index_cast %add3A_893 : i32 to index
        %swap3A_895 = arith.constant 0 : index
        %swap3A_896 = tpu.vector_load %arg14[%swap3A_894, %swap3A_895] {strides = array<i32>} : memref<128x128xf32, #tpu.memory_space<vmem>>, vector<1x16xf32>,
        %swap3A_897 = vector.shape_cast %swap3A_896 : vector<1x16xf32> to vector<16xf32>
        %swap3A_898 = vector.shape_cast %mul3A_889 : vector<16xf32> to vector<1x16xf32>
        tpu.vector_store %arg14[%swap3A_894, %swap3A_895], %swap3A_898 {strides = array<i32>} : memref<128x128xf32, #tpu.memory_space<vmem>>, vector<1x16xf32>,
        %mul3A_899 = arith.constant 16 : i32
        %mul3A_900 = arith.muli %scan3A_433, %mul3A_899 : i32
        %add3A_901 = arith.constant 3 : i32
        %add3A_902 = arith.addi %mul3A_900, %add3A_901 : i32
        %get3A_903 = arith.index_cast %add3A_902 : i32 to index
        %get3A_904 = arith.constant 16 : index
        %get3A_905 = tpu.vector_load %arg14[%get3A_903, %get3A_904] {strides = array<i32>} : memref<128x128xf32, #tpu.memory_space<vmem>>, vector<1x16xf32>,
        %get3A_906 = vector.shape_cast %get3A_905 : vector<1x16xf32> to vector<16xf32>
        %mul3A_907 = arith.mulf %get3A_906, %broadcast_in_dim3A_880 : vector<16xf32>
        %mul3A_908 = arith.constant 16 : i32
        %mul3A_909 = arith.muli %scan3A_433, %mul3A_908 : i32
        %add3A_910 = arith.constant 3 : i32
        %add3A_911 = arith.addi %mul3A_909, %add3A_910 : i32
        %swap3A_912 = arith.index_cast %add3A_911 : i32 to index
        %swap3A_913 = arith.constant 16 : index
        %swap3A_914 = tpu.vector_load %arg14[%swap3A_912, %swap3A_913] {strides = array<i32>} : memref<128x128xf32, #tpu.memory_space<vmem>>, vector<1x16xf32>,
        %swap3A_915 = vector.shape_cast %swap3A_914 : vector<1x16xf32> to vector<16xf32>
        %swap3A_916 = vector.shape_cast %mul3A_907 : vector<16xf32> to vector<1x16xf32>
        tpu.vector_store %arg14[%swap3A_912, %swap3A_913], %swap3A_916 {strides = array<i32>} : memref<128x128xf32, #tpu.memory_space<vmem>>, vector<1x16xf32>,
        %mul3A_917 = arith.constant 16 : i32
        %mul3A_918 = arith.muli %scan3A_433, %mul3A_917 : i32
        %add3A_919 = arith.constant 3 : i32
        %add3A_920 = arith.addi %mul3A_918, %add3A_919 : i32
        %get3A_921 = arith.index_cast %add3A_920 : i32 to index
        %get3A_922 = arith.constant 32 : index
        %get3A_923 = tpu.vector_load %arg14[%get3A_921, %get3A_922] {strides = array<i32>} : memref<128x128xf32, #tpu.memory_space<vmem>>, vector<1x16xf32>,
        %get3A_924 = vector.shape_cast %get3A_923 : vector<1x16xf32> to vector<16xf32>
        %mul3A_925 = arith.mulf %get3A_924, %broadcast_in_dim3A_880 : vector<16xf32>
        %mul3A_926 = arith.constant 16 : i32
        %mul3A_927 = arith.muli %scan3A_433, %mul3A_926 : i32
        %add3A_928 = arith.constant 3 : i32
        %add3A_929 = arith.addi %mul3A_927, %add3A_928 : i32
        %swap3A_930 = arith.index_cast %add3A_929 : i32 to index
        %swap3A_931 = arith.constant 32 : index
        %swap3A_932 = tpu.vector_load %arg14[%swap3A_930, %swap3A_931] {strides = array<i32>} : memref<128x128xf32, #tpu.memory_space<vmem>>, vector<1x16xf32>,
        %swap3A_933 = vector.shape_cast %swap3A_932 : vector<1x16xf32> to vector<16xf32>
        %swap3A_934 = vector.shape_cast %mul3A_925 : vector<16xf32> to vector<1x16xf32>
        tpu.vector_store %arg14[%swap3A_930, %swap3A_931], %swap3A_934 {strides = array<i32>} : memref<128x128xf32, #tpu.memory_space<vmem>>, vector<1x16xf32>,
        %mul3A_935 = arith.constant 16 : i32
        %mul3A_936 = arith.muli %scan3A_433, %mul3A_935 : i32
        %add3A_937 = arith.constant 3 : i32
        %add3A_938 = arith.addi %mul3A_936, %add3A_937 : i32
        %get3A_939 = arith.index_cast %add3A_938 : i32 to index
        %get3A_940 = arith.constant 48 : index
        %get3A_941 = tpu.vector_load %arg14[%get3A_939, %get3A_940] {strides = array<i32>} : memref<128x128xf32, #tpu.memory_space<vmem>>, vector<1x16xf32>,
        %get3A_942 = vector.shape_cast %get3A_941 : vector<1x16xf32> to vector<16xf32>
        %mul3A_943 = arith.mulf %get3A_942, %broadcast_in_dim3A_880 : vector<16xf32>
        %mul3A_944 = arith.constant 16 : i32
        %mul3A_945 = arith.muli %scan3A_433, %mul3A_944 : i32
        %add3A_946 = arith.constant 3 : i32
        %add3A_947 = arith.addi %mul3A_945, %add3A_946 : i32
        %swap3A_948 = arith.index_cast %add3A_947 : i32 to index
        %swap3A_949 = arith.constant 48 : index
        %swap3A_950 = tpu.vector_load %arg14[%swap3A_948, %swap3A_949] {strides = array<i32>} : memref<128x128xf32, #tpu.memory_space<vmem>>, vector<1x16xf32>,
        %swap3A_951 = vector.shape_cast %swap3A_950 : vector<1x16xf32> to vector<16xf32>
        %swap3A_952 = vector.shape_cast %mul3A_943 : vector<16xf32> to vector<1x16xf32>
        tpu.vector_store %arg14[%swap3A_948, %swap3A_949], %swap3A_952 {strides = array<i32>} : memref<128x128xf32, #tpu.memory_space<vmem>>, vector<1x16xf32>,
        %mul3A_953 = arith.constant 16 : i32
        %mul3A_954 = arith.muli %scan3A_433, %mul3A_953 : i32
        %add3A_955 = arith.constant 3 : i32
        %add3A_956 = arith.addi %mul3A_954, %add3A_955 : i32
        %get3A_957 = arith.index_cast %add3A_956 : i32 to index
        %get3A_958 = arith.constant 64 : index
        %get3A_959 = tpu.vector_load %arg14[%get3A_957, %get3A_958] {strides = array<i32>} : memref<128x128xf32, #tpu.memory_space<vmem>>, vector<1x16xf32>,
        %get3A_960 = vector.shape_cast %get3A_959 : vector<1x16xf32> to vector<16xf32>
        %mul3A_961 = arith.mulf %get3A_960, %broadcast_in_dim3A_880 : vector<16xf32>
        %mul3A_962 = arith.constant 16 : i32
        %mul3A_963 = arith.muli %scan3A_433, %mul3A_962 : i32
        %add3A_964 = arith.constant 3 : i32
        %add3A_965 = arith.addi %mul3A_963, %add3A_964 : i32
        %swap3A_966 = arith.index_cast %add3A_965 : i32 to index
        %swap3A_967 = arith.constant 64 : index
        %swap3A_968 = tpu.vector_load %arg14[%swap3A_966, %swap3A_967] {strides = array<i32>} : memref<128x128xf32, #tpu.memory_space<vmem>>, vector<1x16xf32>,
        %swap3A_969 = vector.shape_cast %swap3A_968 : vector<1x16xf32> to vector<16xf32>
        %swap3A_970 = vector.shape_cast %mul3A_961 : vector<16xf32> to vector<1x16xf32>
        tpu.vector_store %arg14[%swap3A_966, %swap3A_967], %swap3A_970 {strides = array<i32>} : memref<128x128xf32, #tpu.memory_space<vmem>>, vector<1x16xf32>,
        %mul3A_971 = arith.constant 16 : i32
        %mul3A_972 = arith.muli %scan3A_433, %mul3A_971 : i32
        %add3A_973 = arith.constant 3 : i32
        %add3A_974 = arith.addi %mul3A_972, %add3A_973 : i32
        %get3A_975 = arith.index_cast %add3A_974 : i32 to index
        %get3A_976 = arith.constant 80 : index
        %get3A_977 = tpu.vector_load %arg14[%get3A_975, %get3A_976] {strides = array<i32>} : memref<128x128xf32, #tpu.memory_space<vmem>>, vector<1x16xf32>,
        %get3A_978 = vector.shape_cast %get3A_977 : vector<1x16xf32> to vector<16xf32>
        %mul3A_979 = arith.mulf %get3A_978, %broadcast_in_dim3A_880 : vector<16xf32>
        %mul3A_980 = arith.constant 16 : i32
        %mul3A_981 = arith.muli %scan3A_433, %mul3A_980 : i32
        %add3A_982 = arith.constant 3 : i32
        %add3A_983 = arith.addi %mul3A_981, %add3A_982 : i32
        %swap3A_984 = arith.index_cast %add3A_983 : i32 to index
        %swap3A_985 = arith.constant 80 : index
        %swap3A_986 = tpu.vector_load %arg14[%swap3A_984, %swap3A_985] {strides = array<i32>} : memref<128x128xf32, #tpu.memory_space<vmem>>, vector<1x16xf32>,
        %swap3A_987 = vector.shape_cast %swap3A_986 : vector<1x16xf32> to vector<16xf32>
        %swap3A_988 = vector.shape_cast %mul3A_979 : vector<16xf32> to vector<1x16xf32>
        tpu.vector_store %arg14[%swap3A_984, %swap3A_985], %swap3A_988 {strides = array<i32>} : memref<128x128xf32, #tpu.memory_space<vmem>>, vector<1x16xf32>,
        %mul3A_989 = arith.constant 16 : i32
        %mul3A_990 = arith.muli %scan3A_433, %mul3A_989 : i32
        %add3A_991 = arith.constant 3 : i32
        %add3A_992 = arith.addi %mul3A_990, %add3A_991 : i32
        %get3A_993 = arith.index_cast %add3A_992 : i32 to index
        %get3A_994 = arith.constant 96 : index
        %get3A_995 = tpu.vector_load %arg14[%get3A_993, %get3A_994] {strides = array<i32>} : memref<128x128xf32, #tpu.memory_space<vmem>>, vector<1x16xf32>,
        %get3A_996 = vector.shape_cast %get3A_995 : vector<1x16xf32> to vector<16xf32>
        %mul3A_997 = arith.mulf %get3A_996, %broadcast_in_dim3A_880 : vector<16xf32>
        %mul3A_998 = arith.constant 16 : i32
        %mul3A_999 = arith.muli %scan3A_433, %mul3A_998 : i32
        %add3A_1000 = arith.constant 3 : i32
        %add3A_1001 = arith.addi %mul3A_999, %add3A_1000 : i32
        %swap3A_1002 = arith.index_cast %add3A_1001 : i32 to index
        %swap3A_1003 = arith.constant 96 : index
        %swap3A_1004 = tpu.vector_load %arg14[%swap3A_1002, %swap3A_1003] {strides = array<i32>} : memref<128x128xf32, #tpu.memory_space<vmem>>, vector<1x16xf32>,
        %swap3A_1005 = vector.shape_cast %swap3A_1004 : vector<1x16xf32> to vector<16xf32>
        %swap3A_1006 = vector.shape_cast %mul3A_997 : vector<16xf32> to vector<1x16xf32>
        tpu.vector_store %arg14[%swap3A_1002, %swap3A_1003], %swap3A_1006 {strides = array<i32>} : memref<128x128xf32, #tpu.memory_space<vmem>>, vector<1x16xf32>,
        %mul3A_1007 = arith.constant 16 : i32
        %mul3A_1008 = arith.muli %scan3A_433, %mul3A_1007 : i32
        %add3A_1009 = arith.constant 3 : i32
        %add3A_1010 = arith.addi %mul3A_1008, %add3A_1009 : i32
        %get3A_1011 = arith.index_cast %add3A_1010 : i32 to index
        %get3A_1012 = arith.constant 112 : index
        %get3A_1013 = tpu.vector_load %arg14[%get3A_1011, %get3A_1012] {strides = array<i32>} : memref<128x128xf32, #tpu.memory_space<vmem>>, vector<1x16xf32>,
        %get3A_1014 = vector.shape_cast %get3A_1013 : vector<1x16xf32> to vector<16xf32>
        %mul3A_1015 = arith.mulf %get3A_1014, %broadcast_in_dim3A_880 : vector<16xf32>
        %mul3A_1016 = arith.constant 16 : i32
        %mul3A_1017 = arith.muli %scan3A_433, %mul3A_1016 : i32
        %add3A_1018 = arith.constant 3 : i32
        %add3A_1019 = arith.addi %mul3A_1017, %add3A_1018 : i32
        %swap3A_1020 = arith.index_cast %add3A_1019 : i32 to index
        %swap3A_1021 = arith.constant 112 : index
        %swap3A_1022 = tpu.vector_load %arg14[%swap3A_1020, %swap3A_1021] {strides = array<i32>} : memref<128x128xf32, #tpu.memory_space<vmem>>, vector<1x16xf32>,
        %swap3A_1023 = vector.shape_cast %swap3A_1022 : vector<1x16xf32> to vector<16xf32>
        %swap3A_1024 = vector.shape_cast %mul3A_1015 : vector<16xf32> to vector<1x16xf32>
        tpu.vector_store %arg14[%swap3A_1020, %swap3A_1021], %swap3A_1024 {strides = array<i32>} : memref<128x128xf32, #tpu.memory_space<vmem>>, vector<1x16xf32>,
        %slice3A_1025 = vector.extract_strided_slice %get3A_438 {offsets = [4], sizes = [1], strides = [1]} : vector<16xf32> to vector<1xf32>
        %squeeze3A_1026 = vector.extract %slice3A_1025[0] : f32 from vector<1xf32>
        %broadcast_in_dim3A_1027 = vector.broadcast %squeeze3A_1026 : f32 to vector<16xf32>
        %mul3A_1028 = arith.constant 16 : i32
        %mul3A_1029 = arith.muli %scan3A_433, %mul3A_1028 : i32
        %add3A_1030 = arith.constant 4 : i32
        %add3A_1031 = arith.addi %mul3A_1029, %add3A_1030 : i32
        %get3A_1032 = arith.index_cast %add3A_1031 : i32 to index
        %get3A_1033 = arith.constant 0 : index
        %get3A_1034 = tpu.vector_load %arg14[%get3A_1032, %get3A_1033] {strides = array<i32>} : memref<128x128xf32, #tpu.memory_space<vmem>>, vector<1x16xf32>,
        %get3A_1035 = vector.shape_cast %get3A_1034 : vector<1x16xf32> to vector<16xf32>
        %mul3A_1036 = arith.mulf %get3A_1035, %broadcast_in_dim3A_1027 : vector<16xf32>
        %mul3A_1037 = arith.constant 16 : i32
        %mul3A_1038 = arith.muli %scan3A_433, %mul3A_1037 : i32
        %add3A_1039 = arith.constant 4 : i32
        %add3A_1040 = arith.addi %mul3A_1038, %add3A_1039 : i32
        %swap3A_1041 = arith.index_cast %add3A_1040 : i32 to index
        %swap3A_1042 = arith.constant 0 : index
        %swap3A_1043 = tpu.vector_load %arg14[%swap3A_1041, %swap3A_1042] {strides = array<i32>} : memref<128x128xf32, #tpu.memory_space<vmem>>, vector<1x16xf32>,
        %swap3A_1044 = vector.shape_cast %swap3A_1043 : vector<1x16xf32> to vector<16xf32>
        %swap3A_1045 = vector.shape_cast %mul3A_1036 : vector<16xf32> to vector<1x16xf32>
        tpu.vector_store %arg14[%swap3A_1041, %swap3A_1042], %swap3A_1045 {strides = array<i32>} : memref<128x128xf32, #tpu.memory_space<vmem>>, vector<1x16xf32>,
        %mul3A_1046 = arith.constant 16 : i32
        %mul3A_1047 = arith.muli %scan3A_433, %mul3A_1046 : i32
        %add3A_1048 = arith.constant 4 : i32
        %add3A_1049 = arith.addi %mul3A_1047, %add3A_1048 : i32
        %get3A_1050 = arith.index_cast %add3A_1049 : i32 to index
        %get3A_1051 = arith.constant 16 : index
        %get3A_1052 = tpu.vector_load %arg14[%get3A_1050, %get3A_1051] {strides = array<i32>} : memref<128x128xf32, #tpu.memory_space<vmem>>, vector<1x16xf32>,
        %get3A_1053 = vector.shape_cast %get3A_1052 : vector<1x16xf32> to vector<16xf32>
        %mul3A_1054 = arith.mulf %get3A_1053, %broadcast_in_dim3A_1027 : vector<16xf32>
        %mul3A_1055 = arith.constant 16 : i32
        %mul3A_1056 = arith.muli %scan3A_433, %mul3A_1055 : i32
        %add3A_1057 = arith.constant 4 : i32
        %add3A_1058 = arith.addi %mul3A_1056, %add3A_1057 : i32
        %swap3A_1059 = arith.index_cast %add3A_1058 : i32 to index
        %swap3A_1060 = arith.constant 16 : index
        %swap3A_1061 = tpu.vector_load %arg14[%swap3A_1059, %swap3A_1060] {strides = array<i32>} : memref<128x128xf32, #tpu.memory_space<vmem>>, vector<1x16xf32>,
        %swap3A_1062 = vector.shape_cast %swap3A_1061 : vector<1x16xf32> to vector<16xf32>
        %swap3A_1063 = vector.shape_cast %mul3A_1054 : vector<16xf32> to vector<1x16xf32>
        tpu.vector_store %arg14[%swap3A_1059, %swap3A_1060], %swap3A_1063 {strides = array<i32>} : memref<128x128xf32, #tpu.memory_space<vmem>>, vector<1x16xf32>,
        %mul3A_1064 = arith.constant 16 : i32
        %mul3A_1065 = arith.muli %scan3A_433, %mul3A_1064 : i32
        %add3A_1066 = arith.constant 4 : i32
        %add3A_1067 = arith.addi %mul3A_1065, %add3A_1066 : i32
        %get3A_1068 = arith.index_cast %add3A_1067 : i32 to index
        %get3A_1069 = arith.constant 32 : index
        %get3A_1070 = tpu.vector_load %arg14[%get3A_1068, %get3A_1069] {strides = array<i32>} : memref<128x128xf32, #tpu.memory_space<vmem>>, vector<1x16xf32>,
        %get3A_1071 = vector.shape_cast %get3A_1070 : vector<1x16xf32> to vector<16xf32>
        %mul3A_1072 = arith.mulf %get3A_1071, %broadcast_in_dim3A_1027 : vector<16xf32>
        %mul3A_1073 = arith.constant 16 : i32
        %mul3A_1074 = arith.muli %scan3A_433, %mul3A_1073 : i32
        %add3A_1075 = arith.constant 4 : i32
        %add3A_1076 = arith.addi %mul3A_1074, %add3A_1075 : i32
        %swap3A_1077 = arith.index_cast %add3A_1076 : i32 to index
        %swap3A_1078 = arith.constant 32 : index
        %swap3A_1079 = tpu.vector_load %arg14[%swap3A_1077, %swap3A_1078] {strides = array<i32>} : memref<128x128xf32, #tpu.memory_space<vmem>>, vector<1x16xf32>,
        %swap3A_1080 = vector.shape_cast %swap3A_1079 : vector<1x16xf32> to vector<16xf32>
        %swap3A_1081 = vector.shape_cast %mul3A_1072 : vector<16xf32> to vector<1x16xf32>
        tpu.vector_store %arg14[%swap3A_1077, %swap3A_1078], %swap3A_1081 {strides = array<i32>} : memref<128x128xf32, #tpu.memory_space<vmem>>, vector<1x16xf32>,
        %mul3A_1082 = arith.constant 16 : i32
        %mul3A_1083 = arith.muli %scan3A_433, %mul3A_1082 : i32
        %add3A_1084 = arith.constant 4 : i32
        %add3A_1085 = arith.addi %mul3A_1083, %add3A_1084 : i32
        %get3A_1086 = arith.index_cast %add3A_1085 : i32 to index
        %get3A_1087 = arith.constant 48 : index
        %get3A_1088 = tpu.vector_load %arg14[%get3A_1086, %get3A_1087] {strides = array<i32>} : memref<128x128xf32, #tpu.memory_space<vmem>>, vector<1x16xf32>,
        %get3A_1089 = vector.shape_cast %get3A_1088 : vector<1x16xf32> to vector<16xf32>
        %mul3A_1090 = arith.mulf %get3A_1089, %broadcast_in_dim3A_1027 : vector<16xf32>
        %mul3A_1091 = arith.constant 16 : i32
        %mul3A_1092 = arith.muli %scan3A_433, %mul3A_1091 : i32
        %add3A_1093 = arith.constant 4 : i32
        %add3A_1094 = arith.addi %mul3A_1092, %add3A_1093 : i32
        %swap3A_1095 = arith.index_cast %add3A_1094 : i32 to index
        %swap3A_1096 = arith.constant 48 : index
        %swap3A_1097 = tpu.vector_load %arg14[%swap3A_1095, %swap3A_1096] {strides = array<i32>} : memref<128x128xf32, #tpu.memory_space<vmem>>, vector<1x16xf32>,
        %swap3A_1098 = vector.shape_cast %swap3A_1097 : vector<1x16xf32> to vector<16xf32>
        %swap3A_1099 = vector.shape_cast %mul3A_1090 : vector<16xf32> to vector<1x16xf32>
        tpu.vector_store %arg14[%swap3A_1095, %swap3A_1096], %swap3A_1099 {strides = array<i32>} : memref<128x128xf32, #tpu.memory_space<vmem>>, vector<1x16xf32>,
        %mul3A_1100 = arith.constant 16 : i32
        %mul3A_1101 = arith.muli %scan3A_433, %mul3A_1100 : i32
        %add3A_1102 = arith.constant 4 : i32
        %add3A_1103 = arith.addi %mul3A_1101, %add3A_1102 : i32
        %get3A_1104 = arith.index_cast %add3A_1103 : i32 to index
        %get3A_1105 = arith.constant 64 : index
        %get3A_1106 = tpu.vector_load %arg14[%get3A_1104, %get3A_1105] {strides = array<i32>} : memref<128x128xf32, #tpu.memory_space<vmem>>, vector<1x16xf32>,
        %get3A_1107 = vector.shape_cast %get3A_1106 : vector<1x16xf32> to vector<16xf32>
        %mul3A_1108 = arith.mulf %get3A_1107, %broadcast_in_dim3A_1027 : vector<16xf32>
        %mul3A_1109 = arith.constant 16 : i32
        %mul3A_1110 = arith.muli %scan3A_433, %mul3A_1109 : i32
        %add3A_1111 = arith.constant 4 : i32
        %add3A_1112 = arith.addi %mul3A_1110, %add3A_1111 : i32
        %swap3A_1113 = arith.index_cast %add3A_1112 : i32 to index
        %swap3A_1114 = arith.constant 64 : index
        %swap3A_1115 = tpu.vector_load %arg14[%swap3A_1113, %swap3A_1114] {strides = array<i32>} : memref<128x128xf32, #tpu.memory_space<vmem>>, vector<1x16xf32>,
        %swap3A_1116 = vector.shape_cast %swap3A_1115 : vector<1x16xf32> to vector<16xf32>
        %swap3A_1117 = vector.shape_cast %mul3A_1108 : vector<16xf32> to vector<1x16xf32>
        tpu.vector_store %arg14[%swap3A_1113, %swap3A_1114], %swap3A_1117 {strides = array<i32>} : memref<128x128xf32, #tpu.memory_space<vmem>>, vector<1x16xf32>,
        %mul3A_1118 = arith.constant 16 : i32
        %mul3A_1119 = arith.muli %scan3A_433, %mul3A_1118 : i32
        %add3A_1120 = arith.constant 4 : i32
        %add3A_1121 = arith.addi %mul3A_1119, %add3A_1120 : i32
        %get3A_1122 = arith.index_cast %add3A_1121 : i32 to index
        %get3A_1123 = arith.constant 80 : index
        %get3A_1124 = tpu.vector_load %arg14[%get3A_1122, %get3A_1123] {strides = array<i32>} : memref<128x128xf32, #tpu.memory_space<vmem>>, vector<1x16xf32>,
        %get3A_1125 = vector.shape_cast %get3A_1124 : vector<1x16xf32> to vector<16xf32>
        %mul3A_1126 = arith.mulf %get3A_1125, %broadcast_in_dim3A_1027 : vector<16xf32>
        %mul3A_1127 = arith.constant 16 : i32
        %mul3A_1128 = arith.muli %scan3A_433, %mul3A_1127 : i32
        %add3A_1129 = arith.constant 4 : i32
        %add3A_1130 = arith.addi %mul3A_1128, %add3A_1129 : i32
        %swap3A_1131 = arith.index_cast %add3A_1130 : i32 to index
        %swap3A_1132 = arith.constant 80 : index
        %swap3A_1133 = tpu.vector_load %arg14[%swap3A_1131, %swap3A_1132] {strides = array<i32>} : memref<128x128xf32, #tpu.memory_space<vmem>>, vector<1x16xf32>,
        %swap3A_1134 = vector.shape_cast %swap3A_1133 : vector<1x16xf32> to vector<16xf32>
        %swap3A_1135 = vector.shape_cast %mul3A_1126 : vector<16xf32> to vector<1x16xf32>
        tpu.vector_store %arg14[%swap3A_1131, %swap3A_1132], %swap3A_1135 {strides = array<i32>} : memref<128x128xf32, #tpu.memory_space<vmem>>, vector<1x16xf32>,
        %mul3A_1136 = arith.constant 16 : i32
        %mul3A_1137 = arith.muli %scan3A_433, %mul3A_1136 : i32
        %add3A_1138 = arith.constant 4 : i32
        %add3A_1139 = arith.addi %mul3A_1137, %add3A_1138 : i32
        %get3A_1140 = arith.index_cast %add3A_1139 : i32 to index
        %get3A_1141 = arith.constant 96 : index
        %get3A_1142 = tpu.vector_load %arg14[%get3A_1140, %get3A_1141] {strides = array<i32>} : memref<128x128xf32, #tpu.memory_space<vmem>>, vector<1x16xf32>,
        %get3A_1143 = vector.shape_cast %get3A_1142 : vector<1x16xf32> to vector<16xf32>
        %mul3A_1144 = arith.mulf %get3A_1143, %broadcast_in_dim3A_1027 : vector<16xf32>
        %mul3A_1145 = arith.constant 16 : i32
        %mul3A_1146 = arith.muli %scan3A_433, %mul3A_1145 : i32
        %add3A_1147 = arith.constant 4 : i32
        %add3A_1148 = arith.addi %mul3A_1146, %add3A_1147 : i32
        %swap3A_1149 = arith.index_cast %add3A_1148 : i32 to index
        %swap3A_1150 = arith.constant 96 : index
        %swap3A_1151 = tpu.vector_load %arg14[%swap3A_1149, %swap3A_1150] {strides = array<i32>} : memref<128x128xf32, #tpu.memory_space<vmem>>, vector<1x16xf32>,
        %swap3A_1152 = vector.shape_cast %swap3A_1151 : vector<1x16xf32> to vector<16xf32>
        %swap3A_1153 = vector.shape_cast %mul3A_1144 : vector<16xf32> to vector<1x16xf32>
        tpu.vector_store %arg14[%swap3A_1149, %swap3A_1150], %swap3A_1153 {strides = array<i32>} : memref<128x128xf32, #tpu.memory_space<vmem>>, vector<1x16xf32>,
        %mul3A_1154 = arith.constant 16 : i32
        %mul3A_1155 = arith.muli %scan3A_433, %mul3A_1154 : i32
        %add3A_1156 = arith.constant 4 : i32
        %add3A_1157 = arith.addi %mul3A_1155, %add3A_1156 : i32
        %get3A_1158 = arith.index_cast %add3A_1157 : i32 to index
        %get3A_1159 = arith.constant 112 : index
        %get3A_1160 = tpu.vector_load %arg14[%get3A_1158, %get3A_1159] {strides = array<i32>} : memref<128x128xf32, #tpu.memory_space<vmem>>, vector<1x16xf32>,
        %get3A_1161 = vector.shape_cast %get3A_1160 : vector<1x16xf32> to vector<16xf32>
        %mul3A_1162 = arith.mulf %get3A_1161, %broadcast_in_dim3A_1027 : vector<16xf32>
        %mul3A_1163 = arith.constant 16 : i32
        %mul3A_1164 = arith.muli %scan3A_433, %mul3A_1163 : i32
        %add3A_1165 = arith.constant 4 : i32
        %add3A_1166 = arith.addi %mul3A_1164, %add3A_1165 : i32
        %swap3A_1167 = arith.index_cast %add3A_1166 : i32 to index
        %swap3A_1168 = arith.constant 112 : index
        %swap3A_1169 = tpu.vector_load %arg14[%swap3A_1167, %swap3A_1168] {strides = array<i32>} : memref<128x128xf32, #tpu.memory_space<vmem>>, vector<1x16xf32>,
        %swap3A_1170 = vector.shape_cast %swap3A_1169 : vector<1x16xf32> to vector<16xf32>
        %swap3A_1171 = vector.shape_cast %mul3A_1162 : vector<16xf32> to vector<1x16xf32>
        tpu.vector_store %arg14[%swap3A_1167, %swap3A_1168], %swap3A_1171 {strides = array<i32>} : memref<128x128xf32, #tpu.memory_space<vmem>>, vector<1x16xf32>,
        %slice3A_1172 = vector.extract_strided_slice %get3A_438 {offsets = [5], sizes = [1], strides = [1]} : vector<16xf32> to vector<1xf32>
        %squeeze3A_1173 = vector.extract %slice3A_1172[0] : f32 from vector<1xf32>
        %broadcast_in_dim3A_1174 = vector.broadcast %squeeze3A_1173 : f32 to vector<16xf32>
        %mul3A_1175 = arith.constant 16 : i32
        %mul3A_1176 = arith.muli %scan3A_433, %mul3A_1175 : i32
        %add3A_1177 = arith.constant 5 : i32
        %add3A_1178 = arith.addi %mul3A_1176, %add3A_1177 : i32
        %get3A_1179 = arith.index_cast %add3A_1178 : i32 to index
        %get3A_1180 = arith.constant 0 : index
        %get3A_1181 = tpu.vector_load %arg14[%get3A_1179, %get3A_1180] {strides = array<i32>} : memref<128x128xf32, #tpu.memory_space<vmem>>, vector<1x16xf32>,
        %get3A_1182 = vector.shape_cast %get3A_1181 : vector<1x16xf32> to vector<16xf32>
        %mul3A_1183 = arith.mulf %get3A_1182, %broadcast_in_dim3A_1174 : vector<16xf32>
        %mul3A_1184 = arith.constant 16 : i32
        %mul3A_1185 = arith.muli %scan3A_433, %mul3A_1184 : i32
        %add3A_1186 = arith.constant 5 : i32
        %add3A_1187 = arith.addi %mul3A_1185, %add3A_1186 : i32
        %swap3A_1188 = arith.index_cast %add3A_1187 : i32 to index
        %swap3A_1189 = arith.constant 0 : index
        %swap3A_1190 = tpu.vector_load %arg14[%swap3A_1188, %swap3A_1189] {strides = array<i32>} : memref<128x128xf32, #tpu.memory_space<vmem>>, vector<1x16xf32>,
        %swap3A_1191 = vector.shape_cast %swap3A_1190 : vector<1x16xf32> to vector<16xf32>
        %swap3A_1192 = vector.shape_cast %mul3A_1183 : vector<16xf32> to vector<1x16xf32>
        tpu.vector_store %arg14[%swap3A_1188, %swap3A_1189], %swap3A_1192 {strides = array<i32>} : memref<128x128xf32, #tpu.memory_space<vmem>>, vector<1x16xf32>,
        %mul3A_1193 = arith.constant 16 : i32
        %mul3A_1194 = arith.muli %scan3A_433, %mul3A_1193 : i32
        %add3A_1195 = arith.constant 5 : i32
        %add3A_1196 = arith.addi %mul3A_1194, %add3A_1195 : i32
        %get3A_1197 = arith.index_cast %add3A_1196 : i32 to index
        %get3A_1198 = arith.constant 16 : index
        %get3A_1199 = tpu.vector_load %arg14[%get3A_1197, %get3A_1198] {strides = array<i32>} : memref<128x128xf32, #tpu.memory_space<vmem>>, vector<1x16xf32>,
        %get3A_1200 = vector.shape_cast %get3A_1199 : vector<1x16xf32> to vector<16xf32>
        %mul3A_1201 = arith.mulf %get3A_1200, %broadcast_in_dim3A_1174 : vector<16xf32>
        %mul3A_1202 = arith.constant 16 : i32
        %mul3A_1203 = arith.muli %scan3A_433, %mul3A_1202 : i32
        %add3A_1204 = arith.constant 5 : i32
        %add3A_1205 = arith.addi %mul3A_1203, %add3A_1204 : i32
        %swap3A_1206 = arith.index_cast %add3A_1205 : i32 to index
        %swap3A_1207 = arith.constant 16 : index
        %swap3A_1208 = tpu.vector_load %arg14[%swap3A_1206, %swap3A_1207] {strides = array<i32>} : memref<128x128xf32, #tpu.memory_space<vmem>>, vector<1x16xf32>,
        %swap3A_1209 = vector.shape_cast %swap3A_1208 : vector<1x16xf32> to vector<16xf32>
        %swap3A_1210 = vector.shape_cast %mul3A_1201 : vector<16xf32> to vector<1x16xf32>
        tpu.vector_store %arg14[%swap3A_1206, %swap3A_1207], %swap3A_1210 {strides = array<i32>} : memref<128x128xf32, #tpu.memory_space<vmem>>, vector<1x16xf32>,
        %mul3A_1211 = arith.constant 16 : i32
        %mul3A_1212 = arith.muli %scan3A_433, %mul3A_1211 : i32
        %add3A_1213 = arith.constant 5 : i32
        %add3A_1214 = arith.addi %mul3A_1212, %add3A_1213 : i32
        %get3A_1215 = arith.index_cast %add3A_1214 : i32 to index
        %get3A_1216 = arith.constant 32 : index
        %get3A_1217 = tpu.vector_load %arg14[%get3A_1215, %get3A_1216] {strides = array<i32>} : memref<128x128xf32, #tpu.memory_space<vmem>>, vector<1x16xf32>,
        %get3A_1218 = vector.shape_cast %get3A_1217 : vector<1x16xf32> to vector<16xf32>
        %mul3A_1219 = arith.mulf %get3A_1218, %broadcast_in_dim3A_1174 : vector<16xf32>
        %mul3A_1220 = arith.constant 16 : i32
        %mul3A_1221 = arith.muli %scan3A_433, %mul3A_1220 : i32
        %add3A_1222 = arith.constant 5 : i32
        %add3A_1223 = arith.addi %mul3A_1221, %add3A_1222 : i32
        %swap3A_1224 = arith.index_cast %add3A_1223 : i32 to index
        %swap3A_1225 = arith.constant 32 : index
        %swap3A_1226 = tpu.vector_load %arg14[%swap3A_1224, %swap3A_1225] {strides = array<i32>} : memref<128x128xf32, #tpu.memory_space<vmem>>, vector<1x16xf32>,
        %swap3A_1227 = vector.shape_cast %swap3A_1226 : vector<1x16xf32> to vector<16xf32>
        %swap3A_1228 = vector.shape_cast %mul3A_1219 : vector<16xf32> to vector<1x16xf32>
        tpu.vector_store %arg14[%swap3A_1224, %swap3A_1225], %swap3A_1228 {strides = array<i32>} : memref<128x128xf32, #tpu.memory_space<vmem>>, vector<1x16xf32>,
        %mul3A_1229 = arith.constant 16 : i32
        %mul3A_1230 = arith.muli %scan3A_433, %mul3A_1229 : i32
        %add3A_1231 = arith.constant 5 : i32
        %add3A_1232 = arith.addi %mul3A_1230, %add3A_1231 : i32
        %get3A_1233 = arith.index_cast %add3A_1232 : i32 to index
        %get3A_1234 = arith.constant 48 : index
        %get3A_1235 = tpu.vector_load %arg14[%get3A_1233, %get3A_1234] {strides = array<i32>} : memref<128x128xf32, #tpu.memory_space<vmem>>, vector<1x16xf32>,
        %get3A_1236 = vector.shape_cast %get3A_1235 : vector<1x16xf32> to vector<16xf32>
        %mul3A_1237 = arith.mulf %get3A_1236, %broadcast_in_dim3A_1174 : vector<16xf32>
        %mul3A_1238 = arith.constant 16 : i32
        %mul3A_1239 = arith.muli %scan3A_433, %mul3A_1238 : i32
        %add3A_1240 = arith.constant 5 : i32
        %add3A_1241 = arith.addi %mul3A_1239, %add3A_1240 : i32
        %swap3A_1242 = arith.index_cast %add3A_1241 : i32 to index
        %swap3A_1243 = arith.constant 48 : index
        %swap3A_1244 = tpu.vector_load %arg14[%swap3A_1242, %swap3A_1243] {strides = array<i32>} : memref<128x128xf32, #tpu.memory_space<vmem>>, vector<1x16xf32>,
        %swap3A_1245 = vector.shape_cast %swap3A_1244 : vector<1x16xf32> to vector<16xf32>
        %swap3A_1246 = vector.shape_cast %mul3A_1237 : vector<16xf32> to vector<1x16xf32>
        tpu.vector_store %arg14[%swap3A_1242, %swap3A_1243], %swap3A_1246 {strides = array<i32>} : memref<128x128xf32, #tpu.memory_space<vmem>>, vector<1x16xf32>,
        %mul3A_1247 = arith.constant 16 : i32
        %mul3A_1248 = arith.muli %scan3A_433, %mul3A_1247 : i32
        %add3A_1249 = arith.constant 5 : i32
        %add3A_1250 = arith.addi %mul3A_1248, %add3A_1249 : i32
        %get3A_1251 = arith.index_cast %add3A_1250 : i32 to index
        %get3A_1252 = arith.constant 64 : index
        %get3A_1253 = tpu.vector_load %arg14[%get3A_1251, %get3A_1252] {strides = array<i32>} : memref<128x128xf32, #tpu.memory_space<vmem>>, vector<1x16xf32>,
        %get3A_1254 = vector.shape_cast %get3A_1253 : vector<1x16xf32> to vector<16xf32>
        %mul3A_1255 = arith.mulf %get3A_1254, %broadcast_in_dim3A_1174 : vector<16xf32>
        %mul3A_1256 = arith.constant 16 : i32
        %mul3A_1257 = arith.muli %scan3A_433, %mul3A_1256 : i32
        %add3A_1258 = arith.constant 5 : i32
        %add3A_1259 = arith.addi %mul3A_1257, %add3A_1258 : i32
        %swap3A_1260 = arith.index_cast %add3A_1259 : i32 to index
        %swap3A_1261 = arith.constant 64 : index
        %swap3A_1262 = tpu.vector_load %arg14[%swap3A_1260, %swap3A_1261] {strides = array<i32>} : memref<128x128xf32, #tpu.memory_space<vmem>>, vector<1x16xf32>,
        %swap3A_1263 = vector.shape_cast %swap3A_1262 : vector<1x16xf32> to vector<16xf32>
        %swap3A_1264 = vector.shape_cast %mul3A_1255 : vector<16xf32> to vector<1x16xf32>
        tpu.vector_store %arg14[%swap3A_1260, %swap3A_1261], %swap3A_1264 {strides = array<i32>} : memref<128x128xf32, #tpu.memory_space<vmem>>, vector<1x16xf32>,
        %mul3A_1265 = arith.constant 16 : i32
        %mul3A_1266 = arith.muli %scan3A_433, %mul3A_1265 : i32
        %add3A_1267 = arith.constant 5 : i32
        %add3A_1268 = arith.addi %mul3A_1266, %add3A_1267 : i32
        %get3A_1269 = arith.index_cast %add3A_1268 : i32 to index
        %get3A_1270 = arith.constant 80 : index
        %get3A_1271 = tpu.vector_load %arg14[%get3A_1269, %get3A_1270] {strides = array<i32>} : memref<128x128xf32, #tpu.memory_space<vmem>>, vector<1x16xf32>,
        %get3A_1272 = vector.shape_cast %get3A_1271 : vector<1x16xf32> to vector<16xf32>
        %mul3A_1273 = arith.mulf %get3A_1272, %broadcast_in_dim3A_1174 : vector<16xf32>
        %mul3A_1274 = arith.constant 16 : i32
        %mul3A_1275 = arith.muli %scan3A_433, %mul3A_1274 : i32
        %add3A_1276 = arith.constant 5 : i32
        %add3A_1277 = arith.addi %mul3A_1275, %add3A_1276 : i32
        %swap3A_1278 = arith.index_cast %add3A_1277 : i32 to index
        %swap3A_1279 = arith.constant 80 : index
        %swap3A_1280 = tpu.vector_load %arg14[%swap3A_1278, %swap3A_1279] {strides = array<i32>} : memref<128x128xf32, #tpu.memory_space<vmem>>, vector<1x16xf32>,
        %swap3A_1281 = vector.shape_cast %swap3A_1280 : vector<1x16xf32> to vector<16xf32>
        %swap3A_1282 = vector.shape_cast %mul3A_1273 : vector<16xf32> to vector<1x16xf32>
        tpu.vector_store %arg14[%swap3A_1278, %swap3A_1279], %swap3A_1282 {strides = array<i32>} : memref<128x128xf32, #tpu.memory_space<vmem>>, vector<1x16xf32>,
        %mul3A_1283 = arith.constant 16 : i32
        %mul3A_1284 = arith.muli %scan3A_433, %mul3A_1283 : i32
        %add3A_1285 = arith.constant 5 : i32
        %add3A_1286 = arith.addi %mul3A_1284, %add3A_1285 : i32
        %get3A_1287 = arith.index_cast %add3A_1286 : i32 to index
        %get3A_1288 = arith.constant 96 : index
        %get3A_1289 = tpu.vector_load %arg14[%get3A_1287, %get3A_1288] {strides = array<i32>} : memref<128x128xf32, #tpu.memory_space<vmem>>, vector<1x16xf32>,
        %get3A_1290 = vector.shape_cast %get3A_1289 : vector<1x16xf32> to vector<16xf32>
        %mul3A_1291 = arith.mulf %get3A_1290, %broadcast_in_dim3A_1174 : vector<16xf32>
        %mul3A_1292 = arith.constant 16 : i32
        %mul3A_1293 = arith.muli %scan3A_433, %mul3A_1292 : i32
        %add3A_1294 = arith.constant 5 : i32
        %add3A_1295 = arith.addi %mul3A_1293, %add3A_1294 : i32
        %swap3A_1296 = arith.index_cast %add3A_1295 : i32 to index
        %swap3A_1297 = arith.constant 96 : index
        %swap3A_1298 = tpu.vector_load %arg14[%swap3A_1296, %swap3A_1297] {strides = array<i32>} : memref<128x128xf32, #tpu.memory_space<vmem>>, vector<1x16xf32>,
        %swap3A_1299 = vector.shape_cast %swap3A_1298 : vector<1x16xf32> to vector<16xf32>
        %swap3A_1300 = vector.shape_cast %mul3A_1291 : vector<16xf32> to vector<1x16xf32>
        tpu.vector_store %arg14[%swap3A_1296, %swap3A_1297], %swap3A_1300 {strides = array<i32>} : memref<128x128xf32, #tpu.memory_space<vmem>>, vector<1x16xf32>,
        %mul3A_1301 = arith.constant 16 : i32
        %mul3A_1302 = arith.muli %scan3A_433, %mul3A_1301 : i32
        %add3A_1303 = arith.constant 5 : i32
        %add3A_1304 = arith.addi %mul3A_1302, %add3A_1303 : i32
        %get3A_1305 = arith.index_cast %add3A_1304 : i32 to index
        %get3A_1306 = arith.constant 112 : index
        %get3A_1307 = tpu.vector_load %arg14[%get3A_1305, %get3A_1306] {strides = array<i32>} : memref<128x128xf32, #tpu.memory_space<vmem>>, vector<1x16xf32>,
        %get3A_1308 = vector.shape_cast %get3A_1307 : vector<1x16xf32> to vector<16xf32>
        %mul3A_1309 = arith.mulf %get3A_1308, %broadcast_in_dim3A_1174 : vector<16xf32>
        %mul3A_1310 = arith.constant 16 : i32
        %mul3A_1311 = arith.muli %scan3A_433, %mul3A_1310 : i32
        %add3A_1312 = arith.constant 5 : i32
        %add3A_1313 = arith.addi %mul3A_1311, %add3A_1312 : i32
        %swap3A_1314 = arith.index_cast %add3A_1313 : i32 to index
        %swap3A_1315 = arith.constant 112 : index
        %swap3A_1316 = tpu.vector_load %arg14[%swap3A_1314, %swap3A_1315] {strides = array<i32>} : memref<128x128xf32, #tpu.memory_space<vmem>>, vector<1x16xf32>,
        %swap3A_1317 = vector.shape_cast %swap3A_1316 : vector<1x16xf32> to vector<16xf32>
        %swap3A_1318 = vector.shape_cast %mul3A_1309 : vector<16xf32> to vector<1x16xf32>
        tpu.vector_store %arg14[%swap3A_1314, %swap3A_1315], %swap3A_1318 {strides = array<i32>} : memref<128x128xf32, #tpu.memory_space<vmem>>, vector<1x16xf32>,
        %slice3A_1319 = vector.extract_strided_slice %get3A_438 {offsets = [6], sizes = [1], strides = [1]} : vector<16xf32> to vector<1xf32>
        %squeeze3A_1320 = vector.extract %slice3A_1319[0] : f32 from vector<1xf32>
        %broadcast_in_dim3A_1321 = vector.broadcast %squeeze3A_1320 : f32 to vector<16xf32>
        %mul3A_1322 = arith.constant 16 : i32
        %mul3A_1323 = arith.muli %scan3A_433, %mul3A_1322 : i32
        %add3A_1324 = arith.constant 6 : i32
        %add3A_1325 = arith.addi %mul3A_1323, %add3A_1324 : i32
        %get3A_1326 = arith.index_cast %add3A_1325 : i32 to index
        %get3A_1327 = arith.constant 0 : index
        %get3A_1328 = tpu.vector_load %arg14[%get3A_1326, %get3A_1327] {strides = array<i32>} : memref<128x128xf32, #tpu.memory_space<vmem>>, vector<1x16xf32>,
        %get3A_1329 = vector.shape_cast %get3A_1328 : vector<1x16xf32> to vector<16xf32>
        %mul3A_1330 = arith.mulf %get3A_1329, %broadcast_in_dim3A_1321 : vector<16xf32>
        %mul3A_1331 = arith.constant 16 : i32
        %mul3A_1332 = arith.muli %scan3A_433, %mul3A_1331 : i32
        %add3A_1333 = arith.constant 6 : i32
        %add3A_1334 = arith.addi %mul3A_1332, %add3A_1333 : i32
        %swap3A_1335 = arith.index_cast %add3A_1334 : i32 to index
        %swap3A_1336 = arith.constant 0 : index
        %swap3A_1337 = tpu.vector_load %arg14[%swap3A_1335, %swap3A_1336] {strides = array<i32>} : memref<128x128xf32, #tpu.memory_space<vmem>>, vector<1x16xf32>,
        %swap3A_1338 = vector.shape_cast %swap3A_1337 : vector<1x16xf32> to vector<16xf32>
        %swap3A_1339 = vector.shape_cast %mul3A_1330 : vector<16xf32> to vector<1x16xf32>
        tpu.vector_store %arg14[%swap3A_1335, %swap3A_1336], %swap3A_1339 {strides = array<i32>} : memref<128x128xf32, #tpu.memory_space<vmem>>, vector<1x16xf32>,
        %mul3A_1340 = arith.constant 16 : i32
        %mul3A_1341 = arith.muli %scan3A_433, %mul3A_1340 : i32
        %add3A_1342 = arith.constant 6 : i32
        %add3A_1343 = arith.addi %mul3A_1341, %add3A_1342 : i32
        %get3A_1344 = arith.index_cast %add3A_1343 : i32 to index
        %get3A_1345 = arith.constant 16 : index
        %get3A_1346 = tpu.vector_load %arg14[%get3A_1344, %get3A_1345] {strides = array<i32>} : memref<128x128xf32, #tpu.memory_space<vmem>>, vector<1x16xf32>,
        %get3A_1347 = vector.shape_cast %get3A_1346 : vector<1x16xf32> to vector<16xf32>
        %mul3A_1348 = arith.mulf %get3A_1347, %broadcast_in_dim3A_1321 : vector<16xf32>
        %mul3A_1349 = arith.constant 16 : i32
        %mul3A_1350 = arith.muli %scan3A_433, %mul3A_1349 : i32
        %add3A_1351 = arith.constant 6 : i32
        %add3A_1352 = arith.addi %mul3A_1350, %add3A_1351 : i32
        %swap3A_1353 = arith.index_cast %add3A_1352 : i32 to index
        %swap3A_1354 = arith.constant 16 : index
        %swap3A_1355 = tpu.vector_load %arg14[%swap3A_1353, %swap3A_1354] {strides = array<i32>} : memref<128x128xf32, #tpu.memory_space<vmem>>, vector<1x16xf32>,
        %swap3A_1356 = vector.shape_cast %swap3A_1355 : vector<1x16xf32> to vector<16xf32>
        %swap3A_1357 = vector.shape_cast %mul3A_1348 : vector<16xf32> to vector<1x16xf32>
        tpu.vector_store %arg14[%swap3A_1353, %swap3A_1354], %swap3A_1357 {strides = array<i32>} : memref<128x128xf32, #tpu.memory_space<vmem>>, vector<1x16xf32>,
        %mul3A_1358 = arith.constant 16 : i32
        %mul3A_1359 = arith.muli %scan3A_433, %mul3A_1358 : i32
        %add3A_1360 = arith.constant 6 : i32
        %add3A_1361 = arith.addi %mul3A_1359, %add3A_1360 : i32
        %get3A_1362 = arith.index_cast %add3A_1361 : i32 to index
        %get3A_1363 = arith.constant 32 : index
        %get3A_1364 = tpu.vector_load %arg14[%get3A_1362, %get3A_1363] {strides = array<i32>} : memref<128x128xf32, #tpu.memory_space<vmem>>, vector<1x16xf32>,
        %get3A_1365 = vector.shape_cast %get3A_1364 : vector<1x16xf32> to vector<16xf32>
        %mul3A_1366 = arith.mulf %get3A_1365, %broadcast_in_dim3A_1321 : vector<16xf32>
        %mul3A_1367 = arith.constant 16 : i32
        %mul3A_1368 = arith.muli %scan3A_433, %mul3A_1367 : i32
        %add3A_1369 = arith.constant 6 : i32
        %add3A_1370 = arith.addi %mul3A_1368, %add3A_1369 : i32
        %swap3A_1371 = arith.index_cast %add3A_1370 : i32 to index
        %swap3A_1372 = arith.constant 32 : index
        %swap3A_1373 = tpu.vector_load %arg14[%swap3A_1371, %swap3A_1372] {strides = array<i32>} : memref<128x128xf32, #tpu.memory_space<vmem>>, vector<1x16xf32>,
        %swap3A_1374 = vector.shape_cast %swap3A_1373 : vector<1x16xf32> to vector<16xf32>
        %swap3A_1375 = vector.shape_cast %mul3A_1366 : vector<16xf32> to vector<1x16xf32>
        tpu.vector_store %arg14[%swap3A_1371, %swap3A_1372], %swap3A_1375 {strides = array<i32>} : memref<128x128xf32, #tpu.memory_space<vmem>>, vector<1x16xf32>,
        %mul3A_1376 = arith.constant 16 : i32
        %mul3A_1377 = arith.muli %scan3A_433, %mul3A_1376 : i32
        %add3A_1378 = arith.constant 6 : i32
        %add3A_1379 = arith.addi %mul3A_1377, %add3A_1378 : i32
        %get3A_1380 = arith.index_cast %add3A_1379 : i32 to index
        %get3A_1381 = arith.constant 48 : index
        %get3A_1382 = tpu.vector_load %arg14[%get3A_1380, %get3A_1381] {strides = array<i32>} : memref<128x128xf32, #tpu.memory_space<vmem>>, vector<1x16xf32>,
        %get3A_1383 = vector.shape_cast %get3A_1382 : vector<1x16xf32> to vector<16xf32>
        %mul3A_1384 = arith.mulf %get3A_1383, %broadcast_in_dim3A_1321 : vector<16xf32>
        %mul3A_1385 = arith.constant 16 : i32
        %mul3A_1386 = arith.muli %scan3A_433, %mul3A_1385 : i32
        %add3A_1387 = arith.constant 6 : i32
        %add3A_1388 = arith.addi %mul3A_1386, %add3A_1387 : i32
        %swap3A_1389 = arith.index_cast %add3A_1388 : i32 to index
        %swap3A_1390 = arith.constant 48 : index
        %swap3A_1391 = tpu.vector_load %arg14[%swap3A_1389, %swap3A_1390] {strides = array<i32>} : memref<128x128xf32, #tpu.memory_space<vmem>>, vector<1x16xf32>,
        %swap3A_1392 = vector.shape_cast %swap3A_1391 : vector<1x16xf32> to vector<16xf32>
        %swap3A_1393 = vector.shape_cast %mul3A_1384 : vector<16xf32> to vector<1x16xf32>
        tpu.vector_store %arg14[%swap3A_1389, %swap3A_1390], %swap3A_1393 {strides = array<i32>} : memref<128x128xf32, #tpu.memory_space<vmem>>, vector<1x16xf32>,
        %mul3A_1394 = arith.constant 16 : i32
        %mul3A_1395 = arith.muli %scan3A_433, %mul3A_1394 : i32
        %add3A_1396 = arith.constant 6 : i32
        %add3A_1397 = arith.addi %mul3A_1395, %add3A_1396 : i32
        %get3A_1398 = arith.index_cast %add3A_1397 : i32 to index
        %get3A_1399 = arith.constant 64 : index
        %get3A_1400 = tpu.vector_load %arg14[%get3A_1398, %get3A_1399] {strides = array<i32>} : memref<128x128xf32, #tpu.memory_space<vmem>>, vector<1x16xf32>,
        %get3A_1401 = vector.shape_cast %get3A_1400 : vector<1x16xf32> to vector<16xf32>
        %mul3A_1402 = arith.mulf %get3A_1401, %broadcast_in_dim3A_1321 : vector<16xf32>
        %mul3A_1403 = arith.constant 16 : i32
        %mul3A_1404 = arith.muli %scan3A_433, %mul3A_1403 : i32
        %add3A_1405 = arith.constant 6 : i32
        %add3A_1406 = arith.addi %mul3A_1404, %add3A_1405 : i32
        %swap3A_1407 = arith.index_cast %add3A_1406 : i32 to index
        %swap3A_1408 = arith.constant 64 : index
        %swap3A_1409 = tpu.vector_load %arg14[%swap3A_1407, %swap3A_1408] {strides = array<i32>} : memref<128x128xf32, #tpu.memory_space<vmem>>, vector<1x16xf32>,
        %swap3A_1410 = vector.shape_cast %swap3A_1409 : vector<1x16xf32> to vector<16xf32>
        %swap3A_1411 = vector.shape_cast %mul3A_1402 : vector<16xf32> to vector<1x16xf32>
        tpu.vector_store %arg14[%swap3A_1407, %swap3A_1408], %swap3A_1411 {strides = array<i32>} : memref<128x128xf32, #tpu.memory_space<vmem>>, vector<1x16xf32>,
        %mul3A_1412 = arith.constant 16 : i32
        %mul3A_1413 = arith.muli %scan3A_433, %mul3A_1412 : i32
        %add3A_1414 = arith.constant 6 : i32
        %add3A_1415 = arith.addi %mul3A_1413, %add3A_1414 : i32
        %get3A_1416 = arith.index_cast %add3A_1415 : i32 to index
        %get3A_1417 = arith.constant 80 : index
        %get3A_1418 = tpu.vector_load %arg14[%get3A_1416, %get3A_1417] {strides = array<i32>} : memref<128x128xf32, #tpu.memory_space<vmem>>, vector<1x16xf32>,
        %get3A_1419 = vector.shape_cast %get3A_1418 : vector<1x16xf32> to vector<16xf32>
        %mul3A_1420 = arith.mulf %get3A_1419, %broadcast_in_dim3A_1321 : vector<16xf32>
        %mul3A_1421 = arith.constant 16 : i32
        %mul3A_1422 = arith.muli %scan3A_433, %mul3A_1421 : i32
        %add3A_1423 = arith.constant 6 : i32
        %add3A_1424 = arith.addi %mul3A_1422, %add3A_1423 : i32
        %swap3A_1425 = arith.index_cast %add3A_1424 : i32 to index
        %swap3A_1426 = arith.constant 80 : index
        %swap3A_1427 = tpu.vector_load %arg14[%swap3A_1425, %swap3A_1426] {strides = array<i32>} : memref<128x128xf32, #tpu.memory_space<vmem>>, vector<1x16xf32>,
        %swap3A_1428 = vector.shape_cast %swap3A_1427 : vector<1x16xf32> to vector<16xf32>
        %swap3A_1429 = vector.shape_cast %mul3A_1420 : vector<16xf32> to vector<1x16xf32>
        tpu.vector_store %arg14[%swap3A_1425, %swap3A_1426], %swap3A_1429 {strides = array<i32>} : memref<128x128xf32, #tpu.memory_space<vmem>>, vector<1x16xf32>,
        %mul3A_1430 = arith.constant 16 : i32
        %mul3A_1431 = arith.muli %scan3A_433, %mul3A_1430 : i32
        %add3A_1432 = arith.constant 6 : i32
        %add3A_1433 = arith.addi %mul3A_1431, %add3A_1432 : i32
        %get3A_1434 = arith.index_cast %add3A_1433 : i32 to index
        %get3A_1435 = arith.constant 96 : index
        %get3A_1436 = tpu.vector_load %arg14[%get3A_1434, %get3A_1435] {strides = array<i32>} : memref<128x128xf32, #tpu.memory_space<vmem>>, vector<1x16xf32>,
        %get3A_1437 = vector.shape_cast %get3A_1436 : vector<1x16xf32> to vector<16xf32>
        %mul3A_1438 = arith.mulf %get3A_1437, %broadcast_in_dim3A_1321 : vector<16xf32>
        %mul3A_1439 = arith.constant 16 : i32
        %mul3A_1440 = arith.muli %scan3A_433, %mul3A_1439 : i32
        %add3A_1441 = arith.constant 6 : i32
        %add3A_1442 = arith.addi %mul3A_1440, %add3A_1441 : i32
        %swap3A_1443 = arith.index_cast %add3A_1442 : i32 to index
        %swap3A_1444 = arith.constant 96 : index
        %swap3A_1445 = tpu.vector_load %arg14[%swap3A_1443, %swap3A_1444] {strides = array<i32>} : memref<128x128xf32, #tpu.memory_space<vmem>>, vector<1x16xf32>,
        %swap3A_1446 = vector.shape_cast %swap3A_1445 : vector<1x16xf32> to vector<16xf32>
        %swap3A_1447 = vector.shape_cast %mul3A_1438 : vector<16xf32> to vector<1x16xf32>
        tpu.vector_store %arg14[%swap3A_1443, %swap3A_1444], %swap3A_1447 {strides = array<i32>} : memref<128x128xf32, #tpu.memory_space<vmem>>, vector<1x16xf32>,
        %mul3A_1448 = arith.constant 16 : i32
        %mul3A_1449 = arith.muli %scan3A_433, %mul3A_1448 : i32
        %add3A_1450 = arith.constant 6 : i32
        %add3A_1451 = arith.addi %mul3A_1449, %add3A_1450 : i32
        %get3A_1452 = arith.index_cast %add3A_1451 : i32 to index
        %get3A_1453 = arith.constant 112 : index
        %get3A_1454 = tpu.vector_load %arg14[%get3A_1452, %get3A_1453] {strides = array<i32>} : memref<128x128xf32, #tpu.memory_space<vmem>>, vector<1x16xf32>,
        %get3A_1455 = vector.shape_cast %get3A_1454 : vector<1x16xf32> to vector<16xf32>
        %mul3A_1456 = arith.mulf %get3A_1455, %broadcast_in_dim3A_1321 : vector<16xf32>
        %mul3A_1457 = arith.constant 16 : i32
        %mul3A_1458 = arith.muli %scan3A_433, %mul3A_1457 : i32
        %add3A_1459 = arith.constant 6 : i32
        %add3A_1460 = arith.addi %mul3A_1458, %add3A_1459 : i32
        %swap3A_1461 = arith.index_cast %add3A_1460 : i32 to index
        %swap3A_1462 = arith.constant 112 : index
        %swap3A_1463 = tpu.vector_load %arg14[%swap3A_1461, %swap3A_1462] {strides = array<i32>} : memref<128x128xf32, #tpu.memory_space<vmem>>, vector<1x16xf32>,
        %swap3A_1464 = vector.shape_cast %swap3A_1463 : vector<1x16xf32> to vector<16xf32>
        %swap3A_1465 = vector.shape_cast %mul3A_1456 : vector<16xf32> to vector<1x16xf32>
        tpu.vector_store %arg14[%swap3A_1461, %swap3A_1462], %swap3A_1465 {strides = array<i32>} : memref<128x128xf32, #tpu.memory_space<vmem>>, vector<1x16xf32>,
        %slice3A_1466 = vector.extract_strided_slice %get3A_438 {offsets = [7], sizes = [1], strides = [1]} : vector<16xf32> to vector<1xf32>
        %squeeze3A_1467 = vector.extract %slice3A_1466[0] : f32 from vector<1xf32>
        %broadcast_in_dim3A_1468 = vector.broadcast %squeeze3A_1467 : f32 to vector<16xf32>
        %mul3A_1469 = arith.constant 16 : i32
        %mul3A_1470 = arith.muli %scan3A_433, %mul3A_1469 : i32
        %add3A_1471 = arith.constant 7 : i32
        %add3A_1472 = arith.addi %mul3A_1470, %add3A_1471 : i32
        %get3A_1473 = arith.index_cast %add3A_1472 : i32 to index
        %get3A_1474 = arith.constant 0 : index
        %get3A_1475 = tpu.vector_load %arg14[%get3A_1473, %get3A_1474] {strides = array<i32>} : memref<128x128xf32, #tpu.memory_space<vmem>>, vector<1x16xf32>,
        %get3A_1476 = vector.shape_cast %get3A_1475 : vector<1x16xf32> to vector<16xf32>
        %mul3A_1477 = arith.mulf %get3A_1476, %broadcast_in_dim3A_1468 : vector<16xf32>
        %mul3A_1478 = arith.constant 16 : i32
        %mul3A_1479 = arith.muli %scan3A_433, %mul3A_1478 : i32
        %add3A_1480 = arith.constant 7 : i32
        %add3A_1481 = arith.addi %mul3A_1479, %add3A_1480 : i32
        %swap3A_1482 = arith.index_cast %add3A_1481 : i32 to index
        %swap3A_1483 = arith.constant 0 : index
        %swap3A_1484 = tpu.vector_load %arg14[%swap3A_1482, %swap3A_1483] {strides = array<i32>} : memref<128x128xf32, #tpu.memory_space<vmem>>, vector<1x16xf32>,
        %swap3A_1485 = vector.shape_cast %swap3A_1484 : vector<1x16xf32> to vector<16xf32>
        %swap3A_1486 = vector.shape_cast %mul3A_1477 : vector<16xf32> to vector<1x16xf32>
        tpu.vector_store %arg14[%swap3A_1482, %swap3A_1483], %swap3A_1486 {strides = array<i32>} : memref<128x128xf32, #tpu.memory_space<vmem>>, vector<1x16xf32>,
        %mul3A_1487 = arith.constant 16 : i32
        %mul3A_1488 = arith.muli %scan3A_433, %mul3A_1487 : i32
        %add3A_1489 = arith.constant 7 : i32
        %add3A_1490 = arith.addi %mul3A_1488, %add3A_1489 : i32
        %get3A_1491 = arith.index_cast %add3A_1490 : i32 to index
        %get3A_1492 = arith.constant 16 : index
        %get3A_1493 = tpu.vector_load %arg14[%get3A_1491, %get3A_1492] {strides = array<i32>} : memref<128x128xf32, #tpu.memory_space<vmem>>, vector<1x16xf32>,
        %get3A_1494 = vector.shape_cast %get3A_1493 : vector<1x16xf32> to vector<16xf32>
        %mul3A_1495 = arith.mulf %get3A_1494, %broadcast_in_dim3A_1468 : vector<16xf32>
        %mul3A_1496 = arith.constant 16 : i32
        %mul3A_1497 = arith.muli %scan3A_433, %mul3A_1496 : i32
        %add3A_1498 = arith.constant 7 : i32
        %add3A_1499 = arith.addi %mul3A_1497, %add3A_1498 : i32
        %swap3A_1500 = arith.index_cast %add3A_1499 : i32 to index
        %swap3A_1501 = arith.constant 16 : index
        %swap3A_1502 = tpu.vector_load %arg14[%swap3A_1500, %swap3A_1501] {strides = array<i32>} : memref<128x128xf32, #tpu.memory_space<vmem>>, vector<1x16xf32>,
        %swap3A_1503 = vector.shape_cast %swap3A_1502 : vector<1x16xf32> to vector<16xf32>
        %swap3A_1504 = vector.shape_cast %mul3A_1495 : vector<16xf32> to vector<1x16xf32>
        tpu.vector_store %arg14[%swap3A_1500, %swap3A_1501], %swap3A_1504 {strides = array<i32>} : memref<128x128xf32, #tpu.memory_space<vmem>>, vector<1x16xf32>,
        %mul3A_1505 = arith.constant 16 : i32
        %mul3A_1506 = arith.muli %scan3A_433, %mul3A_1505 : i32
        %add3A_1507 = arith.constant 7 : i32
        %add3A_1508 = arith.addi %mul3A_1506, %add3A_1507 : i32
        %get3A_1509 = arith.index_cast %add3A_1508 : i32 to index
        %get3A_1510 = arith.constant 32 : index
        %get3A_1511 = tpu.vector_load %arg14[%get3A_1509, %get3A_1510] {strides = array<i32>} : memref<128x128xf32, #tpu.memory_space<vmem>>, vector<1x16xf32>,
        %get3A_1512 = vector.shape_cast %get3A_1511 : vector<1x16xf32> to vector<16xf32>
        %mul3A_1513 = arith.mulf %get3A_1512, %broadcast_in_dim3A_1468 : vector<16xf32>
        %mul3A_1514 = arith.constant 16 : i32
        %mul3A_1515 = arith.muli %scan3A_433, %mul3A_1514 : i32
        %add3A_1516 = arith.constant 7 : i32
        %add3A_1517 = arith.addi %mul3A_1515, %add3A_1516 : i32
        %swap3A_1518 = arith.index_cast %add3A_1517 : i32 to index
        %swap3A_1519 = arith.constant 32 : index
        %swap3A_1520 = tpu.vector_load %arg14[%swap3A_1518, %swap3A_1519] {strides = array<i32>} : memref<128x128xf32, #tpu.memory_space<vmem>>, vector<1x16xf32>,
        %swap3A_1521 = vector.shape_cast %swap3A_1520 : vector<1x16xf32> to vector<16xf32>
        %swap3A_1522 = vector.shape_cast %mul3A_1513 : vector<16xf32> to vector<1x16xf32>
        tpu.vector_store %arg14[%swap3A_1518, %swap3A_1519], %swap3A_1522 {strides = array<i32>} : memref<128x128xf32, #tpu.memory_space<vmem>>, vector<1x16xf32>,
        %mul3A_1523 = arith.constant 16 : i32
        %mul3A_1524 = arith.muli %scan3A_433, %mul3A_1523 : i32
        %add3A_1525 = arith.constant 7 : i32
        %add3A_1526 = arith.addi %mul3A_1524, %add3A_1525 : i32
        %get3A_1527 = arith.index_cast %add3A_1526 : i32 to index
        %get3A_1528 = arith.constant 48 : index
        %get3A_1529 = tpu.vector_load %arg14[%get3A_1527, %get3A_1528] {strides = array<i32>} : memref<128x128xf32, #tpu.memory_space<vmem>>, vector<1x16xf32>,
        %get3A_1530 = vector.shape_cast %get3A_1529 : vector<1x16xf32> to vector<16xf32>
        %mul3A_1531 = arith.mulf %get3A_1530, %broadcast_in_dim3A_1468 : vector<16xf32>
        %mul3A_1532 = arith.constant 16 : i32
        %mul3A_1533 = arith.muli %scan3A_433, %mul3A_1532 : i32
        %add3A_1534 = arith.constant 7 : i32
        %add3A_1535 = arith.addi %mul3A_1533, %add3A_1534 : i32
        %swap3A_1536 = arith.index_cast %add3A_1535 : i32 to index
        %swap3A_1537 = arith.constant 48 : index
        %swap3A_1538 = tpu.vector_load %arg14[%swap3A_1536, %swap3A_1537] {strides = array<i32>} : memref<128x128xf32, #tpu.memory_space<vmem>>, vector<1x16xf32>,
        %swap3A_1539 = vector.shape_cast %swap3A_1538 : vector<1x16xf32> to vector<16xf32>
        %swap3A_1540 = vector.shape_cast %mul3A_1531 : vector<16xf32> to vector<1x16xf32>
        tpu.vector_store %arg14[%swap3A_1536, %swap3A_1537], %swap3A_1540 {strides = array<i32>} : memref<128x128xf32, #tpu.memory_space<vmem>>, vector<1x16xf32>,
        %mul3A_1541 = arith.constant 16 : i32
        %mul3A_1542 = arith.muli %scan3A_433, %mul3A_1541 : i32
        %add3A_1543 = arith.constant 7 : i32
        %add3A_1544 = arith.addi %mul3A_1542, %add3A_1543 : i32
        %get3A_1545 = arith.index_cast %add3A_1544 : i32 to index
        %get3A_1546 = arith.constant 64 : index
        %get3A_1547 = tpu.vector_load %arg14[%get3A_1545, %get3A_1546] {strides = array<i32>} : memref<128x128xf32, #tpu.memory_space<vmem>>, vector<1x16xf32>,
        %get3A_1548 = vector.shape_cast %get3A_1547 : vector<1x16xf32> to vector<16xf32>
        %mul3A_1549 = arith.mulf %get3A_1548, %broadcast_in_dim3A_1468 : vector<16xf32>
        %mul3A_1550 = arith.constant 16 : i32
        %mul3A_1551 = arith.muli %scan3A_433, %mul3A_1550 : i32
        %add3A_1552 = arith.constant 7 : i32
        %add3A_1553 = arith.addi %mul3A_1551, %add3A_1552 : i32
        %swap3A_1554 = arith.index_cast %add3A_1553 : i32 to index
        %swap3A_1555 = arith.constant 64 : index
        %swap3A_1556 = tpu.vector_load %arg14[%swap3A_1554, %swap3A_1555] {strides = array<i32>} : memref<128x128xf32, #tpu.memory_space<vmem>>, vector<1x16xf32>,
        %swap3A_1557 = vector.shape_cast %swap3A_1556 : vector<1x16xf32> to vector<16xf32>
        %swap3A_1558 = vector.shape_cast %mul3A_1549 : vector<16xf32> to vector<1x16xf32>
        tpu.vector_store %arg14[%swap3A_1554, %swap3A_1555], %swap3A_1558 {strides = array<i32>} : memref<128x128xf32, #tpu.memory_space<vmem>>, vector<1x16xf32>,
        %mul3A_1559 = arith.constant 16 : i32
        %mul3A_1560 = arith.muli %scan3A_433, %mul3A_1559 : i32
        %add3A_1561 = arith.constant 7 : i32
        %add3A_1562 = arith.addi %mul3A_1560, %add3A_1561 : i32
        %get3A_1563 = arith.index_cast %add3A_1562 : i32 to index
        %get3A_1564 = arith.constant 80 : index
        %get3A_1565 = tpu.vector_load %arg14[%get3A_1563, %get3A_1564] {strides = array<i32>} : memref<128x128xf32, #tpu.memory_space<vmem>>, vector<1x16xf32>,
        %get3A_1566 = vector.shape_cast %get3A_1565 : vector<1x16xf32> to vector<16xf32>
        %mul3A_1567 = arith.mulf %get3A_1566, %broadcast_in_dim3A_1468 : vector<16xf32>
        %mul3A_1568 = arith.constant 16 : i32
        %mul3A_1569 = arith.muli %scan3A_433, %mul3A_1568 : i32
        %add3A_1570 = arith.constant 7 : i32
        %add3A_1571 = arith.addi %mul3A_1569, %add3A_1570 : i32
        %swap3A_1572 = arith.index_cast %add3A_1571 : i32 to index
        %swap3A_1573 = arith.constant 80 : index
        %swap3A_1574 = tpu.vector_load %arg14[%swap3A_1572, %swap3A_1573] {strides = array<i32>} : memref<128x128xf32, #tpu.memory_space<vmem>>, vector<1x16xf32>,
        %swap3A_1575 = vector.shape_cast %swap3A_1574 : vector<1x16xf32> to vector<16xf32>
        %swap3A_1576 = vector.shape_cast %mul3A_1567 : vector<16xf32> to vector<1x16xf32>
        tpu.vector_store %arg14[%swap3A_1572, %swap3A_1573], %swap3A_1576 {strides = array<i32>} : memref<128x128xf32, #tpu.memory_space<vmem>>, vector<1x16xf32>,
        %mul3A_1577 = arith.constant 16 : i32
        %mul3A_1578 = arith.muli %scan3A_433, %mul3A_1577 : i32
        %add3A_1579 = arith.constant 7 : i32
        %add3A_1580 = arith.addi %mul3A_1578, %add3A_1579 : i32
        %get3A_1581 = arith.index_cast %add3A_1580 : i32 to index
        %get3A_1582 = arith.constant 96 : index
        %get3A_1583 = tpu.vector_load %arg14[%get3A_1581, %get3A_1582] {strides = array<i32>} : memref<128x128xf32, #tpu.memory_space<vmem>>, vector<1x16xf32>,
        %get3A_1584 = vector.shape_cast %get3A_1583 : vector<1x16xf32> to vector<16xf32>
        %mul3A_1585 = arith.mulf %get3A_1584, %broadcast_in_dim3A_1468 : vector<16xf32>
        %mul3A_1586 = arith.constant 16 : i32
        %mul3A_1587 = arith.muli %scan3A_433, %mul3A_1586 : i32
        %add3A_1588 = arith.constant 7 : i32
        %add3A_1589 = arith.addi %mul3A_1587, %add3A_1588 : i32
        %swap3A_1590 = arith.index_cast %add3A_1589 : i32 to index
        %swap3A_1591 = arith.constant 96 : index
        %swap3A_1592 = tpu.vector_load %arg14[%swap3A_1590, %swap3A_1591] {strides = array<i32>} : memref<128x128xf32, #tpu.memory_space<vmem>>, vector<1x16xf32>,
        %swap3A_1593 = vector.shape_cast %swap3A_1592 : vector<1x16xf32> to vector<16xf32>
        %swap3A_1594 = vector.shape_cast %mul3A_1585 : vector<16xf32> to vector<1x16xf32>
        tpu.vector_store %arg14[%swap3A_1590, %swap3A_1591], %swap3A_1594 {strides = array<i32>} : memref<128x128xf32, #tpu.memory_space<vmem>>, vector<1x16xf32>,
        %mul3A_1595 = arith.constant 16 : i32
        %mul3A_1596 = arith.muli %scan3A_433, %mul3A_1595 : i32
        %add3A_1597 = arith.constant 7 : i32
        %add3A_1598 = arith.addi %mul3A_1596, %add3A_1597 : i32
        %get3A_1599 = arith.index_cast %add3A_1598 : i32 to index
        %get3A_1600 = arith.constant 112 : index
        %get3A_1601 = tpu.vector_load %arg14[%get3A_1599, %get3A_1600] {strides = array<i32>} : memref<128x128xf32, #tpu.memory_space<vmem>>, vector<1x16xf32>,
        %get3A_1602 = vector.shape_cast %get3A_1601 : vector<1x16xf32> to vector<16xf32>
        %mul3A_1603 = arith.mulf %get3A_1602, %broadcast_in_dim3A_1468 : vector<16xf32>
        %mul3A_1604 = arith.constant 16 : i32
        %mul3A_1605 = arith.muli %scan3A_433, %mul3A_1604 : i32
        %add3A_1606 = arith.constant 7 : i32
        %add3A_1607 = arith.addi %mul3A_1605, %add3A_1606 : i32
        %swap3A_1608 = arith.index_cast %add3A_1607 : i32 to index
        %swap3A_1609 = arith.constant 112 : index
        %swap3A_1610 = tpu.vector_load %arg14[%swap3A_1608, %swap3A_1609] {strides = array<i32>} : memref<128x128xf32, #tpu.memory_space<vmem>>, vector<1x16xf32>,
        %swap3A_1611 = vector.shape_cast %swap3A_1610 : vector<1x16xf32> to vector<16xf32>
        %swap3A_1612 = vector.shape_cast %mul3A_1603 : vector<16xf32> to vector<1x16xf32>
        tpu.vector_store %arg14[%swap3A_1608, %swap3A_1609], %swap3A_1612 {strides = array<i32>} : memref<128x128xf32, #tpu.memory_space<vmem>>, vector<1x16xf32>,
        %slice3A_1613 = vector.extract_strided_slice %get3A_438 {offsets = [8], sizes = [1], strides = [1]} : vector<16xf32> to vector<1xf32>
        %squeeze3A_1614 = vector.extract %slice3A_1613[0] : f32 from vector<1xf32>
        %broadcast_in_dim3A_1615 = vector.broadcast %squeeze3A_1614 : f32 to vector<16xf32>
        %mul3A_1616 = arith.constant 16 : i32
        %mul3A_1617 = arith.muli %scan3A_433, %mul3A_1616 : i32
        %add3A_1618 = arith.constant 8 : i32
        %add3A_1619 = arith.addi %mul3A_1617, %add3A_1618 : i32
        %get3A_1620 = arith.index_cast %add3A_1619 : i32 to index
        %get3A_1621 = arith.constant 0 : index
        %get3A_1622 = tpu.vector_load %arg14[%get3A_1620, %get3A_1621] {strides = array<i32>} : memref<128x128xf32, #tpu.memory_space<vmem>>, vector<1x16xf32>,
        %get3A_1623 = vector.shape_cast %get3A_1622 : vector<1x16xf32> to vector<16xf32>
        %mul3A_1624 = arith.mulf %get3A_1623, %broadcast_in_dim3A_1615 : vector<16xf32>
        %mul3A_1625 = arith.constant 16 : i32
        %mul3A_1626 = arith.muli %scan3A_433, %mul3A_1625 : i32
        %add3A_1627 = arith.constant 8 : i32
        %add3A_1628 = arith.addi %mul3A_1626, %add3A_1627 : i32
        %swap3A_1629 = arith.index_cast %add3A_1628 : i32 to index
        %swap3A_1630 = arith.constant 0 : index
        %swap3A_1631 = tpu.vector_load %arg14[%swap3A_1629, %swap3A_1630] {strides = array<i32>} : memref<128x128xf32, #tpu.memory_space<vmem>>, vector<1x16xf32>,
        %swap3A_1632 = vector.shape_cast %swap3A_1631 : vector<1x16xf32> to vector<16xf32>
        %swap3A_1633 = vector.shape_cast %mul3A_1624 : vector<16xf32> to vector<1x16xf32>
        tpu.vector_store %arg14[%swap3A_1629, %swap3A_1630], %swap3A_1633 {strides = array<i32>} : memref<128x128xf32, #tpu.memory_space<vmem>>, vector<1x16xf32>,
        %mul3A_1634 = arith.constant 16 : i32
        %mul3A_1635 = arith.muli %scan3A_433, %mul3A_1634 : i32
        %add3A_1636 = arith.constant 8 : i32
        %add3A_1637 = arith.addi %mul3A_1635, %add3A_1636 : i32
        %get3A_1638 = arith.index_cast %add3A_1637 : i32 to index
        %get3A_1639 = arith.constant 16 : index
        %get3A_1640 = tpu.vector_load %arg14[%get3A_1638, %get3A_1639] {strides = array<i32>} : memref<128x128xf32, #tpu.memory_space<vmem>>, vector<1x16xf32>,
        %get3A_1641 = vector.shape_cast %get3A_1640 : vector<1x16xf32> to vector<16xf32>
        %mul3A_1642 = arith.mulf %get3A_1641, %broadcast_in_dim3A_1615 : vector<16xf32>
        %mul3A_1643 = arith.constant 16 : i32
        %mul3A_1644 = arith.muli %scan3A_433, %mul3A_1643 : i32
        %add3A_1645 = arith.constant 8 : i32
        %add3A_1646 = arith.addi %mul3A_1644, %add3A_1645 : i32
        %swap3A_1647 = arith.index_cast %add3A_1646 : i32 to index
        %swap3A_1648 = arith.constant 16 : index
        %swap3A_1649 = tpu.vector_load %arg14[%swap3A_1647, %swap3A_1648] {strides = array<i32>} : memref<128x128xf32, #tpu.memory_space<vmem>>, vector<1x16xf32>,
        %swap3A_1650 = vector.shape_cast %swap3A_1649 : vector<1x16xf32> to vector<16xf32>
        %swap3A_1651 = vector.shape_cast %mul3A_1642 : vector<16xf32> to vector<1x16xf32>
        tpu.vector_store %arg14[%swap3A_1647, %swap3A_1648], %swap3A_1651 {strides = array<i32>} : memref<128x128xf32, #tpu.memory_space<vmem>>, vector<1x16xf32>,
        %mul3A_1652 = arith.constant 16 : i32
        %mul3A_1653 = arith.muli %scan3A_433, %mul3A_1652 : i32
        %add3A_1654 = arith.constant 8 : i32
        %add3A_1655 = arith.addi %mul3A_1653, %add3A_1654 : i32
        %get3A_1656 = arith.index_cast %add3A_1655 : i32 to index
        %get3A_1657 = arith.constant 32 : index
        %get3A_1658 = tpu.vector_load %arg14[%get3A_1656, %get3A_1657] {strides = array<i32>} : memref<128x128xf32, #tpu.memory_space<vmem>>, vector<1x16xf32>,
        %get3A_1659 = vector.shape_cast %get3A_1658 : vector<1x16xf32> to vector<16xf32>
        %mul3A_1660 = arith.mulf %get3A_1659, %broadcast_in_dim3A_1615 : vector<16xf32>
        %mul3A_1661 = arith.constant 16 : i32
        %mul3A_1662 = arith.muli %scan3A_433, %mul3A_1661 : i32
        %add3A_1663 = arith.constant 8 : i32
        %add3A_1664 = arith.addi %mul3A_1662, %add3A_1663 : i32
        %swap3A_1665 = arith.index_cast %add3A_1664 : i32 to index
        %swap3A_1666 = arith.constant 32 : index
        %swap3A_1667 = tpu.vector_load %arg14[%swap3A_1665, %swap3A_1666] {strides = array<i32>} : memref<128x128xf32, #tpu.memory_space<vmem>>, vector<1x16xf32>,
        %swap3A_1668 = vector.shape_cast %swap3A_1667 : vector<1x16xf32> to vector<16xf32>
        %swap3A_1669 = vector.shape_cast %mul3A_1660 : vector<16xf32> to vector<1x16xf32>
        tpu.vector_store %arg14[%swap3A_1665, %swap3A_1666], %swap3A_1669 {strides = array<i32>} : memref<128x128xf32, #tpu.memory_space<vmem>>, vector<1x16xf32>,
        %mul3A_1670 = arith.constant 16 : i32
        %mul3A_1671 = arith.muli %scan3A_433, %mul3A_1670 : i32
        %add3A_1672 = arith.constant 8 : i32
        %add3A_1673 = arith.addi %mul3A_1671, %add3A_1672 : i32
        %get3A_1674 = arith.index_cast %add3A_1673 : i32 to index
        %get3A_1675 = arith.constant 48 : index
        %get3A_1676 = tpu.vector_load %arg14[%get3A_1674, %get3A_1675] {strides = array<i32>} : memref<128x128xf32, #tpu.memory_space<vmem>>, vector<1x16xf32>,
        %get3A_1677 = vector.shape_cast %get3A_1676 : vector<1x16xf32> to vector<16xf32>
        %mul3A_1678 = arith.mulf %get3A_1677, %broadcast_in_dim3A_1615 : vector<16xf32>
        %mul3A_1679 = arith.constant 16 : i32
        %mul3A_1680 = arith.muli %scan3A_433, %mul3A_1679 : i32
        %add3A_1681 = arith.constant 8 : i32
        %add3A_1682 = arith.addi %mul3A_1680, %add3A_1681 : i32
        %swap3A_1683 = arith.index_cast %add3A_1682 : i32 to index
        %swap3A_1684 = arith.constant 48 : index
        %swap3A_1685 = tpu.vector_load %arg14[%swap3A_1683, %swap3A_1684] {strides = array<i32>} : memref<128x128xf32, #tpu.memory_space<vmem>>, vector<1x16xf32>,
        %swap3A_1686 = vector.shape_cast %swap3A_1685 : vector<1x16xf32> to vector<16xf32>
        %swap3A_1687 = vector.shape_cast %mul3A_1678 : vector<16xf32> to vector<1x16xf32>
        tpu.vector_store %arg14[%swap3A_1683, %swap3A_1684], %swap3A_1687 {strides = array<i32>} : memref<128x128xf32, #tpu.memory_space<vmem>>, vector<1x16xf32>,
        %mul3A_1688 = arith.constant 16 : i32
        %mul3A_1689 = arith.muli %scan3A_433, %mul3A_1688 : i32
        %add3A_1690 = arith.constant 8 : i32
        %add3A_1691 = arith.addi %mul3A_1689, %add3A_1690 : i32
        %get3A_1692 = arith.index_cast %add3A_1691 : i32 to index
        %get3A_1693 = arith.constant 64 : index
        %get3A_1694 = tpu.vector_load %arg14[%get3A_1692, %get3A_1693] {strides = array<i32>} : memref<128x128xf32, #tpu.memory_space<vmem>>, vector<1x16xf32>,
        %get3A_1695 = vector.shape_cast %get3A_1694 : vector<1x16xf32> to vector<16xf32>
        %mul3A_1696 = arith.mulf %get3A_1695, %broadcast_in_dim3A_1615 : vector<16xf32>
        %mul3A_1697 = arith.constant 16 : i32
        %mul3A_1698 = arith.muli %scan3A_433, %mul3A_1697 : i32
        %add3A_1699 = arith.constant 8 : i32
        %add3A_1700 = arith.addi %mul3A_1698, %add3A_1699 : i32
        %swap3A_1701 = arith.index_cast %add3A_1700 : i32 to index
        %swap3A_1702 = arith.constant 64 : index
        %swap3A_1703 = tpu.vector_load %arg14[%swap3A_1701, %swap3A_1702] {strides = array<i32>} : memref<128x128xf32, #tpu.memory_space<vmem>>, vector<1x16xf32>,
        %swap3A_1704 = vector.shape_cast %swap3A_1703 : vector<1x16xf32> to vector<16xf32>
        %swap3A_1705 = vector.shape_cast %mul3A_1696 : vector<16xf32> to vector<1x16xf32>
        tpu.vector_store %arg14[%swap3A_1701, %swap3A_1702], %swap3A_1705 {strides = array<i32>} : memref<128x128xf32, #tpu.memory_space<vmem>>, vector<1x16xf32>,
        %mul3A_1706 = arith.constant 16 : i32
        %mul3A_1707 = arith.muli %scan3A_433, %mul3A_1706 : i32
        %add3A_1708 = arith.constant 8 : i32
        %add3A_1709 = arith.addi %mul3A_1707, %add3A_1708 : i32
        %get3A_1710 = arith.index_cast %add3A_1709 : i32 to index
        %get3A_1711 = arith.constant 80 : index
        %get3A_1712 = tpu.vector_load %arg14[%get3A_1710, %get3A_1711] {strides = array<i32>} : memref<128x128xf32, #tpu.memory_space<vmem>>, vector<1x16xf32>,
        %get3A_1713 = vector.shape_cast %get3A_1712 : vector<1x16xf32> to vector<16xf32>
        %mul3A_1714 = arith.mulf %get3A_1713, %broadcast_in_dim3A_1615 : vector<16xf32>
        %mul3A_1715 = arith.constant 16 : i32
        %mul3A_1716 = arith.muli %scan3A_433, %mul3A_1715 : i32
        %add3A_1717 = arith.constant 8 : i32
        %add3A_1718 = arith.addi %mul3A_1716, %add3A_1717 : i32
        %swap3A_1719 = arith.index_cast %add3A_1718 : i32 to index
        %swap3A_1720 = arith.constant 80 : index
        %swap3A_1721 = tpu.vector_load %arg14[%swap3A_1719, %swap3A_1720] {strides = array<i32>} : memref<128x128xf32, #tpu.memory_space<vmem>>, vector<1x16xf32>,
        %swap3A_1722 = vector.shape_cast %swap3A_1721 : vector<1x16xf32> to vector<16xf32>
        %swap3A_1723 = vector.shape_cast %mul3A_1714 : vector<16xf32> to vector<1x16xf32>
        tpu.vector_store %arg14[%swap3A_1719, %swap3A_1720], %swap3A_1723 {strides = array<i32>} : memref<128x128xf32, #tpu.memory_space<vmem>>, vector<1x16xf32>,
        %mul3A_1724 = arith.constant 16 : i32
        %mul3A_1725 = arith.muli %scan3A_433, %mul3A_1724 : i32
        %add3A_1726 = arith.constant 8 : i32
        %add3A_1727 = arith.addi %mul3A_1725, %add3A_1726 : i32
        %get3A_1728 = arith.index_cast %add3A_1727 : i32 to index
        %get3A_1729 = arith.constant 96 : index
        %get3A_1730 = tpu.vector_load %arg14[%get3A_1728, %get3A_1729] {strides = array<i32>} : memref<128x128xf32, #tpu.memory_space<vmem>>, vector<1x16xf32>,
        %get3A_1731 = vector.shape_cast %get3A_1730 : vector<1x16xf32> to vector<16xf32>
        %mul3A_1732 = arith.mulf %get3A_1731, %broadcast_in_dim3A_1615 : vector<16xf32>
        %mul3A_1733 = arith.constant 16 : i32
        %mul3A_1734 = arith.muli %scan3A_433, %mul3A_1733 : i32
        %add3A_1735 = arith.constant 8 : i32
        %add3A_1736 = arith.addi %mul3A_1734, %add3A_1735 : i32
        %swap3A_1737 = arith.index_cast %add3A_1736 : i32 to index
        %swap3A_1738 = arith.constant 96 : index
        %swap3A_1739 = tpu.vector_load %arg14[%swap3A_1737, %swap3A_1738] {strides = array<i32>} : memref<128x128xf32, #tpu.memory_space<vmem>>, vector<1x16xf32>,
        %swap3A_1740 = vector.shape_cast %swap3A_1739 : vector<1x16xf32> to vector<16xf32>
        %swap3A_1741 = vector.shape_cast %mul3A_1732 : vector<16xf32> to vector<1x16xf32>
        tpu.vector_store %arg14[%swap3A_1737, %swap3A_1738], %swap3A_1741 {strides = array<i32>} : memref<128x128xf32, #tpu.memory_space<vmem>>, vector<1x16xf32>,
        %mul3A_1742 = arith.constant 16 : i32
        %mul3A_1743 = arith.muli %scan3A_433, %mul3A_1742 : i32
        %add3A_1744 = arith.constant 8 : i32
        %add3A_1745 = arith.addi %mul3A_1743, %add3A_1744 : i32
        %get3A_1746 = arith.index_cast %add3A_1745 : i32 to index
        %get3A_1747 = arith.constant 112 : index
        %get3A_1748 = tpu.vector_load %arg14[%get3A_1746, %get3A_1747] {strides = array<i32>} : memref<128x128xf32, #tpu.memory_space<vmem>>, vector<1x16xf32>,
        %get3A_1749 = vector.shape_cast %get3A_1748 : vector<1x16xf32> to vector<16xf32>
        %mul3A_1750 = arith.mulf %get3A_1749, %broadcast_in_dim3A_1615 : vector<16xf32>
        %mul3A_1751 = arith.constant 16 : i32
        %mul3A_1752 = arith.muli %scan3A_433, %mul3A_1751 : i32
        %add3A_1753 = arith.constant 8 : i32
        %add3A_1754 = arith.addi %mul3A_1752, %add3A_1753 : i32
        %swap3A_1755 = arith.index_cast %add3A_1754 : i32 to index
        %swap3A_1756 = arith.constant 112 : index
        %swap3A_1757 = tpu.vector_load %arg14[%swap3A_1755, %swap3A_1756] {strides = array<i32>} : memref<128x128xf32, #tpu.memory_space<vmem>>, vector<1x16xf32>,
        %swap3A_1758 = vector.shape_cast %swap3A_1757 : vector<1x16xf32> to vector<16xf32>
        %swap3A_1759 = vector.shape_cast %mul3A_1750 : vector<16xf32> to vector<1x16xf32>
        tpu.vector_store %arg14[%swap3A_1755, %swap3A_1756], %swap3A_1759 {strides = array<i32>} : memref<128x128xf32, #tpu.memory_space<vmem>>, vector<1x16xf32>,
        %slice3A_1760 = vector.extract_strided_slice %get3A_438 {offsets = [9], sizes = [1], strides = [1]} : vector<16xf32> to vector<1xf32>
        %squeeze3A_1761 = vector.extract %slice3A_1760[0] : f32 from vector<1xf32>
        %broadcast_in_dim3A_1762 = vector.broadcast %squeeze3A_1761 : f32 to vector<16xf32>
        %mul3A_1763 = arith.constant 16 : i32
        %mul3A_1764 = arith.muli %scan3A_433, %mul3A_1763 : i32
        %add3A_1765 = arith.constant 9 : i32
        %add3A_1766 = arith.addi %mul3A_1764, %add3A_1765 : i32
        %get3A_1767 = arith.index_cast %add3A_1766 : i32 to index
        %get3A_1768 = arith.constant 0 : index
        %get3A_1769 = tpu.vector_load %arg14[%get3A_1767, %get3A_1768] {strides = array<i32>} : memref<128x128xf32, #tpu.memory_space<vmem>>, vector<1x16xf32>,
        %get3A_1770 = vector.shape_cast %get3A_1769 : vector<1x16xf32> to vector<16xf32>
        %mul3A_1771 = arith.mulf %get3A_1770, %broadcast_in_dim3A_1762 : vector<16xf32>
        %mul3A_1772 = arith.constant 16 : i32
        %mul3A_1773 = arith.muli %scan3A_433, %mul3A_1772 : i32
        %add3A_1774 = arith.constant 9 : i32
        %add3A_1775 = arith.addi %mul3A_1773, %add3A_1774 : i32
        %swap3A_1776 = arith.index_cast %add3A_1775 : i32 to index
        %swap3A_1777 = arith.constant 0 : index
        %swap3A_1778 = tpu.vector_load %arg14[%swap3A_1776, %swap3A_1777] {strides = array<i32>} : memref<128x128xf32, #tpu.memory_space<vmem>>, vector<1x16xf32>,
        %swap3A_1779 = vector.shape_cast %swap3A_1778 : vector<1x16xf32> to vector<16xf32>
        %swap3A_1780 = vector.shape_cast %mul3A_1771 : vector<16xf32> to vector<1x16xf32>
        tpu.vector_store %arg14[%swap3A_1776, %swap3A_1777], %swap3A_1780 {strides = array<i32>} : memref<128x128xf32, #tpu.memory_space<vmem>>, vector<1x16xf32>,
        %mul3A_1781 = arith.constant 16 : i32
        %mul3A_1782 = arith.muli %scan3A_433, %mul3A_1781 : i32
        %add3A_1783 = arith.constant 9 : i32
        %add3A_1784 = arith.addi %mul3A_1782, %add3A_1783 : i32
        %get3A_1785 = arith.index_cast %add3A_1784 : i32 to index
        %get3A_1786 = arith.constant 16 : index
        %get3A_1787 = tpu.vector_load %arg14[%get3A_1785, %get3A_1786] {strides = array<i32>} : memref<128x128xf32, #tpu.memory_space<vmem>>, vector<1x16xf32>,
        %get3A_1788 = vector.shape_cast %get3A_1787 : vector<1x16xf32> to vector<16xf32>
        %mul3A_1789 = arith.mulf %get3A_1788, %broadcast_in_dim3A_1762 : vector<16xf32>
        %mul3A_1790 = arith.constant 16 : i32
        %mul3A_1791 = arith.muli %scan3A_433, %mul3A_1790 : i32
        %add3A_1792 = arith.constant 9 : i32
        %add3A_1793 = arith.addi %mul3A_1791, %add3A_1792 : i32
        %swap3A_1794 = arith.index_cast %add3A_1793 : i32 to index
        %swap3A_1795 = arith.constant 16 : index
        %swap3A_1796 = tpu.vector_load %arg14[%swap3A_1794, %swap3A_1795] {strides = array<i32>} : memref<128x128xf32, #tpu.memory_space<vmem>>, vector<1x16xf32>,
        %swap3A_1797 = vector.shape_cast %swap3A_1796 : vector<1x16xf32> to vector<16xf32>
        %swap3A_1798 = vector.shape_cast %mul3A_1789 : vector<16xf32> to vector<1x16xf32>
        tpu.vector_store %arg14[%swap3A_1794, %swap3A_1795], %swap3A_1798 {strides = array<i32>} : memref<128x128xf32, #tpu.memory_space<vmem>>, vector<1x16xf32>,
        %mul3A_1799 = arith.constant 16 : i32
        %mul3A_1800 = arith.muli %scan3A_433, %mul3A_1799 : i32
        %add3A_1801 = arith.constant 9 : i32
        %add3A_1802 = arith.addi %mul3A_1800, %add3A_1801 : i32
        %get3A_1803 = arith.index_cast %add3A_1802 : i32 to index
        %get3A_1804 = arith.constant 32 : index
        %get3A_1805 = tpu.vector_load %arg14[%get3A_1803, %get3A_1804] {strides = array<i32>} : memref<128x128xf32, #tpu.memory_space<vmem>>, vector<1x16xf32>,
        %get3A_1806 = vector.shape_cast %get3A_1805 : vector<1x16xf32> to vector<16xf32>
        %mul3A_1807 = arith.mulf %get3A_1806, %broadcast_in_dim3A_1762 : vector<16xf32>
        %mul3A_1808 = arith.constant 16 : i32
        %mul3A_1809 = arith.muli %scan3A_433, %mul3A_1808 : i32
        %add3A_1810 = arith.constant 9 : i32
        %add3A_1811 = arith.addi %mul3A_1809, %add3A_1810 : i32
        %swap3A_1812 = arith.index_cast %add3A_1811 : i32 to index
        %swap3A_1813 = arith.constant 32 : index
        %swap3A_1814 = tpu.vector_load %arg14[%swap3A_1812, %swap3A_1813] {strides = array<i32>} : memref<128x128xf32, #tpu.memory_space<vmem>>, vector<1x16xf32>,
        %swap3A_1815 = vector.shape_cast %swap3A_1814 : vector<1x16xf32> to vector<16xf32>
        %swap3A_1816 = vector.shape_cast %mul3A_1807 : vector<16xf32> to vector<1x16xf32>
        tpu.vector_store %arg14[%swap3A_1812, %swap3A_1813], %swap3A_1816 {strides = array<i32>} : memref<128x128xf32, #tpu.memory_space<vmem>>, vector<1x16xf32>,
        %mul3A_1817 = arith.constant 16 : i32
        %mul3A_1818 = arith.muli %scan3A_433, %mul3A_1817 : i32
        %add3A_1819 = arith.constant 9 : i32
        %add3A_1820 = arith.addi %mul3A_1818, %add3A_1819 : i32
        %get3A_1821 = arith.index_cast %add3A_1820 : i32 to index
        %get3A_1822 = arith.constant 48 : index
        %get3A_1823 = tpu.vector_load %arg14[%get3A_1821, %get3A_1822] {strides = array<i32>} : memref<128x128xf32, #tpu.memory_space<vmem>>, vector<1x16xf32>,
        %get3A_1824 = vector.shape_cast %get3A_1823 : vector<1x16xf32> to vector<16xf32>
        %mul3A_1825 = arith.mulf %get3A_1824, %broadcast_in_dim3A_1762 : vector<16xf32>
        %mul3A_1826 = arith.constant 16 : i32
        %mul3A_1827 = arith.muli %scan3A_433, %mul3A_1826 : i32
        %add3A_1828 = arith.constant 9 : i32
        %add3A_1829 = arith.addi %mul3A_1827, %add3A_1828 : i32
        %swap3A_1830 = arith.index_cast %add3A_1829 : i32 to index
        %swap3A_1831 = arith.constant 48 : index
        %swap3A_1832 = tpu.vector_load %arg14[%swap3A_1830, %swap3A_1831] {strides = array<i32>} : memref<128x128xf32, #tpu.memory_space<vmem>>, vector<1x16xf32>,
        %swap3A_1833 = vector.shape_cast %swap3A_1832 : vector<1x16xf32> to vector<16xf32>
        %swap3A_1834 = vector.shape_cast %mul3A_1825 : vector<16xf32> to vector<1x16xf32>
        tpu.vector_store %arg14[%swap3A_1830, %swap3A_1831], %swap3A_1834 {strides = array<i32>} : memref<128x128xf32, #tpu.memory_space<vmem>>, vector<1x16xf32>,
        %mul3A_1835 = arith.constant 16 : i32
        %mul3A_1836 = arith.muli %scan3A_433, %mul3A_1835 : i32
        %add3A_1837 = arith.constant 9 : i32
        %add3A_1838 = arith.addi %mul3A_1836, %add3A_1837 : i32
        %get3A_1839 = arith.index_cast %add3A_1838 : i32 to index
        %get3A_1840 = arith.constant 64 : index
        %get3A_1841 = tpu.vector_load %arg14[%get3A_1839, %get3A_1840] {strides = array<i32>} : memref<128x128xf32, #tpu.memory_space<vmem>>, vector<1x16xf32>,
        %get3A_1842 = vector.shape_cast %get3A_1841 : vector<1x16xf32> to vector<16xf32>
        %mul3A_1843 = arith.mulf %get3A_1842, %broadcast_in_dim3A_1762 : vector<16xf32>
        %mul3A_1844 = arith.constant 16 : i32
        %mul3A_1845 = arith.muli %scan3A_433, %mul3A_1844 : i32
        %add3A_1846 = arith.constant 9 : i32
        %add3A_1847 = arith.addi %mul3A_1845, %add3A_1846 : i32
        %swap3A_1848 = arith.index_cast %add3A_1847 : i32 to index
        %swap3A_1849 = arith.constant 64 : index
        %swap3A_1850 = tpu.vector_load %arg14[%swap3A_1848, %swap3A_1849] {strides = array<i32>} : memref<128x128xf32, #tpu.memory_space<vmem>>, vector<1x16xf32>,
        %swap3A_1851 = vector.shape_cast %swap3A_1850 : vector<1x16xf32> to vector<16xf32>
        %swap3A_1852 = vector.shape_cast %mul3A_1843 : vector<16xf32> to vector<1x16xf32>
        tpu.vector_store %arg14[%swap3A_1848, %swap3A_1849], %swap3A_1852 {strides = array<i32>} : memref<128x128xf32, #tpu.memory_space<vmem>>, vector<1x16xf32>,
        %mul3A_1853 = arith.constant 16 : i32
        %mul3A_1854 = arith.muli %scan3A_433, %mul3A_1853 : i32
        %add3A_1855 = arith.constant 9 : i32
        %add3A_1856 = arith.addi %mul3A_1854, %add3A_1855 : i32
        %get3A_1857 = arith.index_cast %add3A_1856 : i32 to index
        %get3A_1858 = arith.constant 80 : index
        %get3A_1859 = tpu.vector_load %arg14[%get3A_1857, %get3A_1858] {strides = array<i32>} : memref<128x128xf32, #tpu.memory_space<vmem>>, vector<1x16xf32>,
        %get3A_1860 = vector.shape_cast %get3A_1859 : vector<1x16xf32> to vector<16xf32>
        %mul3A_1861 = arith.mulf %get3A_1860, %broadcast_in_dim3A_1762 : vector<16xf32>
        %mul3A_1862 = arith.constant 16 : i32
        %mul3A_1863 = arith.muli %scan3A_433, %mul3A_1862 : i32
        %add3A_1864 = arith.constant 9 : i32
        %add3A_1865 = arith.addi %mul3A_1863, %add3A_1864 : i32
        %swap3A_1866 = arith.index_cast %add3A_1865 : i32 to index
        %swap3A_1867 = arith.constant 80 : index
        %swap3A_1868 = tpu.vector_load %arg14[%swap3A_1866, %swap3A_1867] {strides = array<i32>} : memref<128x128xf32, #tpu.memory_space<vmem>>, vector<1x16xf32>,
        %swap3A_1869 = vector.shape_cast %swap3A_1868 : vector<1x16xf32> to vector<16xf32>
        %swap3A_1870 = vector.shape_cast %mul3A_1861 : vector<16xf32> to vector<1x16xf32>
        tpu.vector_store %arg14[%swap3A_1866, %swap3A_1867], %swap3A_1870 {strides = array<i32>} : memref<128x128xf32, #tpu.memory_space<vmem>>, vector<1x16xf32>,
        %mul3A_1871 = arith.constant 16 : i32
        %mul3A_1872 = arith.muli %scan3A_433, %mul3A_1871 : i32
        %add3A_1873 = arith.constant 9 : i32
        %add3A_1874 = arith.addi %mul3A_1872, %add3A_1873 : i32
        %get3A_1875 = arith.index_cast %add3A_1874 : i32 to index
        %get3A_1876 = arith.constant 96 : index
        %get3A_1877 = tpu.vector_load %arg14[%get3A_1875, %get3A_1876] {strides = array<i32>} : memref<128x128xf32, #tpu.memory_space<vmem>>, vector<1x16xf32>,
        %get3A_1878 = vector.shape_cast %get3A_1877 : vector<1x16xf32> to vector<16xf32>
        %mul3A_1879 = arith.mulf %get3A_1878, %broadcast_in_dim3A_1762 : vector<16xf32>
        %mul3A_1880 = arith.constant 16 : i32
        %mul3A_1881 = arith.muli %scan3A_433, %mul3A_1880 : i32
        %add3A_1882 = arith.constant 9 : i32
        %add3A_1883 = arith.addi %mul3A_1881, %add3A_1882 : i32
        %swap3A_1884 = arith.index_cast %add3A_1883 : i32 to index
        %swap3A_1885 = arith.constant 96 : index
        %swap3A_1886 = tpu.vector_load %arg14[%swap3A_1884, %swap3A_1885] {strides = array<i32>} : memref<128x128xf32, #tpu.memory_space<vmem>>, vector<1x16xf32>,
        %swap3A_1887 = vector.shape_cast %swap3A_1886 : vector<1x16xf32> to vector<16xf32>
        %swap3A_1888 = vector.shape_cast %mul3A_1879 : vector<16xf32> to vector<1x16xf32>
        tpu.vector_store %arg14[%swap3A_1884, %swap3A_1885], %swap3A_1888 {strides = array<i32>} : memref<128x128xf32, #tpu.memory_space<vmem>>, vector<1x16xf32>,
        %mul3A_1889 = arith.constant 16 : i32
        %mul3A_1890 = arith.muli %scan3A_433, %mul3A_1889 : i32
        %add3A_1891 = arith.constant 9 : i32
        %add3A_1892 = arith.addi %mul3A_1890, %add3A_1891 : i32
        %get3A_1893 = arith.index_cast %add3A_1892 : i32 to index
        %get3A_1894 = arith.constant 112 : index
        %get3A_1895 = tpu.vector_load %arg14[%get3A_1893, %get3A_1894] {strides = array<i32>} : memref<128x128xf32, #tpu.memory_space<vmem>>, vector<1x16xf32>,
        %get3A_1896 = vector.shape_cast %get3A_1895 : vector<1x16xf32> to vector<16xf32>
        %mul3A_1897 = arith.mulf %get3A_1896, %broadcast_in_dim3A_1762 : vector<16xf32>
        %mul3A_1898 = arith.constant 16 : i32
        %mul3A_1899 = arith.muli %scan3A_433, %mul3A_1898 : i32
        %add3A_1900 = arith.constant 9 : i32
        %add3A_1901 = arith.addi %mul3A_1899, %add3A_1900 : i32
        %swap3A_1902 = arith.index_cast %add3A_1901 : i32 to index
        %swap3A_1903 = arith.constant 112 : index
        %swap3A_1904 = tpu.vector_load %arg14[%swap3A_1902, %swap3A_1903] {strides = array<i32>} : memref<128x128xf32, #tpu.memory_space<vmem>>, vector<1x16xf32>,
        %swap3A_1905 = vector.shape_cast %swap3A_1904 : vector<1x16xf32> to vector<16xf32>
        %swap3A_1906 = vector.shape_cast %mul3A_1897 : vector<16xf32> to vector<1x16xf32>
        tpu.vector_store %arg14[%swap3A_1902, %swap3A_1903], %swap3A_1906 {strides = array<i32>} : memref<128x128xf32, #tpu.memory_space<vmem>>, vector<1x16xf32>,
        %slice3A_1907 = vector.extract_strided_slice %get3A_438 {offsets = [10], sizes = [1], strides = [1]} : vector<16xf32> to vector<1xf32>
        %squeeze3A_1908 = vector.extract %slice3A_1907[0] : f32 from vector<1xf32>
        %broadcast_in_dim3A_1909 = vector.broadcast %squeeze3A_1908 : f32 to vector<16xf32>
        %mul3A_1910 = arith.constant 16 : i32
        %mul3A_1911 = arith.muli %scan3A_433, %mul3A_1910 : i32
        %add3A_1912 = arith.constant 10 : i32
        %add3A_1913 = arith.addi %mul3A_1911, %add3A_1912 : i32
        %get3A_1914 = arith.index_cast %add3A_1913 : i32 to index
        %get3A_1915 = arith.constant 0 : index
        %get3A_1916 = tpu.vector_load %arg14[%get3A_1914, %get3A_1915] {strides = array<i32>} : memref<128x128xf32, #tpu.memory_space<vmem>>, vector<1x16xf32>,
        %get3A_1917 = vector.shape_cast %get3A_1916 : vector<1x16xf32> to vector<16xf32>
        %mul3A_1918 = arith.mulf %get3A_1917, %broadcast_in_dim3A_1909 : vector<16xf32>
        %mul3A_1919 = arith.constant 16 : i32
        %mul3A_1920 = arith.muli %scan3A_433, %mul3A_1919 : i32
        %add3A_1921 = arith.constant 10 : i32
        %add3A_1922 = arith.addi %mul3A_1920, %add3A_1921 : i32
        %swap3A_1923 = arith.index_cast %add3A_1922 : i32 to index
        %swap3A_1924 = arith.constant 0 : index
        %swap3A_1925 = tpu.vector_load %arg14[%swap3A_1923, %swap3A_1924] {strides = array<i32>} : memref<128x128xf32, #tpu.memory_space<vmem>>, vector<1x16xf32>,
        %swap3A_1926 = vector.shape_cast %swap3A_1925 : vector<1x16xf32> to vector<16xf32>
        %swap3A_1927 = vector.shape_cast %mul3A_1918 : vector<16xf32> to vector<1x16xf32>
        tpu.vector_store %arg14[%swap3A_1923, %swap3A_1924], %swap3A_1927 {strides = array<i32>} : memref<128x128xf32, #tpu.memory_space<vmem>>, vector<1x16xf32>,
        %mul3A_1928 = arith.constant 16 : i32
        %mul3A_1929 = arith.muli %scan3A_433, %mul3A_1928 : i32
        %add3A_1930 = arith.constant 10 : i32
        %add3A_1931 = arith.addi %mul3A_1929, %add3A_1930 : i32
        %get3A_1932 = arith.index_cast %add3A_1931 : i32 to index
        %get3A_1933 = arith.constant 16 : index
        %get3A_1934 = tpu.vector_load %arg14[%get3A_1932, %get3A_1933] {strides = array<i32>} : memref<128x128xf32, #tpu.memory_space<vmem>>, vector<1x16xf32>,
        %get3A_1935 = vector.shape_cast %get3A_1934 : vector<1x16xf32> to vector<16xf32>
        %mul3A_1936 = arith.mulf %get3A_1935, %broadcast_in_dim3A_1909 : vector<16xf32>
        %mul3A_1937 = arith.constant 16 : i32
        %mul3A_1938 = arith.muli %scan3A_433, %mul3A_1937 : i32
        %add3A_1939 = arith.constant 10 : i32
        %add3A_1940 = arith.addi %mul3A_1938, %add3A_1939 : i32
        %swap3A_1941 = arith.index_cast %add3A_1940 : i32 to index
        %swap3A_1942 = arith.constant 16 : index
        %swap3A_1943 = tpu.vector_load %arg14[%swap3A_1941, %swap3A_1942] {strides = array<i32>} : memref<128x128xf32, #tpu.memory_space<vmem>>, vector<1x16xf32>,
        %swap3A_1944 = vector.shape_cast %swap3A_1943 : vector<1x16xf32> to vector<16xf32>
        %swap3A_1945 = vector.shape_cast %mul3A_1936 : vector<16xf32> to vector<1x16xf32>
        tpu.vector_store %arg14[%swap3A_1941, %swap3A_1942], %swap3A_1945 {strides = array<i32>} : memref<128x128xf32, #tpu.memory_space<vmem>>, vector<1x16xf32>,
        %mul3A_1946 = arith.constant 16 : i32
        %mul3A_1947 = arith.muli %scan3A_433, %mul3A_1946 : i32
        %add3A_1948 = arith.constant 10 : i32
        %add3A_1949 = arith.addi %mul3A_1947, %add3A_1948 : i32
        %get3A_1950 = arith.index_cast %add3A_1949 : i32 to index
        %get3A_1951 = arith.constant 32 : index
        %get3A_1952 = tpu.vector_load %arg14[%get3A_1950, %get3A_1951] {strides = array<i32>} : memref<128x128xf32, #tpu.memory_space<vmem>>, vector<1x16xf32>,
        %get3A_1953 = vector.shape_cast %get3A_1952 : vector<1x16xf32> to vector<16xf32>
        %mul3A_1954 = arith.mulf %get3A_1953, %broadcast_in_dim3A_1909 : vector<16xf32>
        %mul3A_1955 = arith.constant 16 : i32
        %mul3A_1956 = arith.muli %scan3A_433, %mul3A_1955 : i32
        %add3A_1957 = arith.constant 10 : i32
        %add3A_1958 = arith.addi %mul3A_1956, %add3A_1957 : i32
        %swap3A_1959 = arith.index_cast %add3A_1958 : i32 to index
        %swap3A_1960 = arith.constant 32 : index
        %swap3A_1961 = tpu.vector_load %arg14[%swap3A_1959, %swap3A_1960] {strides = array<i32>} : memref<128x128xf32, #tpu.memory_space<vmem>>, vector<1x16xf32>,
        %swap3A_1962 = vector.shape_cast %swap3A_1961 : vector<1x16xf32> to vector<16xf32>
        %swap3A_1963 = vector.shape_cast %mul3A_1954 : vector<16xf32> to vector<1x16xf32>
        tpu.vector_store %arg14[%swap3A_1959, %swap3A_1960], %swap3A_1963 {strides = array<i32>} : memref<128x128xf32, #tpu.memory_space<vmem>>, vector<1x16xf32>,
        %mul3A_1964 = arith.constant 16 : i32
        %mul3A_1965 = arith.muli %scan3A_433, %mul3A_1964 : i32
        %add3A_1966 = arith.constant 10 : i32
        %add3A_1967 = arith.addi %mul3A_1965, %add3A_1966 : i32
        %get3A_1968 = arith.index_cast %add3A_1967 : i32 to index
        %get3A_1969 = arith.constant 48 : index
        %get3A_1970 = tpu.vector_load %arg14[%get3A_1968, %get3A_1969] {strides = array<i32>} : memref<128x128xf32, #tpu.memory_space<vmem>>, vector<1x16xf32>,
        %get3A_1971 = vector.shape_cast %get3A_1970 : vector<1x16xf32> to vector<16xf32>
        %mul3A_1972 = arith.mulf %get3A_1971, %broadcast_in_dim3A_1909 : vector<16xf32>
        %mul3A_1973 = arith.constant 16 : i32
        %mul3A_1974 = arith.muli %scan3A_433, %mul3A_1973 : i32
        %add3A_1975 = arith.constant 10 : i32
        %add3A_1976 = arith.addi %mul3A_1974, %add3A_1975 : i32
        %swap3A_1977 = arith.index_cast %add3A_1976 : i32 to index
        %swap3A_1978 = arith.constant 48 : index
        %swap3A_1979 = tpu.vector_load %arg14[%swap3A_1977, %swap3A_1978] {strides = array<i32>} : memref<128x128xf32, #tpu.memory_space<vmem>>, vector<1x16xf32>,
        %swap3A_1980 = vector.shape_cast %swap3A_1979 : vector<1x16xf32> to vector<16xf32>
        %swap3A_1981 = vector.shape_cast %mul3A_1972 : vector<16xf32> to vector<1x16xf32>
        tpu.vector_store %arg14[%swap3A_1977, %swap3A_1978], %swap3A_1981 {strides = array<i32>} : memref<128x128xf32, #tpu.memory_space<vmem>>, vector<1x16xf32>,
        %mul3A_1982 = arith.constant 16 : i32
        %mul3A_1983 = arith.muli %scan3A_433, %mul3A_1982 : i32
        %add3A_1984 = arith.constant 10 : i32
        %add3A_1985 = arith.addi %mul3A_1983, %add3A_1984 : i32
        %get3A_1986 = arith.index_cast %add3A_1985 : i32 to index
        %get3A_1987 = arith.constant 64 : index
        %get3A_1988 = tpu.vector_load %arg14[%get3A_1986, %get3A_1987] {strides = array<i32>} : memref<128x128xf32, #tpu.memory_space<vmem>>, vector<1x16xf32>,
        %get3A_1989 = vector.shape_cast %get3A_1988 : vector<1x16xf32> to vector<16xf32>
        %mul3A_1990 = arith.mulf %get3A_1989, %broadcast_in_dim3A_1909 : vector<16xf32>
        %mul3A_1991 = arith.constant 16 : i32
        %mul3A_1992 = arith.muli %scan3A_433, %mul3A_1991 : i32
        %add3A_1993 = arith.constant 10 : i32
        %add3A_1994 = arith.addi %mul3A_1992, %add3A_1993 : i32
        %swap3A_1995 = arith.index_cast %add3A_1994 : i32 to index
        %swap3A_1996 = arith.constant 64 : index
        %swap3A_1997 = tpu.vector_load %arg14[%swap3A_1995, %swap3A_1996] {strides = array<i32>} : memref<128x128xf32, #tpu.memory_space<vmem>>, vector<1x16xf32>,
        %swap3A_1998 = vector.shape_cast %swap3A_1997 : vector<1x16xf32> to vector<16xf32>
        %swap3A_1999 = vector.shape_cast %mul3A_1990 : vector<16xf32> to vector<1x16xf32>
        tpu.vector_store %arg14[%swap3A_1995, %swap3A_1996], %swap3A_1999 {strides = array<i32>} : memref<128x128xf32, #tpu.memory_space<vmem>>, vector<1x16xf32>,
        %mul3A_2000 = arith.constant 16 : i32
        %mul3A_2001 = arith.muli %scan3A_433, %mul3A_2000 : i32
        %add3A_2002 = arith.constant 10 : i32
        %add3A_2003 = arith.addi %mul3A_2001, %add3A_2002 : i32
        %get3A_2004 = arith.index_cast %add3A_2003 : i32 to index
        %get3A_2005 = arith.constant 80 : index
        %get3A_2006 = tpu.vector_load %arg14[%get3A_2004, %get3A_2005] {strides = array<i32>} : memref<128x128xf32, #tpu.memory_space<vmem>>, vector<1x16xf32>,
        %get3A_2007 = vector.shape_cast %get3A_2006 : vector<1x16xf32> to vector<16xf32>
        %mul3A_2008 = arith.mulf %get3A_2007, %broadcast_in_dim3A_1909 : vector<16xf32>
        %mul3A_2009 = arith.constant 16 : i32
        %mul3A_2010 = arith.muli %scan3A_433, %mul3A_2009 : i32
        %add3A_2011 = arith.constant 10 : i32
        %add3A_2012 = arith.addi %mul3A_2010, %add3A_2011 : i32
        %swap3A_2013 = arith.index_cast %add3A_2012 : i32 to index
        %swap3A_2014 = arith.constant 80 : index
        %swap3A_2015 = tpu.vector_load %arg14[%swap3A_2013, %swap3A_2014] {strides = array<i32>} : memref<128x128xf32, #tpu.memory_space<vmem>>, vector<1x16xf32>,
        %swap3A_2016 = vector.shape_cast %swap3A_2015 : vector<1x16xf32> to vector<16xf32>
        %swap3A_2017 = vector.shape_cast %mul3A_2008 : vector<16xf32> to vector<1x16xf32>
        tpu.vector_store %arg14[%swap3A_2013, %swap3A_2014], %swap3A_2017 {strides = array<i32>} : memref<128x128xf32, #tpu.memory_space<vmem>>, vector<1x16xf32>,
        %mul3A_2018 = arith.constant 16 : i32
        %mul3A_2019 = arith.muli %scan3A_433, %mul3A_2018 : i32
        %add3A_2020 = arith.constant 10 : i32
        %add3A_2021 = arith.addi %mul3A_2019, %add3A_2020 : i32
        %get3A_2022 = arith.index_cast %add3A_2021 : i32 to index
        %get3A_2023 = arith.constant 96 : index
        %get3A_2024 = tpu.vector_load %arg14[%get3A_2022, %get3A_2023] {strides = array<i32>} : memref<128x128xf32, #tpu.memory_space<vmem>>, vector<1x16xf32>,
        %get3A_2025 = vector.shape_cast %get3A_2024 : vector<1x16xf32> to vector<16xf32>
        %mul3A_2026 = arith.mulf %get3A_2025, %broadcast_in_dim3A_1909 : vector<16xf32>
        %mul3A_2027 = arith.constant 16 : i32
        %mul3A_2028 = arith.muli %scan3A_433, %mul3A_2027 : i32
        %add3A_2029 = arith.constant 10 : i32
        %add3A_2030 = arith.addi %mul3A_2028, %add3A_2029 : i32
        %swap3A_2031 = arith.index_cast %add3A_2030 : i32 to index
        %swap3A_2032 = arith.constant 96 : index
        %swap3A_2033 = tpu.vector_load %arg14[%swap3A_2031, %swap3A_2032] {strides = array<i32>} : memref<128x128xf32, #tpu.memory_space<vmem>>, vector<1x16xf32>,
        %swap3A_2034 = vector.shape_cast %swap3A_2033 : vector<1x16xf32> to vector<16xf32>
        %swap3A_2035 = vector.shape_cast %mul3A_2026 : vector<16xf32> to vector<1x16xf32>
        tpu.vector_store %arg14[%swap3A_2031, %swap3A_2032], %swap3A_2035 {strides = array<i32>} : memref<128x128xf32, #tpu.memory_space<vmem>>, vector<1x16xf32>,
        %mul3A_2036 = arith.constant 16 : i32
        %mul3A_2037 = arith.muli %scan3A_433, %mul3A_2036 : i32
        %add3A_2038 = arith.constant 10 : i32
        %add3A_2039 = arith.addi %mul3A_2037, %add3A_2038 : i32
        %get3A_2040 = arith.index_cast %add3A_2039 : i32 to index
        %get3A_2041 = arith.constant 112 : index
        %get3A_2042 = tpu.vector_load %arg14[%get3A_2040, %get3A_2041] {strides = array<i32>} : memref<128x128xf32, #tpu.memory_space<vmem>>, vector<1x16xf32>,
        %get3A_2043 = vector.shape_cast %get3A_2042 : vector<1x16xf32> to vector<16xf32>
        %mul3A_2044 = arith.mulf %get3A_2043, %broadcast_in_dim3A_1909 : vector<16xf32>
        %mul3A_2045 = arith.constant 16 : i32
        %mul3A_2046 = arith.muli %scan3A_433, %mul3A_2045 : i32
        %add3A_2047 = arith.constant 10 : i32
        %add3A_2048 = arith.addi %mul3A_2046, %add3A_2047 : i32
        %swap3A_2049 = arith.index_cast %add3A_2048 : i32 to index
        %swap3A_2050 = arith.constant 112 : index
        %swap3A_2051 = tpu.vector_load %arg14[%swap3A_2049, %swap3A_2050] {strides = array<i32>} : memref<128x128xf32, #tpu.memory_space<vmem>>, vector<1x16xf32>,
        %swap3A_2052 = vector.shape_cast %swap3A_2051 : vector<1x16xf32> to vector<16xf32>
        %swap3A_2053 = vector.shape_cast %mul3A_2044 : vector<16xf32> to vector<1x16xf32>
        tpu.vector_store %arg14[%swap3A_2049, %swap3A_2050], %swap3A_2053 {strides = array<i32>} : memref<128x128xf32, #tpu.memory_space<vmem>>, vector<1x16xf32>,
        %slice3A_2054 = vector.extract_strided_slice %get3A_438 {offsets = [11], sizes = [1], strides = [1]} : vector<16xf32> to vector<1xf32>
        %squeeze3A_2055 = vector.extract %slice3A_2054[0] : f32 from vector<1xf32>
        %broadcast_in_dim3A_2056 = vector.broadcast %squeeze3A_2055 : f32 to vector<16xf32>
        %mul3A_2057 = arith.constant 16 : i32
        %mul3A_2058 = arith.muli %scan3A_433, %mul3A_2057 : i32
        %add3A_2059 = arith.constant 11 : i32
        %add3A_2060 = arith.addi %mul3A_2058, %add3A_2059 : i32
        %get3A_2061 = arith.index_cast %add3A_2060 : i32 to index
        %get3A_2062 = arith.constant 0 : index
        %get3A_2063 = tpu.vector_load %arg14[%get3A_2061, %get3A_2062] {strides = array<i32>} : memref<128x128xf32, #tpu.memory_space<vmem>>, vector<1x16xf32>,
        %get3A_2064 = vector.shape_cast %get3A_2063 : vector<1x16xf32> to vector<16xf32>
        %mul3A_2065 = arith.mulf %get3A_2064, %broadcast_in_dim3A_2056 : vector<16xf32>
        %mul3A_2066 = arith.constant 16 : i32
        %mul3A_2067 = arith.muli %scan3A_433, %mul3A_2066 : i32
        %add3A_2068 = arith.constant 11 : i32
        %add3A_2069 = arith.addi %mul3A_2067, %add3A_2068 : i32
        %swap3A_2070 = arith.index_cast %add3A_2069 : i32 to index
        %swap3A_2071 = arith.constant 0 : index
        %swap3A_2072 = tpu.vector_load %arg14[%swap3A_2070, %swap3A_2071] {strides = array<i32>} : memref<128x128xf32, #tpu.memory_space<vmem>>, vector<1x16xf32>,
        %swap3A_2073 = vector.shape_cast %swap3A_2072 : vector<1x16xf32> to vector<16xf32>
        %swap3A_2074 = vector.shape_cast %mul3A_2065 : vector<16xf32> to vector<1x16xf32>
        tpu.vector_store %arg14[%swap3A_2070, %swap3A_2071], %swap3A_2074 {strides = array<i32>} : memref<128x128xf32, #tpu.memory_space<vmem>>, vector<1x16xf32>,
        %mul3A_2075 = arith.constant 16 : i32
        %mul3A_2076 = arith.muli %scan3A_433, %mul3A_2075 : i32
        %add3A_2077 = arith.constant 11 : i32
        %add3A_2078 = arith.addi %mul3A_2076, %add3A_2077 : i32
        %get3A_2079 = arith.index_cast %add3A_2078 : i32 to index
        %get3A_2080 = arith.constant 16 : index
        %get3A_2081 = tpu.vector_load %arg14[%get3A_2079, %get3A_2080] {strides = array<i32>} : memref<128x128xf32, #tpu.memory_space<vmem>>, vector<1x16xf32>,
        %get3A_2082 = vector.shape_cast %get3A_2081 : vector<1x16xf32> to vector<16xf32>
        %mul3A_2083 = arith.mulf %get3A_2082, %broadcast_in_dim3A_2056 : vector<16xf32>
        %mul3A_2084 = arith.constant 16 : i32
        %mul3A_2085 = arith.muli %scan3A_433, %mul3A_2084 : i32
        %add3A_2086 = arith.constant 11 : i32
        %add3A_2087 = arith.addi %mul3A_2085, %add3A_2086 : i32
        %swap3A_2088 = arith.index_cast %add3A_2087 : i32 to index
        %swap3A_2089 = arith.constant 16 : index
        %swap3A_2090 = tpu.vector_load %arg14[%swap3A_2088, %swap3A_2089] {strides = array<i32>} : memref<128x128xf32, #tpu.memory_space<vmem>>, vector<1x16xf32>,
        %swap3A_2091 = vector.shape_cast %swap3A_2090 : vector<1x16xf32> to vector<16xf32>
        %swap3A_2092 = vector.shape_cast %mul3A_2083 : vector<16xf32> to vector<1x16xf32>
        tpu.vector_store %arg14[%swap3A_2088, %swap3A_2089], %swap3A_2092 {strides = array<i32>} : memref<128x128xf32, #tpu.memory_space<vmem>>, vector<1x16xf32>,
        %mul3A_2093 = arith.constant 16 : i32
        %mul3A_2094 = arith.muli %scan3A_433, %mul3A_2093 : i32
        %add3A_2095 = arith.constant 11 : i32
        %add3A_2096 = arith.addi %mul3A_2094, %add3A_2095 : i32
        %get3A_2097 = arith.index_cast %add3A_2096 : i32 to index
        %get3A_2098 = arith.constant 32 : index
        %get3A_2099 = tpu.vector_load %arg14[%get3A_2097, %get3A_2098] {strides = array<i32>} : memref<128x128xf32, #tpu.memory_space<vmem>>, vector<1x16xf32>,
        %get3A_2100 = vector.shape_cast %get3A_2099 : vector<1x16xf32> to vector<16xf32>
        %mul3A_2101 = arith.mulf %get3A_2100, %broadcast_in_dim3A_2056 : vector<16xf32>
        %mul3A_2102 = arith.constant 16 : i32
        %mul3A_2103 = arith.muli %scan3A_433, %mul3A_2102 : i32
        %add3A_2104 = arith.constant 11 : i32
        %add3A_2105 = arith.addi %mul3A_2103, %add3A_2104 : i32
        %swap3A_2106 = arith.index_cast %add3A_2105 : i32 to index
        %swap3A_2107 = arith.constant 32 : index
        %swap3A_2108 = tpu.vector_load %arg14[%swap3A_2106, %swap3A_2107] {strides = array<i32>} : memref<128x128xf32, #tpu.memory_space<vmem>>, vector<1x16xf32>,
        %swap3A_2109 = vector.shape_cast %swap3A_2108 : vector<1x16xf32> to vector<16xf32>
        %swap3A_2110 = vector.shape_cast %mul3A_2101 : vector<16xf32> to vector<1x16xf32>
        tpu.vector_store %arg14[%swap3A_2106, %swap3A_2107], %swap3A_2110 {strides = array<i32>} : memref<128x128xf32, #tpu.memory_space<vmem>>, vector<1x16xf32>,
        %mul3A_2111 = arith.constant 16 : i32
        %mul3A_2112 = arith.muli %scan3A_433, %mul3A_2111 : i32
        %add3A_2113 = arith.constant 11 : i32
        %add3A_2114 = arith.addi %mul3A_2112, %add3A_2113 : i32
        %get3A_2115 = arith.index_cast %add3A_2114 : i32 to index
        %get3A_2116 = arith.constant 48 : index
        %get3A_2117 = tpu.vector_load %arg14[%get3A_2115, %get3A_2116] {strides = array<i32>} : memref<128x128xf32, #tpu.memory_space<vmem>>, vector<1x16xf32>,
        %get3A_2118 = vector.shape_cast %get3A_2117 : vector<1x16xf32> to vector<16xf32>
        %mul3A_2119 = arith.mulf %get3A_2118, %broadcast_in_dim3A_2056 : vector<16xf32>
        %mul3A_2120 = arith.constant 16 : i32
        %mul3A_2121 = arith.muli %scan3A_433, %mul3A_2120 : i32
        %add3A_2122 = arith.constant 11 : i32
        %add3A_2123 = arith.addi %mul3A_2121, %add3A_2122 : i32
        %swap3A_2124 = arith.index_cast %add3A_2123 : i32 to index
        %swap3A_2125 = arith.constant 48 : index
        %swap3A_2126 = tpu.vector_load %arg14[%swap3A_2124, %swap3A_2125] {strides = array<i32>} : memref<128x128xf32, #tpu.memory_space<vmem>>, vector<1x16xf32>,
        %swap3A_2127 = vector.shape_cast %swap3A_2126 : vector<1x16xf32> to vector<16xf32>
        %swap3A_2128 = vector.shape_cast %mul3A_2119 : vector<16xf32> to vector<1x16xf32>
        tpu.vector_store %arg14[%swap3A_2124, %swap3A_2125], %swap3A_2128 {strides = array<i32>} : memref<128x128xf32, #tpu.memory_space<vmem>>, vector<1x16xf32>,
        %mul3A_2129 = arith.constant 16 : i32
        %mul3A_2130 = arith.muli %scan3A_433, %mul3A_2129 : i32
        %add3A_2131 = arith.constant 11 : i32
        %add3A_2132 = arith.addi %mul3A_2130, %add3A_2131 : i32
        %get3A_2133 = arith.index_cast %add3A_2132 : i32 to index
        %get3A_2134 = arith.constant 64 : index
        %get3A_2135 = tpu.vector_load %arg14[%get3A_2133, %get3A_2134] {strides = array<i32>} : memref<128x128xf32, #tpu.memory_space<vmem>>, vector<1x16xf32>,
        %get3A_2136 = vector.shape_cast %get3A_2135 : vector<1x16xf32> to vector<16xf32>
        %mul3A_2137 = arith.mulf %get3A_2136, %broadcast_in_dim3A_2056 : vector<16xf32>
        %mul3A_2138 = arith.constant 16 : i32
        %mul3A_2139 = arith.muli %scan3A_433, %mul3A_2138 : i32
        %add3A_2140 = arith.constant 11 : i32
        %add3A_2141 = arith.addi %mul3A_2139, %add3A_2140 : i32
        %swap3A_2142 = arith.index_cast %add3A_2141 : i32 to index
        %swap3A_2143 = arith.constant 64 : index
        %swap3A_2144 = tpu.vector_load %arg14[%swap3A_2142, %swap3A_2143] {strides = array<i32>} : memref<128x128xf32, #tpu.memory_space<vmem>>, vector<1x16xf32>,
        %swap3A_2145 = vector.shape_cast %swap3A_2144 : vector<1x16xf32> to vector<16xf32>
        %swap3A_2146 = vector.shape_cast %mul3A_2137 : vector<16xf32> to vector<1x16xf32>
        tpu.vector_store %arg14[%swap3A_2142, %swap3A_2143], %swap3A_2146 {strides = array<i32>} : memref<128x128xf32, #tpu.memory_space<vmem>>, vector<1x16xf32>,
        %mul3A_2147 = arith.constant 16 : i32
        %mul3A_2148 = arith.muli %scan3A_433, %mul3A_2147 : i32
        %add3A_2149 = arith.constant 11 : i32
        %add3A_2150 = arith.addi %mul3A_2148, %add3A_2149 : i32
        %get3A_2151 = arith.index_cast %add3A_2150 : i32 to index
        %get3A_2152 = arith.constant 80 : index
        %get3A_2153 = tpu.vector_load %arg14[%get3A_2151, %get3A_2152] {strides = array<i32>} : memref<128x128xf32, #tpu.memory_space<vmem>>, vector<1x16xf32>,
        %get3A_2154 = vector.shape_cast %get3A_2153 : vector<1x16xf32> to vector<16xf32>
        %mul3A_2155 = arith.mulf %get3A_2154, %broadcast_in_dim3A_2056 : vector<16xf32>
        %mul3A_2156 = arith.constant 16 : i32
        %mul3A_2157 = arith.muli %scan3A_433, %mul3A_2156 : i32
        %add3A_2158 = arith.constant 11 : i32
        %add3A_2159 = arith.addi %mul3A_2157, %add3A_2158 : i32
        %swap3A_2160 = arith.index_cast %add3A_2159 : i32 to index
        %swap3A_2161 = arith.constant 80 : index
        %swap3A_2162 = tpu.vector_load %arg14[%swap3A_2160, %swap3A_2161] {strides = array<i32>} : memref<128x128xf32, #tpu.memory_space<vmem>>, vector<1x16xf32>,
        %swap3A_2163 = vector.shape_cast %swap3A_2162 : vector<1x16xf32> to vector<16xf32>
        %swap3A_2164 = vector.shape_cast %mul3A_2155 : vector<16xf32> to vector<1x16xf32>
        tpu.vector_store %arg14[%swap3A_2160, %swap3A_2161], %swap3A_2164 {strides = array<i32>} : memref<128x128xf32, #tpu.memory_space<vmem>>, vector<1x16xf32>,
        %mul3A_2165 = arith.constant 16 : i32
        %mul3A_2166 = arith.muli %scan3A_433, %mul3A_2165 : i32
        %add3A_2167 = arith.constant 11 : i32
        %add3A_2168 = arith.addi %mul3A_2166, %add3A_2167 : i32
        %get3A_2169 = arith.index_cast %add3A_2168 : i32 to index
        %get3A_2170 = arith.constant 96 : index
        %get3A_2171 = tpu.vector_load %arg14[%get3A_2169, %get3A_2170] {strides = array<i32>} : memref<128x128xf32, #tpu.memory_space<vmem>>, vector<1x16xf32>,
        %get3A_2172 = vector.shape_cast %get3A_2171 : vector<1x16xf32> to vector<16xf32>
        %mul3A_2173 = arith.mulf %get3A_2172, %broadcast_in_dim3A_2056 : vector<16xf32>
        %mul3A_2174 = arith.constant 16 : i32
        %mul3A_2175 = arith.muli %scan3A_433, %mul3A_2174 : i32
        %add3A_2176 = arith.constant 11 : i32
        %add3A_2177 = arith.addi %mul3A_2175, %add3A_2176 : i32
        %swap3A_2178 = arith.index_cast %add3A_2177 : i32 to index
        %swap3A_2179 = arith.constant 96 : index
        %swap3A_2180 = tpu.vector_load %arg14[%swap3A_2178, %swap3A_2179] {strides = array<i32>} : memref<128x128xf32, #tpu.memory_space<vmem>>, vector<1x16xf32>,
        %swap3A_2181 = vector.shape_cast %swap3A_2180 : vector<1x16xf32> to vector<16xf32>
        %swap3A_2182 = vector.shape_cast %mul3A_2173 : vector<16xf32> to vector<1x16xf32>
        tpu.vector_store %arg14[%swap3A_2178, %swap3A_2179], %swap3A_2182 {strides = array<i32>} : memref<128x128xf32, #tpu.memory_space<vmem>>, vector<1x16xf32>,
        %mul3A_2183 = arith.constant 16 : i32
        %mul3A_2184 = arith.muli %scan3A_433, %mul3A_2183 : i32
        %add3A_2185 = arith.constant 11 : i32
        %add3A_2186 = arith.addi %mul3A_2184, %add3A_2185 : i32
        %get3A_2187 = arith.index_cast %add3A_2186 : i32 to index
        %get3A_2188 = arith.constant 112 : index
        %get3A_2189 = tpu.vector_load %arg14[%get3A_2187, %get3A_2188] {strides = array<i32>} : memref<128x128xf32, #tpu.memory_space<vmem>>, vector<1x16xf32>,
        %get3A_2190 = vector.shape_cast %get3A_2189 : vector<1x16xf32> to vector<16xf32>
        %mul3A_2191 = arith.mulf %get3A_2190, %broadcast_in_dim3A_2056 : vector<16xf32>
        %mul3A_2192 = arith.constant 16 : i32
        %mul3A_2193 = arith.muli %scan3A_433, %mul3A_2192 : i32
        %add3A_2194 = arith.constant 11 : i32
        %add3A_2195 = arith.addi %mul3A_2193, %add3A_2194 : i32
        %swap3A_2196 = arith.index_cast %add3A_2195 : i32 to index
        %swap3A_2197 = arith.constant 112 : index
        %swap3A_2198 = tpu.vector_load %arg14[%swap3A_2196, %swap3A_2197] {strides = array<i32>} : memref<128x128xf32, #tpu.memory_space<vmem>>, vector<1x16xf32>,
        %swap3A_2199 = vector.shape_cast %swap3A_2198 : vector<1x16xf32> to vector<16xf32>
        %swap3A_2200 = vector.shape_cast %mul3A_2191 : vector<16xf32> to vector<1x16xf32>
        tpu.vector_store %arg14[%swap3A_2196, %swap3A_2197], %swap3A_2200 {strides = array<i32>} : memref<128x128xf32, #tpu.memory_space<vmem>>, vector<1x16xf32>,
        %slice3A_2201 = vector.extract_strided_slice %get3A_438 {offsets = [12], sizes = [1], strides = [1]} : vector<16xf32> to vector<1xf32>
        %squeeze3A_2202 = vector.extract %slice3A_2201[0] : f32 from vector<1xf32>
        %broadcast_in_dim3A_2203 = vector.broadcast %squeeze3A_2202 : f32 to vector<16xf32>
        %mul3A_2204 = arith.constant 16 : i32
        %mul3A_2205 = arith.muli %scan3A_433, %mul3A_2204 : i32
        %add3A_2206 = arith.constant 12 : i32
        %add3A_2207 = arith.addi %mul3A_2205, %add3A_2206 : i32
        %get3A_2208 = arith.index_cast %add3A_2207 : i32 to index
        %get3A_2209 = arith.constant 0 : index
        %get3A_2210 = tpu.vector_load %arg14[%get3A_2208, %get3A_2209] {strides = array<i32>} : memref<128x128xf32, #tpu.memory_space<vmem>>, vector<1x16xf32>,
        %get3A_2211 = vector.shape_cast %get3A_2210 : vector<1x16xf32> to vector<16xf32>
        %mul3A_2212 = arith.mulf %get3A_2211, %broadcast_in_dim3A_2203 : vector<16xf32>
        %mul3A_2213 = arith.constant 16 : i32
        %mul3A_2214 = arith.muli %scan3A_433, %mul3A_2213 : i32
        %add3A_2215 = arith.constant 12 : i32
        %add3A_2216 = arith.addi %mul3A_2214, %add3A_2215 : i32
        %swap3A_2217 = arith.index_cast %add3A_2216 : i32 to index
        %swap3A_2218 = arith.constant 0 : index
        %swap3A_2219 = tpu.vector_load %arg14[%swap3A_2217, %swap3A_2218] {strides = array<i32>} : memref<128x128xf32, #tpu.memory_space<vmem>>, vector<1x16xf32>,
        %swap3A_2220 = vector.shape_cast %swap3A_2219 : vector<1x16xf32> to vector<16xf32>
        %swap3A_2221 = vector.shape_cast %mul3A_2212 : vector<16xf32> to vector<1x16xf32>
        tpu.vector_store %arg14[%swap3A_2217, %swap3A_2218], %swap3A_2221 {strides = array<i32>} : memref<128x128xf32, #tpu.memory_space<vmem>>, vector<1x16xf32>,
        %mul3A_2222 = arith.constant 16 : i32
        %mul3A_2223 = arith.muli %scan3A_433, %mul3A_2222 : i32
        %add3A_2224 = arith.constant 12 : i32
        %add3A_2225 = arith.addi %mul3A_2223, %add3A_2224 : i32
        %get3A_2226 = arith.index_cast %add3A_2225 : i32 to index
        %get3A_2227 = arith.constant 16 : index
        %get3A_2228 = tpu.vector_load %arg14[%get3A_2226, %get3A_2227] {strides = array<i32>} : memref<128x128xf32, #tpu.memory_space<vmem>>, vector<1x16xf32>,
        %get3A_2229 = vector.shape_cast %get3A_2228 : vector<1x16xf32> to vector<16xf32>
        %mul3A_2230 = arith.mulf %get3A_2229, %broadcast_in_dim3A_2203 : vector<16xf32>
        %mul3A_2231 = arith.constant 16 : i32
        %mul3A_2232 = arith.muli %scan3A_433, %mul3A_2231 : i32
        %add3A_2233 = arith.constant 12 : i32
        %add3A_2234 = arith.addi %mul3A_2232, %add3A_2233 : i32
        %swap3A_2235 = arith.index_cast %add3A_2234 : i32 to index
        %swap3A_2236 = arith.constant 16 : index
        %swap3A_2237 = tpu.vector_load %arg14[%swap3A_2235, %swap3A_2236] {strides = array<i32>} : memref<128x128xf32, #tpu.memory_space<vmem>>, vector<1x16xf32>,
        %swap3A_2238 = vector.shape_cast %swap3A_2237 : vector<1x16xf32> to vector<16xf32>
        %swap3A_2239 = vector.shape_cast %mul3A_2230 : vector<16xf32> to vector<1x16xf32>
        tpu.vector_store %arg14[%swap3A_2235, %swap3A_2236], %swap3A_2239 {strides = array<i32>} : memref<128x128xf32, #tpu.memory_space<vmem>>, vector<1x16xf32>,
        %mul3A_2240 = arith.constant 16 : i32
        %mul3A_2241 = arith.muli %scan3A_433, %mul3A_2240 : i32
        %add3A_2242 = arith.constant 12 : i32
        %add3A_2243 = arith.addi %mul3A_2241, %add3A_2242 : i32
        %get3A_2244 = arith.index_cast %add3A_2243 : i32 to index
        %get3A_2245 = arith.constant 32 : index
        %get3A_2246 = tpu.vector_load %arg14[%get3A_2244, %get3A_2245] {strides = array<i32>} : memref<128x128xf32, #tpu.memory_space<vmem>>, vector<1x16xf32>,
        %get3A_2247 = vector.shape_cast %get3A_2246 : vector<1x16xf32> to vector<16xf32>
        %mul3A_2248 = arith.mulf %get3A_2247, %broadcast_in_dim3A_2203 : vector<16xf32>
        %mul3A_2249 = arith.constant 16 : i32
        %mul3A_2250 = arith.muli %scan3A_433, %mul3A_2249 : i32
        %add3A_2251 = arith.constant 12 : i32
        %add3A_2252 = arith.addi %mul3A_2250, %add3A_2251 : i32
        %swap3A_2253 = arith.index_cast %add3A_2252 : i32 to index
        %swap3A_2254 = arith.constant 32 : index
        %swap3A_2255 = tpu.vector_load %arg14[%swap3A_2253, %swap3A_2254] {strides = array<i32>} : memref<128x128xf32, #tpu.memory_space<vmem>>, vector<1x16xf32>,
        %swap3A_2256 = vector.shape_cast %swap3A_2255 : vector<1x16xf32> to vector<16xf32>
        %swap3A_2257 = vector.shape_cast %mul3A_2248 : vector<16xf32> to vector<1x16xf32>
        tpu.vector_store %arg14[%swap3A_2253, %swap3A_2254], %swap3A_2257 {strides = array<i32>} : memref<128x128xf32, #tpu.memory_space<vmem>>, vector<1x16xf32>,
        %mul3A_2258 = arith.constant 16 : i32
        %mul3A_2259 = arith.muli %scan3A_433, %mul3A_2258 : i32
        %add3A_2260 = arith.constant 12 : i32
        %add3A_2261 = arith.addi %mul3A_2259, %add3A_2260 : i32
        %get3A_2262 = arith.index_cast %add3A_2261 : i32 to index
        %get3A_2263 = arith.constant 48 : index
        %get3A_2264 = tpu.vector_load %arg14[%get3A_2262, %get3A_2263] {strides = array<i32>} : memref<128x128xf32, #tpu.memory_space<vmem>>, vector<1x16xf32>,
        %get3A_2265 = vector.shape_cast %get3A_2264 : vector<1x16xf32> to vector<16xf32>
        %mul3A_2266 = arith.mulf %get3A_2265, %broadcast_in_dim3A_2203 : vector<16xf32>
        %mul3A_2267 = arith.constant 16 : i32
        %mul3A_2268 = arith.muli %scan3A_433, %mul3A_2267 : i32
        %add3A_2269 = arith.constant 12 : i32
        %add3A_2270 = arith.addi %mul3A_2268, %add3A_2269 : i32
        %swap3A_2271 = arith.index_cast %add3A_2270 : i32 to index
        %swap3A_2272 = arith.constant 48 : index
        %swap3A_2273 = tpu.vector_load %arg14[%swap3A_2271, %swap3A_2272] {strides = array<i32>} : memref<128x128xf32, #tpu.memory_space<vmem>>, vector<1x16xf32>,
        %swap3A_2274 = vector.shape_cast %swap3A_2273 : vector<1x16xf32> to vector<16xf32>
        %swap3A_2275 = vector.shape_cast %mul3A_2266 : vector<16xf32> to vector<1x16xf32>
        tpu.vector_store %arg14[%swap3A_2271, %swap3A_2272], %swap3A_2275 {strides = array<i32>} : memref<128x128xf32, #tpu.memory_space<vmem>>, vector<1x16xf32>,
        %mul3A_2276 = arith.constant 16 : i32
        %mul3A_2277 = arith.muli %scan3A_433, %mul3A_2276 : i32
        %add3A_2278 = arith.constant 12 : i32
        %add3A_2279 = arith.addi %mul3A_2277, %add3A_2278 : i32
        %get3A_2280 = arith.index_cast %add3A_2279 : i32 to index
        %get3A_2281 = arith.constant 64 : index
        %get3A_2282 = tpu.vector_load %arg14[%get3A_2280, %get3A_2281] {strides = array<i32>} : memref<128x128xf32, #tpu.memory_space<vmem>>, vector<1x16xf32>,
        %get3A_2283 = vector.shape_cast %get3A_2282 : vector<1x16xf32> to vector<16xf32>
        %mul3A_2284 = arith.mulf %get3A_2283, %broadcast_in_dim3A_2203 : vector<16xf32>
        %mul3A_2285 = arith.constant 16 : i32
        %mul3A_2286 = arith.muli %scan3A_433, %mul3A_2285 : i32
        %add3A_2287 = arith.constant 12 : i32
        %add3A_2288 = arith.addi %mul3A_2286, %add3A_2287 : i32
        %swap3A_2289 = arith.index_cast %add3A_2288 : i32 to index
        %swap3A_2290 = arith.constant 64 : index
        %swap3A_2291 = tpu.vector_load %arg14[%swap3A_2289, %swap3A_2290] {strides = array<i32>} : memref<128x128xf32, #tpu.memory_space<vmem>>, vector<1x16xf32>,
        %swap3A_2292 = vector.shape_cast %swap3A_2291 : vector<1x16xf32> to vector<16xf32>
        %swap3A_2293 = vector.shape_cast %mul3A_2284 : vector<16xf32> to vector<1x16xf32>
        tpu.vector_store %arg14[%swap3A_2289, %swap3A_2290], %swap3A_2293 {strides = array<i32>} : memref<128x128xf32, #tpu.memory_space<vmem>>, vector<1x16xf32>,
        %mul3A_2294 = arith.constant 16 : i32
        %mul3A_2295 = arith.muli %scan3A_433, %mul3A_2294 : i32
        %add3A_2296 = arith.constant 12 : i32
        %add3A_2297 = arith.addi %mul3A_2295, %add3A_2296 : i32
        %get3A_2298 = arith.index_cast %add3A_2297 : i32 to index
        %get3A_2299 = arith.constant 80 : index
        %get3A_2300 = tpu.vector_load %arg14[%get3A_2298, %get3A_2299] {strides = array<i32>} : memref<128x128xf32, #tpu.memory_space<vmem>>, vector<1x16xf32>,
        %get3A_2301 = vector.shape_cast %get3A_2300 : vector<1x16xf32> to vector<16xf32>
        %mul3A_2302 = arith.mulf %get3A_2301, %broadcast_in_dim3A_2203 : vector<16xf32>
        %mul3A_2303 = arith.constant 16 : i32
        %mul3A_2304 = arith.muli %scan3A_433, %mul3A_2303 : i32
        %add3A_2305 = arith.constant 12 : i32
        %add3A_2306 = arith.addi %mul3A_2304, %add3A_2305 : i32
        %swap3A_2307 = arith.index_cast %add3A_2306 : i32 to index
        %swap3A_2308 = arith.constant 80 : index
        %swap3A_2309 = tpu.vector_load %arg14[%swap3A_2307, %swap3A_2308] {strides = array<i32>} : memref<128x128xf32, #tpu.memory_space<vmem>>, vector<1x16xf32>,
        %swap3A_2310 = vector.shape_cast %swap3A_2309 : vector<1x16xf32> to vector<16xf32>
        %swap3A_2311 = vector.shape_cast %mul3A_2302 : vector<16xf32> to vector<1x16xf32>
        tpu.vector_store %arg14[%swap3A_2307, %swap3A_2308], %swap3A_2311 {strides = array<i32>} : memref<128x128xf32, #tpu.memory_space<vmem>>, vector<1x16xf32>,
        %mul3A_2312 = arith.constant 16 : i32
        %mul3A_2313 = arith.muli %scan3A_433, %mul3A_2312 : i32
        %add3A_2314 = arith.constant 12 : i32
        %add3A_2315 = arith.addi %mul3A_2313, %add3A_2314 : i32
        %get3A_2316 = arith.index_cast %add3A_2315 : i32 to index
        %get3A_2317 = arith.constant 96 : index
        %get3A_2318 = tpu.vector_load %arg14[%get3A_2316, %get3A_2317] {strides = array<i32>} : memref<128x128xf32, #tpu.memory_space<vmem>>, vector<1x16xf32>,
        %get3A_2319 = vector.shape_cast %get3A_2318 : vector<1x16xf32> to vector<16xf32>
        %mul3A_2320 = arith.mulf %get3A_2319, %broadcast_in_dim3A_2203 : vector<16xf32>
        %mul3A_2321 = arith.constant 16 : i32
        %mul3A_2322 = arith.muli %scan3A_433, %mul3A_2321 : i32
        %add3A_2323 = arith.constant 12 : i32
        %add3A_2324 = arith.addi %mul3A_2322, %add3A_2323 : i32
        %swap3A_2325 = arith.index_cast %add3A_2324 : i32 to index
        %swap3A_2326 = arith.constant 96 : index
        %swap3A_2327 = tpu.vector_load %arg14[%swap3A_2325, %swap3A_2326] {strides = array<i32>} : memref<128x128xf32, #tpu.memory_space<vmem>>, vector<1x16xf32>,
        %swap3A_2328 = vector.shape_cast %swap3A_2327 : vector<1x16xf32> to vector<16xf32>
        %swap3A_2329 = vector.shape_cast %mul3A_2320 : vector<16xf32> to vector<1x16xf32>
        tpu.vector_store %arg14[%swap3A_2325, %swap3A_2326], %swap3A_2329 {strides = array<i32>} : memref<128x128xf32, #tpu.memory_space<vmem>>, vector<1x16xf32>,
        %mul3A_2330 = arith.constant 16 : i32
        %mul3A_2331 = arith.muli %scan3A_433, %mul3A_2330 : i32
        %add3A_2332 = arith.constant 12 : i32
        %add3A_2333 = arith.addi %mul3A_2331, %add3A_2332 : i32
        %get3A_2334 = arith.index_cast %add3A_2333 : i32 to index
        %get3A_2335 = arith.constant 112 : index
        %get3A_2336 = tpu.vector_load %arg14[%get3A_2334, %get3A_2335] {strides = array<i32>} : memref<128x128xf32, #tpu.memory_space<vmem>>, vector<1x16xf32>,
        %get3A_2337 = vector.shape_cast %get3A_2336 : vector<1x16xf32> to vector<16xf32>
        %mul3A_2338 = arith.mulf %get3A_2337, %broadcast_in_dim3A_2203 : vector<16xf32>
        %mul3A_2339 = arith.constant 16 : i32
        %mul3A_2340 = arith.muli %scan3A_433, %mul3A_2339 : i32
        %add3A_2341 = arith.constant 12 : i32
        %add3A_2342 = arith.addi %mul3A_2340, %add3A_2341 : i32
        %swap3A_2343 = arith.index_cast %add3A_2342 : i32 to index
        %swap3A_2344 = arith.constant 112 : index
        %swap3A_2345 = tpu.vector_load %arg14[%swap3A_2343, %swap3A_2344] {strides = array<i32>} : memref<128x128xf32, #tpu.memory_space<vmem>>, vector<1x16xf32>,
        %swap3A_2346 = vector.shape_cast %swap3A_2345 : vector<1x16xf32> to vector<16xf32>
        %swap3A_2347 = vector.shape_cast %mul3A_2338 : vector<16xf32> to vector<1x16xf32>
        tpu.vector_store %arg14[%swap3A_2343, %swap3A_2344], %swap3A_2347 {strides = array<i32>} : memref<128x128xf32, #tpu.memory_space<vmem>>, vector<1x16xf32>,
        %slice3A_2348 = vector.extract_strided_slice %get3A_438 {offsets = [13], sizes = [1], strides = [1]} : vector<16xf32> to vector<1xf32>
        %squeeze3A_2349 = vector.extract %slice3A_2348[0] : f32 from vector<1xf32>
        %broadcast_in_dim3A_2350 = vector.broadcast %squeeze3A_2349 : f32 to vector<16xf32>
        %mul3A_2351 = arith.constant 16 : i32
        %mul3A_2352 = arith.muli %scan3A_433, %mul3A_2351 : i32
        %add3A_2353 = arith.constant 13 : i32
        %add3A_2354 = arith.addi %mul3A_2352, %add3A_2353 : i32
        %get3A_2355 = arith.index_cast %add3A_2354 : i32 to index
        %get3A_2356 = arith.constant 0 : index
        %get3A_2357 = tpu.vector_load %arg14[%get3A_2355, %get3A_2356] {strides = array<i32>} : memref<128x128xf32, #tpu.memory_space<vmem>>, vector<1x16xf32>,
        %get3A_2358 = vector.shape_cast %get3A_2357 : vector<1x16xf32> to vector<16xf32>
        %mul3A_2359 = arith.mulf %get3A_2358, %broadcast_in_dim3A_2350 : vector<16xf32>
        %mul3A_2360 = arith.constant 16 : i32
        %mul3A_2361 = arith.muli %scan3A_433, %mul3A_2360 : i32
        %add3A_2362 = arith.constant 13 : i32
        %add3A_2363 = arith.addi %mul3A_2361, %add3A_2362 : i32
        %swap3A_2364 = arith.index_cast %add3A_2363 : i32 to index
        %swap3A_2365 = arith.constant 0 : index
        %swap3A_2366 = tpu.vector_load %arg14[%swap3A_2364, %swap3A_2365] {strides = array<i32>} : memref<128x128xf32, #tpu.memory_space<vmem>>, vector<1x16xf32>,
        %swap3A_2367 = vector.shape_cast %swap3A_2366 : vector<1x16xf32> to vector<16xf32>
        %swap3A_2368 = vector.shape_cast %mul3A_2359 : vector<16xf32> to vector<1x16xf32>
        tpu.vector_store %arg14[%swap3A_2364, %swap3A_2365], %swap3A_2368 {strides = array<i32>} : memref<128x128xf32, #tpu.memory_space<vmem>>, vector<1x16xf32>,
        %mul3A_2369 = arith.constant 16 : i32
        %mul3A_2370 = arith.muli %scan3A_433, %mul3A_2369 : i32
        %add3A_2371 = arith.constant 13 : i32
        %add3A_2372 = arith.addi %mul3A_2370, %add3A_2371 : i32
        %get3A_2373 = arith.index_cast %add3A_2372 : i32 to index
        %get3A_2374 = arith.constant 16 : index
        %get3A_2375 = tpu.vector_load %arg14[%get3A_2373, %get3A_2374] {strides = array<i32>} : memref<128x128xf32, #tpu.memory_space<vmem>>, vector<1x16xf32>,
        %get3A_2376 = vector.shape_cast %get3A_2375 : vector<1x16xf32> to vector<16xf32>
        %mul3A_2377 = arith.mulf %get3A_2376, %broadcast_in_dim3A_2350 : vector<16xf32>
        %mul3A_2378 = arith.constant 16 : i32
        %mul3A_2379 = arith.muli %scan3A_433, %mul3A_2378 : i32
        %add3A_2380 = arith.constant 13 : i32
        %add3A_2381 = arith.addi %mul3A_2379, %add3A_2380 : i32
        %swap3A_2382 = arith.index_cast %add3A_2381 : i32 to index
        %swap3A_2383 = arith.constant 16 : index
        %swap3A_2384 = tpu.vector_load %arg14[%swap3A_2382, %swap3A_2383] {strides = array<i32>} : memref<128x128xf32, #tpu.memory_space<vmem>>, vector<1x16xf32>,
        %swap3A_2385 = vector.shape_cast %swap3A_2384 : vector<1x16xf32> to vector<16xf32>
        %swap3A_2386 = vector.shape_cast %mul3A_2377 : vector<16xf32> to vector<1x16xf32>
        tpu.vector_store %arg14[%swap3A_2382, %swap3A_2383], %swap3A_2386 {strides = array<i32>} : memref<128x128xf32, #tpu.memory_space<vmem>>, vector<1x16xf32>,
        %mul3A_2387 = arith.constant 16 : i32
        %mul3A_2388 = arith.muli %scan3A_433, %mul3A_2387 : i32
        %add3A_2389 = arith.constant 13 : i32
        %add3A_2390 = arith.addi %mul3A_2388, %add3A_2389 : i32
        %get3A_2391 = arith.index_cast %add3A_2390 : i32 to index
        %get3A_2392 = arith.constant 32 : index
        %get3A_2393 = tpu.vector_load %arg14[%get3A_2391, %get3A_2392] {strides = array<i32>} : memref<128x128xf32, #tpu.memory_space<vmem>>, vector<1x16xf32>,
        %get3A_2394 = vector.shape_cast %get3A_2393 : vector<1x16xf32> to vector<16xf32>
        %mul3A_2395 = arith.mulf %get3A_2394, %broadcast_in_dim3A_2350 : vector<16xf32>
        %mul3A_2396 = arith.constant 16 : i32
        %mul3A_2397 = arith.muli %scan3A_433, %mul3A_2396 : i32
        %add3A_2398 = arith.constant 13 : i32
        %add3A_2399 = arith.addi %mul3A_2397, %add3A_2398 : i32
        %swap3A_2400 = arith.index_cast %add3A_2399 : i32 to index
        %swap3A_2401 = arith.constant 32 : index
        %swap3A_2402 = tpu.vector_load %arg14[%swap3A_2400, %swap3A_2401] {strides = array<i32>} : memref<128x128xf32, #tpu.memory_space<vmem>>, vector<1x16xf32>,
        %swap3A_2403 = vector.shape_cast %swap3A_2402 : vector<1x16xf32> to vector<16xf32>
        %swap3A_2404 = vector.shape_cast %mul3A_2395 : vector<16xf32> to vector<1x16xf32>
        tpu.vector_store %arg14[%swap3A_2400, %swap3A_2401], %swap3A_2404 {strides = array<i32>} : memref<128x128xf32, #tpu.memory_space<vmem>>, vector<1x16xf32>,
        %mul3A_2405 = arith.constant 16 : i32
        %mul3A_2406 = arith.muli %scan3A_433, %mul3A_2405 : i32
        %add3A_2407 = arith.constant 13 : i32
        %add3A_2408 = arith.addi %mul3A_2406, %add3A_2407 : i32
        %get3A_2409 = arith.index_cast %add3A_2408 : i32 to index
        %get3A_2410 = arith.constant 48 : index
        %get3A_2411 = tpu.vector_load %arg14[%get3A_2409, %get3A_2410] {strides = array<i32>} : memref<128x128xf32, #tpu.memory_space<vmem>>, vector<1x16xf32>,
        %get3A_2412 = vector.shape_cast %get3A_2411 : vector<1x16xf32> to vector<16xf32>
        %mul3A_2413 = arith.mulf %get3A_2412, %broadcast_in_dim3A_2350 : vector<16xf32>
        %mul3A_2414 = arith.constant 16 : i32
        %mul3A_2415 = arith.muli %scan3A_433, %mul3A_2414 : i32
        %add3A_2416 = arith.constant 13 : i32
        %add3A_2417 = arith.addi %mul3A_2415, %add3A_2416 : i32
        %swap3A_2418 = arith.index_cast %add3A_2417 : i32 to index
        %swap3A_2419 = arith.constant 48 : index
        %swap3A_2420 = tpu.vector_load %arg14[%swap3A_2418, %swap3A_2419] {strides = array<i32>} : memref<128x128xf32, #tpu.memory_space<vmem>>, vector<1x16xf32>,
        %swap3A_2421 = vector.shape_cast %swap3A_2420 : vector<1x16xf32> to vector<16xf32>
        %swap3A_2422 = vector.shape_cast %mul3A_2413 : vector<16xf32> to vector<1x16xf32>
        tpu.vector_store %arg14[%swap3A_2418, %swap3A_2419], %swap3A_2422 {strides = array<i32>} : memref<128x128xf32, #tpu.memory_space<vmem>>, vector<1x16xf32>,
        %mul3A_2423 = arith.constant 16 : i32
        %mul3A_2424 = arith.muli %scan3A_433, %mul3A_2423 : i32
        %add3A_2425 = arith.constant 13 : i32
        %add3A_2426 = arith.addi %mul3A_2424, %add3A_2425 : i32
        %get3A_2427 = arith.index_cast %add3A_2426 : i32 to index
        %get3A_2428 = arith.constant 64 : index
        %get3A_2429 = tpu.vector_load %arg14[%get3A_2427, %get3A_2428] {strides = array<i32>} : memref<128x128xf32, #tpu.memory_space<vmem>>, vector<1x16xf32>,
        %get3A_2430 = vector.shape_cast %get3A_2429 : vector<1x16xf32> to vector<16xf32>
        %mul3A_2431 = arith.mulf %get3A_2430, %broadcast_in_dim3A_2350 : vector<16xf32>
        %mul3A_2432 = arith.constant 16 : i32
        %mul3A_2433 = arith.muli %scan3A_433, %mul3A_2432 : i32
        %add3A_2434 = arith.constant 13 : i32
        %add3A_2435 = arith.addi %mul3A_2433, %add3A_2434 : i32
        %swap3A_2436 = arith.index_cast %add3A_2435 : i32 to index
        %swap3A_2437 = arith.constant 64 : index
        %swap3A_2438 = tpu.vector_load %arg14[%swap3A_2436, %swap3A_2437] {strides = array<i32>} : memref<128x128xf32, #tpu.memory_space<vmem>>, vector<1x16xf32>,
        %swap3A_2439 = vector.shape_cast %swap3A_2438 : vector<1x16xf32> to vector<16xf32>
        %swap3A_2440 = vector.shape_cast %mul3A_2431 : vector<16xf32> to vector<1x16xf32>
        tpu.vector_store %arg14[%swap3A_2436, %swap3A_2437], %swap3A_2440 {strides = array<i32>} : memref<128x128xf32, #tpu.memory_space<vmem>>, vector<1x16xf32>,
        %mul3A_2441 = arith.constant 16 : i32
        %mul3A_2442 = arith.muli %scan3A_433, %mul3A_2441 : i32
        %add3A_2443 = arith.constant 13 : i32
        %add3A_2444 = arith.addi %mul3A_2442, %add3A_2443 : i32
        %get3A_2445 = arith.index_cast %add3A_2444 : i32 to index
        %get3A_2446 = arith.constant 80 : index
        %get3A_2447 = tpu.vector_load %arg14[%get3A_2445, %get3A_2446] {strides = array<i32>} : memref<128x128xf32, #tpu.memory_space<vmem>>, vector<1x16xf32>,
        %get3A_2448 = vector.shape_cast %get3A_2447 : vector<1x16xf32> to vector<16xf32>
        %mul3A_2449 = arith.mulf %get3A_2448, %broadcast_in_dim3A_2350 : vector<16xf32>
        %mul3A_2450 = arith.constant 16 : i32
        %mul3A_2451 = arith.muli %scan3A_433, %mul3A_2450 : i32
        %add3A_2452 = arith.constant 13 : i32
        %add3A_2453 = arith.addi %mul3A_2451, %add3A_2452 : i32
        %swap3A_2454 = arith.index_cast %add3A_2453 : i32 to index
        %swap3A_2455 = arith.constant 80 : index
        %swap3A_2456 = tpu.vector_load %arg14[%swap3A_2454, %swap3A_2455] {strides = array<i32>} : memref<128x128xf32, #tpu.memory_space<vmem>>, vector<1x16xf32>,
        %swap3A_2457 = vector.shape_cast %swap3A_2456 : vector<1x16xf32> to vector<16xf32>
        %swap3A_2458 = vector.shape_cast %mul3A_2449 : vector<16xf32> to vector<1x16xf32>
        tpu.vector_store %arg14[%swap3A_2454, %swap3A_2455], %swap3A_2458 {strides = array<i32>} : memref<128x128xf32, #tpu.memory_space<vmem>>, vector<1x16xf32>,
        %mul3A_2459 = arith.constant 16 : i32
        %mul3A_2460 = arith.muli %scan3A_433, %mul3A_2459 : i32
        %add3A_2461 = arith.constant 13 : i32
        %add3A_2462 = arith.addi %mul3A_2460, %add3A_2461 : i32
        %get3A_2463 = arith.index_cast %add3A_2462 : i32 to index
        %get3A_2464 = arith.constant 96 : index
        %get3A_2465 = tpu.vector_load %arg14[%get3A_2463, %get3A_2464] {strides = array<i32>} : memref<128x128xf32, #tpu.memory_space<vmem>>, vector<1x16xf32>,
        %get3A_2466 = vector.shape_cast %get3A_2465 : vector<1x16xf32> to vector<16xf32>
        %mul3A_2467 = arith.mulf %get3A_2466, %broadcast_in_dim3A_2350 : vector<16xf32>
        %mul3A_2468 = arith.constant 16 : i32
        %mul3A_2469 = arith.muli %scan3A_433, %mul3A_2468 : i32
        %add3A_2470 = arith.constant 13 : i32
        %add3A_2471 = arith.addi %mul3A_2469, %add3A_2470 : i32
        %swap3A_2472 = arith.index_cast %add3A_2471 : i32 to index
        %swap3A_2473 = arith.constant 96 : index
        %swap3A_2474 = tpu.vector_load %arg14[%swap3A_2472, %swap3A_2473] {strides = array<i32>} : memref<128x128xf32, #tpu.memory_space<vmem>>, vector<1x16xf32>,
        %swap3A_2475 = vector.shape_cast %swap3A_2474 : vector<1x16xf32> to vector<16xf32>
        %swap3A_2476 = vector.shape_cast %mul3A_2467 : vector<16xf32> to vector<1x16xf32>
        tpu.vector_store %arg14[%swap3A_2472, %swap3A_2473], %swap3A_2476 {strides = array<i32>} : memref<128x128xf32, #tpu.memory_space<vmem>>, vector<1x16xf32>,
        %mul3A_2477 = arith.constant 16 : i32
        %mul3A_2478 = arith.muli %scan3A_433, %mul3A_2477 : i32
        %add3A_2479 = arith.constant 13 : i32
        %add3A_2480 = arith.addi %mul3A_2478, %add3A_2479 : i32
        %get3A_2481 = arith.index_cast %add3A_2480 : i32 to index
        %get3A_2482 = arith.constant 112 : index
        %get3A_2483 = tpu.vector_load %arg14[%get3A_2481, %get3A_2482] {strides = array<i32>} : memref<128x128xf32, #tpu.memory_space<vmem>>, vector<1x16xf32>,
        %get3A_2484 = vector.shape_cast %get3A_2483 : vector<1x16xf32> to vector<16xf32>
        %mul3A_2485 = arith.mulf %get3A_2484, %broadcast_in_dim3A_2350 : vector<16xf32>
        %mul3A_2486 = arith.constant 16 : i32
        %mul3A_2487 = arith.muli %scan3A_433, %mul3A_2486 : i32
        %add3A_2488 = arith.constant 13 : i32
        %add3A_2489 = arith.addi %mul3A_2487, %add3A_2488 : i32
        %swap3A_2490 = arith.index_cast %add3A_2489 : i32 to index
        %swap3A_2491 = arith.constant 112 : index
        %swap3A_2492 = tpu.vector_load %arg14[%swap3A_2490, %swap3A_2491] {strides = array<i32>} : memref<128x128xf32, #tpu.memory_space<vmem>>, vector<1x16xf32>,
        %swap3A_2493 = vector.shape_cast %swap3A_2492 : vector<1x16xf32> to vector<16xf32>
        %swap3A_2494 = vector.shape_cast %mul3A_2485 : vector<16xf32> to vector<1x16xf32>
        tpu.vector_store %arg14[%swap3A_2490, %swap3A_2491], %swap3A_2494 {strides = array<i32>} : memref<128x128xf32, #tpu.memory_space<vmem>>, vector<1x16xf32>,
        %slice3A_2495 = vector.extract_strided_slice %get3A_438 {offsets = [14], sizes = [1], strides = [1]} : vector<16xf32> to vector<1xf32>
        %squeeze3A_2496 = vector.extract %slice3A_2495[0] : f32 from vector<1xf32>
        %broadcast_in_dim3A_2497 = vector.broadcast %squeeze3A_2496 : f32 to vector<16xf32>
        %mul3A_2498 = arith.constant 16 : i32
        %mul3A_2499 = arith.muli %scan3A_433, %mul3A_2498 : i32
        %add3A_2500 = arith.constant 14 : i32
        %add3A_2501 = arith.addi %mul3A_2499, %add3A_2500 : i32
        %get3A_2502 = arith.index_cast %add3A_2501 : i32 to index
        %get3A_2503 = arith.constant 0 : index
        %get3A_2504 = tpu.vector_load %arg14[%get3A_2502, %get3A_2503] {strides = array<i32>} : memref<128x128xf32, #tpu.memory_space<vmem>>, vector<1x16xf32>,
        %get3A_2505 = vector.shape_cast %get3A_2504 : vector<1x16xf32> to vector<16xf32>
        %mul3A_2506 = arith.mulf %get3A_2505, %broadcast_in_dim3A_2497 : vector<16xf32>
        %mul3A_2507 = arith.constant 16 : i32
        %mul3A_2508 = arith.muli %scan3A_433, %mul3A_2507 : i32
        %add3A_2509 = arith.constant 14 : i32
        %add3A_2510 = arith.addi %mul3A_2508, %add3A_2509 : i32
        %swap3A_2511 = arith.index_cast %add3A_2510 : i32 to index
        %swap3A_2512 = arith.constant 0 : index
        %swap3A_2513 = tpu.vector_load %arg14[%swap3A_2511, %swap3A_2512] {strides = array<i32>} : memref<128x128xf32, #tpu.memory_space<vmem>>, vector<1x16xf32>,
        %swap3A_2514 = vector.shape_cast %swap3A_2513 : vector<1x16xf32> to vector<16xf32>
        %swap3A_2515 = vector.shape_cast %mul3A_2506 : vector<16xf32> to vector<1x16xf32>
        tpu.vector_store %arg14[%swap3A_2511, %swap3A_2512], %swap3A_2515 {strides = array<i32>} : memref<128x128xf32, #tpu.memory_space<vmem>>, vector<1x16xf32>,
        %mul3A_2516 = arith.constant 16 : i32
        %mul3A_2517 = arith.muli %scan3A_433, %mul3A_2516 : i32
        %add3A_2518 = arith.constant 14 : i32
        %add3A_2519 = arith.addi %mul3A_2517, %add3A_2518 : i32
        %get3A_2520 = arith.index_cast %add3A_2519 : i32 to index
        %get3A_2521 = arith.constant 16 : index
        %get3A_2522 = tpu.vector_load %arg14[%get3A_2520, %get3A_2521] {strides = array<i32>} : memref<128x128xf32, #tpu.memory_space<vmem>>, vector<1x16xf32>,
        %get3A_2523 = vector.shape_cast %get3A_2522 : vector<1x16xf32> to vector<16xf32>
        %mul3A_2524 = arith.mulf %get3A_2523, %broadcast_in_dim3A_2497 : vector<16xf32>
        %mul3A_2525 = arith.constant 16 : i32
        %mul3A_2526 = arith.muli %scan3A_433, %mul3A_2525 : i32
        %add3A_2527 = arith.constant 14 : i32
        %add3A_2528 = arith.addi %mul3A_2526, %add3A_2527 : i32
        %swap3A_2529 = arith.index_cast %add3A_2528 : i32 to index
        %swap3A_2530 = arith.constant 16 : index
        %swap3A_2531 = tpu.vector_load %arg14[%swap3A_2529, %swap3A_2530] {strides = array<i32>} : memref<128x128xf32, #tpu.memory_space<vmem>>, vector<1x16xf32>,
        %swap3A_2532 = vector.shape_cast %swap3A_2531 : vector<1x16xf32> to vector<16xf32>
        %swap3A_2533 = vector.shape_cast %mul3A_2524 : vector<16xf32> to vector<1x16xf32>
        tpu.vector_store %arg14[%swap3A_2529, %swap3A_2530], %swap3A_2533 {strides = array<i32>} : memref<128x128xf32, #tpu.memory_space<vmem>>, vector<1x16xf32>,
        %mul3A_2534 = arith.constant 16 : i32
        %mul3A_2535 = arith.muli %scan3A_433, %mul3A_2534 : i32
        %add3A_2536 = arith.constant 14 : i32
        %add3A_2537 = arith.addi %mul3A_2535, %add3A_2536 : i32
        %get3A_2538 = arith.index_cast %add3A_2537 : i32 to index
        %get3A_2539 = arith.constant 32 : index
        %get3A_2540 = tpu.vector_load %arg14[%get3A_2538, %get3A_2539] {strides = array<i32>} : memref<128x128xf32, #tpu.memory_space<vmem>>, vector<1x16xf32>,
        %get3A_2541 = vector.shape_cast %get3A_2540 : vector<1x16xf32> to vector<16xf32>
        %mul3A_2542 = arith.mulf %get3A_2541, %broadcast_in_dim3A_2497 : vector<16xf32>
        %mul3A_2543 = arith.constant 16 : i32
        %mul3A_2544 = arith.muli %scan3A_433, %mul3A_2543 : i32
        %add3A_2545 = arith.constant 14 : i32
        %add3A_2546 = arith.addi %mul3A_2544, %add3A_2545 : i32
        %swap3A_2547 = arith.index_cast %add3A_2546 : i32 to index
        %swap3A_2548 = arith.constant 32 : index
        %swap3A_2549 = tpu.vector_load %arg14[%swap3A_2547, %swap3A_2548] {strides = array<i32>} : memref<128x128xf32, #tpu.memory_space<vmem>>, vector<1x16xf32>,
        %swap3A_2550 = vector.shape_cast %swap3A_2549 : vector<1x16xf32> to vector<16xf32>
        %swap3A_2551 = vector.shape_cast %mul3A_2542 : vector<16xf32> to vector<1x16xf32>
        tpu.vector_store %arg14[%swap3A_2547, %swap3A_2548], %swap3A_2551 {strides = array<i32>} : memref<128x128xf32, #tpu.memory_space<vmem>>, vector<1x16xf32>,
        %mul3A_2552 = arith.constant 16 : i32
        %mul3A_2553 = arith.muli %scan3A_433, %mul3A_2552 : i32
        %add3A_2554 = arith.constant 14 : i32
        %add3A_2555 = arith.addi %mul3A_2553, %add3A_2554 : i32
        %get3A_2556 = arith.index_cast %add3A_2555 : i32 to index
        %get3A_2557 = arith.constant 48 : index
        %get3A_2558 = tpu.vector_load %arg14[%get3A_2556, %get3A_2557] {strides = array<i32>} : memref<128x128xf32, #tpu.memory_space<vmem>>, vector<1x16xf32>,
        %get3A_2559 = vector.shape_cast %get3A_2558 : vector<1x16xf32> to vector<16xf32>
        %mul3A_2560 = arith.mulf %get3A_2559, %broadcast_in_dim3A_2497 : vector<16xf32>
        %mul3A_2561 = arith.constant 16 : i32
        %mul3A_2562 = arith.muli %scan3A_433, %mul3A_2561 : i32
        %add3A_2563 = arith.constant 14 : i32
        %add3A_2564 = arith.addi %mul3A_2562, %add3A_2563 : i32
        %swap3A_2565 = arith.index_cast %add3A_2564 : i32 to index
        %swap3A_2566 = arith.constant 48 : index
        %swap3A_2567 = tpu.vector_load %arg14[%swap3A_2565, %swap3A_2566] {strides = array<i32>} : memref<128x128xf32, #tpu.memory_space<vmem>>, vector<1x16xf32>,
        %swap3A_2568 = vector.shape_cast %swap3A_2567 : vector<1x16xf32> to vector<16xf32>
        %swap3A_2569 = vector.shape_cast %mul3A_2560 : vector<16xf32> to vector<1x16xf32>
        tpu.vector_store %arg14[%swap3A_2565, %swap3A_2566], %swap3A_2569 {strides = array<i32>} : memref<128x128xf32, #tpu.memory_space<vmem>>, vector<1x16xf32>,
        %mul3A_2570 = arith.constant 16 : i32
        %mul3A_2571 = arith.muli %scan3A_433, %mul3A_2570 : i32
        %add3A_2572 = arith.constant 14 : i32
        %add3A_2573 = arith.addi %mul3A_2571, %add3A_2572 : i32
        %get3A_2574 = arith.index_cast %add3A_2573 : i32 to index
        %get3A_2575 = arith.constant 64 : index
        %get3A_2576 = tpu.vector_load %arg14[%get3A_2574, %get3A_2575] {strides = array<i32>} : memref<128x128xf32, #tpu.memory_space<vmem>>, vector<1x16xf32>,
        %get3A_2577 = vector.shape_cast %get3A_2576 : vector<1x16xf32> to vector<16xf32>
        %mul3A_2578 = arith.mulf %get3A_2577, %broadcast_in_dim3A_2497 : vector<16xf32>
        %mul3A_2579 = arith.constant 16 : i32
        %mul3A_2580 = arith.muli %scan3A_433, %mul3A_2579 : i32
        %add3A_2581 = arith.constant 14 : i32
        %add3A_2582 = arith.addi %mul3A_2580, %add3A_2581 : i32
        %swap3A_2583 = arith.index_cast %add3A_2582 : i32 to index
        %swap3A_2584 = arith.constant 64 : index
        %swap3A_2585 = tpu.vector_load %arg14[%swap3A_2583, %swap3A_2584] {strides = array<i32>} : memref<128x128xf32, #tpu.memory_space<vmem>>, vector<1x16xf32>,
        %swap3A_2586 = vector.shape_cast %swap3A_2585 : vector<1x16xf32> to vector<16xf32>
        %swap3A_2587 = vector.shape_cast %mul3A_2578 : vector<16xf32> to vector<1x16xf32>
        tpu.vector_store %arg14[%swap3A_2583, %swap3A_2584], %swap3A_2587 {strides = array<i32>} : memref<128x128xf32, #tpu.memory_space<vmem>>, vector<1x16xf32>,
        %mul3A_2588 = arith.constant 16 : i32
        %mul3A_2589 = arith.muli %scan3A_433, %mul3A_2588 : i32
        %add3A_2590 = arith.constant 14 : i32
        %add3A_2591 = arith.addi %mul3A_2589, %add3A_2590 : i32
        %get3A_2592 = arith.index_cast %add3A_2591 : i32 to index
        %get3A_2593 = arith.constant 80 : index
        %get3A_2594 = tpu.vector_load %arg14[%get3A_2592, %get3A_2593] {strides = array<i32>} : memref<128x128xf32, #tpu.memory_space<vmem>>, vector<1x16xf32>,
        %get3A_2595 = vector.shape_cast %get3A_2594 : vector<1x16xf32> to vector<16xf32>
        %mul3A_2596 = arith.mulf %get3A_2595, %broadcast_in_dim3A_2497 : vector<16xf32>
        %mul3A_2597 = arith.constant 16 : i32
        %mul3A_2598 = arith.muli %scan3A_433, %mul3A_2597 : i32
        %add3A_2599 = arith.constant 14 : i32
        %add3A_2600 = arith.addi %mul3A_2598, %add3A_2599 : i32
        %swap3A_2601 = arith.index_cast %add3A_2600 : i32 to index
        %swap3A_2602 = arith.constant 80 : index
        %swap3A_2603 = tpu.vector_load %arg14[%swap3A_2601, %swap3A_2602] {strides = array<i32>} : memref<128x128xf32, #tpu.memory_space<vmem>>, vector<1x16xf32>,
        %swap3A_2604 = vector.shape_cast %swap3A_2603 : vector<1x16xf32> to vector<16xf32>
        %swap3A_2605 = vector.shape_cast %mul3A_2596 : vector<16xf32> to vector<1x16xf32>
        tpu.vector_store %arg14[%swap3A_2601, %swap3A_2602], %swap3A_2605 {strides = array<i32>} : memref<128x128xf32, #tpu.memory_space<vmem>>, vector<1x16xf32>,
        %mul3A_2606 = arith.constant 16 : i32
        %mul3A_2607 = arith.muli %scan3A_433, %mul3A_2606 : i32
        %add3A_2608 = arith.constant 14 : i32
        %add3A_2609 = arith.addi %mul3A_2607, %add3A_2608 : i32
        %get3A_2610 = arith.index_cast %add3A_2609 : i32 to index
        %get3A_2611 = arith.constant 96 : index
        %get3A_2612 = tpu.vector_load %arg14[%get3A_2610, %get3A_2611] {strides = array<i32>} : memref<128x128xf32, #tpu.memory_space<vmem>>, vector<1x16xf32>,
        %get3A_2613 = vector.shape_cast %get3A_2612 : vector<1x16xf32> to vector<16xf32>
        %mul3A_2614 = arith.mulf %get3A_2613, %broadcast_in_dim3A_2497 : vector<16xf32>
        %mul3A_2615 = arith.constant 16 : i32
        %mul3A_2616 = arith.muli %scan3A_433, %mul3A_2615 : i32
        %add3A_2617 = arith.constant 14 : i32
        %add3A_2618 = arith.addi %mul3A_2616, %add3A_2617 : i32
        %swap3A_2619 = arith.index_cast %add3A_2618 : i32 to index
        %swap3A_2620 = arith.constant 96 : index
        %swap3A_2621 = tpu.vector_load %arg14[%swap3A_2619, %swap3A_2620] {strides = array<i32>} : memref<128x128xf32, #tpu.memory_space<vmem>>, vector<1x16xf32>,
        %swap3A_2622 = vector.shape_cast %swap3A_2621 : vector<1x16xf32> to vector<16xf32>
        %swap3A_2623 = vector.shape_cast %mul3A_2614 : vector<16xf32> to vector<1x16xf32>
        tpu.vector_store %arg14[%swap3A_2619, %swap3A_2620], %swap3A_2623 {strides = array<i32>} : memref<128x128xf32, #tpu.memory_space<vmem>>, vector<1x16xf32>,
        %mul3A_2624 = arith.constant 16 : i32
        %mul3A_2625 = arith.muli %scan3A_433, %mul3A_2624 : i32
        %add3A_2626 = arith.constant 14 : i32
        %add3A_2627 = arith.addi %mul3A_2625, %add3A_2626 : i32
        %get3A_2628 = arith.index_cast %add3A_2627 : i32 to index
        %get3A_2629 = arith.constant 112 : index
        %get3A_2630 = tpu.vector_load %arg14[%get3A_2628, %get3A_2629] {strides = array<i32>} : memref<128x128xf32, #tpu.memory_space<vmem>>, vector<1x16xf32>,
        %get3A_2631 = vector.shape_cast %get3A_2630 : vector<1x16xf32> to vector<16xf32>
        %mul3A_2632 = arith.mulf %get3A_2631, %broadcast_in_dim3A_2497 : vector<16xf32>
        %mul3A_2633 = arith.constant 16 : i32
        %mul3A_2634 = arith.muli %scan3A_433, %mul3A_2633 : i32
        %add3A_2635 = arith.constant 14 : i32
        %add3A_2636 = arith.addi %mul3A_2634, %add3A_2635 : i32
        %swap3A_2637 = arith.index_cast %add3A_2636 : i32 to index
        %swap3A_2638 = arith.constant 112 : index
        %swap3A_2639 = tpu.vector_load %arg14[%swap3A_2637, %swap3A_2638] {strides = array<i32>} : memref<128x128xf32, #tpu.memory_space<vmem>>, vector<1x16xf32>,
        %swap3A_2640 = vector.shape_cast %swap3A_2639 : vector<1x16xf32> to vector<16xf32>
        %swap3A_2641 = vector.shape_cast %mul3A_2632 : vector<16xf32> to vector<1x16xf32>
        tpu.vector_store %arg14[%swap3A_2637, %swap3A_2638], %swap3A_2641 {strides = array<i32>} : memref<128x128xf32, #tpu.memory_space<vmem>>, vector<1x16xf32>,
        %slice3A_2642 = vector.extract_strided_slice %get3A_438 {offsets = [15], sizes = [1], strides = [1]} : vector<16xf32> to vector<1xf32>
        %squeeze3A_2643 = vector.extract %slice3A_2642[0] : f32 from vector<1xf32>
        %broadcast_in_dim3A_2644 = vector.broadcast %squeeze3A_2643 : f32 to vector<16xf32>
        %mul3A_2645 = arith.constant 16 : i32
        %mul3A_2646 = arith.muli %scan3A_433, %mul3A_2645 : i32
        %add3A_2647 = arith.constant 15 : i32
        %add3A_2648 = arith.addi %mul3A_2646, %add3A_2647 : i32
        %get3A_2649 = arith.index_cast %add3A_2648 : i32 to index
        %get3A_2650 = arith.constant 0 : index
        %get3A_2651 = tpu.vector_load %arg14[%get3A_2649, %get3A_2650] {strides = array<i32>} : memref<128x128xf32, #tpu.memory_space<vmem>>, vector<1x16xf32>,
        %get3A_2652 = vector.shape_cast %get3A_2651 : vector<1x16xf32> to vector<16xf32>
        %mul3A_2653 = arith.mulf %get3A_2652, %broadcast_in_dim3A_2644 : vector<16xf32>
        %mul3A_2654 = arith.constant 16 : i32
        %mul3A_2655 = arith.muli %scan3A_433, %mul3A_2654 : i32
        %add3A_2656 = arith.constant 15 : i32
        %add3A_2657 = arith.addi %mul3A_2655, %add3A_2656 : i32
        %swap3A_2658 = arith.index_cast %add3A_2657 : i32 to index
        %swap3A_2659 = arith.constant 0 : index
        %swap3A_2660 = tpu.vector_load %arg14[%swap3A_2658, %swap3A_2659] {strides = array<i32>} : memref<128x128xf32, #tpu.memory_space<vmem>>, vector<1x16xf32>,
        %swap3A_2661 = vector.shape_cast %swap3A_2660 : vector<1x16xf32> to vector<16xf32>
        %swap3A_2662 = vector.shape_cast %mul3A_2653 : vector<16xf32> to vector<1x16xf32>
        tpu.vector_store %arg14[%swap3A_2658, %swap3A_2659], %swap3A_2662 {strides = array<i32>} : memref<128x128xf32, #tpu.memory_space<vmem>>, vector<1x16xf32>,
        %mul3A_2663 = arith.constant 16 : i32
        %mul3A_2664 = arith.muli %scan3A_433, %mul3A_2663 : i32
        %add3A_2665 = arith.constant 15 : i32
        %add3A_2666 = arith.addi %mul3A_2664, %add3A_2665 : i32
        %get3A_2667 = arith.index_cast %add3A_2666 : i32 to index
        %get3A_2668 = arith.constant 16 : index
        %get3A_2669 = tpu.vector_load %arg14[%get3A_2667, %get3A_2668] {strides = array<i32>} : memref<128x128xf32, #tpu.memory_space<vmem>>, vector<1x16xf32>,
        %get3A_2670 = vector.shape_cast %get3A_2669 : vector<1x16xf32> to vector<16xf32>
        %mul3A_2671 = arith.mulf %get3A_2670, %broadcast_in_dim3A_2644 : vector<16xf32>
        %mul3A_2672 = arith.constant 16 : i32
        %mul3A_2673 = arith.muli %scan3A_433, %mul3A_2672 : i32
        %add3A_2674 = arith.constant 15 : i32
        %add3A_2675 = arith.addi %mul3A_2673, %add3A_2674 : i32
        %swap3A_2676 = arith.index_cast %add3A_2675 : i32 to index
        %swap3A_2677 = arith.constant 16 : index
        %swap3A_2678 = tpu.vector_load %arg14[%swap3A_2676, %swap3A_2677] {strides = array<i32>} : memref<128x128xf32, #tpu.memory_space<vmem>>, vector<1x16xf32>,
        %swap3A_2679 = vector.shape_cast %swap3A_2678 : vector<1x16xf32> to vector<16xf32>
        %swap3A_2680 = vector.shape_cast %mul3A_2671 : vector<16xf32> to vector<1x16xf32>
        tpu.vector_store %arg14[%swap3A_2676, %swap3A_2677], %swap3A_2680 {strides = array<i32>} : memref<128x128xf32, #tpu.memory_space<vmem>>, vector<1x16xf32>,
        %mul3A_2681 = arith.constant 16 : i32
        %mul3A_2682 = arith.muli %scan3A_433, %mul3A_2681 : i32
        %add3A_2683 = arith.constant 15 : i32
        %add3A_2684 = arith.addi %mul3A_2682, %add3A_2683 : i32
        %get3A_2685 = arith.index_cast %add3A_2684 : i32 to index
        %get3A_2686 = arith.constant 32 : index
        %get3A_2687 = tpu.vector_load %arg14[%get3A_2685, %get3A_2686] {strides = array<i32>} : memref<128x128xf32, #tpu.memory_space<vmem>>, vector<1x16xf32>,
        %get3A_2688 = vector.shape_cast %get3A_2687 : vector<1x16xf32> to vector<16xf32>
        %mul3A_2689 = arith.mulf %get3A_2688, %broadcast_in_dim3A_2644 : vector<16xf32>
        %mul3A_2690 = arith.constant 16 : i32
        %mul3A_2691 = arith.muli %scan3A_433, %mul3A_2690 : i32
        %add3A_2692 = arith.constant 15 : i32
        %add3A_2693 = arith.addi %mul3A_2691, %add3A_2692 : i32
        %swap3A_2694 = arith.index_cast %add3A_2693 : i32 to index
        %swap3A_2695 = arith.constant 32 : index
        %swap3A_2696 = tpu.vector_load %arg14[%swap3A_2694, %swap3A_2695] {strides = array<i32>} : memref<128x128xf32, #tpu.memory_space<vmem>>, vector<1x16xf32>,
        %swap3A_2697 = vector.shape_cast %swap3A_2696 : vector<1x16xf32> to vector<16xf32>
        %swap3A_2698 = vector.shape_cast %mul3A_2689 : vector<16xf32> to vector<1x16xf32>
        tpu.vector_store %arg14[%swap3A_2694, %swap3A_2695], %swap3A_2698 {strides = array<i32>} : memref<128x128xf32, #tpu.memory_space<vmem>>, vector<1x16xf32>,
        %mul3A_2699 = arith.constant 16 : i32
        %mul3A_2700 = arith.muli %scan3A_433, %mul3A_2699 : i32
        %add3A_2701 = arith.constant 15 : i32
        %add3A_2702 = arith.addi %mul3A_2700, %add3A_2701 : i32
        %get3A_2703 = arith.index_cast %add3A_2702 : i32 to index
        %get3A_2704 = arith.constant 48 : index
        %get3A_2705 = tpu.vector_load %arg14[%get3A_2703, %get3A_2704] {strides = array<i32>} : memref<128x128xf32, #tpu.memory_space<vmem>>, vector<1x16xf32>,
        %get3A_2706 = vector.shape_cast %get3A_2705 : vector<1x16xf32> to vector<16xf32>
        %mul3A_2707 = arith.mulf %get3A_2706, %broadcast_in_dim3A_2644 : vector<16xf32>
        %mul3A_2708 = arith.constant 16 : i32
        %mul3A_2709 = arith.muli %scan3A_433, %mul3A_2708 : i32
        %add3A_2710 = arith.constant 15 : i32
        %add3A_2711 = arith.addi %mul3A_2709, %add3A_2710 : i32
        %swap3A_2712 = arith.index_cast %add3A_2711 : i32 to index
        %swap3A_2713 = arith.constant 48 : index
        %swap3A_2714 = tpu.vector_load %arg14[%swap3A_2712, %swap3A_2713] {strides = array<i32>} : memref<128x128xf32, #tpu.memory_space<vmem>>, vector<1x16xf32>,
        %swap3A_2715 = vector.shape_cast %swap3A_2714 : vector<1x16xf32> to vector<16xf32>
        %swap3A_2716 = vector.shape_cast %mul3A_2707 : vector<16xf32> to vector<1x16xf32>
        tpu.vector_store %arg14[%swap3A_2712, %swap3A_2713], %swap3A_2716 {strides = array<i32>} : memref<128x128xf32, #tpu.memory_space<vmem>>, vector<1x16xf32>,
        %mul3A_2717 = arith.constant 16 : i32
        %mul3A_2718 = arith.muli %scan3A_433, %mul3A_2717 : i32
        %add3A_2719 = arith.constant 15 : i32
        %add3A_2720 = arith.addi %mul3A_2718, %add3A_2719 : i32
        %get3A_2721 = arith.index_cast %add3A_2720 : i32 to index
        %get3A_2722 = arith.constant 64 : index
        %get3A_2723 = tpu.vector_load %arg14[%get3A_2721, %get3A_2722] {strides = array<i32>} : memref<128x128xf32, #tpu.memory_space<vmem>>, vector<1x16xf32>,
        %get3A_2724 = vector.shape_cast %get3A_2723 : vector<1x16xf32> to vector<16xf32>
        %mul3A_2725 = arith.mulf %get3A_2724, %broadcast_in_dim3A_2644 : vector<16xf32>
        %mul3A_2726 = arith.constant 16 : i32
        %mul3A_2727 = arith.muli %scan3A_433, %mul3A_2726 : i32
        %add3A_2728 = arith.constant 15 : i32
        %add3A_2729 = arith.addi %mul3A_2727, %add3A_2728 : i32
        %swap3A_2730 = arith.index_cast %add3A_2729 : i32 to index
        %swap3A_2731 = arith.constant 64 : index
        %swap3A_2732 = tpu.vector_load %arg14[%swap3A_2730, %swap3A_2731] {strides = array<i32>} : memref<128x128xf32, #tpu.memory_space<vmem>>, vector<1x16xf32>,
        %swap3A_2733 = vector.shape_cast %swap3A_2732 : vector<1x16xf32> to vector<16xf32>
        %swap3A_2734 = vector.shape_cast %mul3A_2725 : vector<16xf32> to vector<1x16xf32>
        tpu.vector_store %arg14[%swap3A_2730, %swap3A_2731], %swap3A_2734 {strides = array<i32>} : memref<128x128xf32, #tpu.memory_space<vmem>>, vector<1x16xf32>,
        %mul3A_2735 = arith.constant 16 : i32
        %mul3A_2736 = arith.muli %scan3A_433, %mul3A_2735 : i32
        %add3A_2737 = arith.constant 15 : i32
        %add3A_2738 = arith.addi %mul3A_2736, %add3A_2737 : i32
        %get3A_2739 = arith.index_cast %add3A_2738 : i32 to index
        %get3A_2740 = arith.constant 80 : index
        %get3A_2741 = tpu.vector_load %arg14[%get3A_2739, %get3A_2740] {strides = array<i32>} : memref<128x128xf32, #tpu.memory_space<vmem>>, vector<1x16xf32>,
        %get3A_2742 = vector.shape_cast %get3A_2741 : vector<1x16xf32> to vector<16xf32>
        %mul3A_2743 = arith.mulf %get3A_2742, %broadcast_in_dim3A_2644 : vector<16xf32>
        %mul3A_2744 = arith.constant 16 : i32
        %mul3A_2745 = arith.muli %scan3A_433, %mul3A_2744 : i32
        %add3A_2746 = arith.constant 15 : i32
        %add3A_2747 = arith.addi %mul3A_2745, %add3A_2746 : i32
        %swap3A_2748 = arith.index_cast %add3A_2747 : i32 to index
        %swap3A_2749 = arith.constant 80 : index
        %swap3A_2750 = tpu.vector_load %arg14[%swap3A_2748, %swap3A_2749] {strides = array<i32>} : memref<128x128xf32, #tpu.memory_space<vmem>>, vector<1x16xf32>,
        %swap3A_2751 = vector.shape_cast %swap3A_2750 : vector<1x16xf32> to vector<16xf32>
        %swap3A_2752 = vector.shape_cast %mul3A_2743 : vector<16xf32> to vector<1x16xf32>
        tpu.vector_store %arg14[%swap3A_2748, %swap3A_2749], %swap3A_2752 {strides = array<i32>} : memref<128x128xf32, #tpu.memory_space<vmem>>, vector<1x16xf32>,
        %mul3A_2753 = arith.constant 16 : i32
        %mul3A_2754 = arith.muli %scan3A_433, %mul3A_2753 : i32
        %add3A_2755 = arith.constant 15 : i32
        %add3A_2756 = arith.addi %mul3A_2754, %add3A_2755 : i32
        %get3A_2757 = arith.index_cast %add3A_2756 : i32 to index
        %get3A_2758 = arith.constant 96 : index
        %get3A_2759 = tpu.vector_load %arg14[%get3A_2757, %get3A_2758] {strides = array<i32>} : memref<128x128xf32, #tpu.memory_space<vmem>>, vector<1x16xf32>,
        %get3A_2760 = vector.shape_cast %get3A_2759 : vector<1x16xf32> to vector<16xf32>
        %mul3A_2761 = arith.mulf %get3A_2760, %broadcast_in_dim3A_2644 : vector<16xf32>
        %mul3A_2762 = arith.constant 16 : i32
        %mul3A_2763 = arith.muli %scan3A_433, %mul3A_2762 : i32
        %add3A_2764 = arith.constant 15 : i32
        %add3A_2765 = arith.addi %mul3A_2763, %add3A_2764 : i32
        %swap3A_2766 = arith.index_cast %add3A_2765 : i32 to index
        %swap3A_2767 = arith.constant 96 : index
        %swap3A_2768 = tpu.vector_load %arg14[%swap3A_2766, %swap3A_2767] {strides = array<i32>} : memref<128x128xf32, #tpu.memory_space<vmem>>, vector<1x16xf32>,
        %swap3A_2769 = vector.shape_cast %swap3A_2768 : vector<1x16xf32> to vector<16xf32>
        %swap3A_2770 = vector.shape_cast %mul3A_2761 : vector<16xf32> to vector<1x16xf32>
        tpu.vector_store %arg14[%swap3A_2766, %swap3A_2767], %swap3A_2770 {strides = array<i32>} : memref<128x128xf32, #tpu.memory_space<vmem>>, vector<1x16xf32>,
        %mul3A_2771 = arith.constant 16 : i32
        %mul3A_2772 = arith.muli %scan3A_433, %mul3A_2771 : i32
        %add3A_2773 = arith.constant 15 : i32
        %add3A_2774 = arith.addi %mul3A_2772, %add3A_2773 : i32
        %get3A_2775 = arith.index_cast %add3A_2774 : i32 to index
        %get3A_2776 = arith.constant 112 : index
        %get3A_2777 = tpu.vector_load %arg14[%get3A_2775, %get3A_2776] {strides = array<i32>} : memref<128x128xf32, #tpu.memory_space<vmem>>, vector<1x16xf32>,
        %get3A_2778 = vector.shape_cast %get3A_2777 : vector<1x16xf32> to vector<16xf32>
        %mul3A_2779 = arith.mulf %get3A_2778, %broadcast_in_dim3A_2644 : vector<16xf32>
        %mul3A_2780 = arith.constant 16 : i32
        %mul3A_2781 = arith.muli %scan3A_433, %mul3A_2780 : i32
        %add3A_2782 = arith.constant 15 : i32
        %add3A_2783 = arith.addi %mul3A_2781, %add3A_2782 : i32
        %swap3A_2784 = arith.index_cast %add3A_2783 : i32 to index
        %swap3A_2785 = arith.constant 112 : index
        %swap3A_2786 = tpu.vector_load %arg14[%swap3A_2784, %swap3A_2785] {strides = array<i32>} : memref<128x128xf32, #tpu.memory_space<vmem>>, vector<1x16xf32>,
        %swap3A_2787 = vector.shape_cast %swap3A_2786 : vector<1x16xf32> to vector<16xf32>
        %swap3A_2788 = vector.shape_cast %mul3A_2779 : vector<16xf32> to vector<1x16xf32>
        tpu.vector_store %arg14[%swap3A_2784, %swap3A_2785], %swap3A_2788 {strides = array<i32>} : memref<128x128xf32, #tpu.memory_space<vmem>>, vector<1x16xf32>,
      }
      %scan3A_432 = arith.constant 8 : i32
      "tpu.region"() ({
        %run_scoped3A = tpu.sem_alloc : memref<!tpu.dma_semaphore, #tpu.memory_space<semaphore_mem>>
        %dma_start3A = arith.constant 0 : i32
        %dma_start3A_433 = tpu.memref_slice %arg10[%scan3A_278, %dma_start3A] : memref<80x128xi32, #tpu.memory_space<vmem>> -> memref<1x128xi32, #tpu.memory_space<vmem>>
        %dma_start3A_434 = tpu.memref_squeeze %dma_start3A_433 : memref<1x128xi32, #tpu.memory_space<vmem>> -> memref<128xi32, #tpu.memory_space<vmem>>
        %dma_start3A_435 = arith.constant 0 : i32
        %dma_start3A_436 = arith.constant 0 : i32
        %dma_start3A_437 = tpu.memref_slice %arg16[%dma_start3A_435, %dma_start3A_436] : memref<10240x128xf32, #tpu.memory_space<vmem_shared>> -> memref<10240x128xf32, #tpu.memory_space<vmem_shared>>
        tpu.enqueue_indirect_dma source(%arg14 : memref<128x128xf32, #tpu.memory_space<vmem>>) target(%dma_start3A_437 : memref<10240x128xf32, #tpu.memory_space<vmem_shared>>) offsets(%dma_start3A_434 : memref<128xi32, #tpu.memory_space<vmem>>) semaphore(%run_scoped3A : memref<!tpu.dma_semaphore, #tpu.memory_space<semaphore_mem>>) {add = true}
        %dma_wait3A = arith.constant 0 : i32
        %dma_wait3A_438 = tpu.memref_slice %arg10[%scan3A_278, %dma_wait3A] : memref<80x128xi32, #tpu.memory_space<vmem>> -> memref<1x128xi32, #tpu.memory_space<vmem>>
        %dma_wait3A_439 = tpu.memref_squeeze %dma_wait3A_438 : memref<1x128xi32, #tpu.memory_space<vmem>> -> memref<128xi32, #tpu.memory_space<vmem>>
        %dma_wait3A_440 = arith.constant 0 : i32
        %dma_wait3A_441 = arith.constant 0 : i32
        %dma_wait3A_442 = tpu.memref_slice %arg16[%dma_wait3A_440, %dma_wait3A_441] : memref<10240x128xf32, #tpu.memory_space<vmem_shared>> -> memref<10240x128xf32, #tpu.memory_space<vmem_shared>>
        tpu.wait_indirect_dma semaphore(%run_scoped3A : memref<!tpu.dma_semaphore, #tpu.memory_space<semaphore_mem>>) src(%arg14 : memref<128x128xf32, #tpu.memory_space<vmem>>) dst(%dma_wait3A_442 : memref<10240x128xf32, #tpu.memory_space<vmem_shared>>)
        tpu.yield
      }) : () -> ()
    }
    %scan3A_268 = arith.constant 80 : i32
    %barrier3A_269 = arith.constant 0 : index
    tpu.barrier barrier_id(%barrier3A_269)
    %mul3A_270 = arith.constant 640 : i32
    %mul3A_271 = arith.muli %arg1, %mul3A_270 : i32
    %mul3A_272 = arith.constant 640 : i32
    %mul3A_273 = arith.muli %arg1, %mul3A_272 : i32
    "tpu.region"() ({
      %run_scoped3A = tpu.sem_alloc : memref<!tpu.dma_semaphore, #tpu.memory_space<semaphore_mem>>
      %dma_start3A = arith.constant 0 : i32
      %dma_start3A_278 = tpu.memref_slice %arg7[%arg0, %mul3A_273, %dma_start3A] : memref<2x10240x128xf32, #tpu.memory_space<hbm>> -> memref<1x640x128xf32, #tpu.memory_space<hbm>>
      %dma_start3A_279 = tpu.memref_squeeze %dma_start3A_278 : memref<1x640x128xf32, #tpu.memory_space<hbm>> -> memref<640x128xf32, #tpu.memory_space<hbm>>
      %dma_start3A_280 = arith.constant 0 : i32
      %dma_start3A_281 = tpu.memref_slice %arg16[%mul3A_271, %dma_start3A_280] : memref<10240x128xf32, #tpu.memory_space<vmem_shared>> -> memref<640x128xf32, #tpu.memory_space<vmem_shared>>
      tpu.enqueue_dma source(%dma_start3A_281 : memref<640x128xf32, #tpu.memory_space<vmem_shared>>) target(%dma_start3A_279 : memref<640x128xf32, #tpu.memory_space<hbm>>) target_semaphore(%run_scoped3A : memref<!tpu.dma_semaphore, #tpu.memory_space<semaphore_mem>>)
      %dma_wait3A = arith.constant 0 : i32
      %dma_wait3A_282 = tpu.memref_slice %arg7[%arg0, %mul3A_273, %dma_wait3A] : memref<2x10240x128xf32, #tpu.memory_space<hbm>> -> memref<1x640x128xf32, #tpu.memory_space<hbm>>
      %dma_wait3A_283 = tpu.memref_squeeze %dma_wait3A_282 : memref<1x640x128xf32, #tpu.memory_space<hbm>> -> memref<640x128xf32, #tpu.memory_space<hbm>>
      %dma_wait3A_284 = arith.constant 0 : i32
      %dma_wait3A_285 = tpu.memref_slice %arg16[%mul3A_271, %dma_wait3A_284] : memref<10240x128xf32, #tpu.memory_space<vmem_shared>> -> memref<640x128xf32, #tpu.memory_space<vmem_shared>>
      tpu.wait_dma2 semaphore(%run_scoped3A : memref<!tpu.dma_semaphore, #tpu.memory_space<semaphore_mem>>) src(%dma_wait3A_285 : memref<640x128xf32, #tpu.memory_space<vmem_shared>>) dst(%dma_wait3A_283 : memref<640x128xf32, #tpu.memory_space<hbm>>)
      tpu.yield
    }) : () -> ()
    %mul3A_274 = arith.constant 640 : i32
    %mul3A_275 = arith.muli %arg1, %mul3A_274 : i32
    %mul3A_276 = arith.constant 640 : i32
    %mul3A_277 = arith.muli %arg1, %mul3A_276 : i32
    "tpu.region"() ({
      %run_scoped3A = tpu.sem_alloc : memref<!tpu.dma_semaphore, #tpu.memory_space<semaphore_mem>>
      %dma_start3A = tpu.memref_slice %arg8[%arg0, %mul3A_277] : memref<2x10240xf32, #tpu.memory_space<hbm>> -> memref<1x640xf32, #tpu.memory_space<hbm>>
      %dma_start3A_278 = tpu.memref_squeeze %dma_start3A : memref<1x640xf32, #tpu.memory_space<hbm>> -> memref<640xf32, #tpu.memory_space<hbm>>
      %dma_start3A_279 = tpu.memref_slice %arg17[%mul3A_275] : memref<10240xf32, #tpu.memory_space<vmem_shared>> -> memref<640xf32, #tpu.memory_space<vmem_shared>>
      tpu.enqueue_dma source(%dma_start3A_279 : memref<640xf32, #tpu.memory_space<vmem_shared>>) target(%dma_start3A_278 : memref<640xf32, #tpu.memory_space<hbm>>) target_semaphore(%run_scoped3A : memref<!tpu.dma_semaphore, #tpu.memory_space<semaphore_mem>>)
      %dma_wait3A = tpu.memref_slice %arg8[%arg0, %mul3A_277] : memref<2x10240xf32, #tpu.memory_space<hbm>> -> memref<1x640xf32, #tpu.memory_space<hbm>>
      %dma_wait3A_280 = tpu.memref_squeeze %dma_wait3A : memref<1x640xf32, #tpu.memory_space<hbm>> -> memref<640xf32, #tpu.memory_space<hbm>>
      %dma_wait3A_281 = tpu.memref_slice %arg17[%mul3A_275] : memref<10240xf32, #tpu.memory_space<vmem_shared>> -> memref<640xf32, #tpu.memory_space<vmem_shared>>
      tpu.wait_dma2 semaphore(%run_scoped3A : memref<!tpu.dma_semaphore, #tpu.memory_space<semaphore_mem>>) src(%dma_wait3A_281 : memref<640xf32, #tpu.memory_space<vmem_shared>>) dst(%dma_wait3A_280 : memref<640xf32, #tpu.memory_space<hbm>>)
      tpu.yield
    }) : () -> ()
    return
  }
}

module attributes {stable_mosaic.version = 14 : i64} {
  func.func @_tc1_body(%arg0: i32, %arg1: memref<1280x128xf32, #tpu.memory_space<vmem>>, %arg2: memref<128x128xf32, #tpu.memory_space<vmem>>, %arg3: memref<128x2xf32, #tpu.memory_space<vmem>>, %arg4: memref<1280x128xf32, #tpu.memory_space<vmem>>, %arg5: memref<2x1280xf32, #tpu.memory_space<vmem>>) attributes {dimension_semantics = [#tpu.dimension_semantics<arbitrary>], iteration_bounds = array<i64: 8>, scalar_prefetch = 0 : i64, scratch_operands = 0 : i64, tpu.core_type = #tpu.core_type<tc>, window_params = [{transform_indices = @transform_0, window_bounds = array<i64: 1280, 128>}, {pipeline_mode = #tpu.pipeline_mode<synchronous>, transform_indices = @transform_1, window_bounds = array<i64: 128, 128>}, {pipeline_mode = #tpu.pipeline_mode<synchronous>, transform_indices = @transform_2, window_bounds = array<i64: 128, 2>}, {transform_indices = @transform_3, window_bounds = array<i64: 1280, 128>}, {transform_indices = @transform_4, window_bounds = array<i64: 2, 1280>}]} {
    %get3A = arith.constant 0 : index
    %get3A_0 = arith.constant 0 : index
    %get3A_1 = vector.load %arg1[%get3A, %get3A_0] : memref<1280x128xf32, #tpu.memory_space<vmem>>, vector<1280x128xf32>
    %get3A_2 = arith.constant 0 : index
    %get3A_3 = arith.constant 0 : index
    %get3A_4 = vector.load %arg2[%get3A_2, %get3A_3] : memref<128x128xf32, #tpu.memory_space<vmem>>, vector<128x128xf32>
    %dot_general3A = arith.constant dense<0.000000e+00> : vector<1280x128xf32>
    %dot_general3A_5 = tpu.matmul %get3A_1, %get3A_4, %dot_general3A {dimension_numbers = #tpu.dot_dimension_numbers<[1], [0], [0], [1], [0, 0, 1, 1], [], []>, transpose_lhs_hint = false} : vector<1280x128xf32>, vector<128x128xf32>, vector<1280x128xf32> -> vector<1280x128xf32>
    %swap3A = arith.constant 0 : index
    %swap3A_6 = arith.constant 0 : index
    %swap3A_7 = vector.load %arg4[%swap3A, %swap3A_6] : memref<1280x128xf32, #tpu.memory_space<vmem>>, vector<1280x128xf32>
    tpu.vector_store %arg4[%swap3A, %swap3A_6], %dot_general3A_5 {strides = array<i32>} : memref<1280x128xf32, #tpu.memory_space<vmem>>, vector<1280x128xf32>,
    %get3A_8 = arith.constant 0 : index
    %get3A_9 = arith.constant 0 : index
    %get3A_10 = vector.load %arg3[%get3A_8, %get3A_9] : memref<128x2xf32, #tpu.memory_space<vmem>>, vector<128x2xf32>
    %dot_general3A_11 = arith.constant dense<0.000000e+00> : vector<1280x2xf32>
    %dot_general3A_12 = tpu.matmul %dot_general3A_5, %get3A_10, %dot_general3A_11 {dimension_numbers = #tpu.dot_dimension_numbers<[1], [0], [0], [1], [0, 0, 1, 1], [], []>, transpose_lhs_hint = false} : vector<1280x128xf32>, vector<128x2xf32>, vector<1280x2xf32> -> vector<1280x2xf32>
    %slice3A = vector.extract_strided_slice %dot_general3A_12 {offsets = [0, 0], sizes = [1280, 1], strides = [1, 1]} : vector<1280x2xf32> to vector<1280x1xf32>
    %squeeze3A = vector.shape_cast %slice3A : vector<1280x1xf32> to vector<1280xf32>
    %swap3A_13 = arith.constant 0 : index
    %swap3A_14 = arith.constant 0 : index
    %swap3A_15 = vector.load %arg5[%swap3A_13, %swap3A_14] : memref<2x1280xf32, #tpu.memory_space<vmem>>, vector<1x1280xf32>
    %swap3A_16 = vector.shape_cast %swap3A_15 : vector<1x1280xf32> to vector<1280xf32>
    %swap3A_17 = vector.shape_cast %squeeze3A : vector<1280xf32> to vector<1x1280xf32>
    tpu.vector_store %arg5[%swap3A_13, %swap3A_14], %swap3A_17 {strides = array<i32>} : memref<2x1280xf32, #tpu.memory_space<vmem>>, vector<1x1280xf32>,
    %slice3A_18 = vector.extract_strided_slice %dot_general3A_12 {offsets = [0, 1], sizes = [1280, 1], strides = [1, 1]} : vector<1280x2xf32> to vector<1280x1xf32>
    %squeeze3A_19 = vector.shape_cast %slice3A_18 : vector<1280x1xf32> to vector<1280xf32>
    %swap3A_20 = arith.constant 1 : index
    %swap3A_21 = arith.constant 0 : index
    %swap3A_22 = vector.load %arg5[%swap3A_20, %swap3A_21] : memref<2x1280xf32, #tpu.memory_space<vmem>>, vector<1x1280xf32>
    %swap3A_23 = vector.shape_cast %swap3A_22 : vector<1x1280xf32> to vector<1280xf32>
    %swap3A_24 = vector.shape_cast %squeeze3A_19 : vector<1280xf32> to vector<1x1280xf32>
    tpu.vector_store %arg5[%swap3A_20, %swap3A_21], %swap3A_24 {strides = array<i32>} : memref<2x1280xf32, #tpu.memory_space<vmem>>, vector<1x1280xf32>,
    return
  }
  func.func @transform_0(%arg0: i32) -> (i32, i32) {
    %c0_i32 = arith.constant 0 : i32
    %c0_i32_0 = arith.constant 0 : i32
    return %arg0, %c0_i32 : i32, i32
  }
  func.func @transform_1(%arg0: i32) -> (i32, i32) {
    %c0_i32 = arith.constant 0 : i32
    %c0_i32_0 = arith.constant 0 : i32
    %c0_i32_1 = arith.constant 0 : i32
    return %c0_i32, %c0_i32_0 : i32, i32
  }
  func.func @transform_2(%arg0: i32) -> (i32, i32) {
    %c0_i32 = arith.constant 0 : i32
    %c0_i32_0 = arith.constant 0 : i32
    %c0_i32_1 = arith.constant 0 : i32
    return %c0_i32, %c0_i32_0 : i32, i32
  }
  func.func @transform_3(%arg0: i32) -> (i32, i32) {
    %c0_i32 = arith.constant 0 : i32
    %c0_i32_0 = arith.constant 0 : i32
    return %arg0, %c0_i32 : i32, i32
  }
  func.func @transform_4(%arg0: i32) -> (i32, i32) {
    %c0_i32 = arith.constant 0 : i32
    %c0_i32_0 = arith.constant 0 : i32
    return %c0_i32, %arg0 : i32, i32
  }
}

module attributes {stable_mosaic.version = 14 : i64} {
  func.func @_tc2_body(%arg0: i32, %arg1: memref<2x1280x128xf32, #tpu.memory_space<vmem>>, %arg2: memref<2x1x1x1280xf32, #tpu.memory_space<vmem>>, %arg3: memref<128x32xf32, #tpu.memory_space<vmem>>, %arg4: memref<32x2xf32, #tpu.memory_space<vmem>>, %arg5: memref<1280x128xf32, #tpu.memory_space<vmem>>, %arg6: memref<2x1280xf32, #tpu.memory_space<vmem>>) attributes {dimension_semantics = [#tpu.dimension_semantics<arbitrary>], iteration_bounds = array<i64: 8>, scalar_prefetch = 0 : i64, scratch_operands = 0 : i64, tpu.core_type = #tpu.core_type<tc>, window_params = [{transform_indices = @transform_0, window_bounds = array<i64: 2, 1280, 128>}, {transform_indices = @transform_1, window_bounds = array<i64: 2, 1, 1, 1280>}, {pipeline_mode = #tpu.pipeline_mode<synchronous>, transform_indices = @transform_2, window_bounds = array<i64: 128, 32>}, {pipeline_mode = #tpu.pipeline_mode<synchronous>, transform_indices = @transform_3, window_bounds = array<i64: 32, 2>}, {transform_indices = @transform_4, window_bounds = array<i64: 1280, 128>}, {transform_indices = @transform_5, window_bounds = array<i64: 2, 1280>}]} {
    %get3A = arith.constant 0 : index
    %get3A_0 = arith.constant 0 : index
    %get3A_1 = arith.constant 0 : index
    %get3A_2 = arith.constant 0 : index
    %get3A_3 = vector.load %arg2[%get3A, %get3A_0, %get3A_1, %get3A_2] : memref<2x1x1x1280xf32, #tpu.memory_space<vmem>>, vector<1x1x1x1280xf32>
    %get3A_4 = vector.shape_cast %get3A_3 : vector<1x1x1x1280xf32> to vector<1280xf32>
    %get3A_5 = arith.constant 1 : index
    %get3A_6 = arith.constant 0 : index
    %get3A_7 = arith.constant 0 : index
    %get3A_8 = arith.constant 0 : index
    %get3A_9 = vector.load %arg2[%get3A_5, %get3A_6, %get3A_7, %get3A_8] : memref<2x1x1x1280xf32, #tpu.memory_space<vmem>>, vector<1x1x1x1280xf32>
    %get3A_10 = vector.shape_cast %get3A_9 : vector<1x1x1x1280xf32> to vector<1280xf32>
    %add3A = arith.addf %get3A_4, %get3A_10 : vector<1280xf32>
    %get3A_11 = arith.constant 0 : index
    %get3A_12 = arith.constant 0 : index
    %get3A_13 = arith.constant 0 : index
    %get3A_14 = vector.load %arg1[%get3A_11, %get3A_12, %get3A_13] : memref<2x1280x128xf32, #tpu.memory_space<vmem>>, vector<1x1280x128xf32>
    %get3A_15 = vector.shape_cast %get3A_14 : vector<1x1280x128xf32> to vector<1280x128xf32>
    %get3A_16 = arith.constant 1 : index
    %get3A_17 = arith.constant 0 : index
    %get3A_18 = arith.constant 0 : index
    %get3A_19 = vector.load %arg1[%get3A_16, %get3A_17, %get3A_18] : memref<2x1280x128xf32, #tpu.memory_space<vmem>>, vector<1x1280x128xf32>
    %get3A_20 = vector.shape_cast %get3A_19 : vector<1x1280x128xf32> to vector<1280x128xf32>
    %add3A_21 = arith.addf %get3A_15, %get3A_20 : vector<1280x128xf32>
    %broadcast_in_dim3A = vector.shape_cast %add3A : vector<1280xf32> to vector<1280x1xf32>
    %add3A_22 = arith.constant 9.99999971E-10 : f32
    %add3A_23 = vector.broadcast %add3A_22 : f32 to vector<1280x1xf32>
    %add3A_24 = arith.addf %broadcast_in_dim3A, %add3A_23 : vector<1280x1xf32>
    %div3A = vector.broadcast %add3A_24 : vector<1280x1xf32> to vector<1280x128xf32>
    %div3A_25 = arith.divf %add3A_21, %div3A : vector<1280x128xf32>
    %gt3A = arith.constant 0.000000e+00 : f32
    %gt3A_26 = vector.broadcast %gt3A : f32 to vector<1280x128xf32>
    %gt3A_27 = arith.cmpf ogt, %div3A_25, %gt3A_26 : vector<1280x128xf32>
    %min3A = arith.constant 0.000000e+00 : f32
    %min3A_28 = vector.broadcast %min3A : f32 to vector<1280x128xf32>
    %min3A_29 = arith.minimumf %div3A_25, %min3A_28 : vector<1280x128xf32>
    %exp3A = math.exp %min3A_29 : vector<1280x128xf32>
    %sub3A = arith.constant 1.000000e+00 : f32
    %sub3A_30 = vector.broadcast %sub3A : f32 to vector<1280x128xf32>
    %sub3A_31 = arith.subf %exp3A, %sub3A_30 : vector<1280x128xf32>
    %select_n3A = arith.select %gt3A_27, %div3A_25, %sub3A_31 : vector<1280x128xi1>, vector<1280x128xf32>
    %get3A_32 = arith.constant 0 : index
    %get3A_33 = arith.constant 0 : index
    %get3A_34 = vector.load %arg3[%get3A_32, %get3A_33] : memref<128x32xf32, #tpu.memory_space<vmem>>, vector<128x32xf32>
    %dot_general3A = arith.constant dense<0.000000e+00> : vector<1280x32xf32>
    %dot_general3A_35 = tpu.matmul %select_n3A, %get3A_34, %dot_general3A {dimension_numbers = #tpu.dot_dimension_numbers<[1], [0], [0], [1], [0, 0, 1, 1], [], []>, transpose_lhs_hint = false} : vector<1280x128xf32>, vector<128x32xf32>, vector<1280x32xf32> -> vector<1280x32xf32>
    %broadcast_in_dim3A_36 = arith.constant 0.000000e+00 : f32
    %broadcast_in_dim3A_37 = vector.broadcast %broadcast_in_dim3A_36 : f32 to vector<1280x96xf32>
    %concatenate3A = tpu.concatenate %dot_general3A_35, %broadcast_in_dim3A_37 in 1 : vector<1280x32xf32>, vector<1280x96xf32> -> vector<1280x128xf32>
    %swap3A = arith.constant 0 : index
    %swap3A_38 = arith.constant 0 : index
    %swap3A_39 = vector.load %arg5[%swap3A, %swap3A_38] : memref<1280x128xf32, #tpu.memory_space<vmem>>, vector<1280x128xf32>
    tpu.vector_store %arg5[%swap3A, %swap3A_38], %concatenate3A {strides = array<i32>} : memref<1280x128xf32, #tpu.memory_space<vmem>>, vector<1280x128xf32>,
    %get3A_40 = arith.constant 0 : index
    %get3A_41 = arith.constant 0 : index
    %get3A_42 = vector.load %arg4[%get3A_40, %get3A_41] : memref<32x2xf32, #tpu.memory_space<vmem>>, vector<32x2xf32>
    %dot_general3A_43 = arith.constant dense<0.000000e+00> : vector<1280x2xf32>
    %dot_general3A_44 = tpu.matmul %dot_general3A_35, %get3A_42, %dot_general3A_43 {dimension_numbers = #tpu.dot_dimension_numbers<[1], [0], [0], [1], [0, 0, 1, 1], [], []>, transpose_lhs_hint = false} : vector<1280x32xf32>, vector<32x2xf32>, vector<1280x2xf32> -> vector<1280x2xf32>
    %slice3A = vector.extract_strided_slice %dot_general3A_44 {offsets = [0, 0], sizes = [1280, 1], strides = [1, 1]} : vector<1280x2xf32> to vector<1280x1xf32>
    %squeeze3A = vector.shape_cast %slice3A : vector<1280x1xf32> to vector<1280xf32>
    %swap3A_45 = arith.constant 0 : index
    %swap3A_46 = arith.constant 0 : index
    %swap3A_47 = vector.load %arg6[%swap3A_45, %swap3A_46] : memref<2x1280xf32, #tpu.memory_space<vmem>>, vector<1x1280xf32>
    %swap3A_48 = vector.shape_cast %swap3A_47 : vector<1x1280xf32> to vector<1280xf32>
    %swap3A_49 = vector.shape_cast %squeeze3A : vector<1280xf32> to vector<1x1280xf32>
    tpu.vector_store %arg6[%swap3A_45, %swap3A_46], %swap3A_49 {strides = array<i32>} : memref<2x1280xf32, #tpu.memory_space<vmem>>, vector<1x1280xf32>,
    %slice3A_50 = vector.extract_strided_slice %dot_general3A_44 {offsets = [0, 1], sizes = [1280, 1], strides = [1, 1]} : vector<1280x2xf32> to vector<1280x1xf32>
    %squeeze3A_51 = vector.shape_cast %slice3A_50 : vector<1280x1xf32> to vector<1280xf32>
    %swap3A_52 = arith.constant 1 : index
    %swap3A_53 = arith.constant 0 : index
    %swap3A_54 = vector.load %arg6[%swap3A_52, %swap3A_53] : memref<2x1280xf32, #tpu.memory_space<vmem>>, vector<1x1280xf32>
    %swap3A_55 = vector.shape_cast %swap3A_54 : vector<1x1280xf32> to vector<1280xf32>
    %swap3A_56 = vector.shape_cast %squeeze3A_51 : vector<1280xf32> to vector<1x1280xf32>
    tpu.vector_store %arg6[%swap3A_52, %swap3A_53], %swap3A_56 {strides = array<i32>} : memref<2x1280xf32, #tpu.memory_space<vmem>>, vector<1x1280xf32>,
    return
  }
  func.func @transform_0(%arg0: i32) -> (i32, i32, i32) {
    %c0_i32 = arith.constant 0 : i32
    %c0_i32_0 = arith.constant 0 : i32
    %c0_i32_1 = arith.constant 0 : i32
    return %c0_i32, %arg0, %c0_i32_0 : i32, i32, i32
  }
  func.func @transform_1(%arg0: i32) -> (i32, i32, i32, i32) {
    %c0_i32 = arith.constant 0 : i32
    %c0_i32_0 = arith.constant 0 : i32
    %c0_i32_1 = arith.constant 0 : i32
    %c0_i32_2 = arith.constant 0 : i32
    return %c0_i32, %arg0, %c0_i32_0, %c0_i32_1 : i32, i32, i32, i32
  }
  func.func @transform_2(%arg0: i32) -> (i32, i32) {
    %c0_i32 = arith.constant 0 : i32
    %c0_i32_0 = arith.constant 0 : i32
    %c0_i32_1 = arith.constant 0 : i32
    return %c0_i32, %c0_i32_0 : i32, i32
  }
  func.func @transform_3(%arg0: i32) -> (i32, i32) {
    %c0_i32 = arith.constant 0 : i32
    %c0_i32_0 = arith.constant 0 : i32
    %c0_i32_1 = arith.constant 0 : i32
    return %c0_i32, %c0_i32_0 : i32, i32
  }
  func.func @transform_4(%arg0: i32) -> (i32, i32) {
    %c0_i32 = arith.constant 0 : i32
    %c0_i32_0 = arith.constant 0 : i32
    return %arg0, %c0_i32 : i32, i32
  }
  func.func @transform_5(%arg0: i32) -> (i32, i32) {
    %c0_i32 = arith.constant 0 : i32
    %c0_i32_0 = arith.constant 0 : i32
    return %c0_i32, %arg0 : i32, i32
  }
}

module attributes {stable_mosaic.version = 14 : i64} {
  func.func @_tc3_body(%arg0: i32, %arg1: memref<2x1280x128xf32, #tpu.memory_space<vmem>>, %arg2: memref<2x1x1x1280xf32, #tpu.memory_space<vmem>>, %arg3: memref<32x32xf32, #tpu.memory_space<vmem>>, %arg4: memref<1x32xf32, #tpu.memory_space<vmem>>, %arg5: memref<32x1xf32, #tpu.memory_space<vmem>>, %arg6: memref<1x1xf32, #tpu.memory_space<vmem>>, %arg7: memref<1280x1xf32, #tpu.memory_space<vmem>>) attributes {dimension_semantics = [#tpu.dimension_semantics<arbitrary>], iteration_bounds = array<i64: 8>, scalar_prefetch = 0 : i64, scratch_operands = 0 : i64, tpu.core_type = #tpu.core_type<tc>, window_params = [{transform_indices = @transform_0, window_bounds = array<i64: 2, 1280, 128>}, {transform_indices = @transform_1, window_bounds = array<i64: 2, 1, 1, 1280>}, {pipeline_mode = #tpu.pipeline_mode<synchronous>, transform_indices = @transform_2, window_bounds = array<i64: 32, 32>}, {pipeline_mode = #tpu.pipeline_mode<synchronous>, transform_indices = @transform_3, window_bounds = array<i64: 1, 32>}, {pipeline_mode = #tpu.pipeline_mode<synchronous>, transform_indices = @transform_4, window_bounds = array<i64: 32, 1>}, {pipeline_mode = #tpu.pipeline_mode<synchronous>, transform_indices = @transform_5, window_bounds = array<i64: 1, 1>}, {transform_indices = @transform_6, window_bounds = array<i64: 1280, 1>}]} {
    %get3A = arith.constant 0 : index
    %get3A_0 = arith.constant 0 : index
    %get3A_1 = arith.constant 0 : index
    %get3A_2 = arith.constant 0 : index
    %get3A_3 = vector.load %arg2[%get3A, %get3A_0, %get3A_1, %get3A_2] : memref<2x1x1x1280xf32, #tpu.memory_space<vmem>>, vector<1x1x1x1280xf32>
    %get3A_4 = vector.shape_cast %get3A_3 : vector<1x1x1x1280xf32> to vector<1280xf32>
    %get3A_5 = arith.constant 1 : index
    %get3A_6 = arith.constant 0 : index
    %get3A_7 = arith.constant 0 : index
    %get3A_8 = arith.constant 0 : index
    %get3A_9 = vector.load %arg2[%get3A_5, %get3A_6, %get3A_7, %get3A_8] : memref<2x1x1x1280xf32, #tpu.memory_space<vmem>>, vector<1x1x1x1280xf32>
    %get3A_10 = vector.shape_cast %get3A_9 : vector<1x1x1x1280xf32> to vector<1280xf32>
    %add3A = arith.addf %get3A_4, %get3A_10 : vector<1280xf32>
    %get3A_11 = arith.constant 0 : index
    %get3A_12 = arith.constant 0 : index
    %get3A_13 = arith.constant 0 : index
    %get3A_14 = vector.load %arg1[%get3A_11, %get3A_12, %get3A_13] : memref<2x1280x128xf32, #tpu.memory_space<vmem>>, vector<1x1280x128xf32>
    %get3A_15 = vector.shape_cast %get3A_14 : vector<1x1280x128xf32> to vector<1280x128xf32>
    %get3A_16 = arith.constant 1 : index
    %get3A_17 = arith.constant 0 : index
    %get3A_18 = arith.constant 0 : index
    %get3A_19 = vector.load %arg1[%get3A_16, %get3A_17, %get3A_18] : memref<2x1280x128xf32, #tpu.memory_space<vmem>>, vector<1x1280x128xf32>
    %get3A_20 = vector.shape_cast %get3A_19 : vector<1x1280x128xf32> to vector<1280x128xf32>
    %add3A_21 = arith.addf %get3A_15, %get3A_20 : vector<1280x128xf32>
    %slice3A = vector.extract_strided_slice %add3A_21 {offsets = [0, 0], sizes = [1280, 32], strides = [1, 1]} : vector<1280x128xf32> to vector<1280x32xf32>
    %broadcast_in_dim3A = vector.shape_cast %add3A : vector<1280xf32> to vector<1280x1xf32>
    %add3A_22 = arith.constant 9.99999971E-10 : f32
    %add3A_23 = vector.broadcast %add3A_22 : f32 to vector<1280x1xf32>
    %add3A_24 = arith.addf %broadcast_in_dim3A, %add3A_23 : vector<1280x1xf32>
    %div3A = vector.broadcast %add3A_24 : vector<1280x1xf32> to vector<1280x32xf32>
    %div3A_25 = arith.divf %slice3A, %div3A : vector<1280x32xf32>
    %gt3A = arith.constant 0.000000e+00 : f32
    %gt3A_26 = vector.broadcast %gt3A : f32 to vector<1280x32xf32>
    %gt3A_27 = arith.cmpf ogt, %div3A_25, %gt3A_26 : vector<1280x32xf32>
    %min3A = arith.constant 0.000000e+00 : f32
    %min3A_28 = vector.broadcast %min3A : f32 to vector<1280x32xf32>
    %min3A_29 = arith.minimumf %div3A_25, %min3A_28 : vector<1280x32xf32>
    %exp3A = math.exp %min3A_29 : vector<1280x32xf32>
    %sub3A = arith.constant 1.000000e+00 : f32
    %sub3A_30 = vector.broadcast %sub3A : f32 to vector<1280x32xf32>
    %sub3A_31 = arith.subf %exp3A, %sub3A_30 : vector<1280x32xf32>
    %select_n3A = arith.select %gt3A_27, %div3A_25, %sub3A_31 : vector<1280x32xi1>, vector<1280x32xf32>
    %get3A_32 = arith.constant 0 : index
    %get3A_33 = arith.constant 0 : index
    %get3A_34 = vector.load %arg3[%get3A_32, %get3A_33] : memref<32x32xf32, #tpu.memory_space<vmem>>, vector<32x32xf32>
    %dot_general3A = arith.constant dense<0.000000e+00> : vector<1280x32xf32>
    %dot_general3A_35 = tpu.matmul %select_n3A, %get3A_34, %dot_general3A {dimension_numbers = #tpu.dot_dimension_numbers<[1], [0], [0], [1], [0, 0, 1, 1], [], []>, transpose_lhs_hint = false} : vector<1280x32xf32>, vector<32x32xf32>, vector<1280x32xf32> -> vector<1280x32xf32>
    %get3A_36 = arith.constant 0 : index
    %get3A_37 = arith.constant 0 : index
    %get3A_38 = vector.load %arg4[%get3A_36, %get3A_37] : memref<1x32xf32, #tpu.memory_space<vmem>>, vector<1x32xf32>
    %add3A_39 = vector.broadcast %get3A_38 : vector<1x32xf32> to vector<1280x32xf32>
    %add3A_40 = arith.addf %dot_general3A_35, %add3A_39 : vector<1280x32xf32>
    %mul3A = arith.constant 5.000000e-01 : f32
    %mul3A_41 = vector.broadcast %mul3A : f32 to vector<1280x32xf32>
    %mul3A_42 = arith.mulf %mul3A_41, %add3A_40 : vector<1280x32xf32>
    %mul3A_43 = arith.constant 0.707106769 : f32
    %mul3A_44 = vector.broadcast %mul3A_43 : f32 to vector<1280x32xf32>
    %mul3A_45 = arith.mulf %add3A_40, %mul3A_44 : vector<1280x32xf32>
    %erf3A = math.erf %mul3A_45 : vector<1280x32xf32>
    %add3A_46 = arith.constant 1.000000e+00 : f32
    %add3A_47 = vector.broadcast %add3A_46 : f32 to vector<1280x32xf32>
    %add3A_48 = arith.addf %add3A_47, %erf3A : vector<1280x32xf32>
    %mul3A_49 = arith.mulf %mul3A_42, %add3A_48 : vector<1280x32xf32>
    %get3A_50 = arith.constant 0 : index
    %get3A_51 = arith.constant 0 : index
    %get3A_52 = vector.load %arg5[%get3A_50, %get3A_51] : memref<32x1xf32, #tpu.memory_space<vmem>>, vector<32x1xf32>
    %dot_general3A_53 = arith.constant dense<0.000000e+00> : vector<1280x1xf32>
    %dot_general3A_54 = tpu.matmul %mul3A_49, %get3A_52, %dot_general3A_53 {dimension_numbers = #tpu.dot_dimension_numbers<[1], [0], [0], [1], [0, 0, 1, 1], [], []>, transpose_lhs_hint = false} : vector<1280x32xf32>, vector<32x1xf32>, vector<1280x1xf32> -> vector<1280x1xf32>
    %get3A_55 = arith.constant 0 : index
    %get3A_56 = arith.constant 0 : index
    %get3A_57 = vector.load %arg6[%get3A_55, %get3A_56] : memref<1x1xf32, #tpu.memory_space<vmem>>, vector<1x1xf32>
    %add3A_58 = vector.broadcast %get3A_57 : vector<1x1xf32> to vector<1280x1xf32>
    %add3A_59 = arith.addf %dot_general3A_54, %add3A_58 : vector<1280x1xf32>
    %swap3A = arith.constant 0 : index
    %swap3A_60 = arith.constant 0 : index
    %swap3A_61 = vector.load %arg7[%swap3A, %swap3A_60] : memref<1280x1xf32, #tpu.memory_space<vmem>>, vector<1280x1xf32>
    tpu.vector_store %arg7[%swap3A, %swap3A_60], %add3A_59 {strides = array<i32>} : memref<1280x1xf32, #tpu.memory_space<vmem>>, vector<1280x1xf32>,
    return
  }
  func.func @transform_0(%arg0: i32) -> (i32, i32, i32) {
    %c0_i32 = arith.constant 0 : i32
    %c0_i32_0 = arith.constant 0 : i32
    %c0_i32_1 = arith.constant 0 : i32
    return %c0_i32, %arg0, %c0_i32_0 : i32, i32, i32
  }
  func.func @transform_1(%arg0: i32) -> (i32, i32, i32, i32) {
    %c0_i32 = arith.constant 0 : i32
    %c0_i32_0 = arith.constant 0 : i32
    %c0_i32_1 = arith.constant 0 : i32
    %c0_i32_2 = arith.constant 0 : i32
    return %c0_i32, %arg0, %c0_i32_0, %c0_i32_1 : i32, i32, i32, i32
  }
  func.func @transform_2(%arg0: i32) -> (i32, i32) {
    %c0_i32 = arith.constant 0 : i32
    %c0_i32_0 = arith.constant 0 : i32
    %c0_i32_1 = arith.constant 0 : i32
    return %c0_i32, %c0_i32_0 : i32, i32
  }
  func.func @transform_3(%arg0: i32) -> (i32, i32) {
    %c0_i32 = arith.constant 0 : i32
    %c0_i32_0 = arith.constant 0 : i32
    %c0_i32_1 = arith.constant 0 : i32
    return %c0_i32, %c0_i32_0 : i32, i32
  }
  func.func @transform_4(%arg0: i32) -> (i32, i32) {
    %c0_i32 = arith.constant 0 : i32
    %c0_i32_0 = arith.constant 0 : i32
    %c0_i32_1 = arith.constant 0 : i32
    return %c0_i32, %c0_i32_0 : i32, i32
  }
  func.func @transform_5(%arg0: i32) -> (i32, i32) {
    %c0_i32 = arith.constant 0 : i32
    %c0_i32_0 = arith.constant 0 : i32
    %c0_i32_1 = arith.constant 0 : i32
    return %c0_i32, %c0_i32_0 : i32, i32
  }
  func.func @transform_6(%arg0: i32) -> (i32, i32) {
    %c0_i32 = arith.constant 0 : i32
    %c0_i32_0 = arith.constant 0 : i32
    return %arg0, %c0_i32 : i32, i32
  }
}

</mosaic_0001>

<sc_bundles>
// kernel: kernel.10.cloned.1.call-start
scs
__scs_entry_jumppad:
0x0: {  	(pc) =	sbr.rel $0x88, $3  }
0x1: {  	(tag) =	ssettag $0x0;
	lr =	simm.s32 $0x1  }
0x2: {  	[smem:$0x3F97] =	sst lr;
	_ =	strace $0xD0000000  }
0x3: {  	_ = 	snop  }
0x4: {  	_ = 	snop  }
0x5: {  	_ = 	snop  }
0x6: {  	_ = 	snop  }
0x7: {  	_ = 	snop  }
__scs_overlays_trampoline_lowered:
0x8: {  	[smem:$0x3FA6] =	sst s0  }
0x9: {  	[smem:$0x3FA7] =	sst s1  }
0xa: {  	[smem:$0x3FA8] =	sst s2  }
0xb: {  	[smem:$0x3FA9] =	sst s3  }
0xc: {  	[smem:$0x3FAA] =	sst s4  }
0xd: {  	[smem:$0x3FAB] =	sst s5  }
0xe: {  	[smem:$0x3FAC] =	sst s6  }
0xf: {  	[smem:$0x3FAD] =	sst s7  }
0x10: {  	[smem:$0x3FAE] =	sst s8  }
0x11: {  	[smem:$0x3FAF] =	sst s9;
	s0 =	simm.s32 @!p0 $0x0  }
0x12: {  	s1 =	sld [smem:$0x3F95];
	s0 =	simm.s32 @p0 $0x1  }
0x13: {  	[smem:$0x3FB0] =	sst s0;
	s0 =	simm.s32 @!p1 $0x0  }
0x14: {  	s2 =	sld [smem:$0x3F94];
	s0 =	simm.s32 @p1 $0x1  }
0x15: {  	[smem:$0x3FB1] =	sst s0;
	s0 =	simm.s32 @!p2 $0x0  }
0x16: {  	s3 =	sld [smem:$0x3FDB];
	s0 =	simm.s32 @p2 $0x1  }
0x17: {  	s4 =	simm.s32 $0x1BF5;
	[smem:$0x3FB3] =	sst s0  }
0x18: {  	s0 =	sld [smem:$0x3F96];
	_ =	swait.ge [sflag:s4], $0x0  }
0x19: {  	s7 =	sld [smem:$0x3F97]  }
0x1a: {  	s8 =	sadd.s32 $0xFFFFE003, lr  }
0x1b: {  	s9 =	sadd.s32 $0xFFFFFEF7, lr;
	s5 =	simm.s32 $0xFFFFFFFF;
	p2 =	slt.u32 s8, $0xFFFFF086  }
0x1c: {  	p1 =	slt.u32 s9, $0xF7A;
	s5 =	simm.s32 @!p2 $0x0  }
0x1d: {  	s5 =	simm.s32 @p1 $0x1;
	p0 =	seq.s32 s7, s2  }
0x1e: {  	s7 =	smul.u32 @!p0 $0xF7A, s2;
	p2 =	seq.s32 @!p0 s5, $0x0  }
0x1f: {  	s9 =	smul.u32 $0xF7A, s1;
	s8 =	simm.s32 @!p0 $0x1BF5;
	p2 =	por !p2, p0  }
0x20: {  	[sflag:s8] =	ssyncset.s32 @!p0 $0xFFFFF086;
	s6 =	sadd.s32 @!p0 s3, s7;
	s7 =	simm.s32 @!p0 $0x108  }
0x21: {  	s3 =	sadd.s32 s3, s9;
	s6 =	sadd.s32 @!p0 $0x88, s6;
	s7 =	simm.s32 @p2 $0x1082  }
0x22: {  	[simem:s7], [sflag:s8] =	dma.local @!p0 [hbm:s6], $0xF7A  }
0x23: {  	s9 =	sor.u32 $0xD0000000, s2;
	s6 =	simm.s32 $0x108;
	_ =	swait.ge @!p0 [sflag:s8], $0x0  }
0x24: {  	s3 =	sadd.s32 $0x88, s3;
	s6 =	simm.s32 @!p1 $0x1082;
	[sflag:s4] =	ssyncset.s32 $0xFFFFF086  }
0x25: {  	[simem:s6], [sflag:s4] =	dma.local [hbm:s3], $0xF7A  }
0x26: {  	[smem:$0x3F97] =	sst s1;
	(tag) =	ssettag s2;
	_ =	strace s9  }
0x27: {  	s1 =	sld [smem:$0x3FA7]  }
0x28: {  	s2 =	sld [smem:$0x3FA8]  }
0x29: {  	s4 =	sld [smem:$0x3FAA]  }
0x2a: {  	p0 =	seq.s32 s5, $0x0;
	s5 =	sld [smem:$0x3FAB]  }
0x2b: {  	s6 =	sld [smem:$0x3FAC]  }
0x2c: {  	s7 =	sld [smem:$0x3FAD]  }
0x2d: {  	s3 =	simm.s32 $0x108;
	s8 =	sld [smem:$0x3FAE]  }
0x2e: {  	s3 =	simm.s32 @!p0 $0x1082;
	s9 =	sld [smem:$0x3FAF]  }
0x2f: {  	lr =	sadd.s32 s0, s3;
	s0 =	sld [smem:$0x3FA6]  }
0x30: {  	s3 =	sld [smem:$0x3FA9]  }
0x31: {  	[smem:$0x3FB2] =	sst s10  }
0x32: {  	s10 =	sld [smem:$0x3FB0];
	_ =	sdelay $0x3  }
0x33: {  	p0 =	seq.s32 s10, $0x1;
	s10 =	sld [smem:$0x3FB2];
	_ =	sdelay $0x3  }
0x34: {  	[smem:$0x3FB2] =	sst s10  }
0x35: {  	s10 =	sld [smem:$0x3FB1];
	_ =	sdelay $0x3  }
0x36: {  	p1 =	seq.s32 s10, $0x1;
	s10 =	sld [smem:$0x3FB2];
	_ =	sdelay $0x3  }
0x37: {  	[smem:$0x3FB2] =	sst s10  }
0x38: {  	s10 =	sld [smem:$0x3FB3]  }
0x39: {  	_ = 	snop;
	(pc) =	sbr.ind lr, $3  }
0x3a: {  	_ = 	snop  }
0x3b: {  	_ = 	snop  }
0x3c: {  	p2 =	seq.s32 s10, $0x1;
	s10 =	sld [smem:$0x3FB2]  }
0x3d: {  	_ =	shalt  }
0x3e: {  	_ =	shalt  }
0x3f: {  	_ =	shalt  }
0x40: {  	_ =	shalt  }
0x41: {  	_ =	shalt  }
0x42: {  	_ =	shalt  }
0x43: {  	_ =	shalt  }
0x44: {  	_ =	shalt  }
0x45: {  	_ =	shalt  }
0x46: {  	_ =	shalt  }
0x47: {  	_ =	shalt  }
0x48: {  	_ =	shalt  }
0x49: {  	_ =	shalt  }
0x4a: {  	_ =	shalt  }
0x4b: {  	_ =	shalt  }
0x4c: {  	_ =	shalt  }
0x4d: {  	_ =	shalt  }
0x4e: {  	_ =	shalt  }
0x4f: {  	_ =	shalt  }
0x50: {  	_ =	shalt  }
0x51: {  	_ =	shalt  }
0x52: {  	_ =	shalt  }
0x53: {  	_ =	shalt  }
0x54: {  	_ =	shalt  }
0x55: {  	_ =	shalt  }
0x56: {  	_ =	shalt  }
0x57: {  	_ =	shalt  }
0x58: {  	_ =	shalt  }
0x59: {  	_ =	shalt  }
0x5a: {  	_ =	shalt  }
0x5b: {  	_ =	shalt  }
0x5c: {  	_ =	shalt  }
0x5d: {  	_ =	shalt  }
0x5e: {  	_ =	shalt  }
0x5f: {  	_ =	shalt  }
0x60: {  	_ =	shalt  }
0x61: {  	_ =	shalt  }
0x62: {  	_ =	shalt  }
0x63: {  	_ =	shalt  }
0x64: {  	_ =	shalt  }
0x65: {  	_ =	shalt  }
0x66: {  	_ =	shalt  }
0x67: {  	_ =	shalt  }
0x68: {  	_ =	shalt  }
0x69: {  	_ =	shalt  }
0x6a: {  	_ =	shalt  }
0x6b: {  	_ =	shalt  }
0x6c: {  	_ =	shalt  }
0x6d: {  	_ =	shalt  }
0x6e: {  	_ =	shalt  }
0x6f: {  	_ =	shalt  }
0x70: {  	_ =	shalt  }
0x71: {  	_ =	shalt  }
0x72: {  	_ =	shalt  }
0x73: {  	_ =	shalt  }
0x74: {  	_ =	shalt  }
0x75: {  	_ =	shalt  }
0x76: {  	_ =	shalt  }
0x77: {  	_ =	shalt  }
0x78: {  	_ =	shalt  }
0x79: {  	_ =	shalt  }
0x7a: {  	_ =	shalt  }
0x7b: {  	_ =	shalt  }
0x7c: {  	_ =	shalt  }
0x7d: {  	_ =	shalt  }
0x7e: {  	_ =	shalt  }
0x7f: {  	_ =	shalt  }
0x80: {  	_ =	shalt  }
0x81: {  	_ =	shalt  }
0x82: {  	_ =	shalt  }
0x83: {  	_ =	shalt  }
0x84: {  	_ =	shalt  }
0x85: {  	_ =	shalt  }
0x86: {  	_ =	shalt  }
0x87: {  	_ =	shalt  }
.Lfunc_end0:
.L_simem_size_0:
called_computation.1_lowered:
.L_overlay_start_0:
0x88: {  	s2 =	sld [smem:$0x3FD9]  }
0x89: {  	s3 =	sld [smem:$0x3FFE];
	_ =	sdelay $0x1  }
0x8a: {  	s1 =	srdreg.scid  }
0x8b: {  	s0 =	sand.u32 $0x1, s1  }
0x8c: {  	s17 =	sshll.u32 s0, $0xA;
	s2 =	sadd.s32 s3, s2  }
0x8d: {  	s2 =	sadd.s32 s2, s17  }
0x8e: {  	[smem:$0x3FBE] =	sst s2  }
0x8f: {  	_ = 	snop  }
0x90: {  	s2 =	sld [smem:$0x3FD0];
	(tm) =	ssettm $0x1  }
0x91: {  	s18 =	sld [smem:$0x3FFB];
	_ =	sdelay $0x3  }
0x92: {  	_ =	strace s18  }
0x93: {  	s3 =	sld [smem:$0x3FFC];
	_ =	sdelay $0x3  }
0x94: {  	_ =	strace s3  }
0x95: {  	s3 =	sld [smem:$0x3FFD];
	_ =	sdelay $0x3  }
0x96: {  	_ =	strace s3  }
0x97: {  	_ =	strace $0x8FFFFFFF  }
0x98: {  	s19 =	sld [smem:$0x3FDB];
	_ =	sdelay $0x1  }
0x99: {  	s4 =	simm.s32 $_scs_section_size  }
0x9a: {  	s5 =	simm.s32 $_size__tile_overlayer_lowered;
	s6 =	simm.s32 $_tile_overlayer_lowered  }
0x9b: {  	s22 =	simm.s32 $0x1BFF;
	s21 =	sshll.u32 s6, $0x1;
	s3 =	sadd.s32 s4, s19  }
0x9c: {  	s7 =	simm.s32 $0x0;
	s20 =	sshll.u32 s5, $0x1;
	s5 =	sadd.s32 s21, s3  }
0x9d: {  	[timem:s7], [sflag:s22] =	dma.local [hbm:s5], s20  }
0x9e: {  	_ =	swait.ge [sflag:s22], s20  }
0x9f: {  	s4 =	ssub.s32 $0x0, s20;
	[sflag:s22] =	ssyncset.done $0x0  }
0xa0: {  	[sflag:s22] =	ssyncadd.s32 s4;
	_ =	sdelay $0x1  }
0xa1: {  	s23 =	simm.s32 $0x1B8B  }
0xa2: {  	_ =	swait.ge [sflag:s23], $0x1  }
0xa3: {  	[sflag:s23] =	ssyncset.done $0x0  }
0xa4: {  	s25 =	simm.s32 $0x1B8E;
	s24 =	sld [smem:$0x3FFE];
	[sflag:s23] =	ssyncadd.s32 $0xFFFFFFFF  }
0xa5: {  	s26 =	simm.s32 $execute0_lowered;
	[smem:$0x3FD2] =	sst s25  }
0xa6: {  	s5 =	sshll.u32 s26, $0x1;
	_ =	strace $0x80000049;
	[dreg:$0x1] =	wrdreg $0xFFFFFFFF  }
0xa7: {  	s28 =	simm.s32 $_size_execute0_lowered;
	s3 =	sadd.s32 s3, s5;
	[dreg:$0x0] =	wrdreg $0x0  }
0xa8: {  	s5 =	sshll.u32 s28, $0x1;
	[dreg:$0x2] =	wrdreg s3  }
0xa9: {  	[dreg:$0x3] =	wrdreg s5  }
0xaa: {  	[dreg:$0x4] =	wrdreg $0xC0  }
0xab: {  	_ =	task [dreg:s7], $0x5FFFF  }
0xac: {  	[dreg:$0x1] =	wrdreg $0xFFFFFFFF  }
0xad: {  	[dreg:$0x0] =	wrdreg $0x60  }
0xae: {  	[dreg:$0x2] =	wrdreg s24  }
0xaf: {  	[dreg:$0x3] =	wrdreg s2  }
0xb0: {  	[dreg:$0x4] =	wrdreg $0x94000  }
0xb1: {  	[dreg:$0x5] =	wrdreg $0x1D4000  }
0xb2: {  	[dreg:$0x6] =	wrdreg $0x9  }
0xb3: {  	_ =	task.clear_ibuf [dreg:s7], $0x7FFFF;
	_ =	strace $0x90000049  }
0xb4: {  	s29 =	simm.s32 $0x9;
	_ =	strace $0x8000004B  }
0xb5: {  	_ =	swait.ge [sflag:s29], $0x1  }
0xb6: {  	[sflag:s29] =	ssyncadd.s32 $0xFFFFFFFF  }
0xb7: {  	_ =	strace $0x9000004B  }
0xb8: {  	_ =	sfence  }
0xb9: {  	s30 =	sld [smem:$0x0];
	_ =	sdelay $0x2  }
0xba: {  	s31 =	sshll.u32 s1, $0xD;
	s1 =	sshrl.u32 s1, $0x2  }
0xbb: {  	s3 =	sand.u32 $0x4000, s31;
	s1 =	sadd.s32 s1, s30  }
0xbc: {  	s0 =	sor.u32 s3, s0;
	s1 =	sshll.u32 s1, $0x11  }
0xbd: {  	s0 =	sor.u32 s1, s0  }
0xbe: {  	s0 =	sadd.s32 $0x8F2B, s0  }
0xbf: {  	[sflag:s0] =	ssyncadd.remote.s32 $0x1  }
0xc0: {  	_ =	sfence.sel $0xFFFF  }
0xc1: {  	[dreg:$0x0] =	wrdreg $0xFFFFFFFF;
	(pc) =	sbr.abs _section_cstart, $3  }
0xc2: {  	[dreg:$0x1] =	wrdreg $0xFFFFFFFF  }
0xc3: {  	_ =	task.clear_ibuf [dreg:s7], $0x2FFFF;
	_ =	strace $0x9FFFFFFF  }
0xc4: {  	(tm) =	ssettm $0x7FFFFFFF  }
0xc5: {  	_ =	shalt  }
tec
execute0_lowered:
.L_overlay_start_1:
0x0: {  	(tag) =	ssettag $0x1  }
0x1: {  	s1 =	rddreg [dreg:$0x0]  }
0x2: {  	s0 =	rddreg [dreg:$0x1];
	s2 =	srdreg.scid  }
0x3: {  	s3 =	rddreg [dreg:$0x2];
	s8 =	sand.u32 $0x1, s2  }
0x4: {  	s2 =	stileid.u32;
	s9 =	smul.u32 $0x28000, s8  }
0x5: {  	s4 =	rddreg [dreg:$0x3];
	s5 =	simm.s32 $0x0;
	s10 =	smul.u32 $0x2800, s2  }
0x6: {  	s19 =	simm.s32 $0x1;
	s30 =	simm.s32 $0x0;
	s11 =	smul.u32 $0x140000, s8  }
0x7: {  	[smem:$0x7FF] =	sst s5;
	s6 =	sadd.s32 $0x2400, s1;
	s12 =	smul.u32 $0x14000, s2  }
0x8: {  	s7 =	sadd.s32 $0x2A400, s1;
	_ =	strace $0x8000004A;
	s22 =	smul.u32 $0x500, s2  }
0x9: {  	s25 =	sshll.u32 s8, $0x7;
	s8 =	ssub.s32 $0x2, s8;
	s26 =	smul.u32 $0x50000, s2  }
0xa: {  	s15 =	smul.u32 $0xA00, s2;
	s29 =	sshrl.u32 s8, $0x1;
	s9 =	sadd.s32 s10, s9  }
0xb: {  	s21 =	sadd.s32 s12, s11;
	s10 =	sor.u32 s25, s22;
	s18 =	ssub.s32 s8, s29  }
0xc: {  	s31 =	sshrl.u32 s26, $0x2;
	s15 =	sshrl.u32 s15, $0x2;
	s25 =	simm.s32 $0x5080  }
0xd: {  	s26 =	simm.s32 $0x5100;
	s9 =	sshrl.u32 s9, $0x3;
	s24 =	sshrl.u32 s21, $0x3  }
0xe: {  	s28 =	sshrl.u32 s10, $0x3;
	s15 =	sadd.s32 s15, s4;
	s18 =	smax.u32 s18, $0x1  }
0xf: {  	s21 =	simm.s32 $0x5180;
	s23 =	sadd.s32 s9, s1;
	s16 =	sadd.s32 s24, s1  }
0x10: {  	s1 =	sadd.s32 s28, s1;
	s9 =	sadd.s32 s31, s3;
	s24 =	simm.s32 $0x5000  }
0x11: {  	s8 =	sadd.s32 $0x2AA00, s23;
	s10 =	sadd.s32 $0x34A00, s23;
	s11 =	sadd.s32 $0x4000, s9  }
0x12: {  	s12 =	sadd.s32 $0x8000, s9;
	s13 =	sadd.s32 $0xC000, s9;
	s14 =	sadd.s32 $0x10000, s9  }
0x13: {  	v0 =	vimm.f32 $0.0e+00;
	s16 =	sadd.s32 $0x3F400, s16;
	s17 =	sadd.s32 $0x3EA00, s1;
	s23 =	simm.s32 $0x80  }
.LBB2_1:
0x14: {  	[tilespmem:s5], [sflag:$0x1] =	stream.linear.gather [hbm4b:s8+s5], $0x2800, $0x38;
	[tilespmem:$0x1D680] =	vst v63  }
0x15: {  	_ =	swait.ge [sflag:s19], $0x2800  }
0x16: {  	[sflag:s19] =	ssyncset.done $0x0  }
0x17: {  	s1 =	simm.s32 $0x2800;
	[sflag:s19] =	ssyncadd.s32 $0xFFFFD800  }
0x18: {  	[tilespmem:s1], [sflag:$0x1] =	stream.linear.gather [hbm4b:s10+s5], $0x2800, $0x38;
	[tilespmem:$0x1D680] =	vst v63  }
0x19: {  	_ =	swait.ge [sflag:s19], $0x2800  }
0x1a: {  	[sflag:s19] =	ssyncset.done $0x0  }
0x1b: {  	s20 =	simm.s32 $0x200;
	s1 =	simm.s32 $0x0;
	[sflag:s19] =	ssyncadd.s32 $0xFFFFD800  }
.LBB2_2:
0x1c: {  	p0 =	sne.s32 s20, $0xFE00;
	[tilespmem:s1+$0x51F0] =	vst v0  }
0x1d: {  	[tilespmem:s1+$0x5180] =	vst v0  }
0x1e: {  	[tilespmem:s1+$0x5190] =	vst v0  }
.Ltmp0:
0x1f: {  	[tilespmem:s1+$0x51A0] =	vst v0;
	(pc) =	sbr.rel @p0 .LBB2_2-.Ltmp0, $4  }
0x20: {  	[tilespmem:s1+$0x51B0] =	vst v0  }
0x21: {  	[tilespmem:s1+$0x51C0] =	vst v0  }
0x22: {  	[tilespmem:s1+$0x51D0] =	vst v0  }
0x23: {  	[tilespmem:s1+$0x51E0] =	vst v0;
	s1 =	sshra.s32 s20, $0x2;
	s20 =	sadd.s32 $0x200, s20  }
0x24: {  	[tilespmem:s1+$0x51F0] =	vst v0  }
0x25: {  	[tilespmem:s1+$0x5180] =	vst v0  }
0x26: {  	[tilespmem:s1+$0x5190] =	vst v0  }
0x27: {  	[tilespmem:s1+$0x51A0] =	vst v0  }
0x28: {  	[tilespmem:s1+$0x51B0] =	vst v0  }
0x29: {  	[tilespmem:s1+$0x51C0] =	vst v0  }
0x2a: {  	[tilespmem:s1+$0x51D0] =	vst v0  }
0x2b: {  	[tilespmem:s1+$0x51E0] =	vst v0  }
0x2c: {  	[spmem:s9] =	stream.linear.scatter [tilespmem:s21], [sflag:$0x1], $0x4000, $0x38;
	[tilespmem:$0x1D680] =	vst v63  }
0x2d: {  	_ =	swait.ge [sflag:s19], $0x4000  }
0x2e: {  	[sflag:s19] =	ssyncset.done $0x0  }
0x2f: {  	[sflag:s19] =	ssyncadd.s32 $0xFFFFC000  }
0x30: {  	[spmem:s11] =	stream.linear.scatter [tilespmem:s21], [sflag:$0x1], $0x4000, $0x38;
	[tilespmem:$0x1D680] =	vst v63  }
0x31: {  	_ =	swait.ge [sflag:s19], $0x4000  }
0x32: {  	[sflag:s19] =	ssyncset.done $0x0  }
0x33: {  	[sflag:s19] =	ssyncadd.s32 $0xFFFFC000  }
0x34: {  	[spmem:s12] =	stream.linear.scatter [tilespmem:s21], [sflag:$0x1], $0x4000, $0x38;
	[tilespmem:$0x1D680] =	vst v63  }
0x35: {  	_ =	swait.ge [sflag:s19], $0x4000  }
0x36: {  	[sflag:s19] =	ssyncset.done $0x0  }
0x37: {  	[sflag:s19] =	ssyncadd.s32 $0xFFFFC000  }
0x38: {  	[spmem:s13] =	stream.linear.scatter [tilespmem:s21], [sflag:$0x1], $0x4000, $0x38;
	[tilespmem:$0x1D680] =	vst v63  }
0x39: {  	_ =	swait.ge [sflag:s19], $0x4000  }
0x3a: {  	[sflag:s19] =	ssyncset.done $0x0  }
0x3b: {  	[sflag:s19] =	ssyncadd.s32 $0xFFFFC000  }
0x3c: {  	[spmem:s14] =	stream.linear.scatter [tilespmem:s21], [sflag:$0x1], $0x4000, $0x38;
	[tilespmem:$0x1D680] =	vst v63  }
0x3d: {  	_ =	swait.ge [sflag:s19], $0x4000  }
0x3e: {  	[sflag:s19] =	ssyncset.done $0x0  }
0x3f: {  	[sflag:s19] =	ssyncadd.s32 $0xFFFFC000  }
0x40: {  	[tilespmem:$0x9180] =	vst v0  }
0x41: {  	[tilespmem:$0x9190] =	vst v0  }
0x42: {  	[tilespmem:$0x91A0] =	vst v0  }
0x43: {  	[tilespmem:$0x91B0] =	vst v0  }
0x44: {  	[tilespmem:$0x91C0] =	vst v0  }
0x45: {  	[tilespmem:$0x91D0] =	vst v0  }
0x46: {  	[tilespmem:$0x91E0] =	vst v0  }
0x47: {  	[tilespmem:$0x91F0] =	vst v0  }
0x48: {  	[tilespmem:$0x9200] =	vst v0  }
0x49: {  	[tilespmem:$0x9210] =	vst v0  }
0x4a: {  	[tilespmem:$0x9220] =	vst v0  }
0x4b: {  	[tilespmem:$0x9230] =	vst v0  }
0x4c: {  	[tilespmem:$0x9240] =	vst v0  }
0x4d: {  	[tilespmem:$0x9250] =	vst v0  }
0x4e: {  	[tilespmem:$0x9260] =	vst v0  }
0x4f: {  	[tilespmem:$0x9270] =	vst v0  }
0x50: {  	[tilespmem:$0x9280] =	vst v0  }
0x51: {  	[tilespmem:$0x9290] =	vst v0  }
0x52: {  	[tilespmem:$0x92A0] =	vst v0  }
0x53: {  	[tilespmem:$0x92B0] =	vst v0  }
0x54: {  	[tilespmem:$0x92C0] =	vst v0  }
0x55: {  	[tilespmem:$0x92D0] =	vst v0  }
0x56: {  	[tilespmem:$0x92E0] =	vst v0  }
0x57: {  	[tilespmem:$0x92F0] =	vst v0  }
0x58: {  	[tilespmem:$0x9300] =	vst v0  }
0x59: {  	[tilespmem:$0x9310] =	vst v0  }
0x5a: {  	[tilespmem:$0x9320] =	vst v0  }
0x5b: {  	[tilespmem:$0x9330] =	vst v0  }
0x5c: {  	[tilespmem:$0x9340] =	vst v0  }
0x5d: {  	[tilespmem:$0x9350] =	vst v0  }
0x5e: {  	[tilespmem:$0x9360] =	vst v0  }
0x5f: {  	[tilespmem:$0x9370] =	vst v0  }
0x60: {  	[tilespmem:$0x9380] =	vst v0  }
0x61: {  	[tilespmem:$0x9390] =	vst v0  }
0x62: {  	[tilespmem:$0x93A0] =	vst v0  }
0x63: {  	[tilespmem:$0x93B0] =	vst v0  }
0x64: {  	[tilespmem:$0x93C0] =	vst v0  }
0x65: {  	[tilespmem:$0x93D0] =	vst v0  }
0x66: {  	[tilespmem:$0x93E0] =	vst v0  }
0x67: {  	s29 =	simm.s32 $0x9180;
	[tilespmem:$0x93F0] =	vst v0  }
0x68: {  	[spmem:s15] =	stream.linear.scatter [tilespmem:s29], [sflag:$0x1], $0x280, $0x38;
	[tilespmem:$0x1D680] =	vst v63  }
0x69: {  	_ =	swait.ge [sflag:s19], $0x280  }
0x6a: {  	[sflag:s19] =	ssyncset.done $0x0  }
0x6b: {  	[sflag:s19] =	ssyncadd.s32 $0xFFFFFD80  }
0x6c: {  	s31 =	simm.s32 $0x0;
	[bflag:$0x0] =	sbarrier.arrive $0xFFFF  }
.LBB2_4:
0x6d: {  	s20 =	sshll.u32 s31, $0x7  }
0x6e: {  	[tilespmem:s24], [sflag:$0x1] =	stream.indirect.gather [hbm4b:s7+s23], $0x1, s20, s23, $0xb8;
	[tilespmem:$0x1D680] =	vst v63  }
0x6f: {  	_ =	swait.ge [sflag:s19], $0x80  }
0x70: {  	[sflag:s19] =	ssyncset.done $0x0  }
0x71: {  	s1 =	sadd.s32 $0x2800, s20;
	[sflag:s19] =	ssyncadd.s32 $0xFFFFFF80  }
0x72: {  	[tilespmem:s25], [sflag:$0x1] =	stream.indirect.gather [hbm4b:s0+s23], $0x1, s1, s23, $0xb8;
	[tilespmem:$0x1D680] =	vst v63  }
0x73: {  	_ =	swait.ge [sflag:s19], $0x80  }
0x74: {  	[sflag:s19] =	ssyncset.done $0x0  }
0x75: {  	[sflag:s19] =	ssyncadd.s32 $0xFFFFFF80  }
0x76: {  	v1 =	vld [tilespmem:$0x5000]  }
0x77: {  	v2 =	vld [tilespmem:$0x5080]  }
0x78: {  	v3 =	vld [tilespmem:$0x5010]  }
0x79: {  	v4 =	vld [tilespmem:$0x5090]  }
0x7a: {  	v5 =	vld [tilespmem:$0x5020]  }
0x7b: {  	v6 =	vld [tilespmem:$0x50A0]  }
0x7c: {  	v7 =	vld [tilespmem:$0x50B0];
	v1 =	vadd.f32 v2, v1  }
0x7d: {  	v2 =	vld [tilespmem:$0x5030]  }
0x7e: {  	v8 =	vmul.f32 $2.000000030e-01, v1  }
0x7f: {  	v9 =	vld [tilespmem:$0x5040];
	vm0 =	vgt.f32 v1, $0.0e+00  }
0x80: {  	v10 =	vld [tilespmem:$0x50C0];
	v3 =	vadd.f32 v4, v3;
	v1 =	vsel vm0, v1, v8  }
0x81: {  	v4 =	vld [tilespmem:$0x5050];
	v1 =	vmul.f32 $1.442695020e+00, v1  }
0x82: {  	v5 =	vadd.f32 v6, v5;
	v6 =	vld [tilespmem:$0x50D0];
	v8 =	vmul.f32 $2.000000030e-01, v3;
	v2 =	vadd.f32 v7, v2  }
0x83: {  	v11 =	vld [tilespmem:$0x50E0];
	vm9 =	vgt.f32 v3, $0.0e+00;
	(erf) = vpow2.f32 v1  }
0x84: {  	v12 =	vld [tilespmem:$0x5070];
	v3 =	vsel vm9, v3, v8;
	v1 =	vmul.f32 $2.000000030e-01, v5;
	v8 =	vmul.f32 $2.000000030e-01, v2  }
0x85: {  	vm10 =	vgt.f32 v5, $0.0e+00;
	v7 =	vld [tilespmem:$0x5060];
	v3 =	vmul.f32 $1.442695020e+00, v3;
	vm11 =	vgt.f32 v2, $0.0e+00  }
0x86: {  	v1 =	vsel vm10, v5, v1;
	v5 =	vld [tilespmem:$0x50F0];
	v2 =	vsel vm11, v2, v8  }
0x87: {  	(erf) = vpow2.f32 v3;
	v3 =	vadd.f32 v6, v4;
	v1 =	vmul.f32 $1.442695020e+00, v1  }
0x88: {  	v8 =	vadd.f32 v10, v9;
	v2 =	vmul.f32 $1.442695020e+00, v2  }
0x89: {  	v4 =	vmul.f32 $2.000000030e-01, v3;
	(erf) = vpow2.f32 v1  }
0x8a: {  	v1 =	vmul.f32 $2.000000030e-01, v8;
	(erf) = vpow2.f32 v2;
	v2 =	vadd.f32 v11, v7  }
0x8b: {  	vm12 =	vgt.f32 v8, $0.0e+00;
	vm13 =	vgt.f32 v3, $0.0e+00;
	v5 =	vadd.f32 v5, v12  }
0x8c: {  	v3 =	vsel vm13, v3, v4;
	v1 =	vsel vm12, v8, v1;
	v6 =	vmul.f32 $2.000000030e-01, v2  }
0x8d: {  	v1 =	vmul.f32 $1.442695020e+00, v1;
	vm14 =	vgt.f32 v2, $0.0e+00;
	v4 =	vmul.f32 $2.000000030e-01, v5  }
0x8e: {  	v3 =	vmul.f32 $1.442695020e+00, v3;
	vm15 =	vgt.f32 v5, $0.0e+00;
	v2 =	vsel vm14, v2, v6  }
0x8f: {  	(erf) = vpow2.f32 v1;
	v1 =	vmul.f32 $1.442695020e+00, v2;
	v2 =	vsel vm15, v5, v4  }
0x90: {  	(erf) = vpow2.f32 v3;
	v2 =	vmul.f32 $1.442695020e+00, v2  }
0x91: {  	(erf) = vpow2.f32 v1  }
0x92: {  	(erf) = vpow2.f32 v2;
	_ =	sdelay $0x1  }
0x93: {  	v1 =	vpop (erf)  }
0x94: {  	v2 =	vpop (erf);
	[tilespmem:$0x5100] =	vst v1  }
0x95: {  	v1 =	vpop (erf);
	[tilespmem:$0x5110] =	vst v2  }
0x96: {  	v2 =	vpop (erf);
	[tilespmem:$0x5120] =	vst v1  }
0x97: {  	v1 =	vpop (erf);
	[tilespmem:$0x5130] =	vst v2  }
0x98: {  	v2 =	vpop (erf);
	[tilespmem:$0x5140] =	vst v1  }
0x99: {  	[tilespmem:$0x5150] =	vst v2;
	v1 =	vpop (erf)  }
0x9a: {  	[tilespmem:$0x5160] =	vst v1;
	v1 =	vpop (erf)  }
0x9b: {  	[tilespmem:$0x5170] =	vst v1  }
0x9c: {  	[spmem:s4] =	stream.indirect.scatter.add.f32 [tilespmem:s26], [sflag:$0x1], $0x1, s1, s23, $0xb8;
	[tilespmem:$0x1D680] =	vst v63  }
0x9d: {  	_ =	swait.ge [sflag:s19], $0x80  }
0x9e: {  	[sflag:s19] =	ssyncset.done $0x0  }
0x9f: {  	[sflag:s19] =	ssyncadd.s32 $0xFFFFFF80  }
0xa0: {  	[tilespmem:s21], [sflag:$0x1] =	stream.indirect.gather [hbm4b:s6+s23], $0x80, s20, s23, $0xb8;
	[tilespmem:$0x1D680] =	vst v63  }
0xa1: {  	_ =	swait.ge [sflag:s19], $0x4000  }
0xa2: {  	[sflag:s19] =	ssyncset.done $0x0  }
0xa3: {  	s20 =	simm.s32 $0x5580;
	[sflag:s19] =	ssyncadd.s32 $0xFFFFC000  }
0xa4: {  	v6 =	vld [tilespmem:s20+$0xFFFFFE80]  }
0xa5: {  	v1 =	vld [tilespmem:s20+$0xFFFFFD80]  }
0xa6: {  	v4 =	vld [tilespmem:s20+$0xFFFFFF90]  }
0xa7: {  	v7 =	vld [tilespmem:s20+$0xFFFFFF10]  }
0xa8: {  	v8 =	vld [tilespmem:s20+$0x200]  }
0xa9: {  	v11 =	vld [tilespmem:s20+$0xFFFFFC10]  }
0xaa: {  	v15 =	vld [tilespmem:s20+$0x380]  }
0xab: {  	v10 =	vld [tilespmem:s20+$0xFFFFFD00]  }
0xac: {  	s22 =	simm.s32 $0x0;
	v2 =	vld [tilespmem:s20+$0xFFFFFE10]  }
0xad: {  	v3 =	vld [tilespmem:s22+$0x5100]  }
0xae: {  	v9 =	vld [tilespmem:s20+$0xFFFFFF00]  }
0xaf: {  	v13 =	vld [tilespmem:s20+$0xFFFFFC00]  }
0xb0: {  	v12 =	vld [tilespmem:s20+$0x310]  }
0xb1: {  	v22 =	vld [tilespmem:s20+$0x300]  }
0xb2: {  	v20 =	vld [tilespmem:s20+$0x210];
	v18 =	vbroadcast v3, $0x0;
	v5 =	vbroadcast v3, $0xF  }
0xb3: {  	v21 =	vld [tilespmem:s20+$0xFFFFFD10];
	v19 =	vbroadcast v3, $0x2;
	v16 =	vbroadcast v3, $0xE  }
0xb4: {  	v17 =	vld [tilespmem:s20+$0x290];
	v14 =	vbroadcast v3, $0xC;
	v24 =	vmul.f32 v18, v13  }
0xb5: {  	s28 =	simm.s32 $0x5580;
	s22 =	simm.s32 $0x40;
	v13 =	vbroadcast v3, $0xD;
	v23 =	vmul.f32 v10, v19;
	v10 =	vld [tilespmem:s20+$0x180]  }
.LBB2_5:
0xb6: {  	p0 =	sne.s32 s22, $0x1C0  }
0xb7: {  	[tilespmem:s20+$0xFFFFFC00] =	vst v24;
	v24 =	vld [tilespmem:s20+$0xFFFFFE90];
	v22 =	vmul.f32 v22, v16;
	v15 =	vmul.f32 v15, v5;
	s28 =	sadd.s32 $0x800, s28;
	s29 =	smov.u32 s22;
	s22 =	sadd.s32 $0x40, s22  }
0xb8: {  	[tilespmem:s20+$0xFFFFFD00] =	vst v23;
	v23 =	vbroadcast v3, $0xA;
	v20 =	vmul.f32 v20, v14;
	v25 =	vld [tilespmem:s20+$0x280]  }
0xb9: {  	v11 =	vmul.f32 v11, v18;
	v18 =	vmul.f32 v21, v19;
	v19 =	vld [tilespmem:s20+$0x190];
	[tilespmem:s20+$0x380] =	vst v15  }
0xba: {  	v15 =	vbroadcast v3, $0x5;
	v21 =	vld [tilespmem:s20+$0xFFFFFF80];
	v17 =	vmul.f32 v17, v13;
	[tilespmem:s20+$0x300] =	vst v22  }
0xbb: {  	v12 =	vmul.f32 v12, v16;
	[tilespmem:s20+$0xFFFFFC10] =	vst v11;
	v11 =	vbroadcast v3, $0x6;
	v22 =	vld [tilespmem:s20+$0x100]  }
0xbc: {  	v26 =	vbroadcast v3, $0xB;
	v6 =	vmul.f32 v6, v15;
	v16 =	vld [tilespmem:s20+$0xFFFFFC80];
	[tilespmem:s20+$0x210] =	vst v20  }
0xbd: {  	[tilespmem:s20+$0xFFFFFD10] =	vst v18;
	v18 =	vbroadcast v3, $0x9;
	v20 =	vld [tilespmem:s20+$0x80];
	v13 =	vmul.f32 v25, v13  }
0xbe: {  	v15 =	vmul.f32 v24, v15;
	v24 =	vld [tilespmem:s20+$0x110];
	v19 =	vmul.f32 v19, v26;
	[tilespmem:s20+$0x310] =	vst v12  }
0xbf: {  	v8 =	vmul.f32 v8, v14;
	v12 =	vbroadcast v3, $0x7;
	v25 =	vld [tilespmem:s20+$0x90];
	[tilespmem:s20+$0x280] =	vst v13  }
0xc0: {  	v9 =	vmul.f32 v9, v11;
	v13 =	vbroadcast v3, $0x3;
	v14 =	vld [tilespmem:s20+$0x0];
	[tilespmem:s20+$0x190] =	vst v19  }
0xc1: {  	v10 =	vmul.f32 v10, v26;
	v7 =	vmul.f32 v7, v11;
	v11 =	vld [tilespmem:s20+$0x10];
	[tilespmem:s20+$0x200] =	vst v8  }
0xc2: {  	v19 =	vbroadcast v3, $0x8;
	v22 =	vmul.f32 v22, v23;
	v8 =	vld [tilespmem:s20+$0xFFFFFC90];
	[tilespmem:s20+$0x290] =	vst v17  }
0xc3: {  	v17 =	vbroadcast v3, $0x1;
	v26 =	vld [tilespmem:s20+$0xFFFFFD90];
	[tilespmem:s20+$0xFFFFFF10] =	vst v7;
	v23 =	vmul.f32 v24, v23  }
0xc4: {  	v4 =	vmul.f32 v4, v12;
	v7 =	vmul.f32 v21, v12;
	[tilespmem:s20+$0xFFFFFF00] =	vst v9;
	v9 =	vld [tilespmem:s20+$0x390]  }
0xc5: {  	v21 =	vmul.f32 v25, v18;
	v12 =	vld [tilespmem:s20+$0xFFFFFE00];
	[tilespmem:s20+$0xFFFFFE80] =	vst v6;
	v14 =	vmul.f32 v14, v19  }
0xc6: {  	v6 =	vld [tilespmem:s28+$0xFFFFFE80];
	[tilespmem:s20+$0xFFFFFF90] =	vst v4;
	v19 =	vmul.f32 v11, v19;
	v11 =	vmul.f32 v20, v18  }
0xc7: {  	v4 =	vmul.f32 v16, v17;
	v16 =	vmul.f32 v8, v17;
	[tilespmem:s20+$0x180] =	vst v10  }
0xc8: {  	v1 =	vmul.f32 v1, v13;
	v8 =	vmul.f32 v26, v13;
	[tilespmem:s20+$0xFFFFFE90] =	vst v15  }
0xc9: {  	v3 =	vbroadcast v3, $0x4;
	[tilespmem:s20+$0xFFFFFC80] =	vst v4;
	v4 =	vmul.f32 v9, v5  }
0xca: {  	[tilespmem:s20+$0xFFFFFD80] =	vst v1  }
0xcb: {  	v5 =	vmul.f32 v12, v3;
	v1 =	vmul.f32 v2, v3;
	[tilespmem:s20+$0x100] =	vst v22  }
0xcc: {  	[tilespmem:s20+$0xFFFFFF80] =	vst v7  }
0xcd: {  	[tilespmem:s20+$0x390] =	vst v4  }
0xce: {  	[tilespmem:s20+$0xFFFFFE10] =	vst v1  }
0xcf: {  	v1 =	vld [tilespmem:s28+$0xFFFFFD80];
	[tilespmem:s20+$0xFFFFFD90] =	vst v8  }
0xd0: {  	v4 =	vld [tilespmem:s28+$0xFFFFFF90];
	[tilespmem:s20+$0x80] =	vst v11  }
0xd1: {  	v7 =	vld [tilespmem:s28+$0xFFFFFF10];
	[tilespmem:s20+$0x90] =	vst v21  }
0xd2: {  	v8 =	vld [tilespmem:s28+$0x200];
	[tilespmem:s20+$0xFFFFFE00] =	vst v5  }
0xd3: {  	v11 =	vld [tilespmem:s28+$0xFFFFFC10];
	[tilespmem:s20+$0x110] =	vst v23  }
0xd4: {  	v15 =	vld [tilespmem:s28+$0x380];
	[tilespmem:s20+$0x0] =	vst v14  }
0xd5: {  	v10 =	vld [tilespmem:s28+$0xFFFFFD00];
	[tilespmem:s20+$0xFFFFFC90] =	vst v16  }
0xd6: {  	s29 =	sshra.s32 s29, $0x2;
	v2 =	vld [tilespmem:s28+$0xFFFFFE10];
	[tilespmem:s20+$0x10] =	vst v19;
	s20 =	smov.u32 s28  }
0xd7: {  	v3 =	vld [tilespmem:s29+$0x5100]  }
0xd8: {  	v9 =	vld [tilespmem:s28+$0xFFFFFF00]  }
0xd9: {  	v13 =	vld [tilespmem:s28+$0xFFFFFC00]  }
0xda: {  	v12 =	vld [tilespmem:s28+$0x310]  }
.Ltmp1:
0xdb: {  	v22 =	vld [tilespmem:s28+$0x300];
	(pc) =	sbr.rel @p0 .LBB2_5-.Ltmp1, $4  }
0xdc: {  	v18 =	vbroadcast v3, $0x0;
	v20 =	vld [tilespmem:s28+$0x210];
	v5 =	vbroadcast v3, $0xF  }
0xdd: {  	v19 =	vbroadcast v3, $0x2;
	v16 =	vbroadcast v3, $0xE;
	v21 =	vld [tilespmem:s28+$0xFFFFFD10]  }
0xde: {  	v24 =	vmul.f32 v18, v13;
	v13 =	vbroadcast v3, $0xD;
	v17 =	vld [tilespmem:s28+$0x290]  }
0xdf: {  	v14 =	vbroadcast v3, $0xC;
	v23 =	vmul.f32 v10, v19;
	v10 =	vld [tilespmem:s28+$0x180]  }
0xe0: {  	[tilespmem:s20+$0xFFFFFC00] =	vst v24;
	v15 =	vmul.f32 v15, v5  }
0xe1: {  	v22 =	vmul.f32 v22, v16;
	[tilespmem:s20+$0xFFFFFD00] =	vst v23  }
0xe2: {  	v11 =	vmul.f32 v11, v18;
	[tilespmem:s20+$0x380] =	vst v15  }
0xe3: {  	v36 =	vmul.f32 v12, v16;
	[tilespmem:s20+$0x300] =	vst v22  }
0xe4: {  	v35 =	vmul.f32 v20, v14;
	[tilespmem:s20+$0xFFFFFC10] =	vst v11  }
0xe5: {  	v40 =	vbroadcast v3, $0x6;
	v8 =	vmul.f32 v8, v14;
	[tilespmem:s20+$0x310] =	vst v36  }
0xe6: {  	v19 =	vmul.f32 v21, v19;
	[tilespmem:s20+$0x210] =	vst v35  }
0xe7: {  	v43 =	vbroadcast v3, $0x5;
	v7 =	vmul.f32 v7, v40;
	[tilespmem:s20+$0x200] =	vst v8  }
0xe8: {  	v45 =	vbroadcast v3, $0x7;
	v9 =	vmul.f32 v9, v40;
	[tilespmem:s20+$0xFFFFFD10] =	vst v19  }
0xe9: {  	v51 =	vbroadcast v3, $0x3;
	v6 =	vmul.f32 v6, v43;
	[tilespmem:s20+$0xFFFFFF10] =	vst v7  }
0xea: {  	v33 =	vld [tilespmem:s20+$0x280];
	v58 =	vbroadcast v3, $0x4;
	v4 =	vmul.f32 v4, v45;
	[tilespmem:s20+$0xFFFFFF00] =	vst v9  }
0xeb: {  	v34 =	vld [tilespmem:s20+$0x190];
	v1 =	vmul.f32 v1, v51;
	[tilespmem:s20+$0xFFFFFE80] =	vst v6  }
0xec: {  	v37 =	vbroadcast v3, $0xB;
	v42 =	vld [tilespmem:s20+$0xFFFFFE90];
	v2 =	vmul.f32 v2, v58;
	[tilespmem:s20+$0xFFFFFF90] =	vst v4  }
0xed: {  	v44 =	vld [tilespmem:s20+$0xFFFFFC80];
	v41 =	vmul.f32 v17, v13;
	[tilespmem:s20+$0xFFFFFD80] =	vst v1  }
0xee: {  	v47 =	vld [tilespmem:s20+$0x100];
	v10 =	vmul.f32 v10, v37;
	[tilespmem:s20+$0xFFFFFE10] =	vst v2  }
0xef: {  	v46 =	vld [tilespmem:s20+$0xFFFFFF80];
	v38 =	vmul.f32 v33, v13;
	[tilespmem:s20+$0x290] =	vst v41  }
0xf0: {  	v49 =	vbroadcast v3, $0x1;
	v52 =	vld [tilespmem:s20+$0x390];
	v39 =	vmul.f32 v34, v37;
	[tilespmem:s20+$0x180] =	vst v10  }
0xf1: {  	v48 =	vld [tilespmem:s20+$0x80];
	v53 =	vbroadcast v3, $0xA;
	v50 =	vmul.f32 v42, v43;
	[tilespmem:s20+$0x280] =	vst v38  }
0xf2: {  	v56 =	vld [tilespmem:s20+$0x110];
	v8 =	vmul.f32 v44, v49;
	[tilespmem:s20+$0x190] =	vst v39  }
0xf3: {  	v61 =	vld [tilespmem:s20+$0x0];
	v7 =	vmul.f32 v47, v53;
	[tilespmem:s20+$0xFFFFFE90] =	vst v50  }
0xf4: {  	v55 =	vld [tilespmem:s20+$0xFFFFFD90];
	v60 =	vbroadcast v3, $0x9;
	v11 =	vmul.f32 v46, v45;
	[tilespmem:s20+$0xFFFFFC80] =	vst v8  }
0xf5: {  	v57 =	vld [tilespmem:s20+$0x90];
	v59 =	vmul.f32 v52, v5;
	[tilespmem:s20+$0x100] =	vst v7  }
0xf6: {  	v3 =	vbroadcast v3, $0x8;
	v1 =	vld [tilespmem:s20+$0xFFFFFE00];
	v62 =	vmul.f32 v48, v60;
	[tilespmem:s20+$0xFFFFFF80] =	vst v11  }
0xf7: {  	v2 =	vld [tilespmem:s20+$0x10];
	v4 =	vmul.f32 v56, v53;
	[tilespmem:s20+$0x390] =	vst v59  }
0xf8: {  	v54 =	vld [tilespmem:s20+$0xFFFFFC90];
	v63 =	vmul.f32 v61, v3;
	[tilespmem:s20+$0x80] =	vst v62  }
0xf9: {  	v10 =	vmul.f32 v55, v51;
	[tilespmem:s20+$0x110] =	vst v4  }
0xfa: {  	v7 =	vmul.f32 v57, v60;
	[tilespmem:s20+$0x0] =	vst v63  }
0xfb: {  	[tilespmem:s20+$0xFFFFFD90] =	vst v10;
	v1 =	vmul.f32 v1, v58  }
0xfc: {  	[tilespmem:s20+$0x90] =	vst v7;
	v2 =	vmul.f32 v2, v3  }
0xfd: {  	s31 =	sadd.s32 $0x1, s31;
	[tilespmem:s20+$0xFFFFFE00] =	vst v1;
	v1 =	vmul.f32 v54, v49  }
0xfe: {  	p0 =	sne.s32 s31, $0x50;
	[tilespmem:s20+$0x10] =	vst v2  }
.Ltmp2:
0xff: {  	[tilespmem:s20+$0xFFFFFC90] =	vst v1;
	(pc) =	sbr.rel @p0 .LBB2_4-.Ltmp2, $4  }
0x100: {  	[spmem:s3] =	stream.indirect.scatter.add.f32 [tilespmem:s21], [sflag:$0x1], $0x80, s1, s23, $0xb8;
	[tilespmem:$0x1D680] =	vst v63  }
0x101: {  	_ =	swait.ge [sflag:s19], $0x4000  }
0x102: {  	[sflag:s19] =	ssyncset.done $0x0  }
0x103: {  	[sflag:s19] =	ssyncadd.s32 $0xFFFFC000  }
0x104: {  	s1 =	sshll.u32 s2, $0x6  }
0x105: {  	[bflag:$0x0] =	sbarrier.arrive $0xFFFF;
	s20 =	sshrl.u32 s9, $0x3;
	s1 =	sor.u32 $0x1C01, s1  }
0x106: {  	[hbm:s16], [sflag:s1] =	dma.local [spmem:s20], $0x2800  }
0x107: {  	s31 =	sshrl.u32 s15, $0x3;
	s30 =	sadd.s32 $0x1, s30;
	_ =	swait.ge [sflag:s19], $0x2800  }
0x108: {  	s22 =	simm.s32 $0x20;
	p0 =	sne.s32 s30, s18;
	[sflag:s19] =	ssyncset.done $0x0  }
.Ltmp3:
0x109: {  	s28 =	simm.s32 $0x10;
	[sflag:s19] =	ssyncadd.s32 $0xFFFFD800;
	(pc) =	sbr.rel @p0 .LBB2_1-.Ltmp3, $4  }
0x10a: {  	[hbm:s17@s22], [sflag:s1] =	dma.strided [spmem:s31@s28], $0x50, s19, $0x10   }
0x10b: {  	_ =	swait.ge [sflag:s19], $0x50  }
0x10c: {  	[sflag:s19] =	ssyncset.done $0x0  }
0x10d: {  	[sflag:s19] =	ssyncadd.s32 $0xFFFFFFB0  }
0x10e: {  	_ =	sfence.sel $0x180000  }
0x10f: {  	[bflag:$0x0] =	sbarrier.arrive $0xFFFF  }
0x110: {  	_ =	strace $0x9000004A  }
0x111: {  	[bflag:$0x2] =	sbarrier.arrive $0xFFFF  }
0x112: {  	p0 =	sne.s32 s2, $0x0;
	s0 =	rddreg [dreg:$0x4]  }
0x113: {  	s0 =	sadd.s32 @!p0 $0x100000, s0  }
0x114: {  	[sflag:s0] =	ssyncadd.tile.s32 @!p0 $0x1;
	_ =	shalt  }
.Lfunc_end2:
_tile_overlayer_lowered:
.L_overlay_start_2:
0x115: {  	(tag) =	ssettag $0x2  }
0x116: {  	s0 =	rddreg [dreg:$0x0];
	s2 =	stileid.u32  }
0x117: {  	s1 =	rddreg [dreg:$0x1];
	p0 =	sne.s32 s2, $0x0  }
0x118: {  	s3 =	rddreg [dreg:$0x2];
	[bflag:$0x3] =	sbarrier.arrive $0xFFFF;
	s2 =	simm.s32 @!p0 $0x1C01  }
0x119: {  	[timem:s3], [sflag:s2] =	dma.local @!p0 [hbm:s0], s1  }
0x11a: {  	s0 =	simm.s32 @!p0 $0x1  }
0x11b: {  	_ =	swait.ge @!p0 [sflag:s0], s1  }
0x11c: {  	s1 =	ssub.s32 @!p0 $0x0, s1;
	[sflag:s0] =	ssyncset.done @!p0 $0x0  }
0x11d: {  	[sflag:s0] =	ssyncadd.s32 @!p0 s1  }
0x11e: {  	[bflag:$0x3] =	sbarrier.arrive $0xFFFF  }
0x11f: {  	_ =	shalt  }

// kernel: kernel.7.cloned.1.call-start
scs
__scs_entry_jumppad:
0x0: {  	(pc) =	sbr.rel $0x88, $3  }
0x1: {  	(tag) =	ssettag $0x0;
	lr =	simm.s32 $0x1  }
0x2: {  	[smem:$0x3F97] =	sst lr;
	_ =	strace $0xD0000000  }
0x3: {  	_ = 	snop  }
0x4: {  	_ = 	snop  }
0x5: {  	_ = 	snop  }
0x6: {  	_ = 	snop  }
0x7: {  	_ = 	snop  }
__scs_overlays_trampoline_lowered:
0x8: {  	[smem:$0x3FA6] =	sst s0  }
0x9: {  	[smem:$0x3FA7] =	sst s1  }
0xa: {  	[smem:$0x3FA8] =	sst s2  }
0xb: {  	[smem:$0x3FA9] =	sst s3  }
0xc: {  	[smem:$0x3FAA] =	sst s4  }
0xd: {  	[smem:$0x3FAB] =	sst s5  }
0xe: {  	[smem:$0x3FAC] =	sst s6  }
0xf: {  	[smem:$0x3FAD] =	sst s7  }
0x10: {  	[smem:$0x3FAE] =	sst s8  }
0x11: {  	[smem:$0x3FAF] =	sst s9;
	s0 =	simm.s32 @!p0 $0x0  }
0x12: {  	s1 =	sld [smem:$0x3F95];
	s0 =	simm.s32 @p0 $0x1  }
0x13: {  	[smem:$0x3FB0] =	sst s0;
	s0 =	simm.s32 @!p1 $0x0  }
0x14: {  	s2 =	sld [smem:$0x3F94];
	s0 =	simm.s32 @p1 $0x1  }
0x15: {  	[smem:$0x3FB1] =	sst s0;
	s0 =	simm.s32 @!p2 $0x0  }
0x16: {  	s3 =	sld [smem:$0x3FDB];
	s0 =	simm.s32 @p2 $0x1  }
0x17: {  	s4 =	simm.s32 $0x1BF5;
	[smem:$0x3FB3] =	sst s0  }
0x18: {  	s0 =	sld [smem:$0x3F96];
	_ =	swait.ge [sflag:s4], $0x0  }
0x19: {  	s7 =	sld [smem:$0x3F97]  }
0x1a: {  	s8 =	sadd.s32 $0xFFFFE003, lr  }
0x1b: {  	s9 =	sadd.s32 $0xFFFFFEF7, lr;
	s5 =	simm.s32 $0xFFFFFFFF;
	p2 =	slt.u32 s8, $0xFFFFF086  }
0x1c: {  	p1 =	slt.u32 s9, $0xF7A;
	s5 =	simm.s32 @!p2 $0x0  }
0x1d: {  	s5 =	simm.s32 @p1 $0x1;
	p0 =	seq.s32 s7, s2  }
0x1e: {  	s7 =	smul.u32 @!p0 $0xF7A, s2;
	p2 =	seq.s32 @!p0 s5, $0x0  }
0x1f: {  	s9 =	smul.u32 $0xF7A, s1;
	s8 =	simm.s32 @!p0 $0x1BF5;
	p2 =	por !p2, p0  }
0x20: {  	[sflag:s8] =	ssyncset.s32 @!p0 $0xFFFFF086;
	s6 =	sadd.s32 @!p0 s3, s7;
	s7 =	simm.s32 @!p0 $0x108  }
0x21: {  	s3 =	sadd.s32 s3, s9;
	s6 =	sadd.s32 @!p0 $0x88, s6;
	s7 =	simm.s32 @p2 $0x1082  }
0x22: {  	[simem:s7], [sflag:s8] =	dma.local @!p0 [hbm:s6], $0xF7A  }
0x23: {  	s9 =	sor.u32 $0xD0000000, s2;
	s6 =	simm.s32 $0x108;
	_ =	swait.ge @!p0 [sflag:s8], $0x0  }
0x24: {  	s3 =	sadd.s32 $0x88, s3;
	s6 =	simm.s32 @!p1 $0x1082;
	[sflag:s4] =	ssyncset.s32 $0xFFFFF086  }
0x25: {  	[simem:s6], [sflag:s4] =	dma.local [hbm:s3], $0xF7A  }
0x26: {  	[smem:$0x3F97] =	sst s1;
	(tag) =	ssettag s2;
	_ =	strace s9  }
0x27: {  	s1 =	sld [smem:$0x3FA7]  }
0x28: {  	s2 =	sld [smem:$0x3FA8]  }
0x29: {  	s4 =	sld [smem:$0x3FAA]  }
0x2a: {  	p0 =	seq.s32 s5, $0x0;
	s5 =	sld [smem:$0x3FAB]  }
0x2b: {  	s6 =	sld [smem:$0x3FAC]  }
0x2c: {  	s7 =	sld [smem:$0x3FAD]  }
0x2d: {  	s3 =	simm.s32 $0x108;
	s8 =	sld [smem:$0x3FAE]  }
0x2e: {  	s3 =	simm.s32 @!p0 $0x1082;
	s9 =	sld [smem:$0x3FAF]  }
0x2f: {  	lr =	sadd.s32 s0, s3;
	s0 =	sld [smem:$0x3FA6]  }
0x30: {  	s3 =	sld [smem:$0x3FA9]  }
0x31: {  	[smem:$0x3FB2] =	sst s10  }
0x32: {  	s10 =	sld [smem:$0x3FB0];
	_ =	sdelay $0x3  }
0x33: {  	p0 =	seq.s32 s10, $0x1;
	s10 =	sld [smem:$0x3FB2];
	_ =	sdelay $0x3  }
0x34: {  	[smem:$0x3FB2] =	sst s10  }
0x35: {  	s10 =	sld [smem:$0x3FB1];
	_ =	sdelay $0x3  }
0x36: {  	p1 =	seq.s32 s10, $0x1;
	s10 =	sld [smem:$0x3FB2];
	_ =	sdelay $0x3  }
0x37: {  	[smem:$0x3FB2] =	sst s10  }
0x38: {  	s10 =	sld [smem:$0x3FB3]  }
0x39: {  	_ = 	snop;
	(pc) =	sbr.ind lr, $3  }
0x3a: {  	_ = 	snop  }
0x3b: {  	_ = 	snop  }
0x3c: {  	p2 =	seq.s32 s10, $0x1;
	s10 =	sld [smem:$0x3FB2]  }
0x3d: {  	_ =	shalt  }
0x3e: {  	_ =	shalt  }
0x3f: {  	_ =	shalt  }
0x40: {  	_ =	shalt  }
0x41: {  	_ =	shalt  }
0x42: {  	_ =	shalt  }
0x43: {  	_ =	shalt  }
0x44: {  	_ =	shalt  }
0x45: {  	_ =	shalt  }
0x46: {  	_ =	shalt  }
0x47: {  	_ =	shalt  }
0x48: {  	_ =	shalt  }
0x49: {  	_ =	shalt  }
0x4a: {  	_ =	shalt  }
0x4b: {  	_ =	shalt  }
0x4c: {  	_ =	shalt  }
0x4d: {  	_ =	shalt  }
0x4e: {  	_ =	shalt  }
0x4f: {  	_ =	shalt  }
0x50: {  	_ =	shalt  }
0x51: {  	_ =	shalt  }
0x52: {  	_ =	shalt  }
0x53: {  	_ =	shalt  }
0x54: {  	_ =	shalt  }
0x55: {  	_ =	shalt  }
0x56: {  	_ =	shalt  }
0x57: {  	_ =	shalt  }
0x58: {  	_ =	shalt  }
0x59: {  	_ =	shalt  }
0x5a: {  	_ =	shalt  }
0x5b: {  	_ =	shalt  }
0x5c: {  	_ =	shalt  }
0x5d: {  	_ =	shalt  }
0x5e: {  	_ =	shalt  }
0x5f: {  	_ =	shalt  }
0x60: {  	_ =	shalt  }
0x61: {  	_ =	shalt  }
0x62: {  	_ =	shalt  }
0x63: {  	_ =	shalt  }
0x64: {  	_ =	shalt  }
0x65: {  	_ =	shalt  }
0x66: {  	_ =	shalt  }
0x67: {  	_ =	shalt  }
0x68: {  	_ =	shalt  }
0x69: {  	_ =	shalt  }
0x6a: {  	_ =	shalt  }
0x6b: {  	_ =	shalt  }
0x6c: {  	_ =	shalt  }
0x6d: {  	_ =	shalt  }
0x6e: {  	_ =	shalt  }
0x6f: {  	_ =	shalt  }
0x70: {  	_ =	shalt  }
0x71: {  	_ =	shalt  }
0x72: {  	_ =	shalt  }
0x73: {  	_ =	shalt  }
0x74: {  	_ =	shalt  }
0x75: {  	_ =	shalt  }
0x76: {  	_ =	shalt  }
0x77: {  	_ =	shalt  }
0x78: {  	_ =	shalt  }
0x79: {  	_ =	shalt  }
0x7a: {  	_ =	shalt  }
0x7b: {  	_ =	shalt  }
0x7c: {  	_ =	shalt  }
0x7d: {  	_ =	shalt  }
0x7e: {  	_ =	shalt  }
0x7f: {  	_ =	shalt  }
0x80: {  	_ =	shalt  }
0x81: {  	_ =	shalt  }
0x82: {  	_ =	shalt  }
0x83: {  	_ =	shalt  }
0x84: {  	_ =	shalt  }
0x85: {  	_ =	shalt  }
0x86: {  	_ =	shalt  }
0x87: {  	_ =	shalt  }
.Lfunc_end0:
.L_simem_size_0:
called_computation_lowered:
.L_overlay_start_0:
0x88: {  	s2 =	sld [smem:$0x3FD9]  }
0x89: {  	s3 =	sld [smem:$0x3FFE];
	_ =	sdelay $0x1  }
0x8a: {  	s1 =	srdreg.scid  }
0x8b: {  	s0 =	sand.u32 $0x1, s1  }
0x8c: {  	s17 =	sshll.u32 s0, $0xA;
	s2 =	sadd.s32 s3, s2  }
0x8d: {  	s2 =	sadd.s32 s2, s17  }
0x8e: {  	[smem:$0x3FBE] =	sst s2  }
0x8f: {  	_ = 	snop  }
0x90: {  	s2 =	sld [smem:$0x3FD0];
	(tm) =	ssettm $0x1  }
0x91: {  	s18 =	sld [smem:$0x3FFB];
	_ =	sdelay $0x3  }
0x92: {  	_ =	strace s18  }
0x93: {  	s3 =	sld [smem:$0x3FFC];
	_ =	sdelay $0x3  }
0x94: {  	_ =	strace s3  }
0x95: {  	s3 =	sld [smem:$0x3FFD];
	_ =	sdelay $0x3  }
0x96: {  	_ =	strace s3  }
0x97: {  	_ =	strace $0x8FFFFFFF  }
0x98: {  	s19 =	sld [smem:$0x3FDB];
	_ =	sdelay $0x1  }
0x99: {  	s4 =	simm.s32 $_scs_section_size  }
0x9a: {  	s5 =	simm.s32 $_size__tile_overlayer_lowered;
	s6 =	simm.s32 $_tile_overlayer_lowered  }
0x9b: {  	s22 =	simm.s32 $0x1BFF;
	s21 =	sshll.u32 s6, $0x1;
	s3 =	sadd.s32 s4, s19  }
0x9c: {  	s7 =	simm.s32 $0x0;
	s20 =	sshll.u32 s5, $0x1;
	s5 =	sadd.s32 s21, s3  }
0x9d: {  	[timem:s7], [sflag:s22] =	dma.local [hbm:s5], s20  }
0x9e: {  	_ =	swait.ge [sflag:s22], s20  }
0x9f: {  	s4 =	ssub.s32 $0x0, s20;
	[sflag:s22] =	ssyncset.done $0x0  }
0xa0: {  	[sflag:s22] =	ssyncadd.s32 s4;
	_ =	sdelay $0x1  }
0xa1: {  	s23 =	simm.s32 $0x1B8B  }
0xa2: {  	_ =	swait.ge [sflag:s23], $0x1  }
0xa3: {  	[sflag:s23] =	ssyncset.done $0x0  }
0xa4: {  	s25 =	simm.s32 $0x1B8E;
	s24 =	sld [smem:$0x3FFE];
	[sflag:s23] =	ssyncadd.s32 $0xFFFFFFFF  }
0xa5: {  	s26 =	simm.s32 $execute0_lowered;
	[smem:$0x3FD2] =	sst s25  }
0xa6: {  	s5 =	sshll.u32 s26, $0x1;
	_ =	strace $0x80000046;
	[dreg:$0x1] =	wrdreg $0xFFFFFFFF  }
0xa7: {  	s28 =	simm.s32 $_size_execute0_lowered;
	s3 =	sadd.s32 s3, s5;
	[dreg:$0x0] =	wrdreg $0x0  }
0xa8: {  	s5 =	sshll.u32 s28, $0x1;
	[dreg:$0x2] =	wrdreg s3  }
0xa9: {  	[dreg:$0x3] =	wrdreg s5  }
0xaa: {  	[dreg:$0x4] =	wrdreg $0xC0  }
0xab: {  	_ =	task [dreg:s7], $0x5FFFF  }
0xac: {  	[dreg:$0x1] =	wrdreg $0xFFFFFFFF  }
0xad: {  	[dreg:$0x0] =	wrdreg $0x60  }
0xae: {  	[dreg:$0x2] =	wrdreg s24  }
0xaf: {  	[dreg:$0x3] =	wrdreg s2  }
0xb0: {  	[dreg:$0x4] =	wrdreg $0x94000  }
0xb1: {  	[dreg:$0x5] =	wrdreg $0x1D4000  }
0xb2: {  	[dreg:$0x6] =	wrdreg $0x9  }
0xb3: {  	_ =	task.clear_ibuf [dreg:s7], $0x7FFFF;
	_ =	strace $0x90000046  }
0xb4: {  	s29 =	simm.s32 $0x9;
	_ =	strace $0x80000048  }
0xb5: {  	_ =	swait.ge [sflag:s29], $0x1  }
0xb6: {  	[sflag:s29] =	ssyncadd.s32 $0xFFFFFFFF  }
0xb7: {  	_ =	strace $0x90000048  }
0xb8: {  	_ =	sfence  }
0xb9: {  	s30 =	sld [smem:$0x0];
	_ =	sdelay $0x2  }
0xba: {  	s31 =	sshll.u32 s1, $0xD;
	s1 =	sshrl.u32 s1, $0x2  }
0xbb: {  	s3 =	sand.u32 $0x4000, s31;
	s1 =	sadd.s32 s1, s30  }
0xbc: {  	s0 =	sor.u32 s3, s0;
	s1 =	sshll.u32 s1, $0x11  }
0xbd: {  	s0 =	sor.u32 s1, s0  }
0xbe: {  	s0 =	sadd.s32 $0x8F2B, s0  }
0xbf: {  	[sflag:s0] =	ssyncadd.remote.s32 $0x1  }
0xc0: {  	_ =	sfence.sel $0xFFFF  }
0xc1: {  	[dreg:$0x0] =	wrdreg $0xFFFFFFFF;
	(pc) =	sbr.abs _section_cstart, $3  }
0xc2: {  	[dreg:$0x1] =	wrdreg $0xFFFFFFFF  }
0xc3: {  	_ =	task.clear_ibuf [dreg:s7], $0x2FFFF;
	_ =	strace $0x9FFFFFFF  }
0xc4: {  	(tm) =	ssettm $0x7FFFFFFF  }
0xc5: {  	_ =	shalt  }
tec
execute0_lowered:
.L_overlay_start_1:
0x0: {  	(tag) =	ssettag $0x1  }
0x1: {  	s1 =	rddreg [dreg:$0x0]  }
0x2: {  	s0 =	rddreg [dreg:$0x1];
	s2 =	srdreg.scid  }
0x3: {  	s3 =	rddreg [dreg:$0x2];
	s8 =	sand.u32 $0x1, s2  }
0x4: {  	s2 =	stileid.u32;
	s9 =	smul.u32 $0x28000, s8  }
0x5: {  	s4 =	rddreg [dreg:$0x3];
	s10 =	smul.u32 $0x2800, s2  }
0x6: {  	s5 =	simm.s32 $0x0;
	s28 =	simm.s32 $0x20;
	s11 =	smul.u32 $0x140000, s8  }
0x7: {  	s29 =	simm.s32 $0x10;
	s30 =	simm.s32 $0x0;
	s12 =	smul.u32 $0x14000, s2  }
0x8: {  	[smem:$0x7FF] =	sst s5;
	s6 =	sadd.s32 $0x2400, s1;
	s20 =	smul.u32 $0x500, s2  }
0x9: {  	s7 =	sadd.s32 $0x2A400, s1;
	_ =	strace $0x80000047;
	s24 =	smul.u32 $0x50000, s2  }
0xa: {  	s23 =	sshll.u32 s8, $0x7;
	s8 =	ssub.s32 $0x2, s8;
	s15 =	smul.u32 $0xA00, s2  }
0xb: {  	s26 =	sshrl.u32 s8, $0x1;
	s9 =	sadd.s32 s10, s9;
	s19 =	sadd.s32 s12, s11  }
0xc: {  	s10 =	sor.u32 s23, s20;
	s18 =	ssub.s32 s8, s26;
	s31 =	sshrl.u32 s24, $0x2  }
0xd: {  	s15 =	sshrl.u32 s15, $0x2;
	s23 =	simm.s32 $0x80;
	s24 =	simm.s32 $0x5000  }
0xe: {  	s26 =	simm.s32 $0x5100;
	s9 =	sshrl.u32 s9, $0x3;
	s22 =	sshrl.u32 s19, $0x3  }
0xf: {  	s25 =	sshrl.u32 s10, $0x3;
	s15 =	sadd.s32 s15, s4;
	s18 =	smax.u32 s18, $0x1  }
0x10: {  	s19 =	simm.s32 $0x1;
	s21 =	sadd.s32 s9, s1;
	s16 =	sadd.s32 s22, s1  }
0x11: {  	s1 =	sadd.s32 s25, s1;
	s9 =	sadd.s32 s31, s3;
	s25 =	simm.s32 $0x5080  }
0x12: {  	s8 =	sadd.s32 $0x2AA00, s21;
	s10 =	sadd.s32 $0x34A00, s21;
	s11 =	sadd.s32 $0x4000, s9  }
0x13: {  	s12 =	sadd.s32 $0x8000, s9;
	s13 =	sadd.s32 $0xC000, s9;
	s14 =	sadd.s32 $0x10000, s9  }
0x14: {  	v0 =	vimm.f32 $0.0e+00;
	s16 =	sadd.s32 $0x3F400, s16;
	s17 =	sadd.s32 $0x3EA00, s1;
	s21 =	simm.s32 $0x5180  }
.LBB2_1:
0x15: {  	[tilespmem:s5], [sflag:$0x1] =	stream.linear.gather [hbm4b:s8+s5], $0x2800, $0x38;
	[tilespmem:$0x1D680] =	vst v63  }
0x16: {  	_ =	swait.ge [sflag:s19], $0x2800  }
0x17: {  	[sflag:s19] =	ssyncset.done $0x0  }
0x18: {  	s1 =	simm.s32 $0x2800;
	[sflag:s19] =	ssyncadd.s32 $0xFFFFD800  }
0x19: {  	[tilespmem:s1], [sflag:$0x1] =	stream.linear.gather [hbm4b:s10+s5], $0x2800, $0x38;
	[tilespmem:$0x1D680] =	vst v63  }
0x1a: {  	_ =	swait.ge [sflag:s19], $0x2800  }
0x1b: {  	[sflag:s19] =	ssyncset.done $0x0  }
0x1c: {  	s20 =	simm.s32 $0x200;
	s1 =	simm.s32 $0x0;
	[sflag:s19] =	ssyncadd.s32 $0xFFFFD800  }
.LBB2_2:
0x1d: {  	p0 =	sne.s32 s20, $0xFE00;
	[tilespmem:s1+$0x51F0] =	vst v0  }
0x1e: {  	[tilespmem:s1+$0x5180] =	vst v0  }
0x1f: {  	[tilespmem:s1+$0x5190] =	vst v0  }
.Ltmp0:
0x20: {  	[tilespmem:s1+$0x51A0] =	vst v0;
	(pc) =	sbr.rel @p0 .LBB2_2-.Ltmp0, $4  }
0x21: {  	[tilespmem:s1+$0x51B0] =	vst v0  }
0x22: {  	[tilespmem:s1+$0x51C0] =	vst v0  }
0x23: {  	[tilespmem:s1+$0x51D0] =	vst v0  }
0x24: {  	[tilespmem:s1+$0x51E0] =	vst v0;
	s1 =	sshra.s32 s20, $0x2;
	s20 =	sadd.s32 $0x200, s20  }
0x25: {  	[tilespmem:s1+$0x51F0] =	vst v0  }
0x26: {  	[tilespmem:s1+$0x5180] =	vst v0  }
0x27: {  	[tilespmem:s1+$0x5190] =	vst v0  }
0x28: {  	[tilespmem:s1+$0x51A0] =	vst v0  }
0x29: {  	[tilespmem:s1+$0x51B0] =	vst v0  }
0x2a: {  	[tilespmem:s1+$0x51C0] =	vst v0  }
0x2b: {  	[tilespmem:s1+$0x51D0] =	vst v0  }
0x2c: {  	[tilespmem:s1+$0x51E0] =	vst v0  }
0x2d: {  	[spmem:s9] =	stream.linear.scatter [tilespmem:s21], [sflag:$0x1], $0x4000, $0x38;
	[tilespmem:$0x1D680] =	vst v63  }
0x2e: {  	_ =	swait.ge [sflag:s19], $0x4000  }
0x2f: {  	[sflag:s19] =	ssyncset.done $0x0  }
0x30: {  	[sflag:s19] =	ssyncadd.s32 $0xFFFFC000  }
0x31: {  	[spmem:s11] =	stream.linear.scatter [tilespmem:s21], [sflag:$0x1], $0x4000, $0x38;
	[tilespmem:$0x1D680] =	vst v63  }
0x32: {  	_ =	swait.ge [sflag:s19], $0x4000  }
0x33: {  	[sflag:s19] =	ssyncset.done $0x0  }
0x34: {  	[sflag:s19] =	ssyncadd.s32 $0xFFFFC000  }
0x35: {  	[spmem:s12] =	stream.linear.scatter [tilespmem:s21], [sflag:$0x1], $0x4000, $0x38;
	[tilespmem:$0x1D680] =	vst v63  }
0x36: {  	_ =	swait.ge [sflag:s19], $0x4000  }
0x37: {  	[sflag:s19] =	ssyncset.done $0x0  }
0x38: {  	[sflag:s19] =	ssyncadd.s32 $0xFFFFC000  }
0x39: {  	[spmem:s13] =	stream.linear.scatter [tilespmem:s21], [sflag:$0x1], $0x4000, $0x38;
	[tilespmem:$0x1D680] =	vst v63  }
0x3a: {  	_ =	swait.ge [sflag:s19], $0x4000  }
0x3b: {  	[sflag:s19] =	ssyncset.done $0x0  }
0x3c: {  	[sflag:s19] =	ssyncadd.s32 $0xFFFFC000  }
0x3d: {  	[spmem:s14] =	stream.linear.scatter [tilespmem:s21], [sflag:$0x1], $0x4000, $0x38;
	[tilespmem:$0x1D680] =	vst v63  }
0x3e: {  	_ =	swait.ge [sflag:s19], $0x4000  }
0x3f: {  	[sflag:s19] =	ssyncset.done $0x0  }
0x40: {  	[sflag:s19] =	ssyncadd.s32 $0xFFFFC000  }
0x41: {  	[tilespmem:$0x9180] =	vst v0  }
0x42: {  	[tilespmem:$0x9190] =	vst v0  }
0x43: {  	[tilespmem:$0x91A0] =	vst v0  }
0x44: {  	[tilespmem:$0x91B0] =	vst v0  }
0x45: {  	[tilespmem:$0x91C0] =	vst v0  }
0x46: {  	[tilespmem:$0x91D0] =	vst v0  }
0x47: {  	[tilespmem:$0x91E0] =	vst v0  }
0x48: {  	[tilespmem:$0x91F0] =	vst v0  }
0x49: {  	[tilespmem:$0x9200] =	vst v0  }
0x4a: {  	[tilespmem:$0x9210] =	vst v0  }
0x4b: {  	[tilespmem:$0x9220] =	vst v0  }
0x4c: {  	[tilespmem:$0x9230] =	vst v0  }
0x4d: {  	[tilespmem:$0x9240] =	vst v0  }
0x4e: {  	[tilespmem:$0x9250] =	vst v0  }
0x4f: {  	[tilespmem:$0x9260] =	vst v0  }
0x50: {  	[tilespmem:$0x9270] =	vst v0  }
0x51: {  	[tilespmem:$0x9280] =	vst v0  }
0x52: {  	[tilespmem:$0x9290] =	vst v0  }
0x53: {  	[tilespmem:$0x92A0] =	vst v0  }
0x54: {  	[tilespmem:$0x92B0] =	vst v0  }
0x55: {  	[tilespmem:$0x92C0] =	vst v0  }
0x56: {  	[tilespmem:$0x92D0] =	vst v0  }
0x57: {  	[tilespmem:$0x92E0] =	vst v0  }
0x58: {  	[tilespmem:$0x92F0] =	vst v0  }
0x59: {  	[tilespmem:$0x9300] =	vst v0  }
0x5a: {  	[tilespmem:$0x9310] =	vst v0  }
0x5b: {  	[tilespmem:$0x9320] =	vst v0  }
0x5c: {  	[tilespmem:$0x9330] =	vst v0  }
0x5d: {  	[tilespmem:$0x9340] =	vst v0  }
0x5e: {  	[tilespmem:$0x9350] =	vst v0  }
0x5f: {  	[tilespmem:$0x9360] =	vst v0  }
0x60: {  	[tilespmem:$0x9370] =	vst v0  }
0x61: {  	[tilespmem:$0x9380] =	vst v0  }
0x62: {  	[tilespmem:$0x9390] =	vst v0  }
0x63: {  	[tilespmem:$0x93A0] =	vst v0  }
0x64: {  	[tilespmem:$0x93B0] =	vst v0  }
0x65: {  	[tilespmem:$0x93C0] =	vst v0  }
0x66: {  	[tilespmem:$0x93D0] =	vst v0  }
0x67: {  	[tilespmem:$0x93E0] =	vst v0  }
0x68: {  	s22 =	simm.s32 $0x9180;
	[tilespmem:$0x93F0] =	vst v0  }
0x69: {  	[spmem:s15] =	stream.linear.scatter [tilespmem:s22], [sflag:$0x1], $0x280, $0x38;
	[tilespmem:$0x1D680] =	vst v63  }
0x6a: {  	_ =	swait.ge [sflag:s19], $0x280  }
0x6b: {  	[sflag:s19] =	ssyncset.done $0x0  }
0x6c: {  	[sflag:s19] =	ssyncadd.s32 $0xFFFFFD80  }
0x6d: {  	s31 =	simm.s32 $0x0;
	[bflag:$0x0] =	sbarrier.arrive $0xFFFF  }
.LBB2_4:
0x6e: {  	s20 =	sshll.u32 s31, $0x7  }
0x6f: {  	[tilespmem:s24], [sflag:$0x1] =	stream.indirect.gather [hbm4b:s7+s23], $0x1, s20, s23, $0xb8;
	[tilespmem:$0x1D680] =	vst v63  }
0x70: {  	_ =	swait.ge [sflag:s19], $0x80  }
0x71: {  	[sflag:s19] =	ssyncset.done $0x0  }
0x72: {  	s1 =	sadd.s32 $0x2800, s20;
	[sflag:s19] =	ssyncadd.s32 $0xFFFFFF80  }
0x73: {  	[tilespmem:s25], [sflag:$0x1] =	stream.indirect.gather [hbm4b:s0+s23], $0x1, s1, s23, $0xb8;
	[tilespmem:$0x1D680] =	vst v63  }
0x74: {  	_ =	swait.ge [sflag:s19], $0x80  }
0x75: {  	[sflag:s19] =	ssyncset.done $0x0  }
0x76: {  	[sflag:s19] =	ssyncadd.s32 $0xFFFFFF80  }
0x77: {  	v1 =	vld [tilespmem:$0x5000]  }
0x78: {  	v2 =	vld [tilespmem:$0x5080]  }
0x79: {  	v3 =	vld [tilespmem:$0x5010]  }
0x7a: {  	v4 =	vld [tilespmem:$0x5090]  }
0x7b: {  	v5 =	vld [tilespmem:$0x5020]  }
0x7c: {  	v6 =	vld [tilespmem:$0x50A0]  }
0x7d: {  	v7 =	vld [tilespmem:$0x50B0];
	v1 =	vadd.f32 v2, v1  }
0x7e: {  	v2 =	vld [tilespmem:$0x5030]  }
0x7f: {  	v9 =	vld [tilespmem:$0x5040];
	v8 =	vmul.f32 $2.000000030e-01, v1  }
0x80: {  	v10 =	vld [tilespmem:$0x50C0];
	vm0 =	vgt.f32 v1, $0.0e+00  }
0x81: {  	v55 =	vld [tilespmem:$0x5050];
	v3 =	vadd.f32 v4, v3;
	v1 =	vsel vm0, v1, v8  }
0x82: {  	v56 =	vld [tilespmem:$0x50D0];
	v5 =	vadd.f32 v6, v5;
	v1 =	vmul.f32 $1.442695020e+00, v1  }
0x83: {  	v58 =	vld [tilespmem:$0x5060];
	v57 =	vmul.f32 $2.000000030e-01, v3;
	v2 =	vadd.f32 v7, v2  }
0x84: {  	v11 =	vld [tilespmem:$0x50E0];
	vm9 =	vgt.f32 v3, $0.0e+00;
	(erf) = vpow2.f32 v1;
	v1 =	vmul.f32 $2.000000030e-01, v5  }
0x85: {  	v12 =	vld [tilespmem:$0x5070];
	vm10 =	vgt.f32 v5, $0.0e+00;
	v3 =	vsel vm9, v3, v57;
	v59 =	vmul.f32 $2.000000030e-01, v2  }
0x86: {  	v60 =	vld [tilespmem:$0x50F0];
	v3 =	vmul.f32 $1.442695020e+00, v3;
	vm11 =	vgt.f32 v2, $0.0e+00;
	v1 =	vsel vm10, v5, v1  }
0x87: {  	v61 =	vadd.f32 v10, v9;
	v2 =	vsel vm11, v2, v59;
	v1 =	vmul.f32 $1.442695020e+00, v1  }
0x88: {  	(erf) = vpow2.f32 v3;
	v2 =	vmul.f32 $1.442695020e+00, v2  }
0x89: {  	v3 =	vmul.f32 $2.000000030e-01, v61;
	(erf) = vpow2.f32 v1;
	v1 =	vadd.f32 v56, v55  }
0x8a: {  	vm12 =	vgt.f32 v61, $0.0e+00;
	(erf) = vpow2.f32 v2;
	v2 =	vadd.f32 v11, v58  }
0x8b: {  	v5 =	vadd.f32 v60, v12;
	v3 =	vsel vm12, v61, v3;
	v4 =	vmul.f32 $2.000000030e-01, v1  }
0x8c: {  	v3 =	vmul.f32 $1.442695020e+00, v3;
	vm13 =	vgt.f32 v1, $0.0e+00;
	v62 =	vmul.f32 $2.000000030e-01, v2  }
0x8d: {  	v63 =	vmul.f32 $2.000000030e-01, v5;
	vm14 =	vgt.f32 v2, $0.0e+00;
	v1 =	vsel vm13, v1, v4  }
0x8e: {  	vm15 =	vgt.f32 v5, $0.0e+00;
	v2 =	vsel vm14, v2, v62;
	v1 =	vmul.f32 $1.442695020e+00, v1  }
0x8f: {  	(erf) = vpow2.f32 v3;
	v3 =	vsel vm15, v5, v63;
	v2 =	vmul.f32 $1.442695020e+00, v2  }
0x90: {  	(erf) = vpow2.f32 v1;
	v1 =	vmul.f32 $1.442695020e+00, v3  }
0x91: {  	(erf) = vpow2.f32 v2  }
0x92: {  	(erf) = vpow2.f32 v1;
	_ =	sdelay $0x1  }
0x93: {  	v1 =	vpop (erf)  }
0x94: {  	v2 =	vpop (erf);
	[tilespmem:$0x5100] =	vst v1  }
0x95: {  	v1 =	vpop (erf);
	[tilespmem:$0x5110] =	vst v2  }
0x96: {  	v2 =	vpop (erf);
	[tilespmem:$0x5120] =	vst v1  }
0x97: {  	v1 =	vpop (erf);
	[tilespmem:$0x5130] =	vst v2  }
0x98: {  	v2 =	vpop (erf);
	[tilespmem:$0x5140] =	vst v1  }
0x99: {  	v1 =	vpop (erf);
	[tilespmem:$0x5150] =	vst v2  }
0x9a: {  	[tilespmem:$0x5160] =	vst v1;
	v1 =	vpop (erf)  }
0x9b: {  	[tilespmem:$0x5170] =	vst v1  }
0x9c: {  	[spmem:s4] =	stream.indirect.scatter.add.f32 [tilespmem:s26], [sflag:$0x1], $0x1, s1, s23, $0xb8;
	[tilespmem:$0x1D680] =	vst v63  }
0x9d: {  	_ =	swait.ge [sflag:s19], $0x80  }
0x9e: {  	[sflag:s19] =	ssyncset.done $0x0  }
0x9f: {  	[sflag:s19] =	ssyncadd.s32 $0xFFFFFF80  }
0xa0: {  	[tilespmem:s21], [sflag:$0x1] =	stream.indirect.gather [hbm4b:s6+s23], $0x80, s20, s23, $0xb8;
	[tilespmem:$0x1D680] =	vst v63  }
0xa1: {  	_ =	swait.ge [sflag:s19], $0x4000  }
0xa2: {  	[sflag:s19] =	ssyncset.done $0x0  }
0xa3: {  	s20 =	simm.s32 $0x0;
	[sflag:s19] =	ssyncadd.s32 $0xFFFFC000  }
.LBB2_5:
0xa4: {  	s22 =	sshll.u32 s20, $0x4  }
0xa5: {  	s22 =	sand.u32 $0x3FFFFFF0, s22  }
0xa6: {  	v1 =	vld [tilespmem:s22+$0x5100];
	s22 =	sshll.u32 s20, $0xB  }
0xa7: {  	s22 =	sand.u32 $0x3FFFF800, s22  }
0xa8: {  	v2 =	vld [tilespmem:s22+$0x5180]  }
0xa9: {  	v3 =	vld [tilespmem:s22+$0x5190]  }
0xaa: {  	v4 =	vld [tilespmem:s22+$0x51A0]  }
0xab: {  	v6 =	vld [tilespmem:s22+$0x51B0];
	v5 =	vbroadcast v1, $0x0  }
0xac: {  	v7 =	vld [tilespmem:s22+$0x51C0]  }
0xad: {  	v8 =	vld [tilespmem:s22+$0x51D0];
	v2 =	vmul.f32 v5, v2  }
0xae: {  	v9 =	vld [tilespmem:s22+$0x51E0];
	v3 =	vmul.f32 v3, v5  }
0xaf: {  	v34 =	vld [tilespmem:s22+$0x51F0];
	[tilespmem:s22+$0x5180] =	vst v2;
	v2 =	vmul.f32 v4, v5  }
0xb0: {  	v35 =	vld [tilespmem:s22+$0x5200];
	[tilespmem:s22+$0x5190] =	vst v3;
	v3 =	vmul.f32 v6, v5  }
0xb1: {  	v36 =	vld [tilespmem:s22+$0x5210];
	[tilespmem:s22+$0x51A0] =	vst v2;
	v2 =	vmul.f32 v7, v5  }
0xb2: {  	v37 =	vld [tilespmem:s22+$0x5220];
	[tilespmem:s22+$0x51B0] =	vst v3;
	v3 =	vmul.f32 v8, v5  }
0xb3: {  	v10 =	vld [tilespmem:s22+$0x5230];
	v38 =	vbroadcast v1, $0x1;
	[tilespmem:s22+$0x51C0] =	vst v2;
	v2 =	vmul.f32 v9, v5  }
0xb4: {  	v39 =	vld [tilespmem:s22+$0x5240];
	[tilespmem:s22+$0x51D0] =	vst v3;
	v3 =	vmul.f32 v34, v5  }
0xb5: {  	v40 =	vld [tilespmem:s22+$0x5250];
	[tilespmem:s22+$0x51E0] =	vst v2;
	v2 =	vmul.f32 v35, v38  }
0xb6: {  	v41 =	vld [tilespmem:s22+$0x5260];
	[tilespmem:s22+$0x51F0] =	vst v3;
	v3 =	vmul.f32 v36, v38  }
0xb7: {  	v42 =	vld [tilespmem:s22+$0x5270];
	[tilespmem:s22+$0x5200] =	vst v2;
	v2 =	vmul.f32 v37, v38  }
0xb8: {  	v43 =	vld [tilespmem:s22+$0x5280];
	[tilespmem:s22+$0x5210] =	vst v3;
	v3 =	vmul.f32 v10, v38  }
0xb9: {  	v44 =	vld [tilespmem:s22+$0x5290];
	[tilespmem:s22+$0x5220] =	vst v2;
	v2 =	vmul.f32 v39, v38  }
0xba: {  	v45 =	vld [tilespmem:s22+$0x52A0];
	[tilespmem:s22+$0x5230] =	vst v3;
	v3 =	vmul.f32 v40, v38  }
0xbb: {  	v47 =	vld [tilespmem:s22+$0x52B0];
	v46 =	vbroadcast v1, $0x2;
	[tilespmem:s22+$0x5240] =	vst v2;
	v2 =	vmul.f32 v41, v38  }
0xbc: {  	v48 =	vld [tilespmem:s22+$0x52C0];
	[tilespmem:s22+$0x5250] =	vst v3;
	v3 =	vmul.f32 v42, v38  }
0xbd: {  	v49 =	vld [tilespmem:s22+$0x52D0];
	[tilespmem:s22+$0x5260] =	vst v2;
	v2 =	vmul.f32 v43, v46  }
0xbe: {  	v50 =	vld [tilespmem:s22+$0x52E0];
	[tilespmem:s22+$0x5270] =	vst v3;
	v3 =	vmul.f32 v44, v46  }
0xbf: {  	v51 =	vld [tilespmem:s22+$0x52F0];
	[tilespmem:s22+$0x5280] =	vst v2;
	v2 =	vmul.f32 v45, v46  }
0xc0: {  	v52 =	vld [tilespmem:s22+$0x5300];
	[tilespmem:s22+$0x5290] =	vst v3;
	v3 =	vmul.f32 v47, v46  }
0xc1: {  	v53 =	vld [tilespmem:s22+$0x5310];
	[tilespmem:s22+$0x52A0] =	vst v2;
	v2 =	vmul.f32 v48, v46  }
0xc2: {  	v54 =	vld [tilespmem:s22+$0x5320];
	[tilespmem:s22+$0x52B0] =	vst v3;
	v3 =	vmul.f32 v49, v46  }
0xc3: {  	v56 =	vld [tilespmem:s22+$0x5330];
	v55 =	vbroadcast v1, $0x3;
	[tilespmem:s22+$0x52C0] =	vst v2;
	v2 =	vmul.f32 v50, v46  }
0xc4: {  	v57 =	vld [tilespmem:s22+$0x5340];
	[tilespmem:s22+$0x52D0] =	vst v3;
	v3 =	vmul.f32 v51, v46  }
0xc5: {  	v58 =	vld [tilespmem:s22+$0x5350];
	[tilespmem:s22+$0x52E0] =	vst v2;
	v2 =	vmul.f32 v52, v55  }
0xc6: {  	v59 =	vld [tilespmem:s22+$0x5360];
	[tilespmem:s22+$0x52F0] =	vst v3;
	v3 =	vmul.f32 v53, v55  }
0xc7: {  	v60 =	vld [tilespmem:s22+$0x5370];
	[tilespmem:s22+$0x5300] =	vst v2;
	v2 =	vmul.f32 v54, v55  }
0xc8: {  	v61 =	vld [tilespmem:s22+$0x5380];
	[tilespmem:s22+$0x5310] =	vst v3;
	v3 =	vmul.f32 v56, v55  }
0xc9: {  	v62 =	vld [tilespmem:s22+$0x5390];
	[tilespmem:s22+$0x5320] =	vst v2;
	v2 =	vmul.f32 v57, v55  }
0xca: {  	v63 =	vld [tilespmem:s22+$0x53A0];
	[tilespmem:s22+$0x5330] =	vst v3;
	v3 =	vmul.f32 v58, v55  }
0xcb: {  	v13 =	vld [tilespmem:s22+$0x53B0];
	v12 =	vbroadcast v1, $0x4;
	[tilespmem:s22+$0x5340] =	vst v2;
	v2 =	vmul.f32 v59, v55  }
0xcc: {  	v14 =	vld [tilespmem:s22+$0x53C0];
	[tilespmem:s22+$0x5350] =	vst v3;
	v3 =	vmul.f32 v60, v55  }
0xcd: {  	v15 =	vld [tilespmem:s22+$0x53D0];
	[tilespmem:s22+$0x5360] =	vst v2;
	v2 =	vmul.f32 v61, v12  }
0xce: {  	v16 =	vld [tilespmem:s22+$0x53E0];
	[tilespmem:s22+$0x5370] =	vst v3;
	v3 =	vmul.f32 v62, v12  }
0xcf: {  	v17 =	vld [tilespmem:s22+$0x53F0];
	[tilespmem:s22+$0x5380] =	vst v2;
	v2 =	vmul.f32 v63, v12  }
0xd0: {  	v18 =	vld [tilespmem:s22+$0x5400];
	[tilespmem:s22+$0x5390] =	vst v3;
	v3 =	vmul.f32 v13, v12  }
0xd1: {  	v19 =	vld [tilespmem:s22+$0x5410];
	[tilespmem:s22+$0x53A0] =	vst v2;
	v2 =	vmul.f32 v14, v12  }
0xd2: {  	v20 =	vld [tilespmem:s22+$0x5420];
	[tilespmem:s22+$0x53B0] =	vst v3;
	v3 =	vmul.f32 v15, v12  }
0xd3: {  	v22 =	vld [tilespmem:s22+$0x5430];
	v21 =	vbroadcast v1, $0x5;
	[tilespmem:s22+$0x53C0] =	vst v2;
	v2 =	vmul.f32 v16, v12  }
0xd4: {  	v23 =	vld [tilespmem:s22+$0x5440];
	[tilespmem:s22+$0x53D0] =	vst v3;
	v3 =	vmul.f32 v17, v12  }
0xd5: {  	v24 =	vld [tilespmem:s22+$0x5450];
	[tilespmem:s22+$0x53E0] =	vst v2;
	v2 =	vmul.f32 v18, v21  }
0xd6: {  	v25 =	vld [tilespmem:s22+$0x5460];
	[tilespmem:s22+$0x53F0] =	vst v3;
	v3 =	vmul.f32 v19, v21  }
0xd7: {  	v26 =	vld [tilespmem:s22+$0x5470];
	[tilespmem:s22+$0x5400] =	vst v2;
	v2 =	vmul.f32 v20, v21  }
0xd8: {  	v27 =	vld [tilespmem:s22+$0x5480];
	[tilespmem:s22+$0x5410] =	vst v3;
	v3 =	vmul.f32 v22, v21  }
0xd9: {  	v28 =	vld [tilespmem:s22+$0x5490];
	[tilespmem:s22+$0x5420] =	vst v2;
	v2 =	vmul.f32 v23, v21  }
0xda: {  	v29 =	vld [tilespmem:s22+$0x54A0];
	[tilespmem:s22+$0x5430] =	vst v3;
	v3 =	vmul.f32 v24, v21  }
0xdb: {  	v31 =	vld [tilespmem:s22+$0x54B0];
	v30 =	vbroadcast v1, $0x6;
	[tilespmem:s22+$0x5440] =	vst v2;
	v2 =	vmul.f32 v25, v21  }
0xdc: {  	v32 =	vld [tilespmem:s22+$0x54C0];
	[tilespmem:s22+$0x5450] =	vst v3;
	v3 =	vmul.f32 v26, v21  }
0xdd: {  	v33 =	vld [tilespmem:s22+$0x54D0];
	[tilespmem:s22+$0x5460] =	vst v2;
	v2 =	vmul.f32 v27, v30  }
0xde: {  	v34 =	vld [tilespmem:s22+$0x54E0];
	[tilespmem:s22+$0x5470] =	vst v3;
	v3 =	vmul.f32 v28, v30  }
0xdf: {  	v35 =	vld [tilespmem:s22+$0x54F0];
	[tilespmem:s22+$0x5480] =	vst v2;
	v2 =	vmul.f32 v29, v30  }
0xe0: {  	v36 =	vld [tilespmem:s22+$0x5500];
	[tilespmem:s22+$0x5490] =	vst v3;
	v3 =	vmul.f32 v31, v30  }
0xe1: {  	v37 =	vld [tilespmem:s22+$0x5510];
	[tilespmem:s22+$0x54A0] =	vst v2;
	v2 =	vmul.f32 v32, v30  }
0xe2: {  	v38 =	vld [tilespmem:s22+$0x5520];
	[tilespmem:s22+$0x54B0] =	vst v3;
	v3 =	vmul.f32 v33, v30  }
0xe3: {  	v39 =	vbroadcast v1, $0x7;
	v40 =	vld [tilespmem:s22+$0x5530];
	[tilespmem:s22+$0x54C0] =	vst v2;
	v2 =	vmul.f32 v34, v30  }
0xe4: {  	v41 =	vld [tilespmem:s22+$0x5540];
	[tilespmem:s22+$0x54D0] =	vst v3;
	v3 =	vmul.f32 v35, v30  }
0xe5: {  	v42 =	vld [tilespmem:s22+$0x5550];
	[tilespmem:s22+$0x54E0] =	vst v2;
	v2 =	vmul.f32 v36, v39  }
0xe6: {  	v43 =	vld [tilespmem:s22+$0x5560];
	[tilespmem:s22+$0x54F0] =	vst v3;
	v3 =	vmul.f32 v37, v39  }
0xe7: {  	v44 =	vld [tilespmem:s22+$0x5570];
	[tilespmem:s22+$0x5500] =	vst v2;
	v2 =	vmul.f32 v38, v39  }
0xe8: {  	v45 =	vld [tilespmem:s22+$0x5580];
	[tilespmem:s22+$0x5510] =	vst v3;
	v3 =	vmul.f32 v40, v39  }
0xe9: {  	v46 =	vld [tilespmem:s22+$0x5590];
	[tilespmem:s22+$0x5520] =	vst v2;
	v2 =	vmul.f32 v41, v39  }
0xea: {  	v47 =	vld [tilespmem:s22+$0x55A0];
	[tilespmem:s22+$0x5530] =	vst v3;
	v3 =	vmul.f32 v42, v39  }
0xeb: {  	v48 =	vbroadcast v1, $0x8;
	v49 =	vld [tilespmem:s22+$0x55B0];
	[tilespmem:s22+$0x5540] =	vst v2;
	v2 =	vmul.f32 v43, v39  }
0xec: {  	v50 =	vld [tilespmem:s22+$0x55C0];
	[tilespmem:s22+$0x5550] =	vst v3;
	v3 =	vmul.f32 v44, v39  }
0xed: {  	v51 =	vld [tilespmem:s22+$0x55D0];
	[tilespmem:s22+$0x5560] =	vst v2;
	v2 =	vmul.f32 v45, v48  }
0xee: {  	v52 =	vld [tilespmem:s22+$0x55E0];
	[tilespmem:s22+$0x5570] =	vst v3;
	v3 =	vmul.f32 v46, v48  }
0xef: {  	v53 =	vld [tilespmem:s22+$0x55F0];
	[tilespmem:s22+$0x5580] =	vst v2;
	v2 =	vmul.f32 v47, v48  }
0xf0: {  	v54 =	vld [tilespmem:s22+$0x5600];
	[tilespmem:s22+$0x5590] =	vst v3;
	v3 =	vmul.f32 v49, v48  }
0xf1: {  	v55 =	vld [tilespmem:s22+$0x5610];
	[tilespmem:s22+$0x55A0] =	vst v2;
	v2 =	vmul.f32 v50, v48  }
0xf2: {  	v56 =	vld [tilespmem:s22+$0x5620];
	[tilespmem:s22+$0x55B0] =	vst v3;
	v3 =	vmul.f32 v51, v48  }
0xf3: {  	v57 =	vbroadcast v1, $0x9;
	v58 =	vld [tilespmem:s22+$0x5630];
	[tilespmem:s22+$0x55C0] =	vst v2;
	v2 =	vmul.f32 v52, v48  }
0xf4: {  	v59 =	vld [tilespmem:s22+$0x5640];
	[tilespmem:s22+$0x55D0] =	vst v3;
	v3 =	vmul.f32 v53, v48  }
0xf5: {  	v60 =	vld [tilespmem:s22+$0x5650];
	[tilespmem:s22+$0x55E0] =	vst v2;
	v2 =	vmul.f32 v54, v57  }
0xf6: {  	v61 =	vld [tilespmem:s22+$0x5660];
	[tilespmem:s22+$0x55F0] =	vst v3;
	v3 =	vmul.f32 v55, v57  }
0xf7: {  	v62 =	vld [tilespmem:s22+$0x5670];
	[tilespmem:s22+$0x5600] =	vst v2;
	v2 =	vmul.f32 v56, v57  }
0xf8: {  	v63 =	vld [tilespmem:s22+$0x5680];
	[tilespmem:s22+$0x5610] =	vst v3;
	v3 =	vmul.f32 v58, v57  }
0xf9: {  	v12 =	vld [tilespmem:s22+$0x5690];
	[tilespmem:s22+$0x5620] =	vst v2;
	v2 =	vmul.f32 v59, v57  }
0xfa: {  	v13 =	vld [tilespmem:s22+$0x56A0];
	[tilespmem:s22+$0x5630] =	vst v3;
	v3 =	vmul.f32 v60, v57  }
0xfb: {  	v14 =	vbroadcast v1, $0xA;
	v15 =	vld [tilespmem:s22+$0x56B0];
	[tilespmem:s22+$0x5640] =	vst v2;
	v2 =	vmul.f32 v61, v57  }
0xfc: {  	v16 =	vld [tilespmem:s22+$0x56C0];
	[tilespmem:s22+$0x5650] =	vst v3;
	v3 =	vmul.f32 v62, v57  }
0xfd: {  	v17 =	vld [tilespmem:s22+$0x56D0];
	[tilespmem:s22+$0x5660] =	vst v2;
	v2 =	vmul.f32 v63, v14  }
0xfe: {  	v18 =	vld [tilespmem:s22+$0x56E0];
	[tilespmem:s22+$0x5670] =	vst v3;
	v3 =	vmul.f32 v12, v14  }
0xff: {  	v19 =	vld [tilespmem:s22+$0x56F0];
	[tilespmem:s22+$0x5680] =	vst v2;
	v2 =	vmul.f32 v13, v14  }
0x100: {  	v20 =	vld [tilespmem:s22+$0x5700];
	[tilespmem:s22+$0x5690] =	vst v3;
	v3 =	vmul.f32 v15, v14  }
0x101: {  	v21 =	vld [tilespmem:s22+$0x5710];
	[tilespmem:s22+$0x56A0] =	vst v2;
	v2 =	vmul.f32 v16, v14  }
0x102: {  	v22 =	vld [tilespmem:s22+$0x5720];
	[tilespmem:s22+$0x56B0] =	vst v3;
	v3 =	vmul.f32 v17, v14  }
0x103: {  	v23 =	vbroadcast v1, $0xB;
	v24 =	vld [tilespmem:s22+$0x5730];
	[tilespmem:s22+$0x56C0] =	vst v2;
	v2 =	vmul.f32 v18, v14  }
0x104: {  	v25 =	vld [tilespmem:s22+$0x5740];
	[tilespmem:s22+$0x56D0] =	vst v3;
	v3 =	vmul.f32 v19, v14  }
0x105: {  	v26 =	vld [tilespmem:s22+$0x5750];
	[tilespmem:s22+$0x56E0] =	vst v2;
	v2 =	vmul.f32 v20, v23  }
0x106: {  	v27 =	vld [tilespmem:s22+$0x5760];
	[tilespmem:s22+$0x56F0] =	vst v3;
	v3 =	vmul.f32 v21, v23  }
0x107: {  	v28 =	vld [tilespmem:s22+$0x5770];
	[tilespmem:s22+$0x5700] =	vst v2;
	v2 =	vmul.f32 v22, v23  }
0x108: {  	v29 =	vld [tilespmem:s22+$0x5780];
	[tilespmem:s22+$0x5710] =	vst v3;
	v3 =	vmul.f32 v24, v23  }
0x109: {  	v30 =	vld [tilespmem:s22+$0x5790];
	[tilespmem:s22+$0x5720] =	vst v2;
	v2 =	vmul.f32 v25, v23  }
0x10a: {  	v31 =	vld [tilespmem:s22+$0x57A0];
	[tilespmem:s22+$0x5730] =	vst v3;
	v3 =	vmul.f32 v26, v23  }
0x10b: {  	v32 =	vbroadcast v1, $0xC;
	v33 =	vld [tilespmem:s22+$0x57B0];
	[tilespmem:s22+$0x5740] =	vst v2;
	v2 =	vmul.f32 v27, v23  }
0x10c: {  	v34 =	vld [tilespmem:s22+$0x57C0];
	[tilespmem:s22+$0x5750] =	vst v3;
	v3 =	vmul.f32 v28, v23  }
0x10d: {  	v35 =	vld [tilespmem:s22+$0x57D0];
	[tilespmem:s22+$0x5760] =	vst v2;
	v2 =	vmul.f32 v29, v32  }
0x10e: {  	v36 =	vld [tilespmem:s22+$0x57E0];
	[tilespmem:s22+$0x5770] =	vst v3;
	v3 =	vmul.f32 v30, v32  }
0x10f: {  	v37 =	vld [tilespmem:s22+$0x57F0];
	[tilespmem:s22+$0x5780] =	vst v2;
	v2 =	vmul.f32 v31, v32  }
0x110: {  	v38 =	vld [tilespmem:s22+$0x5800];
	[tilespmem:s22+$0x5790] =	vst v3;
	v3 =	vmul.f32 v33, v32  }
0x111: {  	v39 =	vld [tilespmem:s22+$0x5810];
	[tilespmem:s22+$0x57A0] =	vst v2;
	v2 =	vmul.f32 v34, v32  }
0x112: {  	v40 =	vld [tilespmem:s22+$0x5820];
	[tilespmem:s22+$0x57B0] =	vst v3;
	v3 =	vmul.f32 v35, v32  }
0x113: {  	v41 =	vbroadcast v1, $0xD;
	v42 =	vld [tilespmem:s22+$0x5830];
	[tilespmem:s22+$0x57C0] =	vst v2;
	v2 =	vmul.f32 v36, v32  }
0x114: {  	v43 =	vld [tilespmem:s22+$0x5840];
	[tilespmem:s22+$0x57D0] =	vst v3;
	v3 =	vmul.f32 v37, v32  }
0x115: {  	v44 =	vld [tilespmem:s22+$0x5850];
	[tilespmem:s22+$0x57E0] =	vst v2;
	v2 =	vmul.f32 v38, v41  }
0x116: {  	v45 =	vld [tilespmem:s22+$0x5860];
	[tilespmem:s22+$0x57F0] =	vst v3;
	v3 =	vmul.f32 v39, v41  }
0x117: {  	v46 =	vld [tilespmem:s22+$0x5870];
	[tilespmem:s22+$0x5800] =	vst v2;
	v2 =	vmul.f32 v40, v41  }
0x118: {  	v47 =	vld [tilespmem:s22+$0x5880];
	[tilespmem:s22+$0x5810] =	vst v3;
	v3 =	vmul.f32 v42, v41  }
0x119: {  	v48 =	vld [tilespmem:s22+$0x5890];
	[tilespmem:s22+$0x5820] =	vst v2;
	v2 =	vmul.f32 v43, v41  }
0x11a: {  	v49 =	vld [tilespmem:s22+$0x58A0];
	[tilespmem:s22+$0x5830] =	vst v3;
	v3 =	vmul.f32 v44, v41  }
0x11b: {  	v50 =	vbroadcast v1, $0xE;
	v51 =	vld [tilespmem:s22+$0x58B0];
	[tilespmem:s22+$0x5840] =	vst v2;
	v2 =	vmul.f32 v45, v41  }
0x11c: {  	v52 =	vld [tilespmem:s22+$0x58C0];
	[tilespmem:s22+$0x5850] =	vst v3;
	v3 =	vmul.f32 v46, v41  }
0x11d: {  	v53 =	vld [tilespmem:s22+$0x58D0];
	[tilespmem:s22+$0x5860] =	vst v2;
	v2 =	vmul.f32 v47, v50  }
0x11e: {  	v54 =	vld [tilespmem:s22+$0x58E0];
	[tilespmem:s22+$0x5870] =	vst v3;
	v3 =	vmul.f32 v48, v50  }
0x11f: {  	v55 =	vld [tilespmem:s22+$0x58F0];
	[tilespmem:s22+$0x5880] =	vst v2;
	v2 =	vmul.f32 v49, v50  }
0x120: {  	v56 =	vld [tilespmem:s22+$0x5900];
	[tilespmem:s22+$0x5890] =	vst v3;
	v3 =	vmul.f32 v51, v50  }
0x121: {  	v57 =	vld [tilespmem:s22+$0x5910];
	[tilespmem:s22+$0x58A0] =	vst v2;
	v2 =	vmul.f32 v52, v50  }
0x122: {  	v58 =	vld [tilespmem:s22+$0x5920];
	[tilespmem:s22+$0x58B0] =	vst v3;
	v3 =	vmul.f32 v53, v50  }
0x123: {  	v1 =	vbroadcast v1, $0xF;
	v59 =	vld [tilespmem:s22+$0x5930];
	[tilespmem:s22+$0x58C0] =	vst v2;
	v2 =	vmul.f32 v54, v50  }
0x124: {  	v60 =	vld [tilespmem:s22+$0x5940];
	[tilespmem:s22+$0x58D0] =	vst v3;
	v3 =	vmul.f32 v55, v50  }
0x125: {  	v61 =	vld [tilespmem:s22+$0x5950];
	[tilespmem:s22+$0x58E0] =	vst v2;
	v2 =	vmul.f32 v56, v1  }
0x126: {  	v62 =	vld [tilespmem:s22+$0x5960];
	[tilespmem:s22+$0x58F0] =	vst v3;
	v3 =	vmul.f32 v57, v1  }
0x127: {  	v63 =	vld [tilespmem:s22+$0x5970];
	[tilespmem:s22+$0x5900] =	vst v2;
	v2 =	vmul.f32 v58, v1  }
0x128: {  	[tilespmem:s22+$0x5910] =	vst v3;
	v3 =	vmul.f32 v59, v1  }
0x129: {  	p0 =	sne.s32 s20, $0x7;
	[tilespmem:s22+$0x5920] =	vst v2;
	v2 =	vmul.f32 v60, v1  }
.Ltmp1:
0x12a: {  	[tilespmem:s22+$0x5930] =	vst v3;
	v3 =	vmul.f32 v61, v1;
	(pc) =	sbr.rel @p0 .LBB2_5-.Ltmp1, $4  }
0x12b: {  	[tilespmem:s22+$0x5940] =	vst v2;
	v2 =	vmul.f32 v62, v1  }
0x12c: {  	[tilespmem:s22+$0x5950] =	vst v3;
	v1 =	vmul.f32 v63, v1  }
0x12d: {  	[tilespmem:s22+$0x5960] =	vst v2  }
0x12e: {  	s20 =	sadd.s32 $0x1, s20;
	[tilespmem:s22+$0x5970] =	vst v1  }
0x12f: {  	s31 =	sadd.s32 $0x1, s31  }
0x130: {  	p0 =	sne.s32 s31, $0x50  }
.Ltmp2:
0x131: {  	_ = 	snop;
	(pc) =	sbr.rel @p0 .LBB2_4-.Ltmp2, $4  }
0x132: {  	[spmem:s3] =	stream.indirect.scatter.add.f32 [tilespmem:s21], [sflag:$0x1], $0x80, s1, s23, $0xb8;
	[tilespmem:$0x1D680] =	vst v63  }
0x133: {  	_ =	swait.ge [sflag:s19], $0x4000  }
0x134: {  	[sflag:s19] =	ssyncset.done $0x0  }
0x135: {  	[sflag:s19] =	ssyncadd.s32 $0xFFFFC000  }
0x136: {  	s1 =	sshll.u32 s2, $0x6  }
0x137: {  	[bflag:$0x0] =	sbarrier.arrive $0xFFFF;
	s20 =	sshrl.u32 s9, $0x3;
	s1 =	sor.u32 $0x1C01, s1  }
0x138: {  	[hbm:s16], [sflag:s1] =	dma.local [spmem:s20], $0x2800  }
0x139: {  	s30 =	sadd.s32 $0x1, s30;
	_ =	swait.ge [sflag:s19], $0x2800  }
0x13a: {  	p0 =	sne.s32 s30, s18;
	[sflag:s19] =	ssyncset.done $0x0  }
.Ltmp3:
0x13b: {  	s31 =	sshrl.u32 s15, $0x3;
	[sflag:s19] =	ssyncadd.s32 $0xFFFFD800;
	(pc) =	sbr.rel @p0 .LBB2_1-.Ltmp3, $4  }
0x13c: {  	[hbm:s17@s28], [sflag:s1] =	dma.strided [spmem:s31@s29], $0x50, s19, $0x10   }
0x13d: {  	_ =	swait.ge [sflag:s19], $0x50  }
0x13e: {  	[sflag:s19] =	ssyncset.done $0x0  }
0x13f: {  	[sflag:s19] =	ssyncadd.s32 $0xFFFFFFB0  }
0x140: {  	_ =	sfence.sel $0x180000  }
0x141: {  	[bflag:$0x0] =	sbarrier.arrive $0xFFFF  }
0x142: {  	_ =	strace $0x90000047  }
0x143: {  	[bflag:$0x2] =	sbarrier.arrive $0xFFFF  }
0x144: {  	p0 =	sne.s32 s2, $0x0;
	s0 =	rddreg [dreg:$0x4]  }
0x145: {  	s0 =	sadd.s32 @!p0 $0x100000, s0  }
0x146: {  	[sflag:s0] =	ssyncadd.tile.s32 @!p0 $0x1;
	_ =	shalt  }
.Lfunc_end2:
_tile_overlayer_lowered:
.L_overlay_start_2:
0x147: {  	(tag) =	ssettag $0x2  }
0x148: {  	s0 =	rddreg [dreg:$0x0];
	s2 =	stileid.u32  }
0x149: {  	s1 =	rddreg [dreg:$0x1];
	p0 =	sne.s32 s2, $0x0  }
0x14a: {  	s3 =	rddreg [dreg:$0x2];
	[bflag:$0x3] =	sbarrier.arrive $0xFFFF;
	s2 =	simm.s32 @!p0 $0x1C01  }
0x14b: {  	[timem:s3], [sflag:s2] =	dma.local @!p0 [hbm:s0], s1  }
0x14c: {  	s0 =	simm.s32 @!p0 $0x1  }
0x14d: {  	_ =	swait.ge @!p0 [sflag:s0], s1  }
0x14e: {  	s1 =	ssub.s32 @!p0 $0x0, s1;
	[sflag:s0] =	ssyncset.done @!p0 $0x0  }
0x14f: {  	[sflag:s0] =	ssyncadd.s32 @!p0 s1  }
0x150: {  	[bflag:$0x3] =	sbarrier.arrive $0xFFFF  }
0x151: {  	_ =	shalt  }

</sc_bundles>
